<compile_context>
chip_gen: v7x
topology: tpu7x:2x2x1
jax: 0.10.2.dev20260603
libtpu: 0.0.44.dev20260713+nightly
codegen_flags: <defaults>
</compile_context>

<pallas_src>
import jax
import jax.numpy as jnp
import numpy as np
from jax import lax
from jax.experimental import pallas as pl
from jax.experimental.pallas import tpu as pltpu
from jax.experimental.pallas import tpu_sc as plsc

_VOCAB = 100000
_D = 1024
_B = 4
_S = 2048
_NTOK = _B * _S

_NC = 2
_NS = 16
_NW = _NC * _NS
_TPW = _NTOK // _NW
_CHUNK = 8
_NBUF = 4
_NCHUNK = _TPW // _CHUNK
_LANES = 16
_UNROLL = 1
_NSLICE = _D // (_LANES * _UNROLL)

_SCALE = float(np.sqrt(np.float32(_D)))
_EPS = 1e-5


def _positional_encoding_np(seq_len, d_model):
    pos = np.arange(seq_len, dtype=np.float32)[:, None]
    div = np.exp(
        np.arange(0, d_model, 2, dtype=np.float32)
        * np.float32(-np.log(10000.0) / d_model)
    )
    pe = np.zeros((seq_len, d_model), dtype=np.float32)
    pe[:, 0::2] = np.sin(pos * div)
    pe[:, 1::2] = np.cos(pos * div)
    return pe


_PE_DIV = _positional_encoding_np(_S, _D) * (1.0 / _SCALE)


def _rsqrt(x):
    i = lax.bitcast_convert_type(x, jnp.int32)
    i = jnp.int32(0x5F3759DF) - lax.shift_right_logical(i, 1)
    y = lax.bitcast_convert_type(i, jnp.float32)
    half = jnp.float32(0.5) * x
    for _ in range(3):
        y = y * (jnp.float32(1.5) - half * y * y)
    return y


def _compute_chunk(g_v, p_v, lnw_v, lnb_v):

    def p1(k, accs):
        a, q = accs
        na, nq = list(a), list(q)
        for u in range(_UNROLL):
            sl = pl.ds((k * _UNROLL + u) * _LANES, _LANES)
            for r in range(_CHUNK):
                e = g_v[r, sl] + p_v[r, sl]
                na[r] = na[r] + e
                nq[r] = nq[r] + e * e
        return (tuple(na), tuple(nq))

    zeros = tuple(jnp.zeros((_LANES,), jnp.float32) for _ in range(_CHUNK))
    a, q = lax.fori_loop(0, _NSLICE, p1, (zeros, zeros))

    rstds, nmus = [], []
    for r in range(_CHUNK):
        s1 = jnp.sum(a[r])
        s2 = jnp.sum(q[r])
        mu = s1 * jnp.float32(_SCALE / _D)
        var = s2 - mu * mu
        rstd = _rsqrt(var + jnp.float32(_EPS))
        rstds.append(rstd * jnp.float32(_SCALE))
        nmus.append(-mu * rstd)

    def p2(k, _):
        for u in range(_UNROLL):
            sl = pl.ds((k * _UNROLL + u) * _LANES, _LANES)
            w = lnw_v[sl]
            bias = lnb_v[sl]
            for r in range(_CHUNK):
                e = g_v[r, sl] + p_v[r, sl]
                v = e * rstds[r] + nmus[r]
                g_v[r, sl] = v * w + bias
        return 0

    lax.fori_loop(0, _NSLICE, p2, 0)


def _sc_body(tok_hbm, pe_hbm, lnw_hbm, lnb_hbm, table_hbm, out_hbm,
             idx_v, g0, g1, g2, g3, pb0, pb1, pb2, pb3, lnw_v, lnb_v,
             ps0, ps1, ps2, ps3, gs0, gs1, gs2, gs3, os0, os1, os2, os3):
    gb = (g0, g1, g2, g3)
    pb = (pb0, pb1, pb2, pb3)
    psm = (ps0, ps1, ps2, ps3)
    gsm = (gs0, gs1, gs2, gs3)
    osm = (os0, os1, os2, os3)

    wid = lax.axis_index("s") * _NC + lax.axis_index("c")
    base = wid * _TPW
    pe_base = lax.rem(base, _S)

    pltpu.sync_copy(tok_hbm.at[pl.ds(base, _TPW)], idx_v)
    pltpu.sync_copy(lnw_hbm, lnw_v)
    pltpu.sync_copy(lnb_hbm, lnb_v)

    def start_pe(c, b):
        pltpu.async_copy(
            pe_hbm.at[pl.ds(pe_base + c * _CHUNK, _CHUNK)], pb[b], psm[b])

    def start_gather(c, b):
        pltpu.async_copy(
            table_hbm.at[idx_v.at[pl.ds(c * _CHUNK, _CHUNK)]], gb[b], gsm[b])

    start_pe(0, 0)
    start_gather(0, 0)
    start_pe(1, 1)
    start_gather(1, 1)

    def iter_body(c4, _):
        for j in range(_NBUF):
            c = c4 * _NBUF + j
            pltpu.make_async_copy(
                table_hbm.at[idx_v.at[pl.ds(c * _CHUNK, _CHUNK)]],
                gb[j], gsm[j]).wait()
            pltpu.make_async_copy(
                pe_hbm.at[pl.ds(0, _CHUNK)], pb[j], psm[j]).wait()

            _compute_chunk(gb[j], pb[j], lnw_v, lnb_v)

            pltpu.async_copy(
                gb[j], out_hbm.at[pl.ds(base + c * _CHUNK, _CHUNK)], osm[j])

            b2 = (j + 2) % _NBUF

            @pl.when(c + 2 < _NCHUNK)
            def _():
                @pl.when(c >= 2)
                def _():
                    pltpu.make_async_copy(
                        gb[b2], out_hbm.at[pl.ds(base, _CHUNK)],
                        osm[b2]).wait()

                start_pe(c + 2, b2)
                start_gather(c + 2, b2)

        return 0

    lax.fori_loop(0, _NCHUNK // _NBUF, iter_body, 0)

    for j in range(_NBUF):
        pltpu.make_async_copy(
            gb[j], out_hbm.at[pl.ds(base, _CHUNK)], osm[j]).wait()


@jax.jit
def _run(tok_flat, table, ln_w, ln_b, pe):
    mesh = plsc.VectorSubcoreMesh(core_axis_name="c", subcore_axis_name="s")
    out = pl.kernel(
        _sc_body,
        out_type=jax.ShapeDtypeStruct((_NTOK, _D), jnp.float32),
        mesh=mesh,
        compiler_params=pltpu.CompilerParams(needs_layout_passes=False),
        scratch_types=[
            pltpu.VMEM((_TPW,), jnp.int32),
            pltpu.VMEM((_CHUNK, _D), jnp.float32),
            pltpu.VMEM((_CHUNK, _D), jnp.float32),
            pltpu.VMEM((_CHUNK, _D), jnp.float32),
            pltpu.VMEM((_CHUNK, _D), jnp.float32),
            pltpu.VMEM((_CHUNK, _D), jnp.float32),
            pltpu.VMEM((_CHUNK, _D), jnp.float32),
            pltpu.VMEM((_CHUNK, _D), jnp.float32),
            pltpu.VMEM((_CHUNK, _D), jnp.float32),
            pltpu.VMEM((_D,), jnp.float32),
            pltpu.VMEM((_D,), jnp.float32),
        ] + [pltpu.SemaphoreType.DMA] * 12,
    )(tok_flat, pe, ln_w, ln_b, table)
    return out


def kernel(token_ids, table, ln_w, ln_b):
    pe = jnp.asarray(_PE_DIV)
    tok_flat = token_ids.reshape(_NTOK).astype(jnp.int32)
    out = _run(tok_flat, table, ln_w, ln_b, pe)
    return out.reshape(_B, _S, _D)

# --- scband reference (transcript-rebuilt; emitter-appended) ---
"""Pipeline reference for scband-embedding-layer-32444182954789 (READ-ONLY COPY).

The authoritative reference and input builder live on the scoring server;
editing this copy changes nothing except your own understanding.
"""

import jax, jax.numpy as jnp
import numpy as np

VOCAB = 100000
D = 1024
B = 4
S = 2048


def positional_encoding(seq_len, d_model):
    pos = jnp.arange(seq_len, dtype=jnp.float32)[:, None]
    div = jnp.exp(jnp.arange(0, d_model, 2, dtype=jnp.float32) * (-np.log(10000.0) / d_model))
    pe = jnp.zeros((seq_len, d_model), dtype=jnp.float32)
    pe = pe.at[:, 0::2].set(jnp.sin(pos * div))
    pe = pe.at[:, 1::2].set(jnp.cos(pos * div))
    return pe


def setup_inputs(seed: int = 0) -> dict:
    key = jax.random.key(seed)
    k1, k2 = jax.random.split(key)
    token_ids = jax.random.randint(k1, (B, S), 0, VOCAB)
    table = jax.random.normal(k2, (VOCAB, D), dtype=jnp.float32) * 0.02
    ln_w = jnp.ones((D,), dtype=jnp.float32)
    ln_b = jnp.zeros((D,), dtype=jnp.float32)
    return {"token_ids": token_ids, "table": table, "ln_w": ln_w, "ln_b": ln_b}


def reference(token_ids, table, ln_w, ln_b):
    # TokenEmbedding: gather + sqrt(d_model) scaling (standard transformer convention)
    tok = jnp.take(table, token_ids, axis=0) * jnp.sqrt(jnp.float32(D))
    pe = positional_encoding(token_ids.shape[1], D)[None, :, :]
    emb = tok + pe
    # LayerNorm over last dim (eps=1e-5, PyTorch default)
    mu = jnp.mean(emb, axis=-1, keepdims=True)
    var = jnp.var(emb, axis=-1, keepdims=True)
    normed = (emb - mu) / jnp.sqrt(var + 1e-5)
    # Dropout is identity in eval mode
    return normed * ln_w + ln_b

if __name__ == "__main__":
    import jax
    _d = setup_inputs()
    print(jax.jit(kernel)(*tuple(_d.values())))

</pallas_src>

<mosaic_0001>
#map = affine_map<(d0, d1) -> (0)>
#map1 = affine_map<(d0, d1) -> (0, 0)>
module attributes {stable_mosaic.version = 14 : i64} {
  func.func @_sc_body(%arg0: i32, %arg1: i32, %arg2: memref<8192xi32, #tpu.memory_space<hbm>>, %arg3: memref<2048x1024xf32, #tpu.memory_space<hbm>>, %arg4: memref<1024xf32, #tpu.memory_space<hbm>>, %arg5: memref<1024xf32, #tpu.memory_space<hbm>>, %arg6: memref<100000x1024xf32, #tpu.memory_space<hbm>>, %arg7: memref<8192x1024xf32, #tpu.memory_space<hbm>>, %arg8: memref<256xi32, #tpu.memory_space<vmem>>, %arg9: memref<8x1024xf32, #tpu.memory_space<vmem>>, %arg10: memref<8x1024xf32, #tpu.memory_space<vmem>>, %arg11: memref<8x1024xf32, #tpu.memory_space<vmem>>, %arg12: memref<8x1024xf32, #tpu.memory_space<vmem>>, %arg13: memref<8x1024xf32, #tpu.memory_space<vmem>>, %arg14: memref<8x1024xf32, #tpu.memory_space<vmem>>, %arg15: memref<8x1024xf32, #tpu.memory_space<vmem>>, %arg16: memref<8x1024xf32, #tpu.memory_space<vmem>>, %arg17: memref<1024xf32, #tpu.memory_space<vmem>>, %arg18: memref<1024xf32, #tpu.memory_space<vmem>>, %arg19: memref<!tpu.dma_semaphore, #tpu.memory_space<semaphore_mem>>, %arg20: memref<!tpu.dma_semaphore, #tpu.memory_space<semaphore_mem>>, %arg21: memref<!tpu.dma_semaphore, #tpu.memory_space<semaphore_mem>>, %arg22: memref<!tpu.dma_semaphore, #tpu.memory_space<semaphore_mem>>, %arg23: memref<!tpu.dma_semaphore, #tpu.memory_space<semaphore_mem>>, %arg24: memref<!tpu.dma_semaphore, #tpu.memory_space<semaphore_mem>>, %arg25: memref<!tpu.dma_semaphore, #tpu.memory_space<semaphore_mem>>, %arg26: memref<!tpu.dma_semaphore, #tpu.memory_space<semaphore_mem>>, %arg27: memref<!tpu.dma_semaphore, #tpu.memory_space<semaphore_mem>>, %arg28: memref<!tpu.dma_semaphore, #tpu.memory_space<semaphore_mem>>, %arg29: memref<!tpu.dma_semaphore, #tpu.memory_space<semaphore_mem>>, %arg30: memref<!tpu.dma_semaphore, #tpu.memory_space<semaphore_mem>>) attributes {dimension_semantics = [#tpu.dimension_semantics<core_parallel>, #tpu.dimension_semantics<subcore_parallel>], iteration_bounds = array<i64: 2, 16>, scalar_prefetch = 0 : i64, scratch_operands = 23 : i64, tpu.core_type = #tpu.core_type<sc_vector_subcore>, window_params = [{transform_indices = #map}, {transform_indices = #map1}, {transform_indices = #map}, {transform_indices = #map}, {transform_indices = #map1}, {transform_indices = #map1}]} {
    %mul3A = arith.constant 2 : i32
    %mul3A_0 = arith.muli %arg1, %mul3A : i32
    %add3A = arith.addi %mul3A_0, %arg0 : i32
    %mul3A_1 = arith.constant 256 : i32
    %mul3A_2 = arith.muli %add3A, %mul3A_1 : i32
    %rem3A = arith.constant 2048 : i32
    %rem3A_3 = arith.remsi %mul3A_2, %rem3A : i32
    "tpu.region"() ({
      %run_scoped3A = tpu.sem_alloc : memref<!tpu.dma_semaphore, #tpu.memory_space<semaphore_mem>>
      %dma_start3A_46 = tpu.memref_slice %arg2[%mul3A_2] : memref<8192xi32, #tpu.memory_space<hbm>> -> memref<256xi32, #tpu.memory_space<hbm>>
      %dma_start3A_47 = tpu.memref_slice %arg2[%mul3A_2] : memref<8192xi32, #tpu.memory_space<hbm>> -> memref<256xi32, #tpu.memory_space<hbm>>
      tpu.enqueue_dma source(%dma_start3A_47 : memref<256xi32, #tpu.memory_space<hbm>>) target(%arg8 : memref<256xi32, #tpu.memory_space<vmem>>) target_semaphore(%run_scoped3A : memref<!tpu.dma_semaphore, #tpu.memory_space<semaphore_mem>>)
      %dma_wait3A_48 = tpu.memref_slice %arg2[%mul3A_2] : memref<8192xi32, #tpu.memory_space<hbm>> -> memref<256xi32, #tpu.memory_space<hbm>>
      %dma_wait3A_49 = tpu.memref_slice %arg2[%mul3A_2] : memref<8192xi32, #tpu.memory_space<hbm>> -> memref<256xi32, #tpu.memory_space<hbm>>
      tpu.wait_dma2 semaphore(%run_scoped3A : memref<!tpu.dma_semaphore, #tpu.memory_space<semaphore_mem>>) src(%dma_wait3A_49 : memref<256xi32, #tpu.memory_space<hbm>>) dst(%arg8 : memref<256xi32, #tpu.memory_space<vmem>>)
      tpu.yield
    }) : () -> ()
    "tpu.region"() ({
      %run_scoped3A = tpu.sem_alloc : memref<!tpu.dma_semaphore, #tpu.memory_space<semaphore_mem>>
      tpu.enqueue_dma source(%arg4 : memref<1024xf32, #tpu.memory_space<hbm>>) target(%arg17 : memref<1024xf32, #tpu.memory_space<vmem>>) target_semaphore(%run_scoped3A : memref<!tpu.dma_semaphore, #tpu.memory_space<semaphore_mem>>)
      tpu.wait_dma2 semaphore(%run_scoped3A : memref<!tpu.dma_semaphore, #tpu.memory_space<semaphore_mem>>) src(%arg4 : memref<1024xf32, #tpu.memory_space<hbm>>) dst(%arg17 : memref<1024xf32, #tpu.memory_space<vmem>>)
      tpu.yield
    }) : () -> ()
    "tpu.region"() ({
      %run_scoped3A = tpu.sem_alloc : memref<!tpu.dma_semaphore, #tpu.memory_space<semaphore_mem>>
      tpu.enqueue_dma source(%arg5 : memref<1024xf32, #tpu.memory_space<hbm>>) target(%arg18 : memref<1024xf32, #tpu.memory_space<vmem>>) target_semaphore(%run_scoped3A : memref<!tpu.dma_semaphore, #tpu.memory_space<semaphore_mem>>)
      tpu.wait_dma2 semaphore(%run_scoped3A : memref<!tpu.dma_semaphore, #tpu.memory_space<semaphore_mem>>) src(%arg5 : memref<1024xf32, #tpu.memory_space<hbm>>) dst(%arg18 : memref<1024xf32, #tpu.memory_space<vmem>>)
      tpu.yield
    }) : () -> ()
    %add3A_4 = arith.constant 0 : i32
    %add3A_5 = arith.addi %rem3A_3, %add3A_4 : i32
    %dma_start3A = arith.constant 0 : i32
    %dma_start3A_6 = tpu.memref_slice %arg3[%add3A_5, %dma_start3A] : memref<2048x1024xf32, #tpu.memory_space<hbm>> -> memref<8x1024xf32, #tpu.memory_space<hbm>>
    %dma_start3A_7 = arith.constant 0 : i32
    %dma_start3A_8 = tpu.memref_slice %arg3[%add3A_5, %dma_start3A_7] : memref<2048x1024xf32, #tpu.memory_space<hbm>> -> memref<8x1024xf32, #tpu.memory_space<hbm>>
    tpu.enqueue_dma source(%dma_start3A_8 : memref<8x1024xf32, #tpu.memory_space<hbm>>) target(%arg13 : memref<8x1024xf32, #tpu.memory_space<vmem>>) target_semaphore(%arg19 : memref<!tpu.dma_semaphore, #tpu.memory_space<semaphore_mem>>)
    %dma_start3A_9 = arith.constant 0 : i32
    %dma_start3A_10 = tpu.memref_slice %arg8[%dma_start3A_9] : memref<256xi32, #tpu.memory_space<vmem>> -> memref<8xi32, #tpu.memory_space<vmem>>
    %dma_start3A_11 = arith.constant 0 : i32
    %dma_start3A_12 = arith.constant 0 : i32
    %dma_start3A_13 = tpu.memref_slice %arg6[%dma_start3A_11, %dma_start3A_12] : memref<100000x1024xf32, #tpu.memory_space<hbm>> -> memref<100000x1024xf32, #tpu.memory_space<hbm>>
    tpu.enqueue_indirect_dma source(%dma_start3A_13 : memref<100000x1024xf32, #tpu.memory_space<hbm>>) target(%arg9 : memref<8x1024xf32, #tpu.memory_space<vmem>>) offsets(%dma_start3A_10 : memref<8xi32, #tpu.memory_space<vmem>>) semaphore(%arg23 : memref<!tpu.dma_semaphore, #tpu.memory_space<semaphore_mem>>)
    %add3A_14 = arith.constant 8 : i32
    %add3A_15 = arith.addi %rem3A_3, %add3A_14 : i32
    %dma_start3A_16 = arith.constant 0 : i32
    %dma_start3A_17 = tpu.memref_slice %arg3[%add3A_15, %dma_start3A_16] : memref<2048x1024xf32, #tpu.memory_space<hbm>> -> memref<8x1024xf32, #tpu.memory_space<hbm>>
    %dma_start3A_18 = arith.constant 0 : i32
    %dma_start3A_19 = tpu.memref_slice %arg3[%add3A_15, %dma_start3A_18] : memref<2048x1024xf32, #tpu.memory_space<hbm>> -> memref<8x1024xf32, #tpu.memory_space<hbm>>
    tpu.enqueue_dma source(%dma_start3A_19 : memref<8x1024xf32, #tpu.memory_space<hbm>>) target(%arg14 : memref<8x1024xf32, #tpu.memory_space<vmem>>) target_semaphore(%arg20 : memref<!tpu.dma_semaphore, #tpu.memory_space<semaphore_mem>>)
    %dma_start3A_20 = arith.constant 8 : i32
    %dma_start3A_21 = tpu.memref_slice %arg8[%dma_start3A_20] : memref<256xi32, #tpu.memory_space<vmem>> -> memref<8xi32, #tpu.memory_space<vmem>>
    %dma_start3A_22 = arith.constant 0 : i32
    %dma_start3A_23 = arith.constant 0 : i32
    %dma_start3A_24 = tpu.memref_slice %arg6[%dma_start3A_22, %dma_start3A_23] : memref<100000x1024xf32, #tpu.memory_space<hbm>> -> memref<100000x1024xf32, #tpu.memory_space<hbm>>
    tpu.enqueue_indirect_dma source(%dma_start3A_24 : memref<100000x1024xf32, #tpu.memory_space<hbm>>) target(%arg10 : memref<8x1024xf32, #tpu.memory_space<vmem>>) offsets(%dma_start3A_21 : memref<8xi32, #tpu.memory_space<vmem>>) semaphore(%arg24 : memref<!tpu.dma_semaphore, #tpu.memory_space<semaphore_mem>>)
    %scan3A = arith.constant 0 : i32
    %scan3A_25 = arith.constant 0 : i32
    %scan3A_26 = arith.constant 8 : i32
    %scan3A_27 = arith.addi %scan3A_25, %scan3A_26 : i32
    %scan3A_28 = arith.constant 1 : i32
    %scan3A_29 = scf.for %scan3A_46 = %scan3A_25 to %scan3A_27 step %scan3A_28 iter_args(%scan3A_47 = %scan3A) -> (i32)  : i32 {
      %mul3A_48 = arith.constant 4 : i32
      %mul3A_49 = arith.muli %scan3A_46, %mul3A_48 : i32
      %add3A_50 = arith.constant 0 : i32
      %add3A_51 = arith.addi %mul3A_49, %add3A_50 : i32
      %mul3A_52 = arith.constant 8 : i32
      %mul3A_53 = arith.muli %add3A_51, %mul3A_52 : i32
      %dma_wait3A_54 = tpu.memref_slice %arg8[%mul3A_53] : memref<256xi32, #tpu.memory_space<vmem>> -> memref<8xi32, #tpu.memory_space<vmem>>
      %dma_wait3A_55 = arith.constant 0 : i32
      %dma_wait3A_56 = arith.constant 0 : i32
      %dma_wait3A_57 = tpu.memref_slice %arg6[%dma_wait3A_55, %dma_wait3A_56] : memref<100000x1024xf32, #tpu.memory_space<hbm>> -> memref<100000x1024xf32, #tpu.memory_space<hbm>>
      tpu.wait_indirect_dma semaphore(%arg23 : memref<!tpu.dma_semaphore, #tpu.memory_space<semaphore_mem>>) src(%dma_wait3A_57 : memref<100000x1024xf32, #tpu.memory_space<hbm>>) dst(%arg9 : memref<8x1024xf32, #tpu.memory_space<vmem>>)
      %dma_wait3A_58 = arith.constant 0 : i32
      %dma_wait3A_59 = arith.constant 0 : i32
      %dma_wait3A_60 = tpu.memref_slice %arg3[%dma_wait3A_58, %dma_wait3A_59] : memref<2048x1024xf32, #tpu.memory_space<hbm>> -> memref<8x1024xf32, #tpu.memory_space<hbm>>
      %dma_wait3A_61 = arith.constant 0 : i32
      %dma_wait3A_62 = arith.constant 0 : i32
      %dma_wait3A_63 = tpu.memref_slice %arg3[%dma_wait3A_61, %dma_wait3A_62] : memref<2048x1024xf32, #tpu.memory_space<hbm>> -> memref<8x1024xf32, #tpu.memory_space<hbm>>
      tpu.wait_dma2 semaphore(%arg19 : memref<!tpu.dma_semaphore, #tpu.memory_space<semaphore_mem>>) src(%dma_wait3A_63 : memref<8x1024xf32, #tpu.memory_space<hbm>>) dst(%arg13 : memref<8x1024xf32, #tpu.memory_space<vmem>>)
      %broadcast_in_dim3A = arith.constant 0.000000e+00 : f32
      %broadcast_in_dim3A_64 = vector.broadcast %broadcast_in_dim3A : f32 to vector<16xf32>
      %broadcast_in_dim3A_65 = arith.constant 0.000000e+00 : f32
      %broadcast_in_dim3A_66 = vector.broadcast %broadcast_in_dim3A_65 : f32 to vector<16xf32>
      %broadcast_in_dim3A_67 = arith.constant 0.000000e+00 : f32
      %broadcast_in_dim3A_68 = vector.broadcast %broadcast_in_dim3A_67 : f32 to vector<16xf32>
      %broadcast_in_dim3A_69 = arith.constant 0.000000e+00 : f32
      %broadcast_in_dim3A_70 = vector.broadcast %broadcast_in_dim3A_69 : f32 to vector<16xf32>
      %broadcast_in_dim3A_71 = arith.constant 0.000000e+00 : f32
      %broadcast_in_dim3A_72 = vector.broadcast %broadcast_in_dim3A_71 : f32 to vector<16xf32>
      %broadcast_in_dim3A_73 = arith.constant 0.000000e+00 : f32
      %broadcast_in_dim3A_74 = vector.broadcast %broadcast_in_dim3A_73 : f32 to vector<16xf32>
      %broadcast_in_dim3A_75 = arith.constant 0.000000e+00 : f32
      %broadcast_in_dim3A_76 = vector.broadcast %broadcast_in_dim3A_75 : f32 to vector<16xf32>
      %broadcast_in_dim3A_77 = arith.constant 0.000000e+00 : f32
      %broadcast_in_dim3A_78 = vector.broadcast %broadcast_in_dim3A_77 : f32 to vector<16xf32>
      %scan3A_79 = arith.constant 0 : i32
      %scan3A_80 = arith.constant 64 : i32
      %scan3A_81 = arith.addi %scan3A_79, %scan3A_80 : i32
      %scan3A_82 = arith.constant 1 : i32
      %scan3A_83:16 = scf.for %scan3A_1620 = %scan3A_79 to %scan3A_81 step %scan3A_82 iter_args(%scan3A_1621 = %broadcast_in_dim3A_64, %scan3A_1622 = %broadcast_in_dim3A_66, %scan3A_1623 = %broadcast_in_dim3A_68, %scan3A_1624 = %broadcast_in_dim3A_70, %scan3A_1625 = %broadcast_in_dim3A_72, %scan3A_1626 = %broadcast_in_dim3A_74, %scan3A_1627 = %broadcast_in_dim3A_76, %scan3A_1628 = %broadcast_in_dim3A_78, %scan3A_1629 = %broadcast_in_dim3A_64, %scan3A_1630 = %broadcast_in_dim3A_66, %scan3A_1631 = %broadcast_in_dim3A_68, %scan3A_1632 = %broadcast_in_dim3A_70, %scan3A_1633 = %broadcast_in_dim3A_72, %scan3A_1634 = %broadcast_in_dim3A_74, %scan3A_1635 = %broadcast_in_dim3A_76, %scan3A_1636 = %broadcast_in_dim3A_78) -> (vector<16xf32>, vector<16xf32>, vector<16xf32>, vector<16xf32>, vector<16xf32>, vector<16xf32>, vector<16xf32>, vector<16xf32>, vector<16xf32>, vector<16xf32>, vector<16xf32>, vector<16xf32>, vector<16xf32>, vector<16xf32>, vector<16xf32>, vector<16xf32>)  : i32 {
        %mul3A_1637 = arith.constant 1 : i32
        %mul3A_1638 = arith.muli %scan3A_1620, %mul3A_1637 : i32
        %add3A_1639 = arith.constant 0 : i32
        %add3A_1640 = arith.addi %mul3A_1638, %add3A_1639 : i32
        %mul3A_1641 = arith.constant 16 : i32
        %mul3A_1642 = arith.muli %add3A_1640, %mul3A_1641 : i32
        %get3A = arith.constant 0 : i32
        %get3A_1643 = arith.index_cast %get3A : i32 to index
        %get3A_1644 = arith.index_cast %mul3A_1642 : i32 to index
        %get3A_1645 = tpu.vector_load %arg9[%get3A_1643, %get3A_1644] {strides = array<i32>} : memref<8x1024xf32, #tpu.memory_space<vmem>>, vector<16xf32>,
        %get3A_1646 = arith.constant 0 : i32
        %get3A_1647 = arith.index_cast %get3A_1646 : i32 to index
        %get3A_1648 = arith.index_cast %mul3A_1642 : i32 to index
        %get3A_1649 = tpu.vector_load %arg13[%get3A_1647, %get3A_1648] {strides = array<i32>} : memref<8x1024xf32, #tpu.memory_space<vmem>>, vector<16xf32>,
        %add3A_1650 = arith.addf %get3A_1645, %get3A_1649 : vector<16xf32>
        %add3A_1651 = arith.addf %scan3A_1621, %add3A_1650 : vector<16xf32>
        %mul3A_1652 = arith.mulf %add3A_1650, %add3A_1650 : vector<16xf32>
        %add3A_1653 = arith.addf %scan3A_1629, %mul3A_1652 : vector<16xf32>
        %get3A_1654 = arith.constant 1 : i32
        %get3A_1655 = arith.index_cast %get3A_1654 : i32 to index
        %get3A_1656 = arith.index_cast %mul3A_1642 : i32 to index
        %get3A_1657 = tpu.vector_load %arg9[%get3A_1655, %get3A_1656] {strides = array<i32>} : memref<8x1024xf32, #tpu.memory_space<vmem>>, vector<16xf32>,
        %get3A_1658 = arith.constant 1 : i32
        %get3A_1659 = arith.index_cast %get3A_1658 : i32 to index
        %get3A_1660 = arith.index_cast %mul3A_1642 : i32 to index
        %get3A_1661 = tpu.vector_load %arg13[%get3A_1659, %get3A_1660] {strides = array<i32>} : memref<8x1024xf32, #tpu.memory_space<vmem>>, vector<16xf32>,
        %add3A_1662 = arith.addf %get3A_1657, %get3A_1661 : vector<16xf32>
        %add3A_1663 = arith.addf %scan3A_1622, %add3A_1662 : vector<16xf32>
        %mul3A_1664 = arith.mulf %add3A_1662, %add3A_1662 : vector<16xf32>
        %add3A_1665 = arith.addf %scan3A_1630, %mul3A_1664 : vector<16xf32>
        %get3A_1666 = arith.constant 2 : i32
        %get3A_1667 = arith.index_cast %get3A_1666 : i32 to index
        %get3A_1668 = arith.index_cast %mul3A_1642 : i32 to index
        %get3A_1669 = tpu.vector_load %arg9[%get3A_1667, %get3A_1668] {strides = array<i32>} : memref<8x1024xf32, #tpu.memory_space<vmem>>, vector<16xf32>,
        %get3A_1670 = arith.constant 2 : i32
        %get3A_1671 = arith.index_cast %get3A_1670 : i32 to index
        %get3A_1672 = arith.index_cast %mul3A_1642 : i32 to index
        %get3A_1673 = tpu.vector_load %arg13[%get3A_1671, %get3A_1672] {strides = array<i32>} : memref<8x1024xf32, #tpu.memory_space<vmem>>, vector<16xf32>,
        %add3A_1674 = arith.addf %get3A_1669, %get3A_1673 : vector<16xf32>
        %add3A_1675 = arith.addf %scan3A_1623, %add3A_1674 : vector<16xf32>
        %mul3A_1676 = arith.mulf %add3A_1674, %add3A_1674 : vector<16xf32>
        %add3A_1677 = arith.addf %scan3A_1631, %mul3A_1676 : vector<16xf32>
        %get3A_1678 = arith.constant 3 : i32
        %get3A_1679 = arith.index_cast %get3A_1678 : i32 to index
        %get3A_1680 = arith.index_cast %mul3A_1642 : i32 to index
        %get3A_1681 = tpu.vector_load %arg9[%get3A_1679, %get3A_1680] {strides = array<i32>} : memref<8x1024xf32, #tpu.memory_space<vmem>>, vector<16xf32>,
        %get3A_1682 = arith.constant 3 : i32
        %get3A_1683 = arith.index_cast %get3A_1682 : i32 to index
        %get3A_1684 = arith.index_cast %mul3A_1642 : i32 to index
        %get3A_1685 = tpu.vector_load %arg13[%get3A_1683, %get3A_1684] {strides = array<i32>} : memref<8x1024xf32, #tpu.memory_space<vmem>>, vector<16xf32>,
        %add3A_1686 = arith.addf %get3A_1681, %get3A_1685 : vector<16xf32>
        %add3A_1687 = arith.addf %scan3A_1624, %add3A_1686 : vector<16xf32>
        %mul3A_1688 = arith.mulf %add3A_1686, %add3A_1686 : vector<16xf32>
        %add3A_1689 = arith.addf %scan3A_1632, %mul3A_1688 : vector<16xf32>
        %get3A_1690 = arith.constant 4 : i32
        %get3A_1691 = arith.index_cast %get3A_1690 : i32 to index
        %get3A_1692 = arith.index_cast %mul3A_1642 : i32 to index
        %get3A_1693 = tpu.vector_load %arg9[%get3A_1691, %get3A_1692] {strides = array<i32>} : memref<8x1024xf32, #tpu.memory_space<vmem>>, vector<16xf32>,
        %get3A_1694 = arith.constant 4 : i32
        %get3A_1695 = arith.index_cast %get3A_1694 : i32 to index
        %get3A_1696 = arith.index_cast %mul3A_1642 : i32 to index
        %get3A_1697 = tpu.vector_load %arg13[%get3A_1695, %get3A_1696] {strides = array<i32>} : memref<8x1024xf32, #tpu.memory_space<vmem>>, vector<16xf32>,
        %add3A_1698 = arith.addf %get3A_1693, %get3A_1697 : vector<16xf32>
        %add3A_1699 = arith.addf %scan3A_1625, %add3A_1698 : vector<16xf32>
        %mul3A_1700 = arith.mulf %add3A_1698, %add3A_1698 : vector<16xf32>
        %add3A_1701 = arith.addf %scan3A_1633, %mul3A_1700 : vector<16xf32>
        %get3A_1702 = arith.constant 5 : i32
        %get3A_1703 = arith.index_cast %get3A_1702 : i32 to index
        %get3A_1704 = arith.index_cast %mul3A_1642 : i32 to index
        %get3A_1705 = tpu.vector_load %arg9[%get3A_1703, %get3A_1704] {strides = array<i32>} : memref<8x1024xf32, #tpu.memory_space<vmem>>, vector<16xf32>,
        %get3A_1706 = arith.constant 5 : i32
        %get3A_1707 = arith.index_cast %get3A_1706 : i32 to index
        %get3A_1708 = arith.index_cast %mul3A_1642 : i32 to index
        %get3A_1709 = tpu.vector_load %arg13[%get3A_1707, %get3A_1708] {strides = array<i32>} : memref<8x1024xf32, #tpu.memory_space<vmem>>, vector<16xf32>,
        %add3A_1710 = arith.addf %get3A_1705, %get3A_1709 : vector<16xf32>
        %add3A_1711 = arith.addf %scan3A_1626, %add3A_1710 : vector<16xf32>
        %mul3A_1712 = arith.mulf %add3A_1710, %add3A_1710 : vector<16xf32>
        %add3A_1713 = arith.addf %scan3A_1634, %mul3A_1712 : vector<16xf32>
        %get3A_1714 = arith.constant 6 : i32
        %get3A_1715 = arith.index_cast %get3A_1714 : i32 to index
        %get3A_1716 = arith.index_cast %mul3A_1642 : i32 to index
        %get3A_1717 = tpu.vector_load %arg9[%get3A_1715, %get3A_1716] {strides = array<i32>} : memref<8x1024xf32, #tpu.memory_space<vmem>>, vector<16xf32>,
        %get3A_1718 = arith.constant 6 : i32
        %get3A_1719 = arith.index_cast %get3A_1718 : i32 to index
        %get3A_1720 = arith.index_cast %mul3A_1642 : i32 to index
        %get3A_1721 = tpu.vector_load %arg13[%get3A_1719, %get3A_1720] {strides = array<i32>} : memref<8x1024xf32, #tpu.memory_space<vmem>>, vector<16xf32>,
        %add3A_1722 = arith.addf %get3A_1717, %get3A_1721 : vector<16xf32>
        %add3A_1723 = arith.addf %scan3A_1627, %add3A_1722 : vector<16xf32>
        %mul3A_1724 = arith.mulf %add3A_1722, %add3A_1722 : vector<16xf32>
        %add3A_1725 = arith.addf %scan3A_1635, %mul3A_1724 : vector<16xf32>
        %get3A_1726 = arith.constant 7 : i32
        %get3A_1727 = arith.index_cast %get3A_1726 : i32 to index
        %get3A_1728 = arith.index_cast %mul3A_1642 : i32 to index
        %get3A_1729 = tpu.vector_load %arg9[%get3A_1727, %get3A_1728] {strides = array<i32>} : memref<8x1024xf32, #tpu.memory_space<vmem>>, vector<16xf32>,
        %get3A_1730 = arith.constant 7 : i32
        %get3A_1731 = arith.index_cast %get3A_1730 : i32 to index
        %get3A_1732 = arith.index_cast %mul3A_1642 : i32 to index
        %get3A_1733 = tpu.vector_load %arg13[%get3A_1731, %get3A_1732] {strides = array<i32>} : memref<8x1024xf32, #tpu.memory_space<vmem>>, vector<16xf32>,
        %add3A_1734 = arith.addf %get3A_1729, %get3A_1733 : vector<16xf32>
        %add3A_1735 = arith.addf %scan3A_1628, %add3A_1734 : vector<16xf32>
        %mul3A_1736 = arith.mulf %add3A_1734, %add3A_1734 : vector<16xf32>
        %add3A_1737 = arith.addf %scan3A_1636, %mul3A_1736 : vector<16xf32>
        scf.yield %add3A_1651, %add3A_1663, %add3A_1675, %add3A_1687, %add3A_1699, %add3A_1711, %add3A_1723, %add3A_1735, %add3A_1653, %add3A_1665, %add3A_1677, %add3A_1689, %add3A_1701, %add3A_1713, %add3A_1725, %add3A_1737 : vector<16xf32>, vector<16xf32>, vector<16xf32>, vector<16xf32>, vector<16xf32>, vector<16xf32>, vector<16xf32>, vector<16xf32>, vector<16xf32>, vector<16xf32>, vector<16xf32>, vector<16xf32>, vector<16xf32>, vector<16xf32>, vector<16xf32>, vector<16xf32>
      }
      %scan3A_84 = arith.constant 64 : i32
      %reduce_sum3A = arith.constant true
      %reduce_sum3A_85 = vector.broadcast %reduce_sum3A : i1 to vector<16xi1>
      %reduce_sum3A_86 = tpu.scan <sum>, %scan3A_83#0 masked %reduce_sum3A_85 : vector<16xf32>, vector<16xi1> -> vector<16xf32>
      %reduce_sum3A_87 = vector.extract %reduce_sum3A_86[15] : f32 from vector<16xf32>
      %reduce_sum3A_88 = arith.constant true
      %reduce_sum3A_89 = vector.broadcast %reduce_sum3A_88 : i1 to vector<16xi1>
      %reduce_sum3A_90 = tpu.scan <sum>, %scan3A_83#8 masked %reduce_sum3A_89 : vector<16xf32>, vector<16xi1> -> vector<16xf32>
      %reduce_sum3A_91 = vector.extract %reduce_sum3A_90[15] : f32 from vector<16xf32>
      %mul3A_92 = arith.constant 3.125000e-02 : f32
      %mul3A_93 = arith.mulf %reduce_sum3A_87, %mul3A_92 : f32
      %mul3A_94 = arith.mulf %mul3A_93, %mul3A_93 : f32
      %sub3A = arith.subf %reduce_sum3A_91, %mul3A_94 : f32
      %add3A_95 = arith.constant 9.99999974E-6 : f32
      %add3A_96 = arith.addf %sub3A, %add3A_95 : f32
      %bitcast_convert_type3A = arith.bitcast %add3A_96 : f32 to i32
      %shift_right_logical3A = arith.constant 1 : i32
      %shift_right_logical3A_97 = arith.shrui %bitcast_convert_type3A, %shift_right_logical3A : i32
      %sub3A_98 = arith.constant 1597463007 : i32
      %sub3A_99 = arith.subi %sub3A_98, %shift_right_logical3A_97 : i32
      %bitcast_convert_type3A_100 = arith.bitcast %sub3A_99 : i32 to f32
      %mul3A_101 = arith.constant 5.000000e-01 : f32
      %mul3A_102 = arith.mulf %mul3A_101, %add3A_96 : f32
      %mul3A_103 = arith.mulf %mul3A_102, %bitcast_convert_type3A_100 : f32
      %mul3A_104 = arith.mulf %mul3A_103, %bitcast_convert_type3A_100 : f32
      %sub3A_105 = arith.constant 1.500000e+00 : f32
      %sub3A_106 = arith.subf %sub3A_105, %mul3A_104 : f32
      %mul3A_107 = arith.mulf %bitcast_convert_type3A_100, %sub3A_106 : f32
      %mul3A_108 = arith.mulf %mul3A_102, %mul3A_107 : f32
      %mul3A_109 = arith.mulf %mul3A_108, %mul3A_107 : f32
      %sub3A_110 = arith.constant 1.500000e+00 : f32
      %sub3A_111 = arith.subf %sub3A_110, %mul3A_109 : f32
      %mul3A_112 = arith.mulf %mul3A_107, %sub3A_111 : f32
      %mul3A_113 = arith.mulf %mul3A_102, %mul3A_112 : f32
      %mul3A_114 = arith.mulf %mul3A_113, %mul3A_112 : f32
      %sub3A_115 = arith.constant 1.500000e+00 : f32
      %sub3A_116 = arith.subf %sub3A_115, %mul3A_114 : f32
      %mul3A_117 = arith.mulf %mul3A_112, %sub3A_116 : f32
      %mul3A_118 = arith.constant 3.200000e+01 : f32
      %mul3A_119 = arith.mulf %mul3A_117, %mul3A_118 : f32
      %neg3A = arith.constant 0.000000e+00 : f32
      %neg3A_120 = arith.subf %neg3A, %mul3A_93 : f32
      %mul3A_121 = arith.mulf %neg3A_120, %mul3A_117 : f32
      %reduce_sum3A_122 = arith.constant true
      %reduce_sum3A_123 = vector.broadcast %reduce_sum3A_122 : i1 to vector<16xi1>
      %reduce_sum3A_124 = tpu.scan <sum>, %scan3A_83#1 masked %reduce_sum3A_123 : vector<16xf32>, vector<16xi1> -> vector<16xf32>
      %reduce_sum3A_125 = vector.extract %reduce_sum3A_124[15] : f32 from vector<16xf32>
      %reduce_sum3A_126 = arith.constant true
      %reduce_sum3A_127 = vector.broadcast %reduce_sum3A_126 : i1 to vector<16xi1>
      %reduce_sum3A_128 = tpu.scan <sum>, %scan3A_83#9 masked %reduce_sum3A_127 : vector<16xf32>, vector<16xi1> -> vector<16xf32>
      %reduce_sum3A_129 = vector.extract %reduce_sum3A_128[15] : f32 from vector<16xf32>
      %mul3A_130 = arith.constant 3.125000e-02 : f32
      %mul3A_131 = arith.mulf %reduce_sum3A_125, %mul3A_130 : f32
      %mul3A_132 = arith.mulf %mul3A_131, %mul3A_131 : f32
      %sub3A_133 = arith.subf %reduce_sum3A_129, %mul3A_132 : f32
      %add3A_134 = arith.constant 9.99999974E-6 : f32
      %add3A_135 = arith.addf %sub3A_133, %add3A_134 : f32
      %bitcast_convert_type3A_136 = arith.bitcast %add3A_135 : f32 to i32
      %shift_right_logical3A_137 = arith.constant 1 : i32
      %shift_right_logical3A_138 = arith.shrui %bitcast_convert_type3A_136, %shift_right_logical3A_137 : i32
      %sub3A_139 = arith.constant 1597463007 : i32
      %sub3A_140 = arith.subi %sub3A_139, %shift_right_logical3A_138 : i32
      %bitcast_convert_type3A_141 = arith.bitcast %sub3A_140 : i32 to f32
      %mul3A_142 = arith.constant 5.000000e-01 : f32
      %mul3A_143 = arith.mulf %mul3A_142, %add3A_135 : f32
      %mul3A_144 = arith.mulf %mul3A_143, %bitcast_convert_type3A_141 : f32
      %mul3A_145 = arith.mulf %mul3A_144, %bitcast_convert_type3A_141 : f32
      %sub3A_146 = arith.constant 1.500000e+00 : f32
      %sub3A_147 = arith.subf %sub3A_146, %mul3A_145 : f32
      %mul3A_148 = arith.mulf %bitcast_convert_type3A_141, %sub3A_147 : f32
      %mul3A_149 = arith.mulf %mul3A_143, %mul3A_148 : f32
      %mul3A_150 = arith.mulf %mul3A_149, %mul3A_148 : f32
      %sub3A_151 = arith.constant 1.500000e+00 : f32
      %sub3A_152 = arith.subf %sub3A_151, %mul3A_150 : f32
      %mul3A_153 = arith.mulf %mul3A_148, %sub3A_152 : f32
      %mul3A_154 = arith.mulf %mul3A_143, %mul3A_153 : f32
      %mul3A_155 = arith.mulf %mul3A_154, %mul3A_153 : f32
      %sub3A_156 = arith.constant 1.500000e+00 : f32
      %sub3A_157 = arith.subf %sub3A_156, %mul3A_155 : f32
      %mul3A_158 = arith.mulf %mul3A_153, %sub3A_157 : f32
      %mul3A_159 = arith.constant 3.200000e+01 : f32
      %mul3A_160 = arith.mulf %mul3A_158, %mul3A_159 : f32
      %neg3A_161 = arith.constant 0.000000e+00 : f32
      %neg3A_162 = arith.subf %neg3A_161, %mul3A_131 : f32
      %mul3A_163 = arith.mulf %neg3A_162, %mul3A_158 : f32
      %reduce_sum3A_164 = arith.constant true
      %reduce_sum3A_165 = vector.broadcast %reduce_sum3A_164 : i1 to vector<16xi1>
      %reduce_sum3A_166 = tpu.scan <sum>, %scan3A_83#2 masked %reduce_sum3A_165 : vector<16xf32>, vector<16xi1> -> vector<16xf32>
      %reduce_sum3A_167 = vector.extract %reduce_sum3A_166[15] : f32 from vector<16xf32>
      %reduce_sum3A_168 = arith.constant true
      %reduce_sum3A_169 = vector.broadcast %reduce_sum3A_168 : i1 to vector<16xi1>
      %reduce_sum3A_170 = tpu.scan <sum>, %scan3A_83#10 masked %reduce_sum3A_169 : vector<16xf32>, vector<16xi1> -> vector<16xf32>
      %reduce_sum3A_171 = vector.extract %reduce_sum3A_170[15] : f32 from vector<16xf32>
      %mul3A_172 = arith.constant 3.125000e-02 : f32
      %mul3A_173 = arith.mulf %reduce_sum3A_167, %mul3A_172 : f32
      %mul3A_174 = arith.mulf %mul3A_173, %mul3A_173 : f32
      %sub3A_175 = arith.subf %reduce_sum3A_171, %mul3A_174 : f32
      %add3A_176 = arith.constant 9.99999974E-6 : f32
      %add3A_177 = arith.addf %sub3A_175, %add3A_176 : f32
      %bitcast_convert_type3A_178 = arith.bitcast %add3A_177 : f32 to i32
      %shift_right_logical3A_179 = arith.constant 1 : i32
      %shift_right_logical3A_180 = arith.shrui %bitcast_convert_type3A_178, %shift_right_logical3A_179 : i32
      %sub3A_181 = arith.constant 1597463007 : i32
      %sub3A_182 = arith.subi %sub3A_181, %shift_right_logical3A_180 : i32
      %bitcast_convert_type3A_183 = arith.bitcast %sub3A_182 : i32 to f32
      %mul3A_184 = arith.constant 5.000000e-01 : f32
      %mul3A_185 = arith.mulf %mul3A_184, %add3A_177 : f32
      %mul3A_186 = arith.mulf %mul3A_185, %bitcast_convert_type3A_183 : f32
      %mul3A_187 = arith.mulf %mul3A_186, %bitcast_convert_type3A_183 : f32
      %sub3A_188 = arith.constant 1.500000e+00 : f32
      %sub3A_189 = arith.subf %sub3A_188, %mul3A_187 : f32
      %mul3A_190 = arith.mulf %bitcast_convert_type3A_183, %sub3A_189 : f32
      %mul3A_191 = arith.mulf %mul3A_185, %mul3A_190 : f32
      %mul3A_192 = arith.mulf %mul3A_191, %mul3A_190 : f32
      %sub3A_193 = arith.constant 1.500000e+00 : f32
      %sub3A_194 = arith.subf %sub3A_193, %mul3A_192 : f32
      %mul3A_195 = arith.mulf %mul3A_190, %sub3A_194 : f32
      %mul3A_196 = arith.mulf %mul3A_185, %mul3A_195 : f32
      %mul3A_197 = arith.mulf %mul3A_196, %mul3A_195 : f32
      %sub3A_198 = arith.constant 1.500000e+00 : f32
      %sub3A_199 = arith.subf %sub3A_198, %mul3A_197 : f32
      %mul3A_200 = arith.mulf %mul3A_195, %sub3A_199 : f32
      %mul3A_201 = arith.constant 3.200000e+01 : f32
      %mul3A_202 = arith.mulf %mul3A_200, %mul3A_201 : f32
      %neg3A_203 = arith.constant 0.000000e+00 : f32
      %neg3A_204 = arith.subf %neg3A_203, %mul3A_173 : f32
      %mul3A_205 = arith.mulf %neg3A_204, %mul3A_200 : f32
      %reduce_sum3A_206 = arith.constant true
      %reduce_sum3A_207 = vector.broadcast %reduce_sum3A_206 : i1 to vector<16xi1>
      %reduce_sum3A_208 = tpu.scan <sum>, %scan3A_83#3 masked %reduce_sum3A_207 : vector<16xf32>, vector<16xi1> -> vector<16xf32>
      %reduce_sum3A_209 = vector.extract %reduce_sum3A_208[15] : f32 from vector<16xf32>
      %reduce_sum3A_210 = arith.constant true
      %reduce_sum3A_211 = vector.broadcast %reduce_sum3A_210 : i1 to vector<16xi1>
      %reduce_sum3A_212 = tpu.scan <sum>, %scan3A_83#11 masked %reduce_sum3A_211 : vector<16xf32>, vector<16xi1> -> vector<16xf32>
      %reduce_sum3A_213 = vector.extract %reduce_sum3A_212[15] : f32 from vector<16xf32>
      %mul3A_214 = arith.constant 3.125000e-02 : f32
      %mul3A_215 = arith.mulf %reduce_sum3A_209, %mul3A_214 : f32
      %mul3A_216 = arith.mulf %mul3A_215, %mul3A_215 : f32
      %sub3A_217 = arith.subf %reduce_sum3A_213, %mul3A_216 : f32
      %add3A_218 = arith.constant 9.99999974E-6 : f32
      %add3A_219 = arith.addf %sub3A_217, %add3A_218 : f32
      %bitcast_convert_type3A_220 = arith.bitcast %add3A_219 : f32 to i32
      %shift_right_logical3A_221 = arith.constant 1 : i32
      %shift_right_logical3A_222 = arith.shrui %bitcast_convert_type3A_220, %shift_right_logical3A_221 : i32
      %sub3A_223 = arith.constant 1597463007 : i32
      %sub3A_224 = arith.subi %sub3A_223, %shift_right_logical3A_222 : i32
      %bitcast_convert_type3A_225 = arith.bitcast %sub3A_224 : i32 to f32
      %mul3A_226 = arith.constant 5.000000e-01 : f32
      %mul3A_227 = arith.mulf %mul3A_226, %add3A_219 : f32
      %mul3A_228 = arith.mulf %mul3A_227, %bitcast_convert_type3A_225 : f32
      %mul3A_229 = arith.mulf %mul3A_228, %bitcast_convert_type3A_225 : f32
      %sub3A_230 = arith.constant 1.500000e+00 : f32
      %sub3A_231 = arith.subf %sub3A_230, %mul3A_229 : f32
      %mul3A_232 = arith.mulf %bitcast_convert_type3A_225, %sub3A_231 : f32
      %mul3A_233 = arith.mulf %mul3A_227, %mul3A_232 : f32
      %mul3A_234 = arith.mulf %mul3A_233, %mul3A_232 : f32
      %sub3A_235 = arith.constant 1.500000e+00 : f32
      %sub3A_236 = arith.subf %sub3A_235, %mul3A_234 : f32
      %mul3A_237 = arith.mulf %mul3A_232, %sub3A_236 : f32
      %mul3A_238 = arith.mulf %mul3A_227, %mul3A_237 : f32
      %mul3A_239 = arith.mulf %mul3A_238, %mul3A_237 : f32
      %sub3A_240 = arith.constant 1.500000e+00 : f32
      %sub3A_241 = arith.subf %sub3A_240, %mul3A_239 : f32
      %mul3A_242 = arith.mulf %mul3A_237, %sub3A_241 : f32
      %mul3A_243 = arith.constant 3.200000e+01 : f32
      %mul3A_244 = arith.mulf %mul3A_242, %mul3A_243 : f32
      %neg3A_245 = arith.constant 0.000000e+00 : f32
      %neg3A_246 = arith.subf %neg3A_245, %mul3A_215 : f32
      %mul3A_247 = arith.mulf %neg3A_246, %mul3A_242 : f32
      %reduce_sum3A_248 = arith.constant true
      %reduce_sum3A_249 = vector.broadcast %reduce_sum3A_248 : i1 to vector<16xi1>
      %reduce_sum3A_250 = tpu.scan <sum>, %scan3A_83#4 masked %reduce_sum3A_249 : vector<16xf32>, vector<16xi1> -> vector<16xf32>
      %reduce_sum3A_251 = vector.extract %reduce_sum3A_250[15] : f32 from vector<16xf32>
      %reduce_sum3A_252 = arith.constant true
      %reduce_sum3A_253 = vector.broadcast %reduce_sum3A_252 : i1 to vector<16xi1>
      %reduce_sum3A_254 = tpu.scan <sum>, %scan3A_83#12 masked %reduce_sum3A_253 : vector<16xf32>, vector<16xi1> -> vector<16xf32>
      %reduce_sum3A_255 = vector.extract %reduce_sum3A_254[15] : f32 from vector<16xf32>
      %mul3A_256 = arith.constant 3.125000e-02 : f32
      %mul3A_257 = arith.mulf %reduce_sum3A_251, %mul3A_256 : f32
      %mul3A_258 = arith.mulf %mul3A_257, %mul3A_257 : f32
      %sub3A_259 = arith.subf %reduce_sum3A_255, %mul3A_258 : f32
      %add3A_260 = arith.constant 9.99999974E-6 : f32
      %add3A_261 = arith.addf %sub3A_259, %add3A_260 : f32
      %bitcast_convert_type3A_262 = arith.bitcast %add3A_261 : f32 to i32
      %shift_right_logical3A_263 = arith.constant 1 : i32
      %shift_right_logical3A_264 = arith.shrui %bitcast_convert_type3A_262, %shift_right_logical3A_263 : i32
      %sub3A_265 = arith.constant 1597463007 : i32
      %sub3A_266 = arith.subi %sub3A_265, %shift_right_logical3A_264 : i32
      %bitcast_convert_type3A_267 = arith.bitcast %sub3A_266 : i32 to f32
      %mul3A_268 = arith.constant 5.000000e-01 : f32
      %mul3A_269 = arith.mulf %mul3A_268, %add3A_261 : f32
      %mul3A_270 = arith.mulf %mul3A_269, %bitcast_convert_type3A_267 : f32
      %mul3A_271 = arith.mulf %mul3A_270, %bitcast_convert_type3A_267 : f32
      %sub3A_272 = arith.constant 1.500000e+00 : f32
      %sub3A_273 = arith.subf %sub3A_272, %mul3A_271 : f32
      %mul3A_274 = arith.mulf %bitcast_convert_type3A_267, %sub3A_273 : f32
      %mul3A_275 = arith.mulf %mul3A_269, %mul3A_274 : f32
      %mul3A_276 = arith.mulf %mul3A_275, %mul3A_274 : f32
      %sub3A_277 = arith.constant 1.500000e+00 : f32
      %sub3A_278 = arith.subf %sub3A_277, %mul3A_276 : f32
      %mul3A_279 = arith.mulf %mul3A_274, %sub3A_278 : f32
      %mul3A_280 = arith.mulf %mul3A_269, %mul3A_279 : f32
      %mul3A_281 = arith.mulf %mul3A_280, %mul3A_279 : f32
      %sub3A_282 = arith.constant 1.500000e+00 : f32
      %sub3A_283 = arith.subf %sub3A_282, %mul3A_281 : f32
      %mul3A_284 = arith.mulf %mul3A_279, %sub3A_283 : f32
      %mul3A_285 = arith.constant 3.200000e+01 : f32
      %mul3A_286 = arith.mulf %mul3A_284, %mul3A_285 : f32
      %neg3A_287 = arith.constant 0.000000e+00 : f32
      %neg3A_288 = arith.subf %neg3A_287, %mul3A_257 : f32
      %mul3A_289 = arith.mulf %neg3A_288, %mul3A_284 : f32
      %reduce_sum3A_290 = arith.constant true
      %reduce_sum3A_291 = vector.broadcast %reduce_sum3A_290 : i1 to vector<16xi1>
      %reduce_sum3A_292 = tpu.scan <sum>, %scan3A_83#5 masked %reduce_sum3A_291 : vector<16xf32>, vector<16xi1> -> vector<16xf32>
      %reduce_sum3A_293 = vector.extract %reduce_sum3A_292[15] : f32 from vector<16xf32>
      %reduce_sum3A_294 = arith.constant true
      %reduce_sum3A_295 = vector.broadcast %reduce_sum3A_294 : i1 to vector<16xi1>
      %reduce_sum3A_296 = tpu.scan <sum>, %scan3A_83#13 masked %reduce_sum3A_295 : vector<16xf32>, vector<16xi1> -> vector<16xf32>
      %reduce_sum3A_297 = vector.extract %reduce_sum3A_296[15] : f32 from vector<16xf32>
      %mul3A_298 = arith.constant 3.125000e-02 : f32
      %mul3A_299 = arith.mulf %reduce_sum3A_293, %mul3A_298 : f32
      %mul3A_300 = arith.mulf %mul3A_299, %mul3A_299 : f32
      %sub3A_301 = arith.subf %reduce_sum3A_297, %mul3A_300 : f32
      %add3A_302 = arith.constant 9.99999974E-6 : f32
      %add3A_303 = arith.addf %sub3A_301, %add3A_302 : f32
      %bitcast_convert_type3A_304 = arith.bitcast %add3A_303 : f32 to i32
      %shift_right_logical3A_305 = arith.constant 1 : i32
      %shift_right_logical3A_306 = arith.shrui %bitcast_convert_type3A_304, %shift_right_logical3A_305 : i32
      %sub3A_307 = arith.constant 1597463007 : i32
      %sub3A_308 = arith.subi %sub3A_307, %shift_right_logical3A_306 : i32
      %bitcast_convert_type3A_309 = arith.bitcast %sub3A_308 : i32 to f32
      %mul3A_310 = arith.constant 5.000000e-01 : f32
      %mul3A_311 = arith.mulf %mul3A_310, %add3A_303 : f32
      %mul3A_312 = arith.mulf %mul3A_311, %bitcast_convert_type3A_309 : f32
      %mul3A_313 = arith.mulf %mul3A_312, %bitcast_convert_type3A_309 : f32
      %sub3A_314 = arith.constant 1.500000e+00 : f32
      %sub3A_315 = arith.subf %sub3A_314, %mul3A_313 : f32
      %mul3A_316 = arith.mulf %bitcast_convert_type3A_309, %sub3A_315 : f32
      %mul3A_317 = arith.mulf %mul3A_311, %mul3A_316 : f32
      %mul3A_318 = arith.mulf %mul3A_317, %mul3A_316 : f32
      %sub3A_319 = arith.constant 1.500000e+00 : f32
      %sub3A_320 = arith.subf %sub3A_319, %mul3A_318 : f32
      %mul3A_321 = arith.mulf %mul3A_316, %sub3A_320 : f32
      %mul3A_322 = arith.mulf %mul3A_311, %mul3A_321 : f32
      %mul3A_323 = arith.mulf %mul3A_322, %mul3A_321 : f32
      %sub3A_324 = arith.constant 1.500000e+00 : f32
      %sub3A_325 = arith.subf %sub3A_324, %mul3A_323 : f32
      %mul3A_326 = arith.mulf %mul3A_321, %sub3A_325 : f32
      %mul3A_327 = arith.constant 3.200000e+01 : f32
      %mul3A_328 = arith.mulf %mul3A_326, %mul3A_327 : f32
      %neg3A_329 = arith.constant 0.000000e+00 : f32
      %neg3A_330 = arith.subf %neg3A_329, %mul3A_299 : f32
      %mul3A_331 = arith.mulf %neg3A_330, %mul3A_326 : f32
      %reduce_sum3A_332 = arith.constant true
      %reduce_sum3A_333 = vector.broadcast %reduce_sum3A_332 : i1 to vector<16xi1>
      %reduce_sum3A_334 = tpu.scan <sum>, %scan3A_83#6 masked %reduce_sum3A_333 : vector<16xf32>, vector<16xi1> -> vector<16xf32>
      %reduce_sum3A_335 = vector.extract %reduce_sum3A_334[15] : f32 from vector<16xf32>
      %reduce_sum3A_336 = arith.constant true
      %reduce_sum3A_337 = vector.broadcast %reduce_sum3A_336 : i1 to vector<16xi1>
      %reduce_sum3A_338 = tpu.scan <sum>, %scan3A_83#14 masked %reduce_sum3A_337 : vector<16xf32>, vector<16xi1> -> vector<16xf32>
      %reduce_sum3A_339 = vector.extract %reduce_sum3A_338[15] : f32 from vector<16xf32>
      %mul3A_340 = arith.constant 3.125000e-02 : f32
      %mul3A_341 = arith.mulf %reduce_sum3A_335, %mul3A_340 : f32
      %mul3A_342 = arith.mulf %mul3A_341, %mul3A_341 : f32
      %sub3A_343 = arith.subf %reduce_sum3A_339, %mul3A_342 : f32
      %add3A_344 = arith.constant 9.99999974E-6 : f32
      %add3A_345 = arith.addf %sub3A_343, %add3A_344 : f32
      %bitcast_convert_type3A_346 = arith.bitcast %add3A_345 : f32 to i32
      %shift_right_logical3A_347 = arith.constant 1 : i32
      %shift_right_logical3A_348 = arith.shrui %bitcast_convert_type3A_346, %shift_right_logical3A_347 : i32
      %sub3A_349 = arith.constant 1597463007 : i32
      %sub3A_350 = arith.subi %sub3A_349, %shift_right_logical3A_348 : i32
      %bitcast_convert_type3A_351 = arith.bitcast %sub3A_350 : i32 to f32
      %mul3A_352 = arith.constant 5.000000e-01 : f32
      %mul3A_353 = arith.mulf %mul3A_352, %add3A_345 : f32
      %mul3A_354 = arith.mulf %mul3A_353, %bitcast_convert_type3A_351 : f32
      %mul3A_355 = arith.mulf %mul3A_354, %bitcast_convert_type3A_351 : f32
      %sub3A_356 = arith.constant 1.500000e+00 : f32
      %sub3A_357 = arith.subf %sub3A_356, %mul3A_355 : f32
      %mul3A_358 = arith.mulf %bitcast_convert_type3A_351, %sub3A_357 : f32
      %mul3A_359 = arith.mulf %mul3A_353, %mul3A_358 : f32
      %mul3A_360 = arith.mulf %mul3A_359, %mul3A_358 : f32
      %sub3A_361 = arith.constant 1.500000e+00 : f32
      %sub3A_362 = arith.subf %sub3A_361, %mul3A_360 : f32
      %mul3A_363 = arith.mulf %mul3A_358, %sub3A_362 : f32
      %mul3A_364 = arith.mulf %mul3A_353, %mul3A_363 : f32
      %mul3A_365 = arith.mulf %mul3A_364, %mul3A_363 : f32
      %sub3A_366 = arith.constant 1.500000e+00 : f32
      %sub3A_367 = arith.subf %sub3A_366, %mul3A_365 : f32
      %mul3A_368 = arith.mulf %mul3A_363, %sub3A_367 : f32
      %mul3A_369 = arith.constant 3.200000e+01 : f32
      %mul3A_370 = arith.mulf %mul3A_368, %mul3A_369 : f32
      %neg3A_371 = arith.constant 0.000000e+00 : f32
      %neg3A_372 = arith.subf %neg3A_371, %mul3A_341 : f32
      %mul3A_373 = arith.mulf %neg3A_372, %mul3A_368 : f32
      %reduce_sum3A_374 = arith.constant true
      %reduce_sum3A_375 = vector.broadcast %reduce_sum3A_374 : i1 to vector<16xi1>
      %reduce_sum3A_376 = tpu.scan <sum>, %scan3A_83#7 masked %reduce_sum3A_375 : vector<16xf32>, vector<16xi1> -> vector<16xf32>
      %reduce_sum3A_377 = vector.extract %reduce_sum3A_376[15] : f32 from vector<16xf32>
      %reduce_sum3A_378 = arith.constant true
      %reduce_sum3A_379 = vector.broadcast %reduce_sum3A_378 : i1 to vector<16xi1>
      %reduce_sum3A_380 = tpu.scan <sum>, %scan3A_83#15 masked %reduce_sum3A_379 : vector<16xf32>, vector<16xi1> -> vector<16xf32>
      %reduce_sum3A_381 = vector.extract %reduce_sum3A_380[15] : f32 from vector<16xf32>
      %mul3A_382 = arith.constant 3.125000e-02 : f32
      %mul3A_383 = arith.mulf %reduce_sum3A_377, %mul3A_382 : f32
      %mul3A_384 = arith.mulf %mul3A_383, %mul3A_383 : f32
      %sub3A_385 = arith.subf %reduce_sum3A_381, %mul3A_384 : f32
      %add3A_386 = arith.constant 9.99999974E-6 : f32
      %add3A_387 = arith.addf %sub3A_385, %add3A_386 : f32
      %bitcast_convert_type3A_388 = arith.bitcast %add3A_387 : f32 to i32
      %shift_right_logical3A_389 = arith.constant 1 : i32
      %shift_right_logical3A_390 = arith.shrui %bitcast_convert_type3A_388, %shift_right_logical3A_389 : i32
      %sub3A_391 = arith.constant 1597463007 : i32
      %sub3A_392 = arith.subi %sub3A_391, %shift_right_logical3A_390 : i32
      %bitcast_convert_type3A_393 = arith.bitcast %sub3A_392 : i32 to f32
      %mul3A_394 = arith.constant 5.000000e-01 : f32
      %mul3A_395 = arith.mulf %mul3A_394, %add3A_387 : f32
      %mul3A_396 = arith.mulf %mul3A_395, %bitcast_convert_type3A_393 : f32
      %mul3A_397 = arith.mulf %mul3A_396, %bitcast_convert_type3A_393 : f32
      %sub3A_398 = arith.constant 1.500000e+00 : f32
      %sub3A_399 = arith.subf %sub3A_398, %mul3A_397 : f32
      %mul3A_400 = arith.mulf %bitcast_convert_type3A_393, %sub3A_399 : f32
      %mul3A_401 = arith.mulf %mul3A_395, %mul3A_400 : f32
      %mul3A_402 = arith.mulf %mul3A_401, %mul3A_400 : f32
      %sub3A_403 = arith.constant 1.500000e+00 : f32
      %sub3A_404 = arith.subf %sub3A_403, %mul3A_402 : f32
      %mul3A_405 = arith.mulf %mul3A_400, %sub3A_404 : f32
      %mul3A_406 = arith.mulf %mul3A_395, %mul3A_405 : f32
      %mul3A_407 = arith.mulf %mul3A_406, %mul3A_405 : f32
      %sub3A_408 = arith.constant 1.500000e+00 : f32
      %sub3A_409 = arith.subf %sub3A_408, %mul3A_407 : f32
      %mul3A_410 = arith.mulf %mul3A_405, %sub3A_409 : f32
      %mul3A_411 = arith.constant 3.200000e+01 : f32
      %mul3A_412 = arith.mulf %mul3A_410, %mul3A_411 : f32
      %neg3A_413 = arith.constant 0.000000e+00 : f32
      %neg3A_414 = arith.subf %neg3A_413, %mul3A_383 : f32
      %mul3A_415 = arith.mulf %neg3A_414, %mul3A_410 : f32
      %scan3A_416 = arith.constant 0 : i32
      %scan3A_417 = arith.constant 0 : i32
      %scan3A_418 = arith.constant 64 : i32
      %scan3A_419 = arith.addi %scan3A_417, %scan3A_418 : i32
      %scan3A_420 = arith.constant 1 : i32
      %scan3A_421 = scf.for %scan3A_1620 = %scan3A_417 to %scan3A_419 step %scan3A_420 iter_args(%scan3A_1621 = %scan3A_416) -> (i32)  : i32 {
        %mul3A_1622 = arith.constant 1 : i32
        %mul3A_1623 = arith.muli %scan3A_1620, %mul3A_1622 : i32
        %add3A_1624 = arith.constant 0 : i32
        %add3A_1625 = arith.addi %mul3A_1623, %add3A_1624 : i32
        %mul3A_1626 = arith.constant 16 : i32
        %mul3A_1627 = arith.muli %add3A_1625, %mul3A_1626 : i32
        %get3A = arith.index_cast %mul3A_1627 : i32 to index
        %get3A_1628 = tpu.vector_load %arg17[%get3A] {strides = array<i32>} : memref<1024xf32, #tpu.memory_space<vmem>>, vector<16xf32>,
        %get3A_1629 = arith.index_cast %mul3A_1627 : i32 to index
        %get3A_1630 = tpu.vector_load %arg18[%get3A_1629] {strides = array<i32>} : memref<1024xf32, #tpu.memory_space<vmem>>, vector<16xf32>,
        %get3A_1631 = arith.constant 0 : i32
        %get3A_1632 = arith.index_cast %get3A_1631 : i32 to index
        %get3A_1633 = arith.index_cast %mul3A_1627 : i32 to index
        %get3A_1634 = tpu.vector_load %arg9[%get3A_1632, %get3A_1633] {strides = array<i32>} : memref<8x1024xf32, #tpu.memory_space<vmem>>, vector<16xf32>,
        %get3A_1635 = arith.constant 0 : i32
        %get3A_1636 = arith.index_cast %get3A_1635 : i32 to index
        %get3A_1637 = arith.index_cast %mul3A_1627 : i32 to index
        %get3A_1638 = tpu.vector_load %arg13[%get3A_1636, %get3A_1637] {strides = array<i32>} : memref<8x1024xf32, #tpu.memory_space<vmem>>, vector<16xf32>,
        %add3A_1639 = arith.addf %get3A_1634, %get3A_1638 : vector<16xf32>
        %mul3A_1640 = vector.broadcast %mul3A_119 : f32 to vector<16xf32>
        %mul3A_1641 = arith.mulf %add3A_1639, %mul3A_1640 : vector<16xf32>
        %add3A_1642 = vector.broadcast %mul3A_121 : f32 to vector<16xf32>
        %add3A_1643 = arith.addf %mul3A_1641, %add3A_1642 : vector<16xf32>
        %mul3A_1644 = arith.mulf %add3A_1643, %get3A_1628 : vector<16xf32>
        %add3A_1645 = arith.addf %mul3A_1644, %get3A_1630 : vector<16xf32>
        %swap3A = arith.constant 0 : i32
        %swap3A_1646 = arith.index_cast %swap3A : i32 to index
        %swap3A_1647 = arith.index_cast %mul3A_1627 : i32 to index
        %swap3A_1648 = tpu.vector_load %arg9[%swap3A_1646, %swap3A_1647] {strides = array<i32>} : memref<8x1024xf32, #tpu.memory_space<vmem>>, vector<16xf32>,
        tpu.vector_store %arg9[%swap3A_1646, %swap3A_1647], %add3A_1645 {strides = array<i32>} : memref<8x1024xf32, #tpu.memory_space<vmem>>, vector<16xf32>,
        %get3A_1649 = arith.constant 1 : i32
        %get3A_1650 = arith.index_cast %get3A_1649 : i32 to index
        %get3A_1651 = arith.index_cast %mul3A_1627 : i32 to index
        %get3A_1652 = tpu.vector_load %arg9[%get3A_1650, %get3A_1651] {strides = array<i32>} : memref<8x1024xf32, #tpu.memory_space<vmem>>, vector<16xf32>,
        %get3A_1653 = arith.constant 1 : i32
        %get3A_1654 = arith.index_cast %get3A_1653 : i32 to index
        %get3A_1655 = arith.index_cast %mul3A_1627 : i32 to index
        %get3A_1656 = tpu.vector_load %arg13[%get3A_1654, %get3A_1655] {strides = array<i32>} : memref<8x1024xf32, #tpu.memory_space<vmem>>, vector<16xf32>,
        %add3A_1657 = arith.addf %get3A_1652, %get3A_1656 : vector<16xf32>
        %mul3A_1658 = vector.broadcast %mul3A_160 : f32 to vector<16xf32>
        %mul3A_1659 = arith.mulf %add3A_1657, %mul3A_1658 : vector<16xf32>
        %add3A_1660 = vector.broadcast %mul3A_163 : f32 to vector<16xf32>
        %add3A_1661 = arith.addf %mul3A_1659, %add3A_1660 : vector<16xf32>
        %mul3A_1662 = arith.mulf %add3A_1661, %get3A_1628 : vector<16xf32>
        %add3A_1663 = arith.addf %mul3A_1662, %get3A_1630 : vector<16xf32>
        %swap3A_1664 = arith.constant 1 : i32
        %swap3A_1665 = arith.index_cast %swap3A_1664 : i32 to index
        %swap3A_1666 = arith.index_cast %mul3A_1627 : i32 to index
        %swap3A_1667 = tpu.vector_load %arg9[%swap3A_1665, %swap3A_1666] {strides = array<i32>} : memref<8x1024xf32, #tpu.memory_space<vmem>>, vector<16xf32>,
        tpu.vector_store %arg9[%swap3A_1665, %swap3A_1666], %add3A_1663 {strides = array<i32>} : memref<8x1024xf32, #tpu.memory_space<vmem>>, vector<16xf32>,
        %get3A_1668 = arith.constant 2 : i32
        %get3A_1669 = arith.index_cast %get3A_1668 : i32 to index
        %get3A_1670 = arith.index_cast %mul3A_1627 : i32 to index
        %get3A_1671 = tpu.vector_load %arg9[%get3A_1669, %get3A_1670] {strides = array<i32>} : memref<8x1024xf32, #tpu.memory_space<vmem>>, vector<16xf32>,
        %get3A_1672 = arith.constant 2 : i32
        %get3A_1673 = arith.index_cast %get3A_1672 : i32 to index
        %get3A_1674 = arith.index_cast %mul3A_1627 : i32 to index
        %get3A_1675 = tpu.vector_load %arg13[%get3A_1673, %get3A_1674] {strides = array<i32>} : memref<8x1024xf32, #tpu.memory_space<vmem>>, vector<16xf32>,
        %add3A_1676 = arith.addf %get3A_1671, %get3A_1675 : vector<16xf32>
        %mul3A_1677 = vector.broadcast %mul3A_202 : f32 to vector<16xf32>
        %mul3A_1678 = arith.mulf %add3A_1676, %mul3A_1677 : vector<16xf32>
        %add3A_1679 = vector.broadcast %mul3A_205 : f32 to vector<16xf32>
        %add3A_1680 = arith.addf %mul3A_1678, %add3A_1679 : vector<16xf32>
        %mul3A_1681 = arith.mulf %add3A_1680, %get3A_1628 : vector<16xf32>
        %add3A_1682 = arith.addf %mul3A_1681, %get3A_1630 : vector<16xf32>
        %swap3A_1683 = arith.constant 2 : i32
        %swap3A_1684 = arith.index_cast %swap3A_1683 : i32 to index
        %swap3A_1685 = arith.index_cast %mul3A_1627 : i32 to index
        %swap3A_1686 = tpu.vector_load %arg9[%swap3A_1684, %swap3A_1685] {strides = array<i32>} : memref<8x1024xf32, #tpu.memory_space<vmem>>, vector<16xf32>,
        tpu.vector_store %arg9[%swap3A_1684, %swap3A_1685], %add3A_1682 {strides = array<i32>} : memref<8x1024xf32, #tpu.memory_space<vmem>>, vector<16xf32>,
        %get3A_1687 = arith.constant 3 : i32
        %get3A_1688 = arith.index_cast %get3A_1687 : i32 to index
        %get3A_1689 = arith.index_cast %mul3A_1627 : i32 to index
        %get3A_1690 = tpu.vector_load %arg9[%get3A_1688, %get3A_1689] {strides = array<i32>} : memref<8x1024xf32, #tpu.memory_space<vmem>>, vector<16xf32>,
        %get3A_1691 = arith.constant 3 : i32
        %get3A_1692 = arith.index_cast %get3A_1691 : i32 to index
        %get3A_1693 = arith.index_cast %mul3A_1627 : i32 to index
        %get3A_1694 = tpu.vector_load %arg13[%get3A_1692, %get3A_1693] {strides = array<i32>} : memref<8x1024xf32, #tpu.memory_space<vmem>>, vector<16xf32>,
        %add3A_1695 = arith.addf %get3A_1690, %get3A_1694 : vector<16xf32>
        %mul3A_1696 = vector.broadcast %mul3A_244 : f32 to vector<16xf32>
        %mul3A_1697 = arith.mulf %add3A_1695, %mul3A_1696 : vector<16xf32>
        %add3A_1698 = vector.broadcast %mul3A_247 : f32 to vector<16xf32>
        %add3A_1699 = arith.addf %mul3A_1697, %add3A_1698 : vector<16xf32>
        %mul3A_1700 = arith.mulf %add3A_1699, %get3A_1628 : vector<16xf32>
        %add3A_1701 = arith.addf %mul3A_1700, %get3A_1630 : vector<16xf32>
        %swap3A_1702 = arith.constant 3 : i32
        %swap3A_1703 = arith.index_cast %swap3A_1702 : i32 to index
        %swap3A_1704 = arith.index_cast %mul3A_1627 : i32 to index
        %swap3A_1705 = tpu.vector_load %arg9[%swap3A_1703, %swap3A_1704] {strides = array<i32>} : memref<8x1024xf32, #tpu.memory_space<vmem>>, vector<16xf32>,
        tpu.vector_store %arg9[%swap3A_1703, %swap3A_1704], %add3A_1701 {strides = array<i32>} : memref<8x1024xf32, #tpu.memory_space<vmem>>, vector<16xf32>,
        %get3A_1706 = arith.constant 4 : i32
        %get3A_1707 = arith.index_cast %get3A_1706 : i32 to index
        %get3A_1708 = arith.index_cast %mul3A_1627 : i32 to index
        %get3A_1709 = tpu.vector_load %arg9[%get3A_1707, %get3A_1708] {strides = array<i32>} : memref<8x1024xf32, #tpu.memory_space<vmem>>, vector<16xf32>,
        %get3A_1710 = arith.constant 4 : i32
        %get3A_1711 = arith.index_cast %get3A_1710 : i32 to index
        %get3A_1712 = arith.index_cast %mul3A_1627 : i32 to index
        %get3A_1713 = tpu.vector_load %arg13[%get3A_1711, %get3A_1712] {strides = array<i32>} : memref<8x1024xf32, #tpu.memory_space<vmem>>, vector<16xf32>,
        %add3A_1714 = arith.addf %get3A_1709, %get3A_1713 : vector<16xf32>
        %mul3A_1715 = vector.broadcast %mul3A_286 : f32 to vector<16xf32>
        %mul3A_1716 = arith.mulf %add3A_1714, %mul3A_1715 : vector<16xf32>
        %add3A_1717 = vector.broadcast %mul3A_289 : f32 to vector<16xf32>
        %add3A_1718 = arith.addf %mul3A_1716, %add3A_1717 : vector<16xf32>
        %mul3A_1719 = arith.mulf %add3A_1718, %get3A_1628 : vector<16xf32>
        %add3A_1720 = arith.addf %mul3A_1719, %get3A_1630 : vector<16xf32>
        %swap3A_1721 = arith.constant 4 : i32
        %swap3A_1722 = arith.index_cast %swap3A_1721 : i32 to index
        %swap3A_1723 = arith.index_cast %mul3A_1627 : i32 to index
        %swap3A_1724 = tpu.vector_load %arg9[%swap3A_1722, %swap3A_1723] {strides = array<i32>} : memref<8x1024xf32, #tpu.memory_space<vmem>>, vector<16xf32>,
        tpu.vector_store %arg9[%swap3A_1722, %swap3A_1723], %add3A_1720 {strides = array<i32>} : memref<8x1024xf32, #tpu.memory_space<vmem>>, vector<16xf32>,
        %get3A_1725 = arith.constant 5 : i32
        %get3A_1726 = arith.index_cast %get3A_1725 : i32 to index
        %get3A_1727 = arith.index_cast %mul3A_1627 : i32 to index
        %get3A_1728 = tpu.vector_load %arg9[%get3A_1726, %get3A_1727] {strides = array<i32>} : memref<8x1024xf32, #tpu.memory_space<vmem>>, vector<16xf32>,
        %get3A_1729 = arith.constant 5 : i32
        %get3A_1730 = arith.index_cast %get3A_1729 : i32 to index
        %get3A_1731 = arith.index_cast %mul3A_1627 : i32 to index
        %get3A_1732 = tpu.vector_load %arg13[%get3A_1730, %get3A_1731] {strides = array<i32>} : memref<8x1024xf32, #tpu.memory_space<vmem>>, vector<16xf32>,
        %add3A_1733 = arith.addf %get3A_1728, %get3A_1732 : vector<16xf32>
        %mul3A_1734 = vector.broadcast %mul3A_328 : f32 to vector<16xf32>
        %mul3A_1735 = arith.mulf %add3A_1733, %mul3A_1734 : vector<16xf32>
        %add3A_1736 = vector.broadcast %mul3A_331 : f32 to vector<16xf32>
        %add3A_1737 = arith.addf %mul3A_1735, %add3A_1736 : vector<16xf32>
        %mul3A_1738 = arith.mulf %add3A_1737, %get3A_1628 : vector<16xf32>
        %add3A_1739 = arith.addf %mul3A_1738, %get3A_1630 : vector<16xf32>
        %swap3A_1740 = arith.constant 5 : i32
        %swap3A_1741 = arith.index_cast %swap3A_1740 : i32 to index
        %swap3A_1742 = arith.index_cast %mul3A_1627 : i32 to index
        %swap3A_1743 = tpu.vector_load %arg9[%swap3A_1741, %swap3A_1742] {strides = array<i32>} : memref<8x1024xf32, #tpu.memory_space<vmem>>, vector<16xf32>,
        tpu.vector_store %arg9[%swap3A_1741, %swap3A_1742], %add3A_1739 {strides = array<i32>} : memref<8x1024xf32, #tpu.memory_space<vmem>>, vector<16xf32>,
        %get3A_1744 = arith.constant 6 : i32
        %get3A_1745 = arith.index_cast %get3A_1744 : i32 to index
        %get3A_1746 = arith.index_cast %mul3A_1627 : i32 to index
        %get3A_1747 = tpu.vector_load %arg9[%get3A_1745, %get3A_1746] {strides = array<i32>} : memref<8x1024xf32, #tpu.memory_space<vmem>>, vector<16xf32>,
        %get3A_1748 = arith.constant 6 : i32
        %get3A_1749 = arith.index_cast %get3A_1748 : i32 to index
        %get3A_1750 = arith.index_cast %mul3A_1627 : i32 to index
        %get3A_1751 = tpu.vector_load %arg13[%get3A_1749, %get3A_1750] {strides = array<i32>} : memref<8x1024xf32, #tpu.memory_space<vmem>>, vector<16xf32>,
        %add3A_1752 = arith.addf %get3A_1747, %get3A_1751 : vector<16xf32>
        %mul3A_1753 = vector.broadcast %mul3A_370 : f32 to vector<16xf32>
        %mul3A_1754 = arith.mulf %add3A_1752, %mul3A_1753 : vector<16xf32>
        %add3A_1755 = vector.broadcast %mul3A_373 : f32 to vector<16xf32>
        %add3A_1756 = arith.addf %mul3A_1754, %add3A_1755 : vector<16xf32>
        %mul3A_1757 = arith.mulf %add3A_1756, %get3A_1628 : vector<16xf32>
        %add3A_1758 = arith.addf %mul3A_1757, %get3A_1630 : vector<16xf32>
        %swap3A_1759 = arith.constant 6 : i32
        %swap3A_1760 = arith.index_cast %swap3A_1759 : i32 to index
        %swap3A_1761 = arith.index_cast %mul3A_1627 : i32 to index
        %swap3A_1762 = tpu.vector_load %arg9[%swap3A_1760, %swap3A_1761] {strides = array<i32>} : memref<8x1024xf32, #tpu.memory_space<vmem>>, vector<16xf32>,
        tpu.vector_store %arg9[%swap3A_1760, %swap3A_1761], %add3A_1758 {strides = array<i32>} : memref<8x1024xf32, #tpu.memory_space<vmem>>, vector<16xf32>,
        %get3A_1763 = arith.constant 7 : i32
        %get3A_1764 = arith.index_cast %get3A_1763 : i32 to index
        %get3A_1765 = arith.index_cast %mul3A_1627 : i32 to index
        %get3A_1766 = tpu.vector_load %arg9[%get3A_1764, %get3A_1765] {strides = array<i32>} : memref<8x1024xf32, #tpu.memory_space<vmem>>, vector<16xf32>,
        %get3A_1767 = arith.constant 7 : i32
        %get3A_1768 = arith.index_cast %get3A_1767 : i32 to index
        %get3A_1769 = arith.index_cast %mul3A_1627 : i32 to index
        %get3A_1770 = tpu.vector_load %arg13[%get3A_1768, %get3A_1769] {strides = array<i32>} : memref<8x1024xf32, #tpu.memory_space<vmem>>, vector<16xf32>,
        %add3A_1771 = arith.addf %get3A_1766, %get3A_1770 : vector<16xf32>
        %mul3A_1772 = vector.broadcast %mul3A_412 : f32 to vector<16xf32>
        %mul3A_1773 = arith.mulf %add3A_1771, %mul3A_1772 : vector<16xf32>
        %add3A_1774 = vector.broadcast %mul3A_415 : f32 to vector<16xf32>
        %add3A_1775 = arith.addf %mul3A_1773, %add3A_1774 : vector<16xf32>
        %mul3A_1776 = arith.mulf %add3A_1775, %get3A_1628 : vector<16xf32>
        %add3A_1777 = arith.addf %mul3A_1776, %get3A_1630 : vector<16xf32>
        %swap3A_1778 = arith.constant 7 : i32
        %swap3A_1779 = arith.index_cast %swap3A_1778 : i32 to index
        %swap3A_1780 = arith.index_cast %mul3A_1627 : i32 to index
        %swap3A_1781 = tpu.vector_load %arg9[%swap3A_1779, %swap3A_1780] {strides = array<i32>} : memref<8x1024xf32, #tpu.memory_space<vmem>>, vector<16xf32>,
        tpu.vector_store %arg9[%swap3A_1779, %swap3A_1780], %add3A_1777 {strides = array<i32>} : memref<8x1024xf32, #tpu.memory_space<vmem>>, vector<16xf32>,
        %scan3A_1782 = arith.constant 0 : i32
        scf.yield %scan3A_1782 : i32
      }
      %scan3A_422 = arith.constant 64 : i32
      %mul3A_423 = arith.constant 8 : i32
      %mul3A_424 = arith.muli %add3A_51, %mul3A_423 : i32
      %add3A_425 = arith.addi %mul3A_2, %mul3A_424 : i32
      %dma_start3A_426 = arith.constant 0 : i32
      %dma_start3A_427 = tpu.memref_slice %arg7[%add3A_425, %dma_start3A_426] : memref<8192x1024xf32, #tpu.memory_space<hbm>> -> memref<8x1024xf32, #tpu.memory_space<hbm>>
      %dma_start3A_428 = arith.constant 0 : i32
      %dma_start3A_429 = tpu.memref_slice %arg7[%add3A_425, %dma_start3A_428] : memref<8192x1024xf32, #tpu.memory_space<hbm>> -> memref<8x1024xf32, #tpu.memory_space<hbm>>
      tpu.enqueue_dma source(%arg9 : memref<8x1024xf32, #tpu.memory_space<vmem>>) target(%dma_start3A_429 : memref<8x1024xf32, #tpu.memory_space<hbm>>) target_semaphore(%arg27 : memref<!tpu.dma_semaphore, #tpu.memory_space<semaphore_mem>>)
      %add3A_430 = arith.constant 2 : i32
      %add3A_431 = arith.addi %add3A_51, %add3A_430 : i32
      %lt3A = arith.constant 32 : i32
      %lt3A_432 = arith.cmpi slt, %add3A_431, %lt3A : i32
      %convert_element_type3A = arith.extui %lt3A_432 : i1 to i32
      %cond3A = arith.constant 0 : i32
      %cond3A_433 = arith.cmpi ne, %convert_element_type3A, %cond3A : i32
      scf.if %cond3A_433 {
        %ge3A = arith.constant 2 : i32
        %ge3A_1620 = arith.cmpi sge, %add3A_51, %ge3A : i32
        %convert_element_type3A_1621 = arith.extui %ge3A_1620 : i1 to i32
        %cond3A_1622 = arith.constant 0 : i32
        %cond3A_1623 = arith.cmpi ne, %convert_element_type3A_1621, %cond3A_1622 : i32
        scf.if %cond3A_1623 {
          %dma_wait3A_1641 = arith.constant 0 : i32
          %dma_wait3A_1642 = tpu.memref_slice %arg7[%mul3A_2, %dma_wait3A_1641] : memref<8192x1024xf32, #tpu.memory_space<hbm>> -> memref<8x1024xf32, #tpu.memory_space<hbm>>
          %dma_wait3A_1643 = arith.constant 0 : i32
          %dma_wait3A_1644 = tpu.memref_slice %arg7[%mul3A_2, %dma_wait3A_1643] : memref<8192x1024xf32, #tpu.memory_space<hbm>> -> memref<8x1024xf32, #tpu.memory_space<hbm>>
          tpu.wait_dma2 semaphore(%arg29 : memref<!tpu.dma_semaphore, #tpu.memory_space<semaphore_mem>>) src(%arg11 : memref<8x1024xf32, #tpu.memory_space<vmem>>) dst(%dma_wait3A_1644 : memref<8x1024xf32, #tpu.memory_space<hbm>>)
        } else {
        }
        %add3A_1624 = arith.constant 2 : i32
        %add3A_1625 = arith.addi %add3A_51, %add3A_1624 : i32
        %mul3A_1626 = arith.constant 8 : i32
        %mul3A_1627 = arith.muli %add3A_1625, %mul3A_1626 : i32
        %add3A_1628 = arith.addi %rem3A_3, %mul3A_1627 : i32
        %dma_start3A_1629 = arith.constant 0 : i32
        %dma_start3A_1630 = tpu.memref_slice %arg3[%add3A_1628, %dma_start3A_1629] : memref<2048x1024xf32, #tpu.memory_space<hbm>> -> memref<8x1024xf32, #tpu.memory_space<hbm>>
        %dma_start3A_1631 = arith.constant 0 : i32
        %dma_start3A_1632 = tpu.memref_slice %arg3[%add3A_1628, %dma_start3A_1631] : memref<2048x1024xf32, #tpu.memory_space<hbm>> -> memref<8x1024xf32, #tpu.memory_space<hbm>>
        tpu.enqueue_dma source(%dma_start3A_1632 : memref<8x1024xf32, #tpu.memory_space<hbm>>) target(%arg15 : memref<8x1024xf32, #tpu.memory_space<vmem>>) target_semaphore(%arg21 : memref<!tpu.dma_semaphore, #tpu.memory_space<semaphore_mem>>)
        %add3A_1633 = arith.constant 2 : i32
        %add3A_1634 = arith.addi %add3A_51, %add3A_1633 : i32
        %mul3A_1635 = arith.constant 8 : i32
        %mul3A_1636 = arith.muli %add3A_1634, %mul3A_1635 : i32
        %dma_start3A_1637 = tpu.memref_slice %arg8[%mul3A_1636] : memref<256xi32, #tpu.memory_space<vmem>> -> memref<8xi32, #tpu.memory_space<vmem>>
        %dma_start3A_1638 = arith.constant 0 : i32
        %dma_start3A_1639 = arith.constant 0 : i32
        %dma_start3A_1640 = tpu.memref_slice %arg6[%dma_start3A_1638, %dma_start3A_1639] : memref<100000x1024xf32, #tpu.memory_space<hbm>> -> memref<100000x1024xf32, #tpu.memory_space<hbm>>
        tpu.enqueue_indirect_dma source(%dma_start3A_1640 : memref<100000x1024xf32, #tpu.memory_space<hbm>>) target(%arg11 : memref<8x1024xf32, #tpu.memory_space<vmem>>) offsets(%dma_start3A_1637 : memref<8xi32, #tpu.memory_space<vmem>>) semaphore(%arg25 : memref<!tpu.dma_semaphore, #tpu.memory_space<semaphore_mem>>)
      } else {
      }
      %mul3A_434 = arith.constant 4 : i32
      %mul3A_435 = arith.muli %scan3A_46, %mul3A_434 : i32
      %add3A_436 = arith.constant 1 : i32
      %add3A_437 = arith.addi %mul3A_435, %add3A_436 : i32
      %mul3A_438 = arith.constant 8 : i32
      %mul3A_439 = arith.muli %add3A_437, %mul3A_438 : i32
      %dma_wait3A_440 = tpu.memref_slice %arg8[%mul3A_439] : memref<256xi32, #tpu.memory_space<vmem>> -> memref<8xi32, #tpu.memory_space<vmem>>
      %dma_wait3A_441 = arith.constant 0 : i32
      %dma_wait3A_442 = arith.constant 0 : i32
      %dma_wait3A_443 = tpu.memref_slice %arg6[%dma_wait3A_441, %dma_wait3A_442] : memref<100000x1024xf32, #tpu.memory_space<hbm>> -> memref<100000x1024xf32, #tpu.memory_space<hbm>>
      tpu.wait_indirect_dma semaphore(%arg24 : memref<!tpu.dma_semaphore, #tpu.memory_space<semaphore_mem>>) src(%dma_wait3A_443 : memref<100000x1024xf32, #tpu.memory_space<hbm>>) dst(%arg10 : memref<8x1024xf32, #tpu.memory_space<vmem>>)
      %dma_wait3A_444 = arith.constant 0 : i32
      %dma_wait3A_445 = arith.constant 0 : i32
      %dma_wait3A_446 = tpu.memref_slice %arg3[%dma_wait3A_444, %dma_wait3A_445] : memref<2048x1024xf32, #tpu.memory_space<hbm>> -> memref<8x1024xf32, #tpu.memory_space<hbm>>
      %dma_wait3A_447 = arith.constant 0 : i32
      %dma_wait3A_448 = arith.constant 0 : i32
      %dma_wait3A_449 = tpu.memref_slice %arg3[%dma_wait3A_447, %dma_wait3A_448] : memref<2048x1024xf32, #tpu.memory_space<hbm>> -> memref<8x1024xf32, #tpu.memory_space<hbm>>
      tpu.wait_dma2 semaphore(%arg20 : memref<!tpu.dma_semaphore, #tpu.memory_space<semaphore_mem>>) src(%dma_wait3A_449 : memref<8x1024xf32, #tpu.memory_space<hbm>>) dst(%arg14 : memref<8x1024xf32, #tpu.memory_space<vmem>>)
      %broadcast_in_dim3A_450 = arith.constant 0.000000e+00 : f32
      %broadcast_in_dim3A_451 = vector.broadcast %broadcast_in_dim3A_450 : f32 to vector<16xf32>
      %broadcast_in_dim3A_452 = arith.constant 0.000000e+00 : f32
      %broadcast_in_dim3A_453 = vector.broadcast %broadcast_in_dim3A_452 : f32 to vector<16xf32>
      %broadcast_in_dim3A_454 = arith.constant 0.000000e+00 : f32
      %broadcast_in_dim3A_455 = vector.broadcast %broadcast_in_dim3A_454 : f32 to vector<16xf32>
      %broadcast_in_dim3A_456 = arith.constant 0.000000e+00 : f32
      %broadcast_in_dim3A_457 = vector.broadcast %broadcast_in_dim3A_456 : f32 to vector<16xf32>
      %broadcast_in_dim3A_458 = arith.constant 0.000000e+00 : f32
      %broadcast_in_dim3A_459 = vector.broadcast %broadcast_in_dim3A_458 : f32 to vector<16xf32>
      %broadcast_in_dim3A_460 = arith.constant 0.000000e+00 : f32
      %broadcast_in_dim3A_461 = vector.broadcast %broadcast_in_dim3A_460 : f32 to vector<16xf32>
      %broadcast_in_dim3A_462 = arith.constant 0.000000e+00 : f32
      %broadcast_in_dim3A_463 = vector.broadcast %broadcast_in_dim3A_462 : f32 to vector<16xf32>
      %broadcast_in_dim3A_464 = arith.constant 0.000000e+00 : f32
      %broadcast_in_dim3A_465 = vector.broadcast %broadcast_in_dim3A_464 : f32 to vector<16xf32>
      %scan3A_466 = arith.constant 0 : i32
      %scan3A_467 = arith.constant 64 : i32
      %scan3A_468 = arith.addi %scan3A_466, %scan3A_467 : i32
      %scan3A_469 = arith.constant 1 : i32
      %scan3A_470:16 = scf.for %scan3A_1620 = %scan3A_466 to %scan3A_468 step %scan3A_469 iter_args(%scan3A_1621 = %broadcast_in_dim3A_451, %scan3A_1622 = %broadcast_in_dim3A_453, %scan3A_1623 = %broadcast_in_dim3A_455, %scan3A_1624 = %broadcast_in_dim3A_457, %scan3A_1625 = %broadcast_in_dim3A_459, %scan3A_1626 = %broadcast_in_dim3A_461, %scan3A_1627 = %broadcast_in_dim3A_463, %scan3A_1628 = %broadcast_in_dim3A_465, %scan3A_1629 = %broadcast_in_dim3A_451, %scan3A_1630 = %broadcast_in_dim3A_453, %scan3A_1631 = %broadcast_in_dim3A_455, %scan3A_1632 = %broadcast_in_dim3A_457, %scan3A_1633 = %broadcast_in_dim3A_459, %scan3A_1634 = %broadcast_in_dim3A_461, %scan3A_1635 = %broadcast_in_dim3A_463, %scan3A_1636 = %broadcast_in_dim3A_465) -> (vector<16xf32>, vector<16xf32>, vector<16xf32>, vector<16xf32>, vector<16xf32>, vector<16xf32>, vector<16xf32>, vector<16xf32>, vector<16xf32>, vector<16xf32>, vector<16xf32>, vector<16xf32>, vector<16xf32>, vector<16xf32>, vector<16xf32>, vector<16xf32>)  : i32 {
        %mul3A_1637 = arith.constant 1 : i32
        %mul3A_1638 = arith.muli %scan3A_1620, %mul3A_1637 : i32
        %add3A_1639 = arith.constant 0 : i32
        %add3A_1640 = arith.addi %mul3A_1638, %add3A_1639 : i32
        %mul3A_1641 = arith.constant 16 : i32
        %mul3A_1642 = arith.muli %add3A_1640, %mul3A_1641 : i32
        %get3A = arith.constant 0 : i32
        %get3A_1643 = arith.index_cast %get3A : i32 to index
        %get3A_1644 = arith.index_cast %mul3A_1642 : i32 to index
        %get3A_1645 = tpu.vector_load %arg10[%get3A_1643, %get3A_1644] {strides = array<i32>} : memref<8x1024xf32, #tpu.memory_space<vmem>>, vector<16xf32>,
        %get3A_1646 = arith.constant 0 : i32
        %get3A_1647 = arith.index_cast %get3A_1646 : i32 to index
        %get3A_1648 = arith.index_cast %mul3A_1642 : i32 to index
        %get3A_1649 = tpu.vector_load %arg14[%get3A_1647, %get3A_1648] {strides = array<i32>} : memref<8x1024xf32, #tpu.memory_space<vmem>>, vector<16xf32>,
        %add3A_1650 = arith.addf %get3A_1645, %get3A_1649 : vector<16xf32>
        %add3A_1651 = arith.addf %scan3A_1621, %add3A_1650 : vector<16xf32>
        %mul3A_1652 = arith.mulf %add3A_1650, %add3A_1650 : vector<16xf32>
        %add3A_1653 = arith.addf %scan3A_1629, %mul3A_1652 : vector<16xf32>
        %get3A_1654 = arith.constant 1 : i32
        %get3A_1655 = arith.index_cast %get3A_1654 : i32 to index
        %get3A_1656 = arith.index_cast %mul3A_1642 : i32 to index
        %get3A_1657 = tpu.vector_load %arg10[%get3A_1655, %get3A_1656] {strides = array<i32>} : memref<8x1024xf32, #tpu.memory_space<vmem>>, vector<16xf32>,
        %get3A_1658 = arith.constant 1 : i32
        %get3A_1659 = arith.index_cast %get3A_1658 : i32 to index
        %get3A_1660 = arith.index_cast %mul3A_1642 : i32 to index
        %get3A_1661 = tpu.vector_load %arg14[%get3A_1659, %get3A_1660] {strides = array<i32>} : memref<8x1024xf32, #tpu.memory_space<vmem>>, vector<16xf32>,
        %add3A_1662 = arith.addf %get3A_1657, %get3A_1661 : vector<16xf32>
        %add3A_1663 = arith.addf %scan3A_1622, %add3A_1662 : vector<16xf32>
        %mul3A_1664 = arith.mulf %add3A_1662, %add3A_1662 : vector<16xf32>
        %add3A_1665 = arith.addf %scan3A_1630, %mul3A_1664 : vector<16xf32>
        %get3A_1666 = arith.constant 2 : i32
        %get3A_1667 = arith.index_cast %get3A_1666 : i32 to index
        %get3A_1668 = arith.index_cast %mul3A_1642 : i32 to index
        %get3A_1669 = tpu.vector_load %arg10[%get3A_1667, %get3A_1668] {strides = array<i32>} : memref<8x1024xf32, #tpu.memory_space<vmem>>, vector<16xf32>,
        %get3A_1670 = arith.constant 2 : i32
        %get3A_1671 = arith.index_cast %get3A_1670 : i32 to index
        %get3A_1672 = arith.index_cast %mul3A_1642 : i32 to index
        %get3A_1673 = tpu.vector_load %arg14[%get3A_1671, %get3A_1672] {strides = array<i32>} : memref<8x1024xf32, #tpu.memory_space<vmem>>, vector<16xf32>,
        %add3A_1674 = arith.addf %get3A_1669, %get3A_1673 : vector<16xf32>
        %add3A_1675 = arith.addf %scan3A_1623, %add3A_1674 : vector<16xf32>
        %mul3A_1676 = arith.mulf %add3A_1674, %add3A_1674 : vector<16xf32>
        %add3A_1677 = arith.addf %scan3A_1631, %mul3A_1676 : vector<16xf32>
        %get3A_1678 = arith.constant 3 : i32
        %get3A_1679 = arith.index_cast %get3A_1678 : i32 to index
        %get3A_1680 = arith.index_cast %mul3A_1642 : i32 to index
        %get3A_1681 = tpu.vector_load %arg10[%get3A_1679, %get3A_1680] {strides = array<i32>} : memref<8x1024xf32, #tpu.memory_space<vmem>>, vector<16xf32>,
        %get3A_1682 = arith.constant 3 : i32
        %get3A_1683 = arith.index_cast %get3A_1682 : i32 to index
        %get3A_1684 = arith.index_cast %mul3A_1642 : i32 to index
        %get3A_1685 = tpu.vector_load %arg14[%get3A_1683, %get3A_1684] {strides = array<i32>} : memref<8x1024xf32, #tpu.memory_space<vmem>>, vector<16xf32>,
        %add3A_1686 = arith.addf %get3A_1681, %get3A_1685 : vector<16xf32>
        %add3A_1687 = arith.addf %scan3A_1624, %add3A_1686 : vector<16xf32>
        %mul3A_1688 = arith.mulf %add3A_1686, %add3A_1686 : vector<16xf32>
        %add3A_1689 = arith.addf %scan3A_1632, %mul3A_1688 : vector<16xf32>
        %get3A_1690 = arith.constant 4 : i32
        %get3A_1691 = arith.index_cast %get3A_1690 : i32 to index
        %get3A_1692 = arith.index_cast %mul3A_1642 : i32 to index
        %get3A_1693 = tpu.vector_load %arg10[%get3A_1691, %get3A_1692] {strides = array<i32>} : memref<8x1024xf32, #tpu.memory_space<vmem>>, vector<16xf32>,
        %get3A_1694 = arith.constant 4 : i32
        %get3A_1695 = arith.index_cast %get3A_1694 : i32 to index
        %get3A_1696 = arith.index_cast %mul3A_1642 : i32 to index
        %get3A_1697 = tpu.vector_load %arg14[%get3A_1695, %get3A_1696] {strides = array<i32>} : memref<8x1024xf32, #tpu.memory_space<vmem>>, vector<16xf32>,
        %add3A_1698 = arith.addf %get3A_1693, %get3A_1697 : vector<16xf32>
        %add3A_1699 = arith.addf %scan3A_1625, %add3A_1698 : vector<16xf32>
        %mul3A_1700 = arith.mulf %add3A_1698, %add3A_1698 : vector<16xf32>
        %add3A_1701 = arith.addf %scan3A_1633, %mul3A_1700 : vector<16xf32>
        %get3A_1702 = arith.constant 5 : i32
        %get3A_1703 = arith.index_cast %get3A_1702 : i32 to index
        %get3A_1704 = arith.index_cast %mul3A_1642 : i32 to index
        %get3A_1705 = tpu.vector_load %arg10[%get3A_1703, %get3A_1704] {strides = array<i32>} : memref<8x1024xf32, #tpu.memory_space<vmem>>, vector<16xf32>,
        %get3A_1706 = arith.constant 5 : i32
        %get3A_1707 = arith.index_cast %get3A_1706 : i32 to index
        %get3A_1708 = arith.index_cast %mul3A_1642 : i32 to index
        %get3A_1709 = tpu.vector_load %arg14[%get3A_1707, %get3A_1708] {strides = array<i32>} : memref<8x1024xf32, #tpu.memory_space<vmem>>, vector<16xf32>,
        %add3A_1710 = arith.addf %get3A_1705, %get3A_1709 : vector<16xf32>
        %add3A_1711 = arith.addf %scan3A_1626, %add3A_1710 : vector<16xf32>
        %mul3A_1712 = arith.mulf %add3A_1710, %add3A_1710 : vector<16xf32>
        %add3A_1713 = arith.addf %scan3A_1634, %mul3A_1712 : vector<16xf32>
        %get3A_1714 = arith.constant 6 : i32
        %get3A_1715 = arith.index_cast %get3A_1714 : i32 to index
        %get3A_1716 = arith.index_cast %mul3A_1642 : i32 to index
        %get3A_1717 = tpu.vector_load %arg10[%get3A_1715, %get3A_1716] {strides = array<i32>} : memref<8x1024xf32, #tpu.memory_space<vmem>>, vector<16xf32>,
        %get3A_1718 = arith.constant 6 : i32
        %get3A_1719 = arith.index_cast %get3A_1718 : i32 to index
        %get3A_1720 = arith.index_cast %mul3A_1642 : i32 to index
        %get3A_1721 = tpu.vector_load %arg14[%get3A_1719, %get3A_1720] {strides = array<i32>} : memref<8x1024xf32, #tpu.memory_space<vmem>>, vector<16xf32>,
        %add3A_1722 = arith.addf %get3A_1717, %get3A_1721 : vector<16xf32>
        %add3A_1723 = arith.addf %scan3A_1627, %add3A_1722 : vector<16xf32>
        %mul3A_1724 = arith.mulf %add3A_1722, %add3A_1722 : vector<16xf32>
        %add3A_1725 = arith.addf %scan3A_1635, %mul3A_1724 : vector<16xf32>
        %get3A_1726 = arith.constant 7 : i32
        %get3A_1727 = arith.index_cast %get3A_1726 : i32 to index
        %get3A_1728 = arith.index_cast %mul3A_1642 : i32 to index
        %get3A_1729 = tpu.vector_load %arg10[%get3A_1727, %get3A_1728] {strides = array<i32>} : memref<8x1024xf32, #tpu.memory_space<vmem>>, vector<16xf32>,
        %get3A_1730 = arith.constant 7 : i32
        %get3A_1731 = arith.index_cast %get3A_1730 : i32 to index
        %get3A_1732 = arith.index_cast %mul3A_1642 : i32 to index
        %get3A_1733 = tpu.vector_load %arg14[%get3A_1731, %get3A_1732] {strides = array<i32>} : memref<8x1024xf32, #tpu.memory_space<vmem>>, vector<16xf32>,
        %add3A_1734 = arith.addf %get3A_1729, %get3A_1733 : vector<16xf32>
        %add3A_1735 = arith.addf %scan3A_1628, %add3A_1734 : vector<16xf32>
        %mul3A_1736 = arith.mulf %add3A_1734, %add3A_1734 : vector<16xf32>
        %add3A_1737 = arith.addf %scan3A_1636, %mul3A_1736 : vector<16xf32>
        scf.yield %add3A_1651, %add3A_1663, %add3A_1675, %add3A_1687, %add3A_1699, %add3A_1711, %add3A_1723, %add3A_1735, %add3A_1653, %add3A_1665, %add3A_1677, %add3A_1689, %add3A_1701, %add3A_1713, %add3A_1725, %add3A_1737 : vector<16xf32>, vector<16xf32>, vector<16xf32>, vector<16xf32>, vector<16xf32>, vector<16xf32>, vector<16xf32>, vector<16xf32>, vector<16xf32>, vector<16xf32>, vector<16xf32>, vector<16xf32>, vector<16xf32>, vector<16xf32>, vector<16xf32>, vector<16xf32>
      }
      %scan3A_471 = arith.constant 64 : i32
      %reduce_sum3A_472 = arith.constant true
      %reduce_sum3A_473 = vector.broadcast %reduce_sum3A_472 : i1 to vector<16xi1>
      %reduce_sum3A_474 = tpu.scan <sum>, %scan3A_470#0 masked %reduce_sum3A_473 : vector<16xf32>, vector<16xi1> -> vector<16xf32>
      %reduce_sum3A_475 = vector.extract %reduce_sum3A_474[15] : f32 from vector<16xf32>
      %reduce_sum3A_476 = arith.constant true
      %reduce_sum3A_477 = vector.broadcast %reduce_sum3A_476 : i1 to vector<16xi1>
      %reduce_sum3A_478 = tpu.scan <sum>, %scan3A_470#8 masked %reduce_sum3A_477 : vector<16xf32>, vector<16xi1> -> vector<16xf32>
      %reduce_sum3A_479 = vector.extract %reduce_sum3A_478[15] : f32 from vector<16xf32>
      %mul3A_480 = arith.constant 3.125000e-02 : f32
      %mul3A_481 = arith.mulf %reduce_sum3A_475, %mul3A_480 : f32
      %mul3A_482 = arith.mulf %mul3A_481, %mul3A_481 : f32
      %sub3A_483 = arith.subf %reduce_sum3A_479, %mul3A_482 : f32
      %add3A_484 = arith.constant 9.99999974E-6 : f32
      %add3A_485 = arith.addf %sub3A_483, %add3A_484 : f32
      %bitcast_convert_type3A_486 = arith.bitcast %add3A_485 : f32 to i32
      %shift_right_logical3A_487 = arith.constant 1 : i32
      %shift_right_logical3A_488 = arith.shrui %bitcast_convert_type3A_486, %shift_right_logical3A_487 : i32
      %sub3A_489 = arith.constant 1597463007 : i32
      %sub3A_490 = arith.subi %sub3A_489, %shift_right_logical3A_488 : i32
      %bitcast_convert_type3A_491 = arith.bitcast %sub3A_490 : i32 to f32
      %mul3A_492 = arith.constant 5.000000e-01 : f32
      %mul3A_493 = arith.mulf %mul3A_492, %add3A_485 : f32
      %mul3A_494 = arith.mulf %mul3A_493, %bitcast_convert_type3A_491 : f32
      %mul3A_495 = arith.mulf %mul3A_494, %bitcast_convert_type3A_491 : f32
      %sub3A_496 = arith.constant 1.500000e+00 : f32
      %sub3A_497 = arith.subf %sub3A_496, %mul3A_495 : f32
      %mul3A_498 = arith.mulf %bitcast_convert_type3A_491, %sub3A_497 : f32
      %mul3A_499 = arith.mulf %mul3A_493, %mul3A_498 : f32
      %mul3A_500 = arith.mulf %mul3A_499, %mul3A_498 : f32
      %sub3A_501 = arith.constant 1.500000e+00 : f32
      %sub3A_502 = arith.subf %sub3A_501, %mul3A_500 : f32
      %mul3A_503 = arith.mulf %mul3A_498, %sub3A_502 : f32
      %mul3A_504 = arith.mulf %mul3A_493, %mul3A_503 : f32
      %mul3A_505 = arith.mulf %mul3A_504, %mul3A_503 : f32
      %sub3A_506 = arith.constant 1.500000e+00 : f32
      %sub3A_507 = arith.subf %sub3A_506, %mul3A_505 : f32
      %mul3A_508 = arith.mulf %mul3A_503, %sub3A_507 : f32
      %mul3A_509 = arith.constant 3.200000e+01 : f32
      %mul3A_510 = arith.mulf %mul3A_508, %mul3A_509 : f32
      %neg3A_511 = arith.constant 0.000000e+00 : f32
      %neg3A_512 = arith.subf %neg3A_511, %mul3A_481 : f32
      %mul3A_513 = arith.mulf %neg3A_512, %mul3A_508 : f32
      %reduce_sum3A_514 = arith.constant true
      %reduce_sum3A_515 = vector.broadcast %reduce_sum3A_514 : i1 to vector<16xi1>
      %reduce_sum3A_516 = tpu.scan <sum>, %scan3A_470#1 masked %reduce_sum3A_515 : vector<16xf32>, vector<16xi1> -> vector<16xf32>
      %reduce_sum3A_517 = vector.extract %reduce_sum3A_516[15] : f32 from vector<16xf32>
      %reduce_sum3A_518 = arith.constant true
      %reduce_sum3A_519 = vector.broadcast %reduce_sum3A_518 : i1 to vector<16xi1>
      %reduce_sum3A_520 = tpu.scan <sum>, %scan3A_470#9 masked %reduce_sum3A_519 : vector<16xf32>, vector<16xi1> -> vector<16xf32>
      %reduce_sum3A_521 = vector.extract %reduce_sum3A_520[15] : f32 from vector<16xf32>
      %mul3A_522 = arith.constant 3.125000e-02 : f32
      %mul3A_523 = arith.mulf %reduce_sum3A_517, %mul3A_522 : f32
      %mul3A_524 = arith.mulf %mul3A_523, %mul3A_523 : f32
      %sub3A_525 = arith.subf %reduce_sum3A_521, %mul3A_524 : f32
      %add3A_526 = arith.constant 9.99999974E-6 : f32
      %add3A_527 = arith.addf %sub3A_525, %add3A_526 : f32
      %bitcast_convert_type3A_528 = arith.bitcast %add3A_527 : f32 to i32
      %shift_right_logical3A_529 = arith.constant 1 : i32
      %shift_right_logical3A_530 = arith.shrui %bitcast_convert_type3A_528, %shift_right_logical3A_529 : i32
      %sub3A_531 = arith.constant 1597463007 : i32
      %sub3A_532 = arith.subi %sub3A_531, %shift_right_logical3A_530 : i32
      %bitcast_convert_type3A_533 = arith.bitcast %sub3A_532 : i32 to f32
      %mul3A_534 = arith.constant 5.000000e-01 : f32
      %mul3A_535 = arith.mulf %mul3A_534, %add3A_527 : f32
      %mul3A_536 = arith.mulf %mul3A_535, %bitcast_convert_type3A_533 : f32
      %mul3A_537 = arith.mulf %mul3A_536, %bitcast_convert_type3A_533 : f32
      %sub3A_538 = arith.constant 1.500000e+00 : f32
      %sub3A_539 = arith.subf %sub3A_538, %mul3A_537 : f32
      %mul3A_540 = arith.mulf %bitcast_convert_type3A_533, %sub3A_539 : f32
      %mul3A_541 = arith.mulf %mul3A_535, %mul3A_540 : f32
      %mul3A_542 = arith.mulf %mul3A_541, %mul3A_540 : f32
      %sub3A_543 = arith.constant 1.500000e+00 : f32
      %sub3A_544 = arith.subf %sub3A_543, %mul3A_542 : f32
      %mul3A_545 = arith.mulf %mul3A_540, %sub3A_544 : f32
      %mul3A_546 = arith.mulf %mul3A_535, %mul3A_545 : f32
      %mul3A_547 = arith.mulf %mul3A_546, %mul3A_545 : f32
      %sub3A_548 = arith.constant 1.500000e+00 : f32
      %sub3A_549 = arith.subf %sub3A_548, %mul3A_547 : f32
      %mul3A_550 = arith.mulf %mul3A_545, %sub3A_549 : f32
      %mul3A_551 = arith.constant 3.200000e+01 : f32
      %mul3A_552 = arith.mulf %mul3A_550, %mul3A_551 : f32
      %neg3A_553 = arith.constant 0.000000e+00 : f32
      %neg3A_554 = arith.subf %neg3A_553, %mul3A_523 : f32
      %mul3A_555 = arith.mulf %neg3A_554, %mul3A_550 : f32
      %reduce_sum3A_556 = arith.constant true
      %reduce_sum3A_557 = vector.broadcast %reduce_sum3A_556 : i1 to vector<16xi1>
      %reduce_sum3A_558 = tpu.scan <sum>, %scan3A_470#2 masked %reduce_sum3A_557 : vector<16xf32>, vector<16xi1> -> vector<16xf32>
      %reduce_sum3A_559 = vector.extract %reduce_sum3A_558[15] : f32 from vector<16xf32>
      %reduce_sum3A_560 = arith.constant true
      %reduce_sum3A_561 = vector.broadcast %reduce_sum3A_560 : i1 to vector<16xi1>
      %reduce_sum3A_562 = tpu.scan <sum>, %scan3A_470#10 masked %reduce_sum3A_561 : vector<16xf32>, vector<16xi1> -> vector<16xf32>
      %reduce_sum3A_563 = vector.extract %reduce_sum3A_562[15] : f32 from vector<16xf32>
      %mul3A_564 = arith.constant 3.125000e-02 : f32
      %mul3A_565 = arith.mulf %reduce_sum3A_559, %mul3A_564 : f32
      %mul3A_566 = arith.mulf %mul3A_565, %mul3A_565 : f32
      %sub3A_567 = arith.subf %reduce_sum3A_563, %mul3A_566 : f32
      %add3A_568 = arith.constant 9.99999974E-6 : f32
      %add3A_569 = arith.addf %sub3A_567, %add3A_568 : f32
      %bitcast_convert_type3A_570 = arith.bitcast %add3A_569 : f32 to i32
      %shift_right_logical3A_571 = arith.constant 1 : i32
      %shift_right_logical3A_572 = arith.shrui %bitcast_convert_type3A_570, %shift_right_logical3A_571 : i32
      %sub3A_573 = arith.constant 1597463007 : i32
      %sub3A_574 = arith.subi %sub3A_573, %shift_right_logical3A_572 : i32
      %bitcast_convert_type3A_575 = arith.bitcast %sub3A_574 : i32 to f32
      %mul3A_576 = arith.constant 5.000000e-01 : f32
      %mul3A_577 = arith.mulf %mul3A_576, %add3A_569 : f32
      %mul3A_578 = arith.mulf %mul3A_577, %bitcast_convert_type3A_575 : f32
      %mul3A_579 = arith.mulf %mul3A_578, %bitcast_convert_type3A_575 : f32
      %sub3A_580 = arith.constant 1.500000e+00 : f32
      %sub3A_581 = arith.subf %sub3A_580, %mul3A_579 : f32
      %mul3A_582 = arith.mulf %bitcast_convert_type3A_575, %sub3A_581 : f32
      %mul3A_583 = arith.mulf %mul3A_577, %mul3A_582 : f32
      %mul3A_584 = arith.mulf %mul3A_583, %mul3A_582 : f32
      %sub3A_585 = arith.constant 1.500000e+00 : f32
      %sub3A_586 = arith.subf %sub3A_585, %mul3A_584 : f32
      %mul3A_587 = arith.mulf %mul3A_582, %sub3A_586 : f32
      %mul3A_588 = arith.mulf %mul3A_577, %mul3A_587 : f32
      %mul3A_589 = arith.mulf %mul3A_588, %mul3A_587 : f32
      %sub3A_590 = arith.constant 1.500000e+00 : f32
      %sub3A_591 = arith.subf %sub3A_590, %mul3A_589 : f32
      %mul3A_592 = arith.mulf %mul3A_587, %sub3A_591 : f32
      %mul3A_593 = arith.constant 3.200000e+01 : f32
      %mul3A_594 = arith.mulf %mul3A_592, %mul3A_593 : f32
      %neg3A_595 = arith.constant 0.000000e+00 : f32
      %neg3A_596 = arith.subf %neg3A_595, %mul3A_565 : f32
      %mul3A_597 = arith.mulf %neg3A_596, %mul3A_592 : f32
      %reduce_sum3A_598 = arith.constant true
      %reduce_sum3A_599 = vector.broadcast %reduce_sum3A_598 : i1 to vector<16xi1>
      %reduce_sum3A_600 = tpu.scan <sum>, %scan3A_470#3 masked %reduce_sum3A_599 : vector<16xf32>, vector<16xi1> -> vector<16xf32>
      %reduce_sum3A_601 = vector.extract %reduce_sum3A_600[15] : f32 from vector<16xf32>
      %reduce_sum3A_602 = arith.constant true
      %reduce_sum3A_603 = vector.broadcast %reduce_sum3A_602 : i1 to vector<16xi1>
      %reduce_sum3A_604 = tpu.scan <sum>, %scan3A_470#11 masked %reduce_sum3A_603 : vector<16xf32>, vector<16xi1> -> vector<16xf32>
      %reduce_sum3A_605 = vector.extract %reduce_sum3A_604[15] : f32 from vector<16xf32>
      %mul3A_606 = arith.constant 3.125000e-02 : f32
      %mul3A_607 = arith.mulf %reduce_sum3A_601, %mul3A_606 : f32
      %mul3A_608 = arith.mulf %mul3A_607, %mul3A_607 : f32
      %sub3A_609 = arith.subf %reduce_sum3A_605, %mul3A_608 : f32
      %add3A_610 = arith.constant 9.99999974E-6 : f32
      %add3A_611 = arith.addf %sub3A_609, %add3A_610 : f32
      %bitcast_convert_type3A_612 = arith.bitcast %add3A_611 : f32 to i32
      %shift_right_logical3A_613 = arith.constant 1 : i32
      %shift_right_logical3A_614 = arith.shrui %bitcast_convert_type3A_612, %shift_right_logical3A_613 : i32
      %sub3A_615 = arith.constant 1597463007 : i32
      %sub3A_616 = arith.subi %sub3A_615, %shift_right_logical3A_614 : i32
      %bitcast_convert_type3A_617 = arith.bitcast %sub3A_616 : i32 to f32
      %mul3A_618 = arith.constant 5.000000e-01 : f32
      %mul3A_619 = arith.mulf %mul3A_618, %add3A_611 : f32
      %mul3A_620 = arith.mulf %mul3A_619, %bitcast_convert_type3A_617 : f32
      %mul3A_621 = arith.mulf %mul3A_620, %bitcast_convert_type3A_617 : f32
      %sub3A_622 = arith.constant 1.500000e+00 : f32
      %sub3A_623 = arith.subf %sub3A_622, %mul3A_621 : f32
      %mul3A_624 = arith.mulf %bitcast_convert_type3A_617, %sub3A_623 : f32
      %mul3A_625 = arith.mulf %mul3A_619, %mul3A_624 : f32
      %mul3A_626 = arith.mulf %mul3A_625, %mul3A_624 : f32
      %sub3A_627 = arith.constant 1.500000e+00 : f32
      %sub3A_628 = arith.subf %sub3A_627, %mul3A_626 : f32
      %mul3A_629 = arith.mulf %mul3A_624, %sub3A_628 : f32
      %mul3A_630 = arith.mulf %mul3A_619, %mul3A_629 : f32
      %mul3A_631 = arith.mulf %mul3A_630, %mul3A_629 : f32
      %sub3A_632 = arith.constant 1.500000e+00 : f32
      %sub3A_633 = arith.subf %sub3A_632, %mul3A_631 : f32
      %mul3A_634 = arith.mulf %mul3A_629, %sub3A_633 : f32
      %mul3A_635 = arith.constant 3.200000e+01 : f32
      %mul3A_636 = arith.mulf %mul3A_634, %mul3A_635 : f32
      %neg3A_637 = arith.constant 0.000000e+00 : f32
      %neg3A_638 = arith.subf %neg3A_637, %mul3A_607 : f32
      %mul3A_639 = arith.mulf %neg3A_638, %mul3A_634 : f32
      %reduce_sum3A_640 = arith.constant true
      %reduce_sum3A_641 = vector.broadcast %reduce_sum3A_640 : i1 to vector<16xi1>
      %reduce_sum3A_642 = tpu.scan <sum>, %scan3A_470#4 masked %reduce_sum3A_641 : vector<16xf32>, vector<16xi1> -> vector<16xf32>
      %reduce_sum3A_643 = vector.extract %reduce_sum3A_642[15] : f32 from vector<16xf32>
      %reduce_sum3A_644 = arith.constant true
      %reduce_sum3A_645 = vector.broadcast %reduce_sum3A_644 : i1 to vector<16xi1>
      %reduce_sum3A_646 = tpu.scan <sum>, %scan3A_470#12 masked %reduce_sum3A_645 : vector<16xf32>, vector<16xi1> -> vector<16xf32>
      %reduce_sum3A_647 = vector.extract %reduce_sum3A_646[15] : f32 from vector<16xf32>
      %mul3A_648 = arith.constant 3.125000e-02 : f32
      %mul3A_649 = arith.mulf %reduce_sum3A_643, %mul3A_648 : f32
      %mul3A_650 = arith.mulf %mul3A_649, %mul3A_649 : f32
      %sub3A_651 = arith.subf %reduce_sum3A_647, %mul3A_650 : f32
      %add3A_652 = arith.constant 9.99999974E-6 : f32
      %add3A_653 = arith.addf %sub3A_651, %add3A_652 : f32
      %bitcast_convert_type3A_654 = arith.bitcast %add3A_653 : f32 to i32
      %shift_right_logical3A_655 = arith.constant 1 : i32
      %shift_right_logical3A_656 = arith.shrui %bitcast_convert_type3A_654, %shift_right_logical3A_655 : i32
      %sub3A_657 = arith.constant 1597463007 : i32
      %sub3A_658 = arith.subi %sub3A_657, %shift_right_logical3A_656 : i32
      %bitcast_convert_type3A_659 = arith.bitcast %sub3A_658 : i32 to f32
      %mul3A_660 = arith.constant 5.000000e-01 : f32
      %mul3A_661 = arith.mulf %mul3A_660, %add3A_653 : f32
      %mul3A_662 = arith.mulf %mul3A_661, %bitcast_convert_type3A_659 : f32
      %mul3A_663 = arith.mulf %mul3A_662, %bitcast_convert_type3A_659 : f32
      %sub3A_664 = arith.constant 1.500000e+00 : f32
      %sub3A_665 = arith.subf %sub3A_664, %mul3A_663 : f32
      %mul3A_666 = arith.mulf %bitcast_convert_type3A_659, %sub3A_665 : f32
      %mul3A_667 = arith.mulf %mul3A_661, %mul3A_666 : f32
      %mul3A_668 = arith.mulf %mul3A_667, %mul3A_666 : f32
      %sub3A_669 = arith.constant 1.500000e+00 : f32
      %sub3A_670 = arith.subf %sub3A_669, %mul3A_668 : f32
      %mul3A_671 = arith.mulf %mul3A_666, %sub3A_670 : f32
      %mul3A_672 = arith.mulf %mul3A_661, %mul3A_671 : f32
      %mul3A_673 = arith.mulf %mul3A_672, %mul3A_671 : f32
      %sub3A_674 = arith.constant 1.500000e+00 : f32
      %sub3A_675 = arith.subf %sub3A_674, %mul3A_673 : f32
      %mul3A_676 = arith.mulf %mul3A_671, %sub3A_675 : f32
      %mul3A_677 = arith.constant 3.200000e+01 : f32
      %mul3A_678 = arith.mulf %mul3A_676, %mul3A_677 : f32
      %neg3A_679 = arith.constant 0.000000e+00 : f32
      %neg3A_680 = arith.subf %neg3A_679, %mul3A_649 : f32
      %mul3A_681 = arith.mulf %neg3A_680, %mul3A_676 : f32
      %reduce_sum3A_682 = arith.constant true
      %reduce_sum3A_683 = vector.broadcast %reduce_sum3A_682 : i1 to vector<16xi1>
      %reduce_sum3A_684 = tpu.scan <sum>, %scan3A_470#5 masked %reduce_sum3A_683 : vector<16xf32>, vector<16xi1> -> vector<16xf32>
      %reduce_sum3A_685 = vector.extract %reduce_sum3A_684[15] : f32 from vector<16xf32>
      %reduce_sum3A_686 = arith.constant true
      %reduce_sum3A_687 = vector.broadcast %reduce_sum3A_686 : i1 to vector<16xi1>
      %reduce_sum3A_688 = tpu.scan <sum>, %scan3A_470#13 masked %reduce_sum3A_687 : vector<16xf32>, vector<16xi1> -> vector<16xf32>
      %reduce_sum3A_689 = vector.extract %reduce_sum3A_688[15] : f32 from vector<16xf32>
      %mul3A_690 = arith.constant 3.125000e-02 : f32
      %mul3A_691 = arith.mulf %reduce_sum3A_685, %mul3A_690 : f32
      %mul3A_692 = arith.mulf %mul3A_691, %mul3A_691 : f32
      %sub3A_693 = arith.subf %reduce_sum3A_689, %mul3A_692 : f32
      %add3A_694 = arith.constant 9.99999974E-6 : f32
      %add3A_695 = arith.addf %sub3A_693, %add3A_694 : f32
      %bitcast_convert_type3A_696 = arith.bitcast %add3A_695 : f32 to i32
      %shift_right_logical3A_697 = arith.constant 1 : i32
      %shift_right_logical3A_698 = arith.shrui %bitcast_convert_type3A_696, %shift_right_logical3A_697 : i32
      %sub3A_699 = arith.constant 1597463007 : i32
      %sub3A_700 = arith.subi %sub3A_699, %shift_right_logical3A_698 : i32
      %bitcast_convert_type3A_701 = arith.bitcast %sub3A_700 : i32 to f32
      %mul3A_702 = arith.constant 5.000000e-01 : f32
      %mul3A_703 = arith.mulf %mul3A_702, %add3A_695 : f32
      %mul3A_704 = arith.mulf %mul3A_703, %bitcast_convert_type3A_701 : f32
      %mul3A_705 = arith.mulf %mul3A_704, %bitcast_convert_type3A_701 : f32
      %sub3A_706 = arith.constant 1.500000e+00 : f32
      %sub3A_707 = arith.subf %sub3A_706, %mul3A_705 : f32
      %mul3A_708 = arith.mulf %bitcast_convert_type3A_701, %sub3A_707 : f32
      %mul3A_709 = arith.mulf %mul3A_703, %mul3A_708 : f32
      %mul3A_710 = arith.mulf %mul3A_709, %mul3A_708 : f32
      %sub3A_711 = arith.constant 1.500000e+00 : f32
      %sub3A_712 = arith.subf %sub3A_711, %mul3A_710 : f32
      %mul3A_713 = arith.mulf %mul3A_708, %sub3A_712 : f32
      %mul3A_714 = arith.mulf %mul3A_703, %mul3A_713 : f32
      %mul3A_715 = arith.mulf %mul3A_714, %mul3A_713 : f32
      %sub3A_716 = arith.constant 1.500000e+00 : f32
      %sub3A_717 = arith.subf %sub3A_716, %mul3A_715 : f32
      %mul3A_718 = arith.mulf %mul3A_713, %sub3A_717 : f32
      %mul3A_719 = arith.constant 3.200000e+01 : f32
      %mul3A_720 = arith.mulf %mul3A_718, %mul3A_719 : f32
      %neg3A_721 = arith.constant 0.000000e+00 : f32
      %neg3A_722 = arith.subf %neg3A_721, %mul3A_691 : f32
      %mul3A_723 = arith.mulf %neg3A_722, %mul3A_718 : f32
      %reduce_sum3A_724 = arith.constant true
      %reduce_sum3A_725 = vector.broadcast %reduce_sum3A_724 : i1 to vector<16xi1>
      %reduce_sum3A_726 = tpu.scan <sum>, %scan3A_470#6 masked %reduce_sum3A_725 : vector<16xf32>, vector<16xi1> -> vector<16xf32>
      %reduce_sum3A_727 = vector.extract %reduce_sum3A_726[15] : f32 from vector<16xf32>
      %reduce_sum3A_728 = arith.constant true
      %reduce_sum3A_729 = vector.broadcast %reduce_sum3A_728 : i1 to vector<16xi1>
      %reduce_sum3A_730 = tpu.scan <sum>, %scan3A_470#14 masked %reduce_sum3A_729 : vector<16xf32>, vector<16xi1> -> vector<16xf32>
      %reduce_sum3A_731 = vector.extract %reduce_sum3A_730[15] : f32 from vector<16xf32>
      %mul3A_732 = arith.constant 3.125000e-02 : f32
      %mul3A_733 = arith.mulf %reduce_sum3A_727, %mul3A_732 : f32
      %mul3A_734 = arith.mulf %mul3A_733, %mul3A_733 : f32
      %sub3A_735 = arith.subf %reduce_sum3A_731, %mul3A_734 : f32
      %add3A_736 = arith.constant 9.99999974E-6 : f32
      %add3A_737 = arith.addf %sub3A_735, %add3A_736 : f32
      %bitcast_convert_type3A_738 = arith.bitcast %add3A_737 : f32 to i32
      %shift_right_logical3A_739 = arith.constant 1 : i32
      %shift_right_logical3A_740 = arith.shrui %bitcast_convert_type3A_738, %shift_right_logical3A_739 : i32
      %sub3A_741 = arith.constant 1597463007 : i32
      %sub3A_742 = arith.subi %sub3A_741, %shift_right_logical3A_740 : i32
      %bitcast_convert_type3A_743 = arith.bitcast %sub3A_742 : i32 to f32
      %mul3A_744 = arith.constant 5.000000e-01 : f32
      %mul3A_745 = arith.mulf %mul3A_744, %add3A_737 : f32
      %mul3A_746 = arith.mulf %mul3A_745, %bitcast_convert_type3A_743 : f32
      %mul3A_747 = arith.mulf %mul3A_746, %bitcast_convert_type3A_743 : f32
      %sub3A_748 = arith.constant 1.500000e+00 : f32
      %sub3A_749 = arith.subf %sub3A_748, %mul3A_747 : f32
      %mul3A_750 = arith.mulf %bitcast_convert_type3A_743, %sub3A_749 : f32
      %mul3A_751 = arith.mulf %mul3A_745, %mul3A_750 : f32
      %mul3A_752 = arith.mulf %mul3A_751, %mul3A_750 : f32
      %sub3A_753 = arith.constant 1.500000e+00 : f32
      %sub3A_754 = arith.subf %sub3A_753, %mul3A_752 : f32
      %mul3A_755 = arith.mulf %mul3A_750, %sub3A_754 : f32
      %mul3A_756 = arith.mulf %mul3A_745, %mul3A_755 : f32
      %mul3A_757 = arith.mulf %mul3A_756, %mul3A_755 : f32
      %sub3A_758 = arith.constant 1.500000e+00 : f32
      %sub3A_759 = arith.subf %sub3A_758, %mul3A_757 : f32
      %mul3A_760 = arith.mulf %mul3A_755, %sub3A_759 : f32
      %mul3A_761 = arith.constant 3.200000e+01 : f32
      %mul3A_762 = arith.mulf %mul3A_760, %mul3A_761 : f32
      %neg3A_763 = arith.constant 0.000000e+00 : f32
      %neg3A_764 = arith.subf %neg3A_763, %mul3A_733 : f32
      %mul3A_765 = arith.mulf %neg3A_764, %mul3A_760 : f32
      %reduce_sum3A_766 = arith.constant true
      %reduce_sum3A_767 = vector.broadcast %reduce_sum3A_766 : i1 to vector<16xi1>
      %reduce_sum3A_768 = tpu.scan <sum>, %scan3A_470#7 masked %reduce_sum3A_767 : vector<16xf32>, vector<16xi1> -> vector<16xf32>
      %reduce_sum3A_769 = vector.extract %reduce_sum3A_768[15] : f32 from vector<16xf32>
      %reduce_sum3A_770 = arith.constant true
      %reduce_sum3A_771 = vector.broadcast %reduce_sum3A_770 : i1 to vector<16xi1>
      %reduce_sum3A_772 = tpu.scan <sum>, %scan3A_470#15 masked %reduce_sum3A_771 : vector<16xf32>, vector<16xi1> -> vector<16xf32>
      %reduce_sum3A_773 = vector.extract %reduce_sum3A_772[15] : f32 from vector<16xf32>
      %mul3A_774 = arith.constant 3.125000e-02 : f32
      %mul3A_775 = arith.mulf %reduce_sum3A_769, %mul3A_774 : f32
      %mul3A_776 = arith.mulf %mul3A_775, %mul3A_775 : f32
      %sub3A_777 = arith.subf %reduce_sum3A_773, %mul3A_776 : f32
      %add3A_778 = arith.constant 9.99999974E-6 : f32
      %add3A_779 = arith.addf %sub3A_777, %add3A_778 : f32
      %bitcast_convert_type3A_780 = arith.bitcast %add3A_779 : f32 to i32
      %shift_right_logical3A_781 = arith.constant 1 : i32
      %shift_right_logical3A_782 = arith.shrui %bitcast_convert_type3A_780, %shift_right_logical3A_781 : i32
      %sub3A_783 = arith.constant 1597463007 : i32
      %sub3A_784 = arith.subi %sub3A_783, %shift_right_logical3A_782 : i32
      %bitcast_convert_type3A_785 = arith.bitcast %sub3A_784 : i32 to f32
      %mul3A_786 = arith.constant 5.000000e-01 : f32
      %mul3A_787 = arith.mulf %mul3A_786, %add3A_779 : f32
      %mul3A_788 = arith.mulf %mul3A_787, %bitcast_convert_type3A_785 : f32
      %mul3A_789 = arith.mulf %mul3A_788, %bitcast_convert_type3A_785 : f32
      %sub3A_790 = arith.constant 1.500000e+00 : f32
      %sub3A_791 = arith.subf %sub3A_790, %mul3A_789 : f32
      %mul3A_792 = arith.mulf %bitcast_convert_type3A_785, %sub3A_791 : f32
      %mul3A_793 = arith.mulf %mul3A_787, %mul3A_792 : f32
      %mul3A_794 = arith.mulf %mul3A_793, %mul3A_792 : f32
      %sub3A_795 = arith.constant 1.500000e+00 : f32
      %sub3A_796 = arith.subf %sub3A_795, %mul3A_794 : f32
      %mul3A_797 = arith.mulf %mul3A_792, %sub3A_796 : f32
      %mul3A_798 = arith.mulf %mul3A_787, %mul3A_797 : f32
      %mul3A_799 = arith.mulf %mul3A_798, %mul3A_797 : f32
      %sub3A_800 = arith.constant 1.500000e+00 : f32
      %sub3A_801 = arith.subf %sub3A_800, %mul3A_799 : f32
      %mul3A_802 = arith.mulf %mul3A_797, %sub3A_801 : f32
      %mul3A_803 = arith.constant 3.200000e+01 : f32
      %mul3A_804 = arith.mulf %mul3A_802, %mul3A_803 : f32
      %neg3A_805 = arith.constant 0.000000e+00 : f32
      %neg3A_806 = arith.subf %neg3A_805, %mul3A_775 : f32
      %mul3A_807 = arith.mulf %neg3A_806, %mul3A_802 : f32
      %scan3A_808 = arith.constant 0 : i32
      %scan3A_809 = arith.constant 0 : i32
      %scan3A_810 = arith.constant 64 : i32
      %scan3A_811 = arith.addi %scan3A_809, %scan3A_810 : i32
      %scan3A_812 = arith.constant 1 : i32
      %scan3A_813 = scf.for %scan3A_1620 = %scan3A_809 to %scan3A_811 step %scan3A_812 iter_args(%scan3A_1621 = %scan3A_808) -> (i32)  : i32 {
        %mul3A_1622 = arith.constant 1 : i32
        %mul3A_1623 = arith.muli %scan3A_1620, %mul3A_1622 : i32
        %add3A_1624 = arith.constant 0 : i32
        %add3A_1625 = arith.addi %mul3A_1623, %add3A_1624 : i32
        %mul3A_1626 = arith.constant 16 : i32
        %mul3A_1627 = arith.muli %add3A_1625, %mul3A_1626 : i32
        %get3A = arith.index_cast %mul3A_1627 : i32 to index
        %get3A_1628 = tpu.vector_load %arg17[%get3A] {strides = array<i32>} : memref<1024xf32, #tpu.memory_space<vmem>>, vector<16xf32>,
        %get3A_1629 = arith.index_cast %mul3A_1627 : i32 to index
        %get3A_1630 = tpu.vector_load %arg18[%get3A_1629] {strides = array<i32>} : memref<1024xf32, #tpu.memory_space<vmem>>, vector<16xf32>,
        %get3A_1631 = arith.constant 0 : i32
        %get3A_1632 = arith.index_cast %get3A_1631 : i32 to index
        %get3A_1633 = arith.index_cast %mul3A_1627 : i32 to index
        %get3A_1634 = tpu.vector_load %arg10[%get3A_1632, %get3A_1633] {strides = array<i32>} : memref<8x1024xf32, #tpu.memory_space<vmem>>, vector<16xf32>,
        %get3A_1635 = arith.constant 0 : i32
        %get3A_1636 = arith.index_cast %get3A_1635 : i32 to index
        %get3A_1637 = arith.index_cast %mul3A_1627 : i32 to index
        %get3A_1638 = tpu.vector_load %arg14[%get3A_1636, %get3A_1637] {strides = array<i32>} : memref<8x1024xf32, #tpu.memory_space<vmem>>, vector<16xf32>,
        %add3A_1639 = arith.addf %get3A_1634, %get3A_1638 : vector<16xf32>
        %mul3A_1640 = vector.broadcast %mul3A_510 : f32 to vector<16xf32>
        %mul3A_1641 = arith.mulf %add3A_1639, %mul3A_1640 : vector<16xf32>
        %add3A_1642 = vector.broadcast %mul3A_513 : f32 to vector<16xf32>
        %add3A_1643 = arith.addf %mul3A_1641, %add3A_1642 : vector<16xf32>
        %mul3A_1644 = arith.mulf %add3A_1643, %get3A_1628 : vector<16xf32>
        %add3A_1645 = arith.addf %mul3A_1644, %get3A_1630 : vector<16xf32>
        %swap3A = arith.constant 0 : i32
        %swap3A_1646 = arith.index_cast %swap3A : i32 to index
        %swap3A_1647 = arith.index_cast %mul3A_1627 : i32 to index
        %swap3A_1648 = tpu.vector_load %arg10[%swap3A_1646, %swap3A_1647] {strides = array<i32>} : memref<8x1024xf32, #tpu.memory_space<vmem>>, vector<16xf32>,
        tpu.vector_store %arg10[%swap3A_1646, %swap3A_1647], %add3A_1645 {strides = array<i32>} : memref<8x1024xf32, #tpu.memory_space<vmem>>, vector<16xf32>,
        %get3A_1649 = arith.constant 1 : i32
        %get3A_1650 = arith.index_cast %get3A_1649 : i32 to index
        %get3A_1651 = arith.index_cast %mul3A_1627 : i32 to index
        %get3A_1652 = tpu.vector_load %arg10[%get3A_1650, %get3A_1651] {strides = array<i32>} : memref<8x1024xf32, #tpu.memory_space<vmem>>, vector<16xf32>,
        %get3A_1653 = arith.constant 1 : i32
        %get3A_1654 = arith.index_cast %get3A_1653 : i32 to index
        %get3A_1655 = arith.index_cast %mul3A_1627 : i32 to index
        %get3A_1656 = tpu.vector_load %arg14[%get3A_1654, %get3A_1655] {strides = array<i32>} : memref<8x1024xf32, #tpu.memory_space<vmem>>, vector<16xf32>,
        %add3A_1657 = arith.addf %get3A_1652, %get3A_1656 : vector<16xf32>
        %mul3A_1658 = vector.broadcast %mul3A_552 : f32 to vector<16xf32>
        %mul3A_1659 = arith.mulf %add3A_1657, %mul3A_1658 : vector<16xf32>
        %add3A_1660 = vector.broadcast %mul3A_555 : f32 to vector<16xf32>
        %add3A_1661 = arith.addf %mul3A_1659, %add3A_1660 : vector<16xf32>
        %mul3A_1662 = arith.mulf %add3A_1661, %get3A_1628 : vector<16xf32>
        %add3A_1663 = arith.addf %mul3A_1662, %get3A_1630 : vector<16xf32>
        %swap3A_1664 = arith.constant 1 : i32
        %swap3A_1665 = arith.index_cast %swap3A_1664 : i32 to index
        %swap3A_1666 = arith.index_cast %mul3A_1627 : i32 to index
        %swap3A_1667 = tpu.vector_load %arg10[%swap3A_1665, %swap3A_1666] {strides = array<i32>} : memref<8x1024xf32, #tpu.memory_space<vmem>>, vector<16xf32>,
        tpu.vector_store %arg10[%swap3A_1665, %swap3A_1666], %add3A_1663 {strides = array<i32>} : memref<8x1024xf32, #tpu.memory_space<vmem>>, vector<16xf32>,
        %get3A_1668 = arith.constant 2 : i32
        %get3A_1669 = arith.index_cast %get3A_1668 : i32 to index
        %get3A_1670 = arith.index_cast %mul3A_1627 : i32 to index
        %get3A_1671 = tpu.vector_load %arg10[%get3A_1669, %get3A_1670] {strides = array<i32>} : memref<8x1024xf32, #tpu.memory_space<vmem>>, vector<16xf32>,
        %get3A_1672 = arith.constant 2 : i32
        %get3A_1673 = arith.index_cast %get3A_1672 : i32 to index
        %get3A_1674 = arith.index_cast %mul3A_1627 : i32 to index
        %get3A_1675 = tpu.vector_load %arg14[%get3A_1673, %get3A_1674] {strides = array<i32>} : memref<8x1024xf32, #tpu.memory_space<vmem>>, vector<16xf32>,
        %add3A_1676 = arith.addf %get3A_1671, %get3A_1675 : vector<16xf32>
        %mul3A_1677 = vector.broadcast %mul3A_594 : f32 to vector<16xf32>
        %mul3A_1678 = arith.mulf %add3A_1676, %mul3A_1677 : vector<16xf32>
        %add3A_1679 = vector.broadcast %mul3A_597 : f32 to vector<16xf32>
        %add3A_1680 = arith.addf %mul3A_1678, %add3A_1679 : vector<16xf32>
        %mul3A_1681 = arith.mulf %add3A_1680, %get3A_1628 : vector<16xf32>
        %add3A_1682 = arith.addf %mul3A_1681, %get3A_1630 : vector<16xf32>
        %swap3A_1683 = arith.constant 2 : i32
        %swap3A_1684 = arith.index_cast %swap3A_1683 : i32 to index
        %swap3A_1685 = arith.index_cast %mul3A_1627 : i32 to index
        %swap3A_1686 = tpu.vector_load %arg10[%swap3A_1684, %swap3A_1685] {strides = array<i32>} : memref<8x1024xf32, #tpu.memory_space<vmem>>, vector<16xf32>,
        tpu.vector_store %arg10[%swap3A_1684, %swap3A_1685], %add3A_1682 {strides = array<i32>} : memref<8x1024xf32, #tpu.memory_space<vmem>>, vector<16xf32>,
        %get3A_1687 = arith.constant 3 : i32
        %get3A_1688 = arith.index_cast %get3A_1687 : i32 to index
        %get3A_1689 = arith.index_cast %mul3A_1627 : i32 to index
        %get3A_1690 = tpu.vector_load %arg10[%get3A_1688, %get3A_1689] {strides = array<i32>} : memref<8x1024xf32, #tpu.memory_space<vmem>>, vector<16xf32>,
        %get3A_1691 = arith.constant 3 : i32
        %get3A_1692 = arith.index_cast %get3A_1691 : i32 to index
        %get3A_1693 = arith.index_cast %mul3A_1627 : i32 to index
        %get3A_1694 = tpu.vector_load %arg14[%get3A_1692, %get3A_1693] {strides = array<i32>} : memref<8x1024xf32, #tpu.memory_space<vmem>>, vector<16xf32>,
        %add3A_1695 = arith.addf %get3A_1690, %get3A_1694 : vector<16xf32>
        %mul3A_1696 = vector.broadcast %mul3A_636 : f32 to vector<16xf32>
        %mul3A_1697 = arith.mulf %add3A_1695, %mul3A_1696 : vector<16xf32>
        %add3A_1698 = vector.broadcast %mul3A_639 : f32 to vector<16xf32>
        %add3A_1699 = arith.addf %mul3A_1697, %add3A_1698 : vector<16xf32>
        %mul3A_1700 = arith.mulf %add3A_1699, %get3A_1628 : vector<16xf32>
        %add3A_1701 = arith.addf %mul3A_1700, %get3A_1630 : vector<16xf32>
        %swap3A_1702 = arith.constant 3 : i32
        %swap3A_1703 = arith.index_cast %swap3A_1702 : i32 to index
        %swap3A_1704 = arith.index_cast %mul3A_1627 : i32 to index
        %swap3A_1705 = tpu.vector_load %arg10[%swap3A_1703, %swap3A_1704] {strides = array<i32>} : memref<8x1024xf32, #tpu.memory_space<vmem>>, vector<16xf32>,
        tpu.vector_store %arg10[%swap3A_1703, %swap3A_1704], %add3A_1701 {strides = array<i32>} : memref<8x1024xf32, #tpu.memory_space<vmem>>, vector<16xf32>,
        %get3A_1706 = arith.constant 4 : i32
        %get3A_1707 = arith.index_cast %get3A_1706 : i32 to index
        %get3A_1708 = arith.index_cast %mul3A_1627 : i32 to index
        %get3A_1709 = tpu.vector_load %arg10[%get3A_1707, %get3A_1708] {strides = array<i32>} : memref<8x1024xf32, #tpu.memory_space<vmem>>, vector<16xf32>,
        %get3A_1710 = arith.constant 4 : i32
        %get3A_1711 = arith.index_cast %get3A_1710 : i32 to index
        %get3A_1712 = arith.index_cast %mul3A_1627 : i32 to index
        %get3A_1713 = tpu.vector_load %arg14[%get3A_1711, %get3A_1712] {strides = array<i32>} : memref<8x1024xf32, #tpu.memory_space<vmem>>, vector<16xf32>,
        %add3A_1714 = arith.addf %get3A_1709, %get3A_1713 : vector<16xf32>
        %mul3A_1715 = vector.broadcast %mul3A_678 : f32 to vector<16xf32>
        %mul3A_1716 = arith.mulf %add3A_1714, %mul3A_1715 : vector<16xf32>
        %add3A_1717 = vector.broadcast %mul3A_681 : f32 to vector<16xf32>
        %add3A_1718 = arith.addf %mul3A_1716, %add3A_1717 : vector<16xf32>
        %mul3A_1719 = arith.mulf %add3A_1718, %get3A_1628 : vector<16xf32>
        %add3A_1720 = arith.addf %mul3A_1719, %get3A_1630 : vector<16xf32>
        %swap3A_1721 = arith.constant 4 : i32
        %swap3A_1722 = arith.index_cast %swap3A_1721 : i32 to index
        %swap3A_1723 = arith.index_cast %mul3A_1627 : i32 to index
        %swap3A_1724 = tpu.vector_load %arg10[%swap3A_1722, %swap3A_1723] {strides = array<i32>} : memref<8x1024xf32, #tpu.memory_space<vmem>>, vector<16xf32>,
        tpu.vector_store %arg10[%swap3A_1722, %swap3A_1723], %add3A_1720 {strides = array<i32>} : memref<8x1024xf32, #tpu.memory_space<vmem>>, vector<16xf32>,
        %get3A_1725 = arith.constant 5 : i32
        %get3A_1726 = arith.index_cast %get3A_1725 : i32 to index
        %get3A_1727 = arith.index_cast %mul3A_1627 : i32 to index
        %get3A_1728 = tpu.vector_load %arg10[%get3A_1726, %get3A_1727] {strides = array<i32>} : memref<8x1024xf32, #tpu.memory_space<vmem>>, vector<16xf32>,
        %get3A_1729 = arith.constant 5 : i32
        %get3A_1730 = arith.index_cast %get3A_1729 : i32 to index
        %get3A_1731 = arith.index_cast %mul3A_1627 : i32 to index
        %get3A_1732 = tpu.vector_load %arg14[%get3A_1730, %get3A_1731] {strides = array<i32>} : memref<8x1024xf32, #tpu.memory_space<vmem>>, vector<16xf32>,
        %add3A_1733 = arith.addf %get3A_1728, %get3A_1732 : vector<16xf32>
        %mul3A_1734 = vector.broadcast %mul3A_720 : f32 to vector<16xf32>
        %mul3A_1735 = arith.mulf %add3A_1733, %mul3A_1734 : vector<16xf32>
        %add3A_1736 = vector.broadcast %mul3A_723 : f32 to vector<16xf32>
        %add3A_1737 = arith.addf %mul3A_1735, %add3A_1736 : vector<16xf32>
        %mul3A_1738 = arith.mulf %add3A_1737, %get3A_1628 : vector<16xf32>
        %add3A_1739 = arith.addf %mul3A_1738, %get3A_1630 : vector<16xf32>
        %swap3A_1740 = arith.constant 5 : i32
        %swap3A_1741 = arith.index_cast %swap3A_1740 : i32 to index
        %swap3A_1742 = arith.index_cast %mul3A_1627 : i32 to index
        %swap3A_1743 = tpu.vector_load %arg10[%swap3A_1741, %swap3A_1742] {strides = array<i32>} : memref<8x1024xf32, #tpu.memory_space<vmem>>, vector<16xf32>,
        tpu.vector_store %arg10[%swap3A_1741, %swap3A_1742], %add3A_1739 {strides = array<i32>} : memref<8x1024xf32, #tpu.memory_space<vmem>>, vector<16xf32>,
        %get3A_1744 = arith.constant 6 : i32
        %get3A_1745 = arith.index_cast %get3A_1744 : i32 to index
        %get3A_1746 = arith.index_cast %mul3A_1627 : i32 to index
        %get3A_1747 = tpu.vector_load %arg10[%get3A_1745, %get3A_1746] {strides = array<i32>} : memref<8x1024xf32, #tpu.memory_space<vmem>>, vector<16xf32>,
        %get3A_1748 = arith.constant 6 : i32
        %get3A_1749 = arith.index_cast %get3A_1748 : i32 to index
        %get3A_1750 = arith.index_cast %mul3A_1627 : i32 to index
        %get3A_1751 = tpu.vector_load %arg14[%get3A_1749, %get3A_1750] {strides = array<i32>} : memref<8x1024xf32, #tpu.memory_space<vmem>>, vector<16xf32>,
        %add3A_1752 = arith.addf %get3A_1747, %get3A_1751 : vector<16xf32>
        %mul3A_1753 = vector.broadcast %mul3A_762 : f32 to vector<16xf32>
        %mul3A_1754 = arith.mulf %add3A_1752, %mul3A_1753 : vector<16xf32>
        %add3A_1755 = vector.broadcast %mul3A_765 : f32 to vector<16xf32>
        %add3A_1756 = arith.addf %mul3A_1754, %add3A_1755 : vector<16xf32>
        %mul3A_1757 = arith.mulf %add3A_1756, %get3A_1628 : vector<16xf32>
        %add3A_1758 = arith.addf %mul3A_1757, %get3A_1630 : vector<16xf32>
        %swap3A_1759 = arith.constant 6 : i32
        %swap3A_1760 = arith.index_cast %swap3A_1759 : i32 to index
        %swap3A_1761 = arith.index_cast %mul3A_1627 : i32 to index
        %swap3A_1762 = tpu.vector_load %arg10[%swap3A_1760, %swap3A_1761] {strides = array<i32>} : memref<8x1024xf32, #tpu.memory_space<vmem>>, vector<16xf32>,
        tpu.vector_store %arg10[%swap3A_1760, %swap3A_1761], %add3A_1758 {strides = array<i32>} : memref<8x1024xf32, #tpu.memory_space<vmem>>, vector<16xf32>,
        %get3A_1763 = arith.constant 7 : i32
        %get3A_1764 = arith.index_cast %get3A_1763 : i32 to index
        %get3A_1765 = arith.index_cast %mul3A_1627 : i32 to index
        %get3A_1766 = tpu.vector_load %arg10[%get3A_1764, %get3A_1765] {strides = array<i32>} : memref<8x1024xf32, #tpu.memory_space<vmem>>, vector<16xf32>,
        %get3A_1767 = arith.constant 7 : i32
        %get3A_1768 = arith.index_cast %get3A_1767 : i32 to index
        %get3A_1769 = arith.index_cast %mul3A_1627 : i32 to index
        %get3A_1770 = tpu.vector_load %arg14[%get3A_1768, %get3A_1769] {strides = array<i32>} : memref<8x1024xf32, #tpu.memory_space<vmem>>, vector<16xf32>,
        %add3A_1771 = arith.addf %get3A_1766, %get3A_1770 : vector<16xf32>
        %mul3A_1772 = vector.broadcast %mul3A_804 : f32 to vector<16xf32>
        %mul3A_1773 = arith.mulf %add3A_1771, %mul3A_1772 : vector<16xf32>
        %add3A_1774 = vector.broadcast %mul3A_807 : f32 to vector<16xf32>
        %add3A_1775 = arith.addf %mul3A_1773, %add3A_1774 : vector<16xf32>
        %mul3A_1776 = arith.mulf %add3A_1775, %get3A_1628 : vector<16xf32>
        %add3A_1777 = arith.addf %mul3A_1776, %get3A_1630 : vector<16xf32>
        %swap3A_1778 = arith.constant 7 : i32
        %swap3A_1779 = arith.index_cast %swap3A_1778 : i32 to index
        %swap3A_1780 = arith.index_cast %mul3A_1627 : i32 to index
        %swap3A_1781 = tpu.vector_load %arg10[%swap3A_1779, %swap3A_1780] {strides = array<i32>} : memref<8x1024xf32, #tpu.memory_space<vmem>>, vector<16xf32>,
        tpu.vector_store %arg10[%swap3A_1779, %swap3A_1780], %add3A_1777 {strides = array<i32>} : memref<8x1024xf32, #tpu.memory_space<vmem>>, vector<16xf32>,
        %scan3A_1782 = arith.constant 0 : i32
        scf.yield %scan3A_1782 : i32
      }
      %scan3A_814 = arith.constant 64 : i32
      %mul3A_815 = arith.constant 8 : i32
      %mul3A_816 = arith.muli %add3A_437, %mul3A_815 : i32
      %add3A_817 = arith.addi %mul3A_2, %mul3A_816 : i32
      %dma_start3A_818 = arith.constant 0 : i32
      %dma_start3A_819 = tpu.memref_slice %arg7[%add3A_817, %dma_start3A_818] : memref<8192x1024xf32, #tpu.memory_space<hbm>> -> memref<8x1024xf32, #tpu.memory_space<hbm>>
      %dma_start3A_820 = arith.constant 0 : i32
      %dma_start3A_821 = tpu.memref_slice %arg7[%add3A_817, %dma_start3A_820] : memref<8192x1024xf32, #tpu.memory_space<hbm>> -> memref<8x1024xf32, #tpu.memory_space<hbm>>
      tpu.enqueue_dma source(%arg10 : memref<8x1024xf32, #tpu.memory_space<vmem>>) target(%dma_start3A_821 : memref<8x1024xf32, #tpu.memory_space<hbm>>) target_semaphore(%arg28 : memref<!tpu.dma_semaphore, #tpu.memory_space<semaphore_mem>>)
      %add3A_822 = arith.constant 2 : i32
      %add3A_823 = arith.addi %add3A_437, %add3A_822 : i32
      %lt3A_824 = arith.constant 32 : i32
      %lt3A_825 = arith.cmpi slt, %add3A_823, %lt3A_824 : i32
      %convert_element_type3A_826 = arith.extui %lt3A_825 : i1 to i32
      %cond3A_827 = arith.constant 0 : i32
      %cond3A_828 = arith.cmpi ne, %convert_element_type3A_826, %cond3A_827 : i32
      scf.if %cond3A_828 {
        %ge3A = arith.constant 2 : i32
        %ge3A_1620 = arith.cmpi sge, %add3A_437, %ge3A : i32
        %convert_element_type3A_1621 = arith.extui %ge3A_1620 : i1 to i32
        %cond3A_1622 = arith.constant 0 : i32
        %cond3A_1623 = arith.cmpi ne, %convert_element_type3A_1621, %cond3A_1622 : i32
        scf.if %cond3A_1623 {
          %dma_wait3A_1641 = arith.constant 0 : i32
          %dma_wait3A_1642 = tpu.memref_slice %arg7[%mul3A_2, %dma_wait3A_1641] : memref<8192x1024xf32, #tpu.memory_space<hbm>> -> memref<8x1024xf32, #tpu.memory_space<hbm>>
          %dma_wait3A_1643 = arith.constant 0 : i32
          %dma_wait3A_1644 = tpu.memref_slice %arg7[%mul3A_2, %dma_wait3A_1643] : memref<8192x1024xf32, #tpu.memory_space<hbm>> -> memref<8x1024xf32, #tpu.memory_space<hbm>>
          tpu.wait_dma2 semaphore(%arg30 : memref<!tpu.dma_semaphore, #tpu.memory_space<semaphore_mem>>) src(%arg12 : memref<8x1024xf32, #tpu.memory_space<vmem>>) dst(%dma_wait3A_1644 : memref<8x1024xf32, #tpu.memory_space<hbm>>)
        } else {
        }
        %add3A_1624 = arith.constant 2 : i32
        %add3A_1625 = arith.addi %add3A_437, %add3A_1624 : i32
        %mul3A_1626 = arith.constant 8 : i32
        %mul3A_1627 = arith.muli %add3A_1625, %mul3A_1626 : i32
        %add3A_1628 = arith.addi %rem3A_3, %mul3A_1627 : i32
        %dma_start3A_1629 = arith.constant 0 : i32
        %dma_start3A_1630 = tpu.memref_slice %arg3[%add3A_1628, %dma_start3A_1629] : memref<2048x1024xf32, #tpu.memory_space<hbm>> -> memref<8x1024xf32, #tpu.memory_space<hbm>>
        %dma_start3A_1631 = arith.constant 0 : i32
        %dma_start3A_1632 = tpu.memref_slice %arg3[%add3A_1628, %dma_start3A_1631] : memref<2048x1024xf32, #tpu.memory_space<hbm>> -> memref<8x1024xf32, #tpu.memory_space<hbm>>
        tpu.enqueue_dma source(%dma_start3A_1632 : memref<8x1024xf32, #tpu.memory_space<hbm>>) target(%arg16 : memref<8x1024xf32, #tpu.memory_space<vmem>>) target_semaphore(%arg22 : memref<!tpu.dma_semaphore, #tpu.memory_space<semaphore_mem>>)
        %add3A_1633 = arith.constant 2 : i32
        %add3A_1634 = arith.addi %add3A_437, %add3A_1633 : i32
        %mul3A_1635 = arith.constant 8 : i32
        %mul3A_1636 = arith.muli %add3A_1634, %mul3A_1635 : i32
        %dma_start3A_1637 = tpu.memref_slice %arg8[%mul3A_1636] : memref<256xi32, #tpu.memory_space<vmem>> -> memref<8xi32, #tpu.memory_space<vmem>>
        %dma_start3A_1638 = arith.constant 0 : i32
        %dma_start3A_1639 = arith.constant 0 : i32
        %dma_start3A_1640 = tpu.memref_slice %arg6[%dma_start3A_1638, %dma_start3A_1639] : memref<100000x1024xf32, #tpu.memory_space<hbm>> -> memref<100000x1024xf32, #tpu.memory_space<hbm>>
        tpu.enqueue_indirect_dma source(%dma_start3A_1640 : memref<100000x1024xf32, #tpu.memory_space<hbm>>) target(%arg12 : memref<8x1024xf32, #tpu.memory_space<vmem>>) offsets(%dma_start3A_1637 : memref<8xi32, #tpu.memory_space<vmem>>) semaphore(%arg26 : memref<!tpu.dma_semaphore, #tpu.memory_space<semaphore_mem>>)
      } else {
      }
      %mul3A_829 = arith.constant 4 : i32
      %mul3A_830 = arith.muli %scan3A_46, %mul3A_829 : i32
      %add3A_831 = arith.constant 2 : i32
      %add3A_832 = arith.addi %mul3A_830, %add3A_831 : i32
      %mul3A_833 = arith.constant 8 : i32
      %mul3A_834 = arith.muli %add3A_832, %mul3A_833 : i32
      %dma_wait3A_835 = tpu.memref_slice %arg8[%mul3A_834] : memref<256xi32, #tpu.memory_space<vmem>> -> memref<8xi32, #tpu.memory_space<vmem>>
      %dma_wait3A_836 = arith.constant 0 : i32
      %dma_wait3A_837 = arith.constant 0 : i32
      %dma_wait3A_838 = tpu.memref_slice %arg6[%dma_wait3A_836, %dma_wait3A_837] : memref<100000x1024xf32, #tpu.memory_space<hbm>> -> memref<100000x1024xf32, #tpu.memory_space<hbm>>
      tpu.wait_indirect_dma semaphore(%arg25 : memref<!tpu.dma_semaphore, #tpu.memory_space<semaphore_mem>>) src(%dma_wait3A_838 : memref<100000x1024xf32, #tpu.memory_space<hbm>>) dst(%arg11 : memref<8x1024xf32, #tpu.memory_space<vmem>>)
      %dma_wait3A_839 = arith.constant 0 : i32
      %dma_wait3A_840 = arith.constant 0 : i32
      %dma_wait3A_841 = tpu.memref_slice %arg3[%dma_wait3A_839, %dma_wait3A_840] : memref<2048x1024xf32, #tpu.memory_space<hbm>> -> memref<8x1024xf32, #tpu.memory_space<hbm>>
      %dma_wait3A_842 = arith.constant 0 : i32
      %dma_wait3A_843 = arith.constant 0 : i32
      %dma_wait3A_844 = tpu.memref_slice %arg3[%dma_wait3A_842, %dma_wait3A_843] : memref<2048x1024xf32, #tpu.memory_space<hbm>> -> memref<8x1024xf32, #tpu.memory_space<hbm>>
      tpu.wait_dma2 semaphore(%arg21 : memref<!tpu.dma_semaphore, #tpu.memory_space<semaphore_mem>>) src(%dma_wait3A_844 : memref<8x1024xf32, #tpu.memory_space<hbm>>) dst(%arg15 : memref<8x1024xf32, #tpu.memory_space<vmem>>)
      %broadcast_in_dim3A_845 = arith.constant 0.000000e+00 : f32
      %broadcast_in_dim3A_846 = vector.broadcast %broadcast_in_dim3A_845 : f32 to vector<16xf32>
      %broadcast_in_dim3A_847 = arith.constant 0.000000e+00 : f32
      %broadcast_in_dim3A_848 = vector.broadcast %broadcast_in_dim3A_847 : f32 to vector<16xf32>
      %broadcast_in_dim3A_849 = arith.constant 0.000000e+00 : f32
      %broadcast_in_dim3A_850 = vector.broadcast %broadcast_in_dim3A_849 : f32 to vector<16xf32>
      %broadcast_in_dim3A_851 = arith.constant 0.000000e+00 : f32
      %broadcast_in_dim3A_852 = vector.broadcast %broadcast_in_dim3A_851 : f32 to vector<16xf32>
      %broadcast_in_dim3A_853 = arith.constant 0.000000e+00 : f32
      %broadcast_in_dim3A_854 = vector.broadcast %broadcast_in_dim3A_853 : f32 to vector<16xf32>
      %broadcast_in_dim3A_855 = arith.constant 0.000000e+00 : f32
      %broadcast_in_dim3A_856 = vector.broadcast %broadcast_in_dim3A_855 : f32 to vector<16xf32>
      %broadcast_in_dim3A_857 = arith.constant 0.000000e+00 : f32
      %broadcast_in_dim3A_858 = vector.broadcast %broadcast_in_dim3A_857 : f32 to vector<16xf32>
      %broadcast_in_dim3A_859 = arith.constant 0.000000e+00 : f32
      %broadcast_in_dim3A_860 = vector.broadcast %broadcast_in_dim3A_859 : f32 to vector<16xf32>
      %scan3A_861 = arith.constant 0 : i32
      %scan3A_862 = arith.constant 64 : i32
      %scan3A_863 = arith.addi %scan3A_861, %scan3A_862 : i32
      %scan3A_864 = arith.constant 1 : i32
      %scan3A_865:16 = scf.for %scan3A_1620 = %scan3A_861 to %scan3A_863 step %scan3A_864 iter_args(%scan3A_1621 = %broadcast_in_dim3A_846, %scan3A_1622 = %broadcast_in_dim3A_848, %scan3A_1623 = %broadcast_in_dim3A_850, %scan3A_1624 = %broadcast_in_dim3A_852, %scan3A_1625 = %broadcast_in_dim3A_854, %scan3A_1626 = %broadcast_in_dim3A_856, %scan3A_1627 = %broadcast_in_dim3A_858, %scan3A_1628 = %broadcast_in_dim3A_860, %scan3A_1629 = %broadcast_in_dim3A_846, %scan3A_1630 = %broadcast_in_dim3A_848, %scan3A_1631 = %broadcast_in_dim3A_850, %scan3A_1632 = %broadcast_in_dim3A_852, %scan3A_1633 = %broadcast_in_dim3A_854, %scan3A_1634 = %broadcast_in_dim3A_856, %scan3A_1635 = %broadcast_in_dim3A_858, %scan3A_1636 = %broadcast_in_dim3A_860) -> (vector<16xf32>, vector<16xf32>, vector<16xf32>, vector<16xf32>, vector<16xf32>, vector<16xf32>, vector<16xf32>, vector<16xf32>, vector<16xf32>, vector<16xf32>, vector<16xf32>, vector<16xf32>, vector<16xf32>, vector<16xf32>, vector<16xf32>, vector<16xf32>)  : i32 {
        %mul3A_1637 = arith.constant 1 : i32
        %mul3A_1638 = arith.muli %scan3A_1620, %mul3A_1637 : i32
        %add3A_1639 = arith.constant 0 : i32
        %add3A_1640 = arith.addi %mul3A_1638, %add3A_1639 : i32
        %mul3A_1641 = arith.constant 16 : i32
        %mul3A_1642 = arith.muli %add3A_1640, %mul3A_1641 : i32
        %get3A = arith.constant 0 : i32
        %get3A_1643 = arith.index_cast %get3A : i32 to index
        %get3A_1644 = arith.index_cast %mul3A_1642 : i32 to index
        %get3A_1645 = tpu.vector_load %arg11[%get3A_1643, %get3A_1644] {strides = array<i32>} : memref<8x1024xf32, #tpu.memory_space<vmem>>, vector<16xf32>,
        %get3A_1646 = arith.constant 0 : i32
        %get3A_1647 = arith.index_cast %get3A_1646 : i32 to index
        %get3A_1648 = arith.index_cast %mul3A_1642 : i32 to index
        %get3A_1649 = tpu.vector_load %arg15[%get3A_1647, %get3A_1648] {strides = array<i32>} : memref<8x1024xf32, #tpu.memory_space<vmem>>, vector<16xf32>,
        %add3A_1650 = arith.addf %get3A_1645, %get3A_1649 : vector<16xf32>
        %add3A_1651 = arith.addf %scan3A_1621, %add3A_1650 : vector<16xf32>
        %mul3A_1652 = arith.mulf %add3A_1650, %add3A_1650 : vector<16xf32>
        %add3A_1653 = arith.addf %scan3A_1629, %mul3A_1652 : vector<16xf32>
        %get3A_1654 = arith.constant 1 : i32
        %get3A_1655 = arith.index_cast %get3A_1654 : i32 to index
        %get3A_1656 = arith.index_cast %mul3A_1642 : i32 to index
        %get3A_1657 = tpu.vector_load %arg11[%get3A_1655, %get3A_1656] {strides = array<i32>} : memref<8x1024xf32, #tpu.memory_space<vmem>>, vector<16xf32>,
        %get3A_1658 = arith.constant 1 : i32
        %get3A_1659 = arith.index_cast %get3A_1658 : i32 to index
        %get3A_1660 = arith.index_cast %mul3A_1642 : i32 to index
        %get3A_1661 = tpu.vector_load %arg15[%get3A_1659, %get3A_1660] {strides = array<i32>} : memref<8x1024xf32, #tpu.memory_space<vmem>>, vector<16xf32>,
        %add3A_1662 = arith.addf %get3A_1657, %get3A_1661 : vector<16xf32>
        %add3A_1663 = arith.addf %scan3A_1622, %add3A_1662 : vector<16xf32>
        %mul3A_1664 = arith.mulf %add3A_1662, %add3A_1662 : vector<16xf32>
        %add3A_1665 = arith.addf %scan3A_1630, %mul3A_1664 : vector<16xf32>
        %get3A_1666 = arith.constant 2 : i32
        %get3A_1667 = arith.index_cast %get3A_1666 : i32 to index
        %get3A_1668 = arith.index_cast %mul3A_1642 : i32 to index
        %get3A_1669 = tpu.vector_load %arg11[%get3A_1667, %get3A_1668] {strides = array<i32>} : memref<8x1024xf32, #tpu.memory_space<vmem>>, vector<16xf32>,
        %get3A_1670 = arith.constant 2 : i32
        %get3A_1671 = arith.index_cast %get3A_1670 : i32 to index
        %get3A_1672 = arith.index_cast %mul3A_1642 : i32 to index
        %get3A_1673 = tpu.vector_load %arg15[%get3A_1671, %get3A_1672] {strides = array<i32>} : memref<8x1024xf32, #tpu.memory_space<vmem>>, vector<16xf32>,
        %add3A_1674 = arith.addf %get3A_1669, %get3A_1673 : vector<16xf32>
        %add3A_1675 = arith.addf %scan3A_1623, %add3A_1674 : vector<16xf32>
        %mul3A_1676 = arith.mulf %add3A_1674, %add3A_1674 : vector<16xf32>
        %add3A_1677 = arith.addf %scan3A_1631, %mul3A_1676 : vector<16xf32>
        %get3A_1678 = arith.constant 3 : i32
        %get3A_1679 = arith.index_cast %get3A_1678 : i32 to index
        %get3A_1680 = arith.index_cast %mul3A_1642 : i32 to index
        %get3A_1681 = tpu.vector_load %arg11[%get3A_1679, %get3A_1680] {strides = array<i32>} : memref<8x1024xf32, #tpu.memory_space<vmem>>, vector<16xf32>,
        %get3A_1682 = arith.constant 3 : i32
        %get3A_1683 = arith.index_cast %get3A_1682 : i32 to index
        %get3A_1684 = arith.index_cast %mul3A_1642 : i32 to index
        %get3A_1685 = tpu.vector_load %arg15[%get3A_1683, %get3A_1684] {strides = array<i32>} : memref<8x1024xf32, #tpu.memory_space<vmem>>, vector<16xf32>,
        %add3A_1686 = arith.addf %get3A_1681, %get3A_1685 : vector<16xf32>
        %add3A_1687 = arith.addf %scan3A_1624, %add3A_1686 : vector<16xf32>
        %mul3A_1688 = arith.mulf %add3A_1686, %add3A_1686 : vector<16xf32>
        %add3A_1689 = arith.addf %scan3A_1632, %mul3A_1688 : vector<16xf32>
        %get3A_1690 = arith.constant 4 : i32
        %get3A_1691 = arith.index_cast %get3A_1690 : i32 to index
        %get3A_1692 = arith.index_cast %mul3A_1642 : i32 to index
        %get3A_1693 = tpu.vector_load %arg11[%get3A_1691, %get3A_1692] {strides = array<i32>} : memref<8x1024xf32, #tpu.memory_space<vmem>>, vector<16xf32>,
        %get3A_1694 = arith.constant 4 : i32
        %get3A_1695 = arith.index_cast %get3A_1694 : i32 to index
        %get3A_1696 = arith.index_cast %mul3A_1642 : i32 to index
        %get3A_1697 = tpu.vector_load %arg15[%get3A_1695, %get3A_1696] {strides = array<i32>} : memref<8x1024xf32, #tpu.memory_space<vmem>>, vector<16xf32>,
        %add3A_1698 = arith.addf %get3A_1693, %get3A_1697 : vector<16xf32>
        %add3A_1699 = arith.addf %scan3A_1625, %add3A_1698 : vector<16xf32>
        %mul3A_1700 = arith.mulf %add3A_1698, %add3A_1698 : vector<16xf32>
        %add3A_1701 = arith.addf %scan3A_1633, %mul3A_1700 : vector<16xf32>
        %get3A_1702 = arith.constant 5 : i32
        %get3A_1703 = arith.index_cast %get3A_1702 : i32 to index
        %get3A_1704 = arith.index_cast %mul3A_1642 : i32 to index
        %get3A_1705 = tpu.vector_load %arg11[%get3A_1703, %get3A_1704] {strides = array<i32>} : memref<8x1024xf32, #tpu.memory_space<vmem>>, vector<16xf32>,
        %get3A_1706 = arith.constant 5 : i32
        %get3A_1707 = arith.index_cast %get3A_1706 : i32 to index
        %get3A_1708 = arith.index_cast %mul3A_1642 : i32 to index
        %get3A_1709 = tpu.vector_load %arg15[%get3A_1707, %get3A_1708] {strides = array<i32>} : memref<8x1024xf32, #tpu.memory_space<vmem>>, vector<16xf32>,
        %add3A_1710 = arith.addf %get3A_1705, %get3A_1709 : vector<16xf32>
        %add3A_1711 = arith.addf %scan3A_1626, %add3A_1710 : vector<16xf32>
        %mul3A_1712 = arith.mulf %add3A_1710, %add3A_1710 : vector<16xf32>
        %add3A_1713 = arith.addf %scan3A_1634, %mul3A_1712 : vector<16xf32>
        %get3A_1714 = arith.constant 6 : i32
        %get3A_1715 = arith.index_cast %get3A_1714 : i32 to index
        %get3A_1716 = arith.index_cast %mul3A_1642 : i32 to index
        %get3A_1717 = tpu.vector_load %arg11[%get3A_1715, %get3A_1716] {strides = array<i32>} : memref<8x1024xf32, #tpu.memory_space<vmem>>, vector<16xf32>,
        %get3A_1718 = arith.constant 6 : i32
        %get3A_1719 = arith.index_cast %get3A_1718 : i32 to index
        %get3A_1720 = arith.index_cast %mul3A_1642 : i32 to index
        %get3A_1721 = tpu.vector_load %arg15[%get3A_1719, %get3A_1720] {strides = array<i32>} : memref<8x1024xf32, #tpu.memory_space<vmem>>, vector<16xf32>,
        %add3A_1722 = arith.addf %get3A_1717, %get3A_1721 : vector<16xf32>
        %add3A_1723 = arith.addf %scan3A_1627, %add3A_1722 : vector<16xf32>
        %mul3A_1724 = arith.mulf %add3A_1722, %add3A_1722 : vector<16xf32>
        %add3A_1725 = arith.addf %scan3A_1635, %mul3A_1724 : vector<16xf32>
        %get3A_1726 = arith.constant 7 : i32
        %get3A_1727 = arith.index_cast %get3A_1726 : i32 to index
        %get3A_1728 = arith.index_cast %mul3A_1642 : i32 to index
        %get3A_1729 = tpu.vector_load %arg11[%get3A_1727, %get3A_1728] {strides = array<i32>} : memref<8x1024xf32, #tpu.memory_space<vmem>>, vector<16xf32>,
        %get3A_1730 = arith.constant 7 : i32
        %get3A_1731 = arith.index_cast %get3A_1730 : i32 to index
        %get3A_1732 = arith.index_cast %mul3A_1642 : i32 to index
        %get3A_1733 = tpu.vector_load %arg15[%get3A_1731, %get3A_1732] {strides = array<i32>} : memref<8x1024xf32, #tpu.memory_space<vmem>>, vector<16xf32>,
        %add3A_1734 = arith.addf %get3A_1729, %get3A_1733 : vector<16xf32>
        %add3A_1735 = arith.addf %scan3A_1628, %add3A_1734 : vector<16xf32>
        %mul3A_1736 = arith.mulf %add3A_1734, %add3A_1734 : vector<16xf32>
        %add3A_1737 = arith.addf %scan3A_1636, %mul3A_1736 : vector<16xf32>
        scf.yield %add3A_1651, %add3A_1663, %add3A_1675, %add3A_1687, %add3A_1699, %add3A_1711, %add3A_1723, %add3A_1735, %add3A_1653, %add3A_1665, %add3A_1677, %add3A_1689, %add3A_1701, %add3A_1713, %add3A_1725, %add3A_1737 : vector<16xf32>, vector<16xf32>, vector<16xf32>, vector<16xf32>, vector<16xf32>, vector<16xf32>, vector<16xf32>, vector<16xf32>, vector<16xf32>, vector<16xf32>, vector<16xf32>, vector<16xf32>, vector<16xf32>, vector<16xf32>, vector<16xf32>, vector<16xf32>
      }
      %scan3A_866 = arith.constant 64 : i32
      %reduce_sum3A_867 = arith.constant true
      %reduce_sum3A_868 = vector.broadcast %reduce_sum3A_867 : i1 to vector<16xi1>
      %reduce_sum3A_869 = tpu.scan <sum>, %scan3A_865#0 masked %reduce_sum3A_868 : vector<16xf32>, vector<16xi1> -> vector<16xf32>
      %reduce_sum3A_870 = vector.extract %reduce_sum3A_869[15] : f32 from vector<16xf32>
      %reduce_sum3A_871 = arith.constant true
      %reduce_sum3A_872 = vector.broadcast %reduce_sum3A_871 : i1 to vector<16xi1>
      %reduce_sum3A_873 = tpu.scan <sum>, %scan3A_865#8 masked %reduce_sum3A_872 : vector<16xf32>, vector<16xi1> -> vector<16xf32>
      %reduce_sum3A_874 = vector.extract %reduce_sum3A_873[15] : f32 from vector<16xf32>
      %mul3A_875 = arith.constant 3.125000e-02 : f32
      %mul3A_876 = arith.mulf %reduce_sum3A_870, %mul3A_875 : f32
      %mul3A_877 = arith.mulf %mul3A_876, %mul3A_876 : f32
      %sub3A_878 = arith.subf %reduce_sum3A_874, %mul3A_877 : f32
      %add3A_879 = arith.constant 9.99999974E-6 : f32
      %add3A_880 = arith.addf %sub3A_878, %add3A_879 : f32
      %bitcast_convert_type3A_881 = arith.bitcast %add3A_880 : f32 to i32
      %shift_right_logical3A_882 = arith.constant 1 : i32
      %shift_right_logical3A_883 = arith.shrui %bitcast_convert_type3A_881, %shift_right_logical3A_882 : i32
      %sub3A_884 = arith.constant 1597463007 : i32
      %sub3A_885 = arith.subi %sub3A_884, %shift_right_logical3A_883 : i32
      %bitcast_convert_type3A_886 = arith.bitcast %sub3A_885 : i32 to f32
      %mul3A_887 = arith.constant 5.000000e-01 : f32
      %mul3A_888 = arith.mulf %mul3A_887, %add3A_880 : f32
      %mul3A_889 = arith.mulf %mul3A_888, %bitcast_convert_type3A_886 : f32
      %mul3A_890 = arith.mulf %mul3A_889, %bitcast_convert_type3A_886 : f32
      %sub3A_891 = arith.constant 1.500000e+00 : f32
      %sub3A_892 = arith.subf %sub3A_891, %mul3A_890 : f32
      %mul3A_893 = arith.mulf %bitcast_convert_type3A_886, %sub3A_892 : f32
      %mul3A_894 = arith.mulf %mul3A_888, %mul3A_893 : f32
      %mul3A_895 = arith.mulf %mul3A_894, %mul3A_893 : f32
      %sub3A_896 = arith.constant 1.500000e+00 : f32
      %sub3A_897 = arith.subf %sub3A_896, %mul3A_895 : f32
      %mul3A_898 = arith.mulf %mul3A_893, %sub3A_897 : f32
      %mul3A_899 = arith.mulf %mul3A_888, %mul3A_898 : f32
      %mul3A_900 = arith.mulf %mul3A_899, %mul3A_898 : f32
      %sub3A_901 = arith.constant 1.500000e+00 : f32
      %sub3A_902 = arith.subf %sub3A_901, %mul3A_900 : f32
      %mul3A_903 = arith.mulf %mul3A_898, %sub3A_902 : f32
      %mul3A_904 = arith.constant 3.200000e+01 : f32
      %mul3A_905 = arith.mulf %mul3A_903, %mul3A_904 : f32
      %neg3A_906 = arith.constant 0.000000e+00 : f32
      %neg3A_907 = arith.subf %neg3A_906, %mul3A_876 : f32
      %mul3A_908 = arith.mulf %neg3A_907, %mul3A_903 : f32
      %reduce_sum3A_909 = arith.constant true
      %reduce_sum3A_910 = vector.broadcast %reduce_sum3A_909 : i1 to vector<16xi1>
      %reduce_sum3A_911 = tpu.scan <sum>, %scan3A_865#1 masked %reduce_sum3A_910 : vector<16xf32>, vector<16xi1> -> vector<16xf32>
      %reduce_sum3A_912 = vector.extract %reduce_sum3A_911[15] : f32 from vector<16xf32>
      %reduce_sum3A_913 = arith.constant true
      %reduce_sum3A_914 = vector.broadcast %reduce_sum3A_913 : i1 to vector<16xi1>
      %reduce_sum3A_915 = tpu.scan <sum>, %scan3A_865#9 masked %reduce_sum3A_914 : vector<16xf32>, vector<16xi1> -> vector<16xf32>
      %reduce_sum3A_916 = vector.extract %reduce_sum3A_915[15] : f32 from vector<16xf32>
      %mul3A_917 = arith.constant 3.125000e-02 : f32
      %mul3A_918 = arith.mulf %reduce_sum3A_912, %mul3A_917 : f32
      %mul3A_919 = arith.mulf %mul3A_918, %mul3A_918 : f32
      %sub3A_920 = arith.subf %reduce_sum3A_916, %mul3A_919 : f32
      %add3A_921 = arith.constant 9.99999974E-6 : f32
      %add3A_922 = arith.addf %sub3A_920, %add3A_921 : f32
      %bitcast_convert_type3A_923 = arith.bitcast %add3A_922 : f32 to i32
      %shift_right_logical3A_924 = arith.constant 1 : i32
      %shift_right_logical3A_925 = arith.shrui %bitcast_convert_type3A_923, %shift_right_logical3A_924 : i32
      %sub3A_926 = arith.constant 1597463007 : i32
      %sub3A_927 = arith.subi %sub3A_926, %shift_right_logical3A_925 : i32
      %bitcast_convert_type3A_928 = arith.bitcast %sub3A_927 : i32 to f32
      %mul3A_929 = arith.constant 5.000000e-01 : f32
      %mul3A_930 = arith.mulf %mul3A_929, %add3A_922 : f32
      %mul3A_931 = arith.mulf %mul3A_930, %bitcast_convert_type3A_928 : f32
      %mul3A_932 = arith.mulf %mul3A_931, %bitcast_convert_type3A_928 : f32
      %sub3A_933 = arith.constant 1.500000e+00 : f32
      %sub3A_934 = arith.subf %sub3A_933, %mul3A_932 : f32
      %mul3A_935 = arith.mulf %bitcast_convert_type3A_928, %sub3A_934 : f32
      %mul3A_936 = arith.mulf %mul3A_930, %mul3A_935 : f32
      %mul3A_937 = arith.mulf %mul3A_936, %mul3A_935 : f32
      %sub3A_938 = arith.constant 1.500000e+00 : f32
      %sub3A_939 = arith.subf %sub3A_938, %mul3A_937 : f32
      %mul3A_940 = arith.mulf %mul3A_935, %sub3A_939 : f32
      %mul3A_941 = arith.mulf %mul3A_930, %mul3A_940 : f32
      %mul3A_942 = arith.mulf %mul3A_941, %mul3A_940 : f32
      %sub3A_943 = arith.constant 1.500000e+00 : f32
      %sub3A_944 = arith.subf %sub3A_943, %mul3A_942 : f32
      %mul3A_945 = arith.mulf %mul3A_940, %sub3A_944 : f32
      %mul3A_946 = arith.constant 3.200000e+01 : f32
      %mul3A_947 = arith.mulf %mul3A_945, %mul3A_946 : f32
      %neg3A_948 = arith.constant 0.000000e+00 : f32
      %neg3A_949 = arith.subf %neg3A_948, %mul3A_918 : f32
      %mul3A_950 = arith.mulf %neg3A_949, %mul3A_945 : f32
      %reduce_sum3A_951 = arith.constant true
      %reduce_sum3A_952 = vector.broadcast %reduce_sum3A_951 : i1 to vector<16xi1>
      %reduce_sum3A_953 = tpu.scan <sum>, %scan3A_865#2 masked %reduce_sum3A_952 : vector<16xf32>, vector<16xi1> -> vector<16xf32>
      %reduce_sum3A_954 = vector.extract %reduce_sum3A_953[15] : f32 from vector<16xf32>
      %reduce_sum3A_955 = arith.constant true
      %reduce_sum3A_956 = vector.broadcast %reduce_sum3A_955 : i1 to vector<16xi1>
      %reduce_sum3A_957 = tpu.scan <sum>, %scan3A_865#10 masked %reduce_sum3A_956 : vector<16xf32>, vector<16xi1> -> vector<16xf32>
      %reduce_sum3A_958 = vector.extract %reduce_sum3A_957[15] : f32 from vector<16xf32>
      %mul3A_959 = arith.constant 3.125000e-02 : f32
      %mul3A_960 = arith.mulf %reduce_sum3A_954, %mul3A_959 : f32
      %mul3A_961 = arith.mulf %mul3A_960, %mul3A_960 : f32
      %sub3A_962 = arith.subf %reduce_sum3A_958, %mul3A_961 : f32
      %add3A_963 = arith.constant 9.99999974E-6 : f32
      %add3A_964 = arith.addf %sub3A_962, %add3A_963 : f32
      %bitcast_convert_type3A_965 = arith.bitcast %add3A_964 : f32 to i32
      %shift_right_logical3A_966 = arith.constant 1 : i32
      %shift_right_logical3A_967 = arith.shrui %bitcast_convert_type3A_965, %shift_right_logical3A_966 : i32
      %sub3A_968 = arith.constant 1597463007 : i32
      %sub3A_969 = arith.subi %sub3A_968, %shift_right_logical3A_967 : i32
      %bitcast_convert_type3A_970 = arith.bitcast %sub3A_969 : i32 to f32
      %mul3A_971 = arith.constant 5.000000e-01 : f32
      %mul3A_972 = arith.mulf %mul3A_971, %add3A_964 : f32
      %mul3A_973 = arith.mulf %mul3A_972, %bitcast_convert_type3A_970 : f32
      %mul3A_974 = arith.mulf %mul3A_973, %bitcast_convert_type3A_970 : f32
      %sub3A_975 = arith.constant 1.500000e+00 : f32
      %sub3A_976 = arith.subf %sub3A_975, %mul3A_974 : f32
      %mul3A_977 = arith.mulf %bitcast_convert_type3A_970, %sub3A_976 : f32
      %mul3A_978 = arith.mulf %mul3A_972, %mul3A_977 : f32
      %mul3A_979 = arith.mulf %mul3A_978, %mul3A_977 : f32
      %sub3A_980 = arith.constant 1.500000e+00 : f32
      %sub3A_981 = arith.subf %sub3A_980, %mul3A_979 : f32
      %mul3A_982 = arith.mulf %mul3A_977, %sub3A_981 : f32
      %mul3A_983 = arith.mulf %mul3A_972, %mul3A_982 : f32
      %mul3A_984 = arith.mulf %mul3A_983, %mul3A_982 : f32
      %sub3A_985 = arith.constant 1.500000e+00 : f32
      %sub3A_986 = arith.subf %sub3A_985, %mul3A_984 : f32
      %mul3A_987 = arith.mulf %mul3A_982, %sub3A_986 : f32
      %mul3A_988 = arith.constant 3.200000e+01 : f32
      %mul3A_989 = arith.mulf %mul3A_987, %mul3A_988 : f32
      %neg3A_990 = arith.constant 0.000000e+00 : f32
      %neg3A_991 = arith.subf %neg3A_990, %mul3A_960 : f32
      %mul3A_992 = arith.mulf %neg3A_991, %mul3A_987 : f32
      %reduce_sum3A_993 = arith.constant true
      %reduce_sum3A_994 = vector.broadcast %reduce_sum3A_993 : i1 to vector<16xi1>
      %reduce_sum3A_995 = tpu.scan <sum>, %scan3A_865#3 masked %reduce_sum3A_994 : vector<16xf32>, vector<16xi1> -> vector<16xf32>
      %reduce_sum3A_996 = vector.extract %reduce_sum3A_995[15] : f32 from vector<16xf32>
      %reduce_sum3A_997 = arith.constant true
      %reduce_sum3A_998 = vector.broadcast %reduce_sum3A_997 : i1 to vector<16xi1>
      %reduce_sum3A_999 = tpu.scan <sum>, %scan3A_865#11 masked %reduce_sum3A_998 : vector<16xf32>, vector<16xi1> -> vector<16xf32>
      %reduce_sum3A_1000 = vector.extract %reduce_sum3A_999[15] : f32 from vector<16xf32>
      %mul3A_1001 = arith.constant 3.125000e-02 : f32
      %mul3A_1002 = arith.mulf %reduce_sum3A_996, %mul3A_1001 : f32
      %mul3A_1003 = arith.mulf %mul3A_1002, %mul3A_1002 : f32
      %sub3A_1004 = arith.subf %reduce_sum3A_1000, %mul3A_1003 : f32
      %add3A_1005 = arith.constant 9.99999974E-6 : f32
      %add3A_1006 = arith.addf %sub3A_1004, %add3A_1005 : f32
      %bitcast_convert_type3A_1007 = arith.bitcast %add3A_1006 : f32 to i32
      %shift_right_logical3A_1008 = arith.constant 1 : i32
      %shift_right_logical3A_1009 = arith.shrui %bitcast_convert_type3A_1007, %shift_right_logical3A_1008 : i32
      %sub3A_1010 = arith.constant 1597463007 : i32
      %sub3A_1011 = arith.subi %sub3A_1010, %shift_right_logical3A_1009 : i32
      %bitcast_convert_type3A_1012 = arith.bitcast %sub3A_1011 : i32 to f32
      %mul3A_1013 = arith.constant 5.000000e-01 : f32
      %mul3A_1014 = arith.mulf %mul3A_1013, %add3A_1006 : f32
      %mul3A_1015 = arith.mulf %mul3A_1014, %bitcast_convert_type3A_1012 : f32
      %mul3A_1016 = arith.mulf %mul3A_1015, %bitcast_convert_type3A_1012 : f32
      %sub3A_1017 = arith.constant 1.500000e+00 : f32
      %sub3A_1018 = arith.subf %sub3A_1017, %mul3A_1016 : f32
      %mul3A_1019 = arith.mulf %bitcast_convert_type3A_1012, %sub3A_1018 : f32
      %mul3A_1020 = arith.mulf %mul3A_1014, %mul3A_1019 : f32
      %mul3A_1021 = arith.mulf %mul3A_1020, %mul3A_1019 : f32
      %sub3A_1022 = arith.constant 1.500000e+00 : f32
      %sub3A_1023 = arith.subf %sub3A_1022, %mul3A_1021 : f32
      %mul3A_1024 = arith.mulf %mul3A_1019, %sub3A_1023 : f32
      %mul3A_1025 = arith.mulf %mul3A_1014, %mul3A_1024 : f32
      %mul3A_1026 = arith.mulf %mul3A_1025, %mul3A_1024 : f32
      %sub3A_1027 = arith.constant 1.500000e+00 : f32
      %sub3A_1028 = arith.subf %sub3A_1027, %mul3A_1026 : f32
      %mul3A_1029 = arith.mulf %mul3A_1024, %sub3A_1028 : f32
      %mul3A_1030 = arith.constant 3.200000e+01 : f32
      %mul3A_1031 = arith.mulf %mul3A_1029, %mul3A_1030 : f32
      %neg3A_1032 = arith.constant 0.000000e+00 : f32
      %neg3A_1033 = arith.subf %neg3A_1032, %mul3A_1002 : f32
      %mul3A_1034 = arith.mulf %neg3A_1033, %mul3A_1029 : f32
      %reduce_sum3A_1035 = arith.constant true
      %reduce_sum3A_1036 = vector.broadcast %reduce_sum3A_1035 : i1 to vector<16xi1>
      %reduce_sum3A_1037 = tpu.scan <sum>, %scan3A_865#4 masked %reduce_sum3A_1036 : vector<16xf32>, vector<16xi1> -> vector<16xf32>
      %reduce_sum3A_1038 = vector.extract %reduce_sum3A_1037[15] : f32 from vector<16xf32>
      %reduce_sum3A_1039 = arith.constant true
      %reduce_sum3A_1040 = vector.broadcast %reduce_sum3A_1039 : i1 to vector<16xi1>
      %reduce_sum3A_1041 = tpu.scan <sum>, %scan3A_865#12 masked %reduce_sum3A_1040 : vector<16xf32>, vector<16xi1> -> vector<16xf32>
      %reduce_sum3A_1042 = vector.extract %reduce_sum3A_1041[15] : f32 from vector<16xf32>
      %mul3A_1043 = arith.constant 3.125000e-02 : f32
      %mul3A_1044 = arith.mulf %reduce_sum3A_1038, %mul3A_1043 : f32
      %mul3A_1045 = arith.mulf %mul3A_1044, %mul3A_1044 : f32
      %sub3A_1046 = arith.subf %reduce_sum3A_1042, %mul3A_1045 : f32
      %add3A_1047 = arith.constant 9.99999974E-6 : f32
      %add3A_1048 = arith.addf %sub3A_1046, %add3A_1047 : f32
      %bitcast_convert_type3A_1049 = arith.bitcast %add3A_1048 : f32 to i32
      %shift_right_logical3A_1050 = arith.constant 1 : i32
      %shift_right_logical3A_1051 = arith.shrui %bitcast_convert_type3A_1049, %shift_right_logical3A_1050 : i32
      %sub3A_1052 = arith.constant 1597463007 : i32
      %sub3A_1053 = arith.subi %sub3A_1052, %shift_right_logical3A_1051 : i32
      %bitcast_convert_type3A_1054 = arith.bitcast %sub3A_1053 : i32 to f32
      %mul3A_1055 = arith.constant 5.000000e-01 : f32
      %mul3A_1056 = arith.mulf %mul3A_1055, %add3A_1048 : f32
      %mul3A_1057 = arith.mulf %mul3A_1056, %bitcast_convert_type3A_1054 : f32
      %mul3A_1058 = arith.mulf %mul3A_1057, %bitcast_convert_type3A_1054 : f32
      %sub3A_1059 = arith.constant 1.500000e+00 : f32
      %sub3A_1060 = arith.subf %sub3A_1059, %mul3A_1058 : f32
      %mul3A_1061 = arith.mulf %bitcast_convert_type3A_1054, %sub3A_1060 : f32
      %mul3A_1062 = arith.mulf %mul3A_1056, %mul3A_1061 : f32
      %mul3A_1063 = arith.mulf %mul3A_1062, %mul3A_1061 : f32
      %sub3A_1064 = arith.constant 1.500000e+00 : f32
      %sub3A_1065 = arith.subf %sub3A_1064, %mul3A_1063 : f32
      %mul3A_1066 = arith.mulf %mul3A_1061, %sub3A_1065 : f32
      %mul3A_1067 = arith.mulf %mul3A_1056, %mul3A_1066 : f32
      %mul3A_1068 = arith.mulf %mul3A_1067, %mul3A_1066 : f32
      %sub3A_1069 = arith.constant 1.500000e+00 : f32
      %sub3A_1070 = arith.subf %sub3A_1069, %mul3A_1068 : f32
      %mul3A_1071 = arith.mulf %mul3A_1066, %sub3A_1070 : f32
      %mul3A_1072 = arith.constant 3.200000e+01 : f32
      %mul3A_1073 = arith.mulf %mul3A_1071, %mul3A_1072 : f32
      %neg3A_1074 = arith.constant 0.000000e+00 : f32
      %neg3A_1075 = arith.subf %neg3A_1074, %mul3A_1044 : f32
      %mul3A_1076 = arith.mulf %neg3A_1075, %mul3A_1071 : f32
      %reduce_sum3A_1077 = arith.constant true
      %reduce_sum3A_1078 = vector.broadcast %reduce_sum3A_1077 : i1 to vector<16xi1>
      %reduce_sum3A_1079 = tpu.scan <sum>, %scan3A_865#5 masked %reduce_sum3A_1078 : vector<16xf32>, vector<16xi1> -> vector<16xf32>
      %reduce_sum3A_1080 = vector.extract %reduce_sum3A_1079[15] : f32 from vector<16xf32>
      %reduce_sum3A_1081 = arith.constant true
      %reduce_sum3A_1082 = vector.broadcast %reduce_sum3A_1081 : i1 to vector<16xi1>
      %reduce_sum3A_1083 = tpu.scan <sum>, %scan3A_865#13 masked %reduce_sum3A_1082 : vector<16xf32>, vector<16xi1> -> vector<16xf32>
      %reduce_sum3A_1084 = vector.extract %reduce_sum3A_1083[15] : f32 from vector<16xf32>
      %mul3A_1085 = arith.constant 3.125000e-02 : f32
      %mul3A_1086 = arith.mulf %reduce_sum3A_1080, %mul3A_1085 : f32
      %mul3A_1087 = arith.mulf %mul3A_1086, %mul3A_1086 : f32
      %sub3A_1088 = arith.subf %reduce_sum3A_1084, %mul3A_1087 : f32
      %add3A_1089 = arith.constant 9.99999974E-6 : f32
      %add3A_1090 = arith.addf %sub3A_1088, %add3A_1089 : f32
      %bitcast_convert_type3A_1091 = arith.bitcast %add3A_1090 : f32 to i32
      %shift_right_logical3A_1092 = arith.constant 1 : i32
      %shift_right_logical3A_1093 = arith.shrui %bitcast_convert_type3A_1091, %shift_right_logical3A_1092 : i32
      %sub3A_1094 = arith.constant 1597463007 : i32
      %sub3A_1095 = arith.subi %sub3A_1094, %shift_right_logical3A_1093 : i32
      %bitcast_convert_type3A_1096 = arith.bitcast %sub3A_1095 : i32 to f32
      %mul3A_1097 = arith.constant 5.000000e-01 : f32
      %mul3A_1098 = arith.mulf %mul3A_1097, %add3A_1090 : f32
      %mul3A_1099 = arith.mulf %mul3A_1098, %bitcast_convert_type3A_1096 : f32
      %mul3A_1100 = arith.mulf %mul3A_1099, %bitcast_convert_type3A_1096 : f32
      %sub3A_1101 = arith.constant 1.500000e+00 : f32
      %sub3A_1102 = arith.subf %sub3A_1101, %mul3A_1100 : f32
      %mul3A_1103 = arith.mulf %bitcast_convert_type3A_1096, %sub3A_1102 : f32
      %mul3A_1104 = arith.mulf %mul3A_1098, %mul3A_1103 : f32
      %mul3A_1105 = arith.mulf %mul3A_1104, %mul3A_1103 : f32
      %sub3A_1106 = arith.constant 1.500000e+00 : f32
      %sub3A_1107 = arith.subf %sub3A_1106, %mul3A_1105 : f32
      %mul3A_1108 = arith.mulf %mul3A_1103, %sub3A_1107 : f32
      %mul3A_1109 = arith.mulf %mul3A_1098, %mul3A_1108 : f32
      %mul3A_1110 = arith.mulf %mul3A_1109, %mul3A_1108 : f32
      %sub3A_1111 = arith.constant 1.500000e+00 : f32
      %sub3A_1112 = arith.subf %sub3A_1111, %mul3A_1110 : f32
      %mul3A_1113 = arith.mulf %mul3A_1108, %sub3A_1112 : f32
      %mul3A_1114 = arith.constant 3.200000e+01 : f32
      %mul3A_1115 = arith.mulf %mul3A_1113, %mul3A_1114 : f32
      %neg3A_1116 = arith.constant 0.000000e+00 : f32
      %neg3A_1117 = arith.subf %neg3A_1116, %mul3A_1086 : f32
      %mul3A_1118 = arith.mulf %neg3A_1117, %mul3A_1113 : f32
      %reduce_sum3A_1119 = arith.constant true
      %reduce_sum3A_1120 = vector.broadcast %reduce_sum3A_1119 : i1 to vector<16xi1>
      %reduce_sum3A_1121 = tpu.scan <sum>, %scan3A_865#6 masked %reduce_sum3A_1120 : vector<16xf32>, vector<16xi1> -> vector<16xf32>
      %reduce_sum3A_1122 = vector.extract %reduce_sum3A_1121[15] : f32 from vector<16xf32>
      %reduce_sum3A_1123 = arith.constant true
      %reduce_sum3A_1124 = vector.broadcast %reduce_sum3A_1123 : i1 to vector<16xi1>
      %reduce_sum3A_1125 = tpu.scan <sum>, %scan3A_865#14 masked %reduce_sum3A_1124 : vector<16xf32>, vector<16xi1> -> vector<16xf32>
      %reduce_sum3A_1126 = vector.extract %reduce_sum3A_1125[15] : f32 from vector<16xf32>
      %mul3A_1127 = arith.constant 3.125000e-02 : f32
      %mul3A_1128 = arith.mulf %reduce_sum3A_1122, %mul3A_1127 : f32
      %mul3A_1129 = arith.mulf %mul3A_1128, %mul3A_1128 : f32
      %sub3A_1130 = arith.subf %reduce_sum3A_1126, %mul3A_1129 : f32
      %add3A_1131 = arith.constant 9.99999974E-6 : f32
      %add3A_1132 = arith.addf %sub3A_1130, %add3A_1131 : f32
      %bitcast_convert_type3A_1133 = arith.bitcast %add3A_1132 : f32 to i32
      %shift_right_logical3A_1134 = arith.constant 1 : i32
      %shift_right_logical3A_1135 = arith.shrui %bitcast_convert_type3A_1133, %shift_right_logical3A_1134 : i32
      %sub3A_1136 = arith.constant 1597463007 : i32
      %sub3A_1137 = arith.subi %sub3A_1136, %shift_right_logical3A_1135 : i32
      %bitcast_convert_type3A_1138 = arith.bitcast %sub3A_1137 : i32 to f32
      %mul3A_1139 = arith.constant 5.000000e-01 : f32
      %mul3A_1140 = arith.mulf %mul3A_1139, %add3A_1132 : f32
      %mul3A_1141 = arith.mulf %mul3A_1140, %bitcast_convert_type3A_1138 : f32
      %mul3A_1142 = arith.mulf %mul3A_1141, %bitcast_convert_type3A_1138 : f32
      %sub3A_1143 = arith.constant 1.500000e+00 : f32
      %sub3A_1144 = arith.subf %sub3A_1143, %mul3A_1142 : f32
      %mul3A_1145 = arith.mulf %bitcast_convert_type3A_1138, %sub3A_1144 : f32
      %mul3A_1146 = arith.mulf %mul3A_1140, %mul3A_1145 : f32
      %mul3A_1147 = arith.mulf %mul3A_1146, %mul3A_1145 : f32
      %sub3A_1148 = arith.constant 1.500000e+00 : f32
      %sub3A_1149 = arith.subf %sub3A_1148, %mul3A_1147 : f32
      %mul3A_1150 = arith.mulf %mul3A_1145, %sub3A_1149 : f32
      %mul3A_1151 = arith.mulf %mul3A_1140, %mul3A_1150 : f32
      %mul3A_1152 = arith.mulf %mul3A_1151, %mul3A_1150 : f32
      %sub3A_1153 = arith.constant 1.500000e+00 : f32
      %sub3A_1154 = arith.subf %sub3A_1153, %mul3A_1152 : f32
      %mul3A_1155 = arith.mulf %mul3A_1150, %sub3A_1154 : f32
      %mul3A_1156 = arith.constant 3.200000e+01 : f32
      %mul3A_1157 = arith.mulf %mul3A_1155, %mul3A_1156 : f32
      %neg3A_1158 = arith.constant 0.000000e+00 : f32
      %neg3A_1159 = arith.subf %neg3A_1158, %mul3A_1128 : f32
      %mul3A_1160 = arith.mulf %neg3A_1159, %mul3A_1155 : f32
      %reduce_sum3A_1161 = arith.constant true
      %reduce_sum3A_1162 = vector.broadcast %reduce_sum3A_1161 : i1 to vector<16xi1>
      %reduce_sum3A_1163 = tpu.scan <sum>, %scan3A_865#7 masked %reduce_sum3A_1162 : vector<16xf32>, vector<16xi1> -> vector<16xf32>
      %reduce_sum3A_1164 = vector.extract %reduce_sum3A_1163[15] : f32 from vector<16xf32>
      %reduce_sum3A_1165 = arith.constant true
      %reduce_sum3A_1166 = vector.broadcast %reduce_sum3A_1165 : i1 to vector<16xi1>
      %reduce_sum3A_1167 = tpu.scan <sum>, %scan3A_865#15 masked %reduce_sum3A_1166 : vector<16xf32>, vector<16xi1> -> vector<16xf32>
      %reduce_sum3A_1168 = vector.extract %reduce_sum3A_1167[15] : f32 from vector<16xf32>
      %mul3A_1169 = arith.constant 3.125000e-02 : f32
      %mul3A_1170 = arith.mulf %reduce_sum3A_1164, %mul3A_1169 : f32
      %mul3A_1171 = arith.mulf %mul3A_1170, %mul3A_1170 : f32
      %sub3A_1172 = arith.subf %reduce_sum3A_1168, %mul3A_1171 : f32
      %add3A_1173 = arith.constant 9.99999974E-6 : f32
      %add3A_1174 = arith.addf %sub3A_1172, %add3A_1173 : f32
      %bitcast_convert_type3A_1175 = arith.bitcast %add3A_1174 : f32 to i32
      %shift_right_logical3A_1176 = arith.constant 1 : i32
      %shift_right_logical3A_1177 = arith.shrui %bitcast_convert_type3A_1175, %shift_right_logical3A_1176 : i32
      %sub3A_1178 = arith.constant 1597463007 : i32
      %sub3A_1179 = arith.subi %sub3A_1178, %shift_right_logical3A_1177 : i32
      %bitcast_convert_type3A_1180 = arith.bitcast %sub3A_1179 : i32 to f32
      %mul3A_1181 = arith.constant 5.000000e-01 : f32
      %mul3A_1182 = arith.mulf %mul3A_1181, %add3A_1174 : f32
      %mul3A_1183 = arith.mulf %mul3A_1182, %bitcast_convert_type3A_1180 : f32
      %mul3A_1184 = arith.mulf %mul3A_1183, %bitcast_convert_type3A_1180 : f32
      %sub3A_1185 = arith.constant 1.500000e+00 : f32
      %sub3A_1186 = arith.subf %sub3A_1185, %mul3A_1184 : f32
      %mul3A_1187 = arith.mulf %bitcast_convert_type3A_1180, %sub3A_1186 : f32
      %mul3A_1188 = arith.mulf %mul3A_1182, %mul3A_1187 : f32
      %mul3A_1189 = arith.mulf %mul3A_1188, %mul3A_1187 : f32
      %sub3A_1190 = arith.constant 1.500000e+00 : f32
      %sub3A_1191 = arith.subf %sub3A_1190, %mul3A_1189 : f32
      %mul3A_1192 = arith.mulf %mul3A_1187, %sub3A_1191 : f32
      %mul3A_1193 = arith.mulf %mul3A_1182, %mul3A_1192 : f32
      %mul3A_1194 = arith.mulf %mul3A_1193, %mul3A_1192 : f32
      %sub3A_1195 = arith.constant 1.500000e+00 : f32
      %sub3A_1196 = arith.subf %sub3A_1195, %mul3A_1194 : f32
      %mul3A_1197 = arith.mulf %mul3A_1192, %sub3A_1196 : f32
      %mul3A_1198 = arith.constant 3.200000e+01 : f32
      %mul3A_1199 = arith.mulf %mul3A_1197, %mul3A_1198 : f32
      %neg3A_1200 = arith.constant 0.000000e+00 : f32
      %neg3A_1201 = arith.subf %neg3A_1200, %mul3A_1170 : f32
      %mul3A_1202 = arith.mulf %neg3A_1201, %mul3A_1197 : f32
      %scan3A_1203 = arith.constant 0 : i32
      %scan3A_1204 = arith.constant 0 : i32
      %scan3A_1205 = arith.constant 64 : i32
      %scan3A_1206 = arith.addi %scan3A_1204, %scan3A_1205 : i32
      %scan3A_1207 = arith.constant 1 : i32
      %scan3A_1208 = scf.for %scan3A_1620 = %scan3A_1204 to %scan3A_1206 step %scan3A_1207 iter_args(%scan3A_1621 = %scan3A_1203) -> (i32)  : i32 {
        %mul3A_1622 = arith.constant 1 : i32
        %mul3A_1623 = arith.muli %scan3A_1620, %mul3A_1622 : i32
        %add3A_1624 = arith.constant 0 : i32
        %add3A_1625 = arith.addi %mul3A_1623, %add3A_1624 : i32
        %mul3A_1626 = arith.constant 16 : i32
        %mul3A_1627 = arith.muli %add3A_1625, %mul3A_1626 : i32
        %get3A = arith.index_cast %mul3A_1627 : i32 to index
        %get3A_1628 = tpu.vector_load %arg17[%get3A] {strides = array<i32>} : memref<1024xf32, #tpu.memory_space<vmem>>, vector<16xf32>,
        %get3A_1629 = arith.index_cast %mul3A_1627 : i32 to index
        %get3A_1630 = tpu.vector_load %arg18[%get3A_1629] {strides = array<i32>} : memref<1024xf32, #tpu.memory_space<vmem>>, vector<16xf32>,
        %get3A_1631 = arith.constant 0 : i32
        %get3A_1632 = arith.index_cast %get3A_1631 : i32 to index
        %get3A_1633 = arith.index_cast %mul3A_1627 : i32 to index
        %get3A_1634 = tpu.vector_load %arg11[%get3A_1632, %get3A_1633] {strides = array<i32>} : memref<8x1024xf32, #tpu.memory_space<vmem>>, vector<16xf32>,
        %get3A_1635 = arith.constant 0 : i32
        %get3A_1636 = arith.index_cast %get3A_1635 : i32 to index
        %get3A_1637 = arith.index_cast %mul3A_1627 : i32 to index
        %get3A_1638 = tpu.vector_load %arg15[%get3A_1636, %get3A_1637] {strides = array<i32>} : memref<8x1024xf32, #tpu.memory_space<vmem>>, vector<16xf32>,
        %add3A_1639 = arith.addf %get3A_1634, %get3A_1638 : vector<16xf32>
        %mul3A_1640 = vector.broadcast %mul3A_905 : f32 to vector<16xf32>
        %mul3A_1641 = arith.mulf %add3A_1639, %mul3A_1640 : vector<16xf32>
        %add3A_1642 = vector.broadcast %mul3A_908 : f32 to vector<16xf32>
        %add3A_1643 = arith.addf %mul3A_1641, %add3A_1642 : vector<16xf32>
        %mul3A_1644 = arith.mulf %add3A_1643, %get3A_1628 : vector<16xf32>
        %add3A_1645 = arith.addf %mul3A_1644, %get3A_1630 : vector<16xf32>
        %swap3A = arith.constant 0 : i32
        %swap3A_1646 = arith.index_cast %swap3A : i32 to index
        %swap3A_1647 = arith.index_cast %mul3A_1627 : i32 to index
        %swap3A_1648 = tpu.vector_load %arg11[%swap3A_1646, %swap3A_1647] {strides = array<i32>} : memref<8x1024xf32, #tpu.memory_space<vmem>>, vector<16xf32>,
        tpu.vector_store %arg11[%swap3A_1646, %swap3A_1647], %add3A_1645 {strides = array<i32>} : memref<8x1024xf32, #tpu.memory_space<vmem>>, vector<16xf32>,
        %get3A_1649 = arith.constant 1 : i32
        %get3A_1650 = arith.index_cast %get3A_1649 : i32 to index
        %get3A_1651 = arith.index_cast %mul3A_1627 : i32 to index
        %get3A_1652 = tpu.vector_load %arg11[%get3A_1650, %get3A_1651] {strides = array<i32>} : memref<8x1024xf32, #tpu.memory_space<vmem>>, vector<16xf32>,
        %get3A_1653 = arith.constant 1 : i32
        %get3A_1654 = arith.index_cast %get3A_1653 : i32 to index
        %get3A_1655 = arith.index_cast %mul3A_1627 : i32 to index
        %get3A_1656 = tpu.vector_load %arg15[%get3A_1654, %get3A_1655] {strides = array<i32>} : memref<8x1024xf32, #tpu.memory_space<vmem>>, vector<16xf32>,
        %add3A_1657 = arith.addf %get3A_1652, %get3A_1656 : vector<16xf32>
        %mul3A_1658 = vector.broadcast %mul3A_947 : f32 to vector<16xf32>
        %mul3A_1659 = arith.mulf %add3A_1657, %mul3A_1658 : vector<16xf32>
        %add3A_1660 = vector.broadcast %mul3A_950 : f32 to vector<16xf32>
        %add3A_1661 = arith.addf %mul3A_1659, %add3A_1660 : vector<16xf32>
        %mul3A_1662 = arith.mulf %add3A_1661, %get3A_1628 : vector<16xf32>
        %add3A_1663 = arith.addf %mul3A_1662, %get3A_1630 : vector<16xf32>
        %swap3A_1664 = arith.constant 1 : i32
        %swap3A_1665 = arith.index_cast %swap3A_1664 : i32 to index
        %swap3A_1666 = arith.index_cast %mul3A_1627 : i32 to index
        %swap3A_1667 = tpu.vector_load %arg11[%swap3A_1665, %swap3A_1666] {strides = array<i32>} : memref<8x1024xf32, #tpu.memory_space<vmem>>, vector<16xf32>,
        tpu.vector_store %arg11[%swap3A_1665, %swap3A_1666], %add3A_1663 {strides = array<i32>} : memref<8x1024xf32, #tpu.memory_space<vmem>>, vector<16xf32>,
        %get3A_1668 = arith.constant 2 : i32
        %get3A_1669 = arith.index_cast %get3A_1668 : i32 to index
        %get3A_1670 = arith.index_cast %mul3A_1627 : i32 to index
        %get3A_1671 = tpu.vector_load %arg11[%get3A_1669, %get3A_1670] {strides = array<i32>} : memref<8x1024xf32, #tpu.memory_space<vmem>>, vector<16xf32>,
        %get3A_1672 = arith.constant 2 : i32
        %get3A_1673 = arith.index_cast %get3A_1672 : i32 to index
        %get3A_1674 = arith.index_cast %mul3A_1627 : i32 to index
        %get3A_1675 = tpu.vector_load %arg15[%get3A_1673, %get3A_1674] {strides = array<i32>} : memref<8x1024xf32, #tpu.memory_space<vmem>>, vector<16xf32>,
        %add3A_1676 = arith.addf %get3A_1671, %get3A_1675 : vector<16xf32>
        %mul3A_1677 = vector.broadcast %mul3A_989 : f32 to vector<16xf32>
        %mul3A_1678 = arith.mulf %add3A_1676, %mul3A_1677 : vector<16xf32>
        %add3A_1679 = vector.broadcast %mul3A_992 : f32 to vector<16xf32>
        %add3A_1680 = arith.addf %mul3A_1678, %add3A_1679 : vector<16xf32>
        %mul3A_1681 = arith.mulf %add3A_1680, %get3A_1628 : vector<16xf32>
        %add3A_1682 = arith.addf %mul3A_1681, %get3A_1630 : vector<16xf32>
        %swap3A_1683 = arith.constant 2 : i32
        %swap3A_1684 = arith.index_cast %swap3A_1683 : i32 to index
        %swap3A_1685 = arith.index_cast %mul3A_1627 : i32 to index
        %swap3A_1686 = tpu.vector_load %arg11[%swap3A_1684, %swap3A_1685] {strides = array<i32>} : memref<8x1024xf32, #tpu.memory_space<vmem>>, vector<16xf32>,
        tpu.vector_store %arg11[%swap3A_1684, %swap3A_1685], %add3A_1682 {strides = array<i32>} : memref<8x1024xf32, #tpu.memory_space<vmem>>, vector<16xf32>,
        %get3A_1687 = arith.constant 3 : i32
        %get3A_1688 = arith.index_cast %get3A_1687 : i32 to index
        %get3A_1689 = arith.index_cast %mul3A_1627 : i32 to index
        %get3A_1690 = tpu.vector_load %arg11[%get3A_1688, %get3A_1689] {strides = array<i32>} : memref<8x1024xf32, #tpu.memory_space<vmem>>, vector<16xf32>,
        %get3A_1691 = arith.constant 3 : i32
        %get3A_1692 = arith.index_cast %get3A_1691 : i32 to index
        %get3A_1693 = arith.index_cast %mul3A_1627 : i32 to index
        %get3A_1694 = tpu.vector_load %arg15[%get3A_1692, %get3A_1693] {strides = array<i32>} : memref<8x1024xf32, #tpu.memory_space<vmem>>, vector<16xf32>,
        %add3A_1695 = arith.addf %get3A_1690, %get3A_1694 : vector<16xf32>
        %mul3A_1696 = vector.broadcast %mul3A_1031 : f32 to vector<16xf32>
        %mul3A_1697 = arith.mulf %add3A_1695, %mul3A_1696 : vector<16xf32>
        %add3A_1698 = vector.broadcast %mul3A_1034 : f32 to vector<16xf32>
        %add3A_1699 = arith.addf %mul3A_1697, %add3A_1698 : vector<16xf32>
        %mul3A_1700 = arith.mulf %add3A_1699, %get3A_1628 : vector<16xf32>
        %add3A_1701 = arith.addf %mul3A_1700, %get3A_1630 : vector<16xf32>
        %swap3A_1702 = arith.constant 3 : i32
        %swap3A_1703 = arith.index_cast %swap3A_1702 : i32 to index
        %swap3A_1704 = arith.index_cast %mul3A_1627 : i32 to index
        %swap3A_1705 = tpu.vector_load %arg11[%swap3A_1703, %swap3A_1704] {strides = array<i32>} : memref<8x1024xf32, #tpu.memory_space<vmem>>, vector<16xf32>,
        tpu.vector_store %arg11[%swap3A_1703, %swap3A_1704], %add3A_1701 {strides = array<i32>} : memref<8x1024xf32, #tpu.memory_space<vmem>>, vector<16xf32>,
        %get3A_1706 = arith.constant 4 : i32
        %get3A_1707 = arith.index_cast %get3A_1706 : i32 to index
        %get3A_1708 = arith.index_cast %mul3A_1627 : i32 to index
        %get3A_1709 = tpu.vector_load %arg11[%get3A_1707, %get3A_1708] {strides = array<i32>} : memref<8x1024xf32, #tpu.memory_space<vmem>>, vector<16xf32>,
        %get3A_1710 = arith.constant 4 : i32
        %get3A_1711 = arith.index_cast %get3A_1710 : i32 to index
        %get3A_1712 = arith.index_cast %mul3A_1627 : i32 to index
        %get3A_1713 = tpu.vector_load %arg15[%get3A_1711, %get3A_1712] {strides = array<i32>} : memref<8x1024xf32, #tpu.memory_space<vmem>>, vector<16xf32>,
        %add3A_1714 = arith.addf %get3A_1709, %get3A_1713 : vector<16xf32>
        %mul3A_1715 = vector.broadcast %mul3A_1073 : f32 to vector<16xf32>
        %mul3A_1716 = arith.mulf %add3A_1714, %mul3A_1715 : vector<16xf32>
        %add3A_1717 = vector.broadcast %mul3A_1076 : f32 to vector<16xf32>
        %add3A_1718 = arith.addf %mul3A_1716, %add3A_1717 : vector<16xf32>
        %mul3A_1719 = arith.mulf %add3A_1718, %get3A_1628 : vector<16xf32>
        %add3A_1720 = arith.addf %mul3A_1719, %get3A_1630 : vector<16xf32>
        %swap3A_1721 = arith.constant 4 : i32
        %swap3A_1722 = arith.index_cast %swap3A_1721 : i32 to index
        %swap3A_1723 = arith.index_cast %mul3A_1627 : i32 to index
        %swap3A_1724 = tpu.vector_load %arg11[%swap3A_1722, %swap3A_1723] {strides = array<i32>} : memref<8x1024xf32, #tpu.memory_space<vmem>>, vector<16xf32>,
        tpu.vector_store %arg11[%swap3A_1722, %swap3A_1723], %add3A_1720 {strides = array<i32>} : memref<8x1024xf32, #tpu.memory_space<vmem>>, vector<16xf32>,
        %get3A_1725 = arith.constant 5 : i32
        %get3A_1726 = arith.index_cast %get3A_1725 : i32 to index
        %get3A_1727 = arith.index_cast %mul3A_1627 : i32 to index
        %get3A_1728 = tpu.vector_load %arg11[%get3A_1726, %get3A_1727] {strides = array<i32>} : memref<8x1024xf32, #tpu.memory_space<vmem>>, vector<16xf32>,
        %get3A_1729 = arith.constant 5 : i32
        %get3A_1730 = arith.index_cast %get3A_1729 : i32 to index
        %get3A_1731 = arith.index_cast %mul3A_1627 : i32 to index
        %get3A_1732 = tpu.vector_load %arg15[%get3A_1730, %get3A_1731] {strides = array<i32>} : memref<8x1024xf32, #tpu.memory_space<vmem>>, vector<16xf32>,
        %add3A_1733 = arith.addf %get3A_1728, %get3A_1732 : vector<16xf32>
        %mul3A_1734 = vector.broadcast %mul3A_1115 : f32 to vector<16xf32>
        %mul3A_1735 = arith.mulf %add3A_1733, %mul3A_1734 : vector<16xf32>
        %add3A_1736 = vector.broadcast %mul3A_1118 : f32 to vector<16xf32>
        %add3A_1737 = arith.addf %mul3A_1735, %add3A_1736 : vector<16xf32>
        %mul3A_1738 = arith.mulf %add3A_1737, %get3A_1628 : vector<16xf32>
        %add3A_1739 = arith.addf %mul3A_1738, %get3A_1630 : vector<16xf32>
        %swap3A_1740 = arith.constant 5 : i32
        %swap3A_1741 = arith.index_cast %swap3A_1740 : i32 to index
        %swap3A_1742 = arith.index_cast %mul3A_1627 : i32 to index
        %swap3A_1743 = tpu.vector_load %arg11[%swap3A_1741, %swap3A_1742] {strides = array<i32>} : memref<8x1024xf32, #tpu.memory_space<vmem>>, vector<16xf32>,
        tpu.vector_store %arg11[%swap3A_1741, %swap3A_1742], %add3A_1739 {strides = array<i32>} : memref<8x1024xf32, #tpu.memory_space<vmem>>, vector<16xf32>,
        %get3A_1744 = arith.constant 6 : i32
        %get3A_1745 = arith.index_cast %get3A_1744 : i32 to index
        %get3A_1746 = arith.index_cast %mul3A_1627 : i32 to index
        %get3A_1747 = tpu.vector_load %arg11[%get3A_1745, %get3A_1746] {strides = array<i32>} : memref<8x1024xf32, #tpu.memory_space<vmem>>, vector<16xf32>,
        %get3A_1748 = arith.constant 6 : i32
        %get3A_1749 = arith.index_cast %get3A_1748 : i32 to index
        %get3A_1750 = arith.index_cast %mul3A_1627 : i32 to index
        %get3A_1751 = tpu.vector_load %arg15[%get3A_1749, %get3A_1750] {strides = array<i32>} : memref<8x1024xf32, #tpu.memory_space<vmem>>, vector<16xf32>,
        %add3A_1752 = arith.addf %get3A_1747, %get3A_1751 : vector<16xf32>
        %mul3A_1753 = vector.broadcast %mul3A_1157 : f32 to vector<16xf32>
        %mul3A_1754 = arith.mulf %add3A_1752, %mul3A_1753 : vector<16xf32>
        %add3A_1755 = vector.broadcast %mul3A_1160 : f32 to vector<16xf32>
        %add3A_1756 = arith.addf %mul3A_1754, %add3A_1755 : vector<16xf32>
        %mul3A_1757 = arith.mulf %add3A_1756, %get3A_1628 : vector<16xf32>
        %add3A_1758 = arith.addf %mul3A_1757, %get3A_1630 : vector<16xf32>
        %swap3A_1759 = arith.constant 6 : i32
        %swap3A_1760 = arith.index_cast %swap3A_1759 : i32 to index
        %swap3A_1761 = arith.index_cast %mul3A_1627 : i32 to index
        %swap3A_1762 = tpu.vector_load %arg11[%swap3A_1760, %swap3A_1761] {strides = array<i32>} : memref<8x1024xf32, #tpu.memory_space<vmem>>, vector<16xf32>,
        tpu.vector_store %arg11[%swap3A_1760, %swap3A_1761], %add3A_1758 {strides = array<i32>} : memref<8x1024xf32, #tpu.memory_space<vmem>>, vector<16xf32>,
        %get3A_1763 = arith.constant 7 : i32
        %get3A_1764 = arith.index_cast %get3A_1763 : i32 to index
        %get3A_1765 = arith.index_cast %mul3A_1627 : i32 to index
        %get3A_1766 = tpu.vector_load %arg11[%get3A_1764, %get3A_1765] {strides = array<i32>} : memref<8x1024xf32, #tpu.memory_space<vmem>>, vector<16xf32>,
        %get3A_1767 = arith.constant 7 : i32
        %get3A_1768 = arith.index_cast %get3A_1767 : i32 to index
        %get3A_1769 = arith.index_cast %mul3A_1627 : i32 to index
        %get3A_1770 = tpu.vector_load %arg15[%get3A_1768, %get3A_1769] {strides = array<i32>} : memref<8x1024xf32, #tpu.memory_space<vmem>>, vector<16xf32>,
        %add3A_1771 = arith.addf %get3A_1766, %get3A_1770 : vector<16xf32>
        %mul3A_1772 = vector.broadcast %mul3A_1199 : f32 to vector<16xf32>
        %mul3A_1773 = arith.mulf %add3A_1771, %mul3A_1772 : vector<16xf32>
        %add3A_1774 = vector.broadcast %mul3A_1202 : f32 to vector<16xf32>
        %add3A_1775 = arith.addf %mul3A_1773, %add3A_1774 : vector<16xf32>
        %mul3A_1776 = arith.mulf %add3A_1775, %get3A_1628 : vector<16xf32>
        %add3A_1777 = arith.addf %mul3A_1776, %get3A_1630 : vector<16xf32>
        %swap3A_1778 = arith.constant 7 : i32
        %swap3A_1779 = arith.index_cast %swap3A_1778 : i32 to index
        %swap3A_1780 = arith.index_cast %mul3A_1627 : i32 to index
        %swap3A_1781 = tpu.vector_load %arg11[%swap3A_1779, %swap3A_1780] {strides = array<i32>} : memref<8x1024xf32, #tpu.memory_space<vmem>>, vector<16xf32>,
        tpu.vector_store %arg11[%swap3A_1779, %swap3A_1780], %add3A_1777 {strides = array<i32>} : memref<8x1024xf32, #tpu.memory_space<vmem>>, vector<16xf32>,
        %scan3A_1782 = arith.constant 0 : i32
        scf.yield %scan3A_1782 : i32
      }
      %scan3A_1209 = arith.constant 64 : i32
      %mul3A_1210 = arith.constant 8 : i32
      %mul3A_1211 = arith.muli %add3A_832, %mul3A_1210 : i32
      %add3A_1212 = arith.addi %mul3A_2, %mul3A_1211 : i32
      %dma_start3A_1213 = arith.constant 0 : i32
      %dma_start3A_1214 = tpu.memref_slice %arg7[%add3A_1212, %dma_start3A_1213] : memref<8192x1024xf32, #tpu.memory_space<hbm>> -> memref<8x1024xf32, #tpu.memory_space<hbm>>
      %dma_start3A_1215 = arith.constant 0 : i32
      %dma_start3A_1216 = tpu.memref_slice %arg7[%add3A_1212, %dma_start3A_1215] : memref<8192x1024xf32, #tpu.memory_space<hbm>> -> memref<8x1024xf32, #tpu.memory_space<hbm>>
      tpu.enqueue_dma source(%arg11 : memref<8x1024xf32, #tpu.memory_space<vmem>>) target(%dma_start3A_1216 : memref<8x1024xf32, #tpu.memory_space<hbm>>) target_semaphore(%arg29 : memref<!tpu.dma_semaphore, #tpu.memory_space<semaphore_mem>>)
      %add3A_1217 = arith.constant 2 : i32
      %add3A_1218 = arith.addi %add3A_832, %add3A_1217 : i32
      %lt3A_1219 = arith.constant 32 : i32
      %lt3A_1220 = arith.cmpi slt, %add3A_1218, %lt3A_1219 : i32
      %convert_element_type3A_1221 = arith.extui %lt3A_1220 : i1 to i32
      %cond3A_1222 = arith.constant 0 : i32
      %cond3A_1223 = arith.cmpi ne, %convert_element_type3A_1221, %cond3A_1222 : i32
      scf.if %cond3A_1223 {
        %ge3A = arith.constant 2 : i32
        %ge3A_1620 = arith.cmpi sge, %add3A_832, %ge3A : i32
        %convert_element_type3A_1621 = arith.extui %ge3A_1620 : i1 to i32
        %cond3A_1622 = arith.constant 0 : i32
        %cond3A_1623 = arith.cmpi ne, %convert_element_type3A_1621, %cond3A_1622 : i32
        scf.if %cond3A_1623 {
          %dma_wait3A_1641 = arith.constant 0 : i32
          %dma_wait3A_1642 = tpu.memref_slice %arg7[%mul3A_2, %dma_wait3A_1641] : memref<8192x1024xf32, #tpu.memory_space<hbm>> -> memref<8x1024xf32, #tpu.memory_space<hbm>>
          %dma_wait3A_1643 = arith.constant 0 : i32
          %dma_wait3A_1644 = tpu.memref_slice %arg7[%mul3A_2, %dma_wait3A_1643] : memref<8192x1024xf32, #tpu.memory_space<hbm>> -> memref<8x1024xf32, #tpu.memory_space<hbm>>
          tpu.wait_dma2 semaphore(%arg27 : memref<!tpu.dma_semaphore, #tpu.memory_space<semaphore_mem>>) src(%arg9 : memref<8x1024xf32, #tpu.memory_space<vmem>>) dst(%dma_wait3A_1644 : memref<8x1024xf32, #tpu.memory_space<hbm>>)
        } else {
        }
        %add3A_1624 = arith.constant 2 : i32
        %add3A_1625 = arith.addi %add3A_832, %add3A_1624 : i32
        %mul3A_1626 = arith.constant 8 : i32
        %mul3A_1627 = arith.muli %add3A_1625, %mul3A_1626 : i32
        %add3A_1628 = arith.addi %rem3A_3, %mul3A_1627 : i32
        %dma_start3A_1629 = arith.constant 0 : i32
        %dma_start3A_1630 = tpu.memref_slice %arg3[%add3A_1628, %dma_start3A_1629] : memref<2048x1024xf32, #tpu.memory_space<hbm>> -> memref<8x1024xf32, #tpu.memory_space<hbm>>
        %dma_start3A_1631 = arith.constant 0 : i32
        %dma_start3A_1632 = tpu.memref_slice %arg3[%add3A_1628, %dma_start3A_1631] : memref<2048x1024xf32, #tpu.memory_space<hbm>> -> memref<8x1024xf32, #tpu.memory_space<hbm>>
        tpu.enqueue_dma source(%dma_start3A_1632 : memref<8x1024xf32, #tpu.memory_space<hbm>>) target(%arg13 : memref<8x1024xf32, #tpu.memory_space<vmem>>) target_semaphore(%arg19 : memref<!tpu.dma_semaphore, #tpu.memory_space<semaphore_mem>>)
        %add3A_1633 = arith.constant 2 : i32
        %add3A_1634 = arith.addi %add3A_832, %add3A_1633 : i32
        %mul3A_1635 = arith.constant 8 : i32
        %mul3A_1636 = arith.muli %add3A_1634, %mul3A_1635 : i32
        %dma_start3A_1637 = tpu.memref_slice %arg8[%mul3A_1636] : memref<256xi32, #tpu.memory_space<vmem>> -> memref<8xi32, #tpu.memory_space<vmem>>
        %dma_start3A_1638 = arith.constant 0 : i32
        %dma_start3A_1639 = arith.constant 0 : i32
        %dma_start3A_1640 = tpu.memref_slice %arg6[%dma_start3A_1638, %dma_start3A_1639] : memref<100000x1024xf32, #tpu.memory_space<hbm>> -> memref<100000x1024xf32, #tpu.memory_space<hbm>>
        tpu.enqueue_indirect_dma source(%dma_start3A_1640 : memref<100000x1024xf32, #tpu.memory_space<hbm>>) target(%arg9 : memref<8x1024xf32, #tpu.memory_space<vmem>>) offsets(%dma_start3A_1637 : memref<8xi32, #tpu.memory_space<vmem>>) semaphore(%arg23 : memref<!tpu.dma_semaphore, #tpu.memory_space<semaphore_mem>>)
      } else {
      }
      %mul3A_1224 = arith.constant 4 : i32
      %mul3A_1225 = arith.muli %scan3A_46, %mul3A_1224 : i32
      %add3A_1226 = arith.constant 3 : i32
      %add3A_1227 = arith.addi %mul3A_1225, %add3A_1226 : i32
      %mul3A_1228 = arith.constant 8 : i32
      %mul3A_1229 = arith.muli %add3A_1227, %mul3A_1228 : i32
      %dma_wait3A_1230 = tpu.memref_slice %arg8[%mul3A_1229] : memref<256xi32, #tpu.memory_space<vmem>> -> memref<8xi32, #tpu.memory_space<vmem>>
      %dma_wait3A_1231 = arith.constant 0 : i32
      %dma_wait3A_1232 = arith.constant 0 : i32
      %dma_wait3A_1233 = tpu.memref_slice %arg6[%dma_wait3A_1231, %dma_wait3A_1232] : memref<100000x1024xf32, #tpu.memory_space<hbm>> -> memref<100000x1024xf32, #tpu.memory_space<hbm>>
      tpu.wait_indirect_dma semaphore(%arg26 : memref<!tpu.dma_semaphore, #tpu.memory_space<semaphore_mem>>) src(%dma_wait3A_1233 : memref<100000x1024xf32, #tpu.memory_space<hbm>>) dst(%arg12 : memref<8x1024xf32, #tpu.memory_space<vmem>>)
      %dma_wait3A_1234 = arith.constant 0 : i32
      %dma_wait3A_1235 = arith.constant 0 : i32
      %dma_wait3A_1236 = tpu.memref_slice %arg3[%dma_wait3A_1234, %dma_wait3A_1235] : memref<2048x1024xf32, #tpu.memory_space<hbm>> -> memref<8x1024xf32, #tpu.memory_space<hbm>>
      %dma_wait3A_1237 = arith.constant 0 : i32
      %dma_wait3A_1238 = arith.constant 0 : i32
      %dma_wait3A_1239 = tpu.memref_slice %arg3[%dma_wait3A_1237, %dma_wait3A_1238] : memref<2048x1024xf32, #tpu.memory_space<hbm>> -> memref<8x1024xf32, #tpu.memory_space<hbm>>
      tpu.wait_dma2 semaphore(%arg22 : memref<!tpu.dma_semaphore, #tpu.memory_space<semaphore_mem>>) src(%dma_wait3A_1239 : memref<8x1024xf32, #tpu.memory_space<hbm>>) dst(%arg16 : memref<8x1024xf32, #tpu.memory_space<vmem>>)
      %broadcast_in_dim3A_1240 = arith.constant 0.000000e+00 : f32
      %broadcast_in_dim3A_1241 = vector.broadcast %broadcast_in_dim3A_1240 : f32 to vector<16xf32>
      %broadcast_in_dim3A_1242 = arith.constant 0.000000e+00 : f32
      %broadcast_in_dim3A_1243 = vector.broadcast %broadcast_in_dim3A_1242 : f32 to vector<16xf32>
      %broadcast_in_dim3A_1244 = arith.constant 0.000000e+00 : f32
      %broadcast_in_dim3A_1245 = vector.broadcast %broadcast_in_dim3A_1244 : f32 to vector<16xf32>
      %broadcast_in_dim3A_1246 = arith.constant 0.000000e+00 : f32
      %broadcast_in_dim3A_1247 = vector.broadcast %broadcast_in_dim3A_1246 : f32 to vector<16xf32>
      %broadcast_in_dim3A_1248 = arith.constant 0.000000e+00 : f32
      %broadcast_in_dim3A_1249 = vector.broadcast %broadcast_in_dim3A_1248 : f32 to vector<16xf32>
      %broadcast_in_dim3A_1250 = arith.constant 0.000000e+00 : f32
      %broadcast_in_dim3A_1251 = vector.broadcast %broadcast_in_dim3A_1250 : f32 to vector<16xf32>
      %broadcast_in_dim3A_1252 = arith.constant 0.000000e+00 : f32
      %broadcast_in_dim3A_1253 = vector.broadcast %broadcast_in_dim3A_1252 : f32 to vector<16xf32>
      %broadcast_in_dim3A_1254 = arith.constant 0.000000e+00 : f32
      %broadcast_in_dim3A_1255 = vector.broadcast %broadcast_in_dim3A_1254 : f32 to vector<16xf32>
      %scan3A_1256 = arith.constant 0 : i32
      %scan3A_1257 = arith.constant 64 : i32
      %scan3A_1258 = arith.addi %scan3A_1256, %scan3A_1257 : i32
      %scan3A_1259 = arith.constant 1 : i32
      %scan3A_1260:16 = scf.for %scan3A_1620 = %scan3A_1256 to %scan3A_1258 step %scan3A_1259 iter_args(%scan3A_1621 = %broadcast_in_dim3A_1241, %scan3A_1622 = %broadcast_in_dim3A_1243, %scan3A_1623 = %broadcast_in_dim3A_1245, %scan3A_1624 = %broadcast_in_dim3A_1247, %scan3A_1625 = %broadcast_in_dim3A_1249, %scan3A_1626 = %broadcast_in_dim3A_1251, %scan3A_1627 = %broadcast_in_dim3A_1253, %scan3A_1628 = %broadcast_in_dim3A_1255, %scan3A_1629 = %broadcast_in_dim3A_1241, %scan3A_1630 = %broadcast_in_dim3A_1243, %scan3A_1631 = %broadcast_in_dim3A_1245, %scan3A_1632 = %broadcast_in_dim3A_1247, %scan3A_1633 = %broadcast_in_dim3A_1249, %scan3A_1634 = %broadcast_in_dim3A_1251, %scan3A_1635 = %broadcast_in_dim3A_1253, %scan3A_1636 = %broadcast_in_dim3A_1255) -> (vector<16xf32>, vector<16xf32>, vector<16xf32>, vector<16xf32>, vector<16xf32>, vector<16xf32>, vector<16xf32>, vector<16xf32>, vector<16xf32>, vector<16xf32>, vector<16xf32>, vector<16xf32>, vector<16xf32>, vector<16xf32>, vector<16xf32>, vector<16xf32>)  : i32 {
        %mul3A_1637 = arith.constant 1 : i32
        %mul3A_1638 = arith.muli %scan3A_1620, %mul3A_1637 : i32
        %add3A_1639 = arith.constant 0 : i32
        %add3A_1640 = arith.addi %mul3A_1638, %add3A_1639 : i32
        %mul3A_1641 = arith.constant 16 : i32
        %mul3A_1642 = arith.muli %add3A_1640, %mul3A_1641 : i32
        %get3A = arith.constant 0 : i32
        %get3A_1643 = arith.index_cast %get3A : i32 to index
        %get3A_1644 = arith.index_cast %mul3A_1642 : i32 to index
        %get3A_1645 = tpu.vector_load %arg12[%get3A_1643, %get3A_1644] {strides = array<i32>} : memref<8x1024xf32, #tpu.memory_space<vmem>>, vector<16xf32>,
        %get3A_1646 = arith.constant 0 : i32
        %get3A_1647 = arith.index_cast %get3A_1646 : i32 to index
        %get3A_1648 = arith.index_cast %mul3A_1642 : i32 to index
        %get3A_1649 = tpu.vector_load %arg16[%get3A_1647, %get3A_1648] {strides = array<i32>} : memref<8x1024xf32, #tpu.memory_space<vmem>>, vector<16xf32>,
        %add3A_1650 = arith.addf %get3A_1645, %get3A_1649 : vector<16xf32>
        %add3A_1651 = arith.addf %scan3A_1621, %add3A_1650 : vector<16xf32>
        %mul3A_1652 = arith.mulf %add3A_1650, %add3A_1650 : vector<16xf32>
        %add3A_1653 = arith.addf %scan3A_1629, %mul3A_1652 : vector<16xf32>
        %get3A_1654 = arith.constant 1 : i32
        %get3A_1655 = arith.index_cast %get3A_1654 : i32 to index
        %get3A_1656 = arith.index_cast %mul3A_1642 : i32 to index
        %get3A_1657 = tpu.vector_load %arg12[%get3A_1655, %get3A_1656] {strides = array<i32>} : memref<8x1024xf32, #tpu.memory_space<vmem>>, vector<16xf32>,
        %get3A_1658 = arith.constant 1 : i32
        %get3A_1659 = arith.index_cast %get3A_1658 : i32 to index
        %get3A_1660 = arith.index_cast %mul3A_1642 : i32 to index
        %get3A_1661 = tpu.vector_load %arg16[%get3A_1659, %get3A_1660] {strides = array<i32>} : memref<8x1024xf32, #tpu.memory_space<vmem>>, vector<16xf32>,
        %add3A_1662 = arith.addf %get3A_1657, %get3A_1661 : vector<16xf32>
        %add3A_1663 = arith.addf %scan3A_1622, %add3A_1662 : vector<16xf32>
        %mul3A_1664 = arith.mulf %add3A_1662, %add3A_1662 : vector<16xf32>
        %add3A_1665 = arith.addf %scan3A_1630, %mul3A_1664 : vector<16xf32>
        %get3A_1666 = arith.constant 2 : i32
        %get3A_1667 = arith.index_cast %get3A_1666 : i32 to index
        %get3A_1668 = arith.index_cast %mul3A_1642 : i32 to index
        %get3A_1669 = tpu.vector_load %arg12[%get3A_1667, %get3A_1668] {strides = array<i32>} : memref<8x1024xf32, #tpu.memory_space<vmem>>, vector<16xf32>,
        %get3A_1670 = arith.constant 2 : i32
        %get3A_1671 = arith.index_cast %get3A_1670 : i32 to index
        %get3A_1672 = arith.index_cast %mul3A_1642 : i32 to index
        %get3A_1673 = tpu.vector_load %arg16[%get3A_1671, %get3A_1672] {strides = array<i32>} : memref<8x1024xf32, #tpu.memory_space<vmem>>, vector<16xf32>,
        %add3A_1674 = arith.addf %get3A_1669, %get3A_1673 : vector<16xf32>
        %add3A_1675 = arith.addf %scan3A_1623, %add3A_1674 : vector<16xf32>
        %mul3A_1676 = arith.mulf %add3A_1674, %add3A_1674 : vector<16xf32>
        %add3A_1677 = arith.addf %scan3A_1631, %mul3A_1676 : vector<16xf32>
        %get3A_1678 = arith.constant 3 : i32
        %get3A_1679 = arith.index_cast %get3A_1678 : i32 to index
        %get3A_1680 = arith.index_cast %mul3A_1642 : i32 to index
        %get3A_1681 = tpu.vector_load %arg12[%get3A_1679, %get3A_1680] {strides = array<i32>} : memref<8x1024xf32, #tpu.memory_space<vmem>>, vector<16xf32>,
        %get3A_1682 = arith.constant 3 : i32
        %get3A_1683 = arith.index_cast %get3A_1682 : i32 to index
        %get3A_1684 = arith.index_cast %mul3A_1642 : i32 to index
        %get3A_1685 = tpu.vector_load %arg16[%get3A_1683, %get3A_1684] {strides = array<i32>} : memref<8x1024xf32, #tpu.memory_space<vmem>>, vector<16xf32>,
        %add3A_1686 = arith.addf %get3A_1681, %get3A_1685 : vector<16xf32>
        %add3A_1687 = arith.addf %scan3A_1624, %add3A_1686 : vector<16xf32>
        %mul3A_1688 = arith.mulf %add3A_1686, %add3A_1686 : vector<16xf32>
        %add3A_1689 = arith.addf %scan3A_1632, %mul3A_1688 : vector<16xf32>
        %get3A_1690 = arith.constant 4 : i32
        %get3A_1691 = arith.index_cast %get3A_1690 : i32 to index
        %get3A_1692 = arith.index_cast %mul3A_1642 : i32 to index
        %get3A_1693 = tpu.vector_load %arg12[%get3A_1691, %get3A_1692] {strides = array<i32>} : memref<8x1024xf32, #tpu.memory_space<vmem>>, vector<16xf32>,
        %get3A_1694 = arith.constant 4 : i32
        %get3A_1695 = arith.index_cast %get3A_1694 : i32 to index
        %get3A_1696 = arith.index_cast %mul3A_1642 : i32 to index
        %get3A_1697 = tpu.vector_load %arg16[%get3A_1695, %get3A_1696] {strides = array<i32>} : memref<8x1024xf32, #tpu.memory_space<vmem>>, vector<16xf32>,
        %add3A_1698 = arith.addf %get3A_1693, %get3A_1697 : vector<16xf32>
        %add3A_1699 = arith.addf %scan3A_1625, %add3A_1698 : vector<16xf32>
        %mul3A_1700 = arith.mulf %add3A_1698, %add3A_1698 : vector<16xf32>
        %add3A_1701 = arith.addf %scan3A_1633, %mul3A_1700 : vector<16xf32>
        %get3A_1702 = arith.constant 5 : i32
        %get3A_1703 = arith.index_cast %get3A_1702 : i32 to index
        %get3A_1704 = arith.index_cast %mul3A_1642 : i32 to index
        %get3A_1705 = tpu.vector_load %arg12[%get3A_1703, %get3A_1704] {strides = array<i32>} : memref<8x1024xf32, #tpu.memory_space<vmem>>, vector<16xf32>,
        %get3A_1706 = arith.constant 5 : i32
        %get3A_1707 = arith.index_cast %get3A_1706 : i32 to index
        %get3A_1708 = arith.index_cast %mul3A_1642 : i32 to index
        %get3A_1709 = tpu.vector_load %arg16[%get3A_1707, %get3A_1708] {strides = array<i32>} : memref<8x1024xf32, #tpu.memory_space<vmem>>, vector<16xf32>,
        %add3A_1710 = arith.addf %get3A_1705, %get3A_1709 : vector<16xf32>
        %add3A_1711 = arith.addf %scan3A_1626, %add3A_1710 : vector<16xf32>
        %mul3A_1712 = arith.mulf %add3A_1710, %add3A_1710 : vector<16xf32>
        %add3A_1713 = arith.addf %scan3A_1634, %mul3A_1712 : vector<16xf32>
        %get3A_1714 = arith.constant 6 : i32
        %get3A_1715 = arith.index_cast %get3A_1714 : i32 to index
        %get3A_1716 = arith.index_cast %mul3A_1642 : i32 to index
        %get3A_1717 = tpu.vector_load %arg12[%get3A_1715, %get3A_1716] {strides = array<i32>} : memref<8x1024xf32, #tpu.memory_space<vmem>>, vector<16xf32>,
        %get3A_1718 = arith.constant 6 : i32
        %get3A_1719 = arith.index_cast %get3A_1718 : i32 to index
        %get3A_1720 = arith.index_cast %mul3A_1642 : i32 to index
        %get3A_1721 = tpu.vector_load %arg16[%get3A_1719, %get3A_1720] {strides = array<i32>} : memref<8x1024xf32, #tpu.memory_space<vmem>>, vector<16xf32>,
        %add3A_1722 = arith.addf %get3A_1717, %get3A_1721 : vector<16xf32>
        %add3A_1723 = arith.addf %scan3A_1627, %add3A_1722 : vector<16xf32>
        %mul3A_1724 = arith.mulf %add3A_1722, %add3A_1722 : vector<16xf32>
        %add3A_1725 = arith.addf %scan3A_1635, %mul3A_1724 : vector<16xf32>
        %get3A_1726 = arith.constant 7 : i32
        %get3A_1727 = arith.index_cast %get3A_1726 : i32 to index
        %get3A_1728 = arith.index_cast %mul3A_1642 : i32 to index
        %get3A_1729 = tpu.vector_load %arg12[%get3A_1727, %get3A_1728] {strides = array<i32>} : memref<8x1024xf32, #tpu.memory_space<vmem>>, vector<16xf32>,
        %get3A_1730 = arith.constant 7 : i32
        %get3A_1731 = arith.index_cast %get3A_1730 : i32 to index
        %get3A_1732 = arith.index_cast %mul3A_1642 : i32 to index
        %get3A_1733 = tpu.vector_load %arg16[%get3A_1731, %get3A_1732] {strides = array<i32>} : memref<8x1024xf32, #tpu.memory_space<vmem>>, vector<16xf32>,
        %add3A_1734 = arith.addf %get3A_1729, %get3A_1733 : vector<16xf32>
        %add3A_1735 = arith.addf %scan3A_1628, %add3A_1734 : vector<16xf32>
        %mul3A_1736 = arith.mulf %add3A_1734, %add3A_1734 : vector<16xf32>
        %add3A_1737 = arith.addf %scan3A_1636, %mul3A_1736 : vector<16xf32>
        scf.yield %add3A_1651, %add3A_1663, %add3A_1675, %add3A_1687, %add3A_1699, %add3A_1711, %add3A_1723, %add3A_1735, %add3A_1653, %add3A_1665, %add3A_1677, %add3A_1689, %add3A_1701, %add3A_1713, %add3A_1725, %add3A_1737 : vector<16xf32>, vector<16xf32>, vector<16xf32>, vector<16xf32>, vector<16xf32>, vector<16xf32>, vector<16xf32>, vector<16xf32>, vector<16xf32>, vector<16xf32>, vector<16xf32>, vector<16xf32>, vector<16xf32>, vector<16xf32>, vector<16xf32>, vector<16xf32>
      }
      %scan3A_1261 = arith.constant 64 : i32
      %reduce_sum3A_1262 = arith.constant true
      %reduce_sum3A_1263 = vector.broadcast %reduce_sum3A_1262 : i1 to vector<16xi1>
      %reduce_sum3A_1264 = tpu.scan <sum>, %scan3A_1260#0 masked %reduce_sum3A_1263 : vector<16xf32>, vector<16xi1> -> vector<16xf32>
      %reduce_sum3A_1265 = vector.extract %reduce_sum3A_1264[15] : f32 from vector<16xf32>
      %reduce_sum3A_1266 = arith.constant true
      %reduce_sum3A_1267 = vector.broadcast %reduce_sum3A_1266 : i1 to vector<16xi1>
      %reduce_sum3A_1268 = tpu.scan <sum>, %scan3A_1260#8 masked %reduce_sum3A_1267 : vector<16xf32>, vector<16xi1> -> vector<16xf32>
      %reduce_sum3A_1269 = vector.extract %reduce_sum3A_1268[15] : f32 from vector<16xf32>
      %mul3A_1270 = arith.constant 3.125000e-02 : f32
      %mul3A_1271 = arith.mulf %reduce_sum3A_1265, %mul3A_1270 : f32
      %mul3A_1272 = arith.mulf %mul3A_1271, %mul3A_1271 : f32
      %sub3A_1273 = arith.subf %reduce_sum3A_1269, %mul3A_1272 : f32
      %add3A_1274 = arith.constant 9.99999974E-6 : f32
      %add3A_1275 = arith.addf %sub3A_1273, %add3A_1274 : f32
      %bitcast_convert_type3A_1276 = arith.bitcast %add3A_1275 : f32 to i32
      %shift_right_logical3A_1277 = arith.constant 1 : i32
      %shift_right_logical3A_1278 = arith.shrui %bitcast_convert_type3A_1276, %shift_right_logical3A_1277 : i32
      %sub3A_1279 = arith.constant 1597463007 : i32
      %sub3A_1280 = arith.subi %sub3A_1279, %shift_right_logical3A_1278 : i32
      %bitcast_convert_type3A_1281 = arith.bitcast %sub3A_1280 : i32 to f32
      %mul3A_1282 = arith.constant 5.000000e-01 : f32
      %mul3A_1283 = arith.mulf %mul3A_1282, %add3A_1275 : f32
      %mul3A_1284 = arith.mulf %mul3A_1283, %bitcast_convert_type3A_1281 : f32
      %mul3A_1285 = arith.mulf %mul3A_1284, %bitcast_convert_type3A_1281 : f32
      %sub3A_1286 = arith.constant 1.500000e+00 : f32
      %sub3A_1287 = arith.subf %sub3A_1286, %mul3A_1285 : f32
      %mul3A_1288 = arith.mulf %bitcast_convert_type3A_1281, %sub3A_1287 : f32
      %mul3A_1289 = arith.mulf %mul3A_1283, %mul3A_1288 : f32
      %mul3A_1290 = arith.mulf %mul3A_1289, %mul3A_1288 : f32
      %sub3A_1291 = arith.constant 1.500000e+00 : f32
      %sub3A_1292 = arith.subf %sub3A_1291, %mul3A_1290 : f32
      %mul3A_1293 = arith.mulf %mul3A_1288, %sub3A_1292 : f32
      %mul3A_1294 = arith.mulf %mul3A_1283, %mul3A_1293 : f32
      %mul3A_1295 = arith.mulf %mul3A_1294, %mul3A_1293 : f32
      %sub3A_1296 = arith.constant 1.500000e+00 : f32
      %sub3A_1297 = arith.subf %sub3A_1296, %mul3A_1295 : f32
      %mul3A_1298 = arith.mulf %mul3A_1293, %sub3A_1297 : f32
      %mul3A_1299 = arith.constant 3.200000e+01 : f32
      %mul3A_1300 = arith.mulf %mul3A_1298, %mul3A_1299 : f32
      %neg3A_1301 = arith.constant 0.000000e+00 : f32
      %neg3A_1302 = arith.subf %neg3A_1301, %mul3A_1271 : f32
      %mul3A_1303 = arith.mulf %neg3A_1302, %mul3A_1298 : f32
      %reduce_sum3A_1304 = arith.constant true
      %reduce_sum3A_1305 = vector.broadcast %reduce_sum3A_1304 : i1 to vector<16xi1>
      %reduce_sum3A_1306 = tpu.scan <sum>, %scan3A_1260#1 masked %reduce_sum3A_1305 : vector<16xf32>, vector<16xi1> -> vector<16xf32>
      %reduce_sum3A_1307 = vector.extract %reduce_sum3A_1306[15] : f32 from vector<16xf32>
      %reduce_sum3A_1308 = arith.constant true
      %reduce_sum3A_1309 = vector.broadcast %reduce_sum3A_1308 : i1 to vector<16xi1>
      %reduce_sum3A_1310 = tpu.scan <sum>, %scan3A_1260#9 masked %reduce_sum3A_1309 : vector<16xf32>, vector<16xi1> -> vector<16xf32>
      %reduce_sum3A_1311 = vector.extract %reduce_sum3A_1310[15] : f32 from vector<16xf32>
      %mul3A_1312 = arith.constant 3.125000e-02 : f32
      %mul3A_1313 = arith.mulf %reduce_sum3A_1307, %mul3A_1312 : f32
      %mul3A_1314 = arith.mulf %mul3A_1313, %mul3A_1313 : f32
      %sub3A_1315 = arith.subf %reduce_sum3A_1311, %mul3A_1314 : f32
      %add3A_1316 = arith.constant 9.99999974E-6 : f32
      %add3A_1317 = arith.addf %sub3A_1315, %add3A_1316 : f32
      %bitcast_convert_type3A_1318 = arith.bitcast %add3A_1317 : f32 to i32
      %shift_right_logical3A_1319 = arith.constant 1 : i32
      %shift_right_logical3A_1320 = arith.shrui %bitcast_convert_type3A_1318, %shift_right_logical3A_1319 : i32
      %sub3A_1321 = arith.constant 1597463007 : i32
      %sub3A_1322 = arith.subi %sub3A_1321, %shift_right_logical3A_1320 : i32
      %bitcast_convert_type3A_1323 = arith.bitcast %sub3A_1322 : i32 to f32
      %mul3A_1324 = arith.constant 5.000000e-01 : f32
      %mul3A_1325 = arith.mulf %mul3A_1324, %add3A_1317 : f32
      %mul3A_1326 = arith.mulf %mul3A_1325, %bitcast_convert_type3A_1323 : f32
      %mul3A_1327 = arith.mulf %mul3A_1326, %bitcast_convert_type3A_1323 : f32
      %sub3A_1328 = arith.constant 1.500000e+00 : f32
      %sub3A_1329 = arith.subf %sub3A_1328, %mul3A_1327 : f32
      %mul3A_1330 = arith.mulf %bitcast_convert_type3A_1323, %sub3A_1329 : f32
      %mul3A_1331 = arith.mulf %mul3A_1325, %mul3A_1330 : f32
      %mul3A_1332 = arith.mulf %mul3A_1331, %mul3A_1330 : f32
      %sub3A_1333 = arith.constant 1.500000e+00 : f32
      %sub3A_1334 = arith.subf %sub3A_1333, %mul3A_1332 : f32
      %mul3A_1335 = arith.mulf %mul3A_1330, %sub3A_1334 : f32
      %mul3A_1336 = arith.mulf %mul3A_1325, %mul3A_1335 : f32
      %mul3A_1337 = arith.mulf %mul3A_1336, %mul3A_1335 : f32
      %sub3A_1338 = arith.constant 1.500000e+00 : f32
      %sub3A_1339 = arith.subf %sub3A_1338, %mul3A_1337 : f32
      %mul3A_1340 = arith.mulf %mul3A_1335, %sub3A_1339 : f32
      %mul3A_1341 = arith.constant 3.200000e+01 : f32
      %mul3A_1342 = arith.mulf %mul3A_1340, %mul3A_1341 : f32
      %neg3A_1343 = arith.constant 0.000000e+00 : f32
      %neg3A_1344 = arith.subf %neg3A_1343, %mul3A_1313 : f32
      %mul3A_1345 = arith.mulf %neg3A_1344, %mul3A_1340 : f32
      %reduce_sum3A_1346 = arith.constant true
      %reduce_sum3A_1347 = vector.broadcast %reduce_sum3A_1346 : i1 to vector<16xi1>
      %reduce_sum3A_1348 = tpu.scan <sum>, %scan3A_1260#2 masked %reduce_sum3A_1347 : vector<16xf32>, vector<16xi1> -> vector<16xf32>
      %reduce_sum3A_1349 = vector.extract %reduce_sum3A_1348[15] : f32 from vector<16xf32>
      %reduce_sum3A_1350 = arith.constant true
      %reduce_sum3A_1351 = vector.broadcast %reduce_sum3A_1350 : i1 to vector<16xi1>
      %reduce_sum3A_1352 = tpu.scan <sum>, %scan3A_1260#10 masked %reduce_sum3A_1351 : vector<16xf32>, vector<16xi1> -> vector<16xf32>
      %reduce_sum3A_1353 = vector.extract %reduce_sum3A_1352[15] : f32 from vector<16xf32>
      %mul3A_1354 = arith.constant 3.125000e-02 : f32
      %mul3A_1355 = arith.mulf %reduce_sum3A_1349, %mul3A_1354 : f32
      %mul3A_1356 = arith.mulf %mul3A_1355, %mul3A_1355 : f32
      %sub3A_1357 = arith.subf %reduce_sum3A_1353, %mul3A_1356 : f32
      %add3A_1358 = arith.constant 9.99999974E-6 : f32
      %add3A_1359 = arith.addf %sub3A_1357, %add3A_1358 : f32
      %bitcast_convert_type3A_1360 = arith.bitcast %add3A_1359 : f32 to i32
      %shift_right_logical3A_1361 = arith.constant 1 : i32
      %shift_right_logical3A_1362 = arith.shrui %bitcast_convert_type3A_1360, %shift_right_logical3A_1361 : i32
      %sub3A_1363 = arith.constant 1597463007 : i32
      %sub3A_1364 = arith.subi %sub3A_1363, %shift_right_logical3A_1362 : i32
      %bitcast_convert_type3A_1365 = arith.bitcast %sub3A_1364 : i32 to f32
      %mul3A_1366 = arith.constant 5.000000e-01 : f32
      %mul3A_1367 = arith.mulf %mul3A_1366, %add3A_1359 : f32
      %mul3A_1368 = arith.mulf %mul3A_1367, %bitcast_convert_type3A_1365 : f32
      %mul3A_1369 = arith.mulf %mul3A_1368, %bitcast_convert_type3A_1365 : f32
      %sub3A_1370 = arith.constant 1.500000e+00 : f32
      %sub3A_1371 = arith.subf %sub3A_1370, %mul3A_1369 : f32
      %mul3A_1372 = arith.mulf %bitcast_convert_type3A_1365, %sub3A_1371 : f32
      %mul3A_1373 = arith.mulf %mul3A_1367, %mul3A_1372 : f32
      %mul3A_1374 = arith.mulf %mul3A_1373, %mul3A_1372 : f32
      %sub3A_1375 = arith.constant 1.500000e+00 : f32
      %sub3A_1376 = arith.subf %sub3A_1375, %mul3A_1374 : f32
      %mul3A_1377 = arith.mulf %mul3A_1372, %sub3A_1376 : f32
      %mul3A_1378 = arith.mulf %mul3A_1367, %mul3A_1377 : f32
      %mul3A_1379 = arith.mulf %mul3A_1378, %mul3A_1377 : f32
      %sub3A_1380 = arith.constant 1.500000e+00 : f32
      %sub3A_1381 = arith.subf %sub3A_1380, %mul3A_1379 : f32
      %mul3A_1382 = arith.mulf %mul3A_1377, %sub3A_1381 : f32
      %mul3A_1383 = arith.constant 3.200000e+01 : f32
      %mul3A_1384 = arith.mulf %mul3A_1382, %mul3A_1383 : f32
      %neg3A_1385 = arith.constant 0.000000e+00 : f32
      %neg3A_1386 = arith.subf %neg3A_1385, %mul3A_1355 : f32
      %mul3A_1387 = arith.mulf %neg3A_1386, %mul3A_1382 : f32
      %reduce_sum3A_1388 = arith.constant true
      %reduce_sum3A_1389 = vector.broadcast %reduce_sum3A_1388 : i1 to vector<16xi1>
      %reduce_sum3A_1390 = tpu.scan <sum>, %scan3A_1260#3 masked %reduce_sum3A_1389 : vector<16xf32>, vector<16xi1> -> vector<16xf32>
      %reduce_sum3A_1391 = vector.extract %reduce_sum3A_1390[15] : f32 from vector<16xf32>
      %reduce_sum3A_1392 = arith.constant true
      %reduce_sum3A_1393 = vector.broadcast %reduce_sum3A_1392 : i1 to vector<16xi1>
      %reduce_sum3A_1394 = tpu.scan <sum>, %scan3A_1260#11 masked %reduce_sum3A_1393 : vector<16xf32>, vector<16xi1> -> vector<16xf32>
      %reduce_sum3A_1395 = vector.extract %reduce_sum3A_1394[15] : f32 from vector<16xf32>
      %mul3A_1396 = arith.constant 3.125000e-02 : f32
      %mul3A_1397 = arith.mulf %reduce_sum3A_1391, %mul3A_1396 : f32
      %mul3A_1398 = arith.mulf %mul3A_1397, %mul3A_1397 : f32
      %sub3A_1399 = arith.subf %reduce_sum3A_1395, %mul3A_1398 : f32
      %add3A_1400 = arith.constant 9.99999974E-6 : f32
      %add3A_1401 = arith.addf %sub3A_1399, %add3A_1400 : f32
      %bitcast_convert_type3A_1402 = arith.bitcast %add3A_1401 : f32 to i32
      %shift_right_logical3A_1403 = arith.constant 1 : i32
      %shift_right_logical3A_1404 = arith.shrui %bitcast_convert_type3A_1402, %shift_right_logical3A_1403 : i32
      %sub3A_1405 = arith.constant 1597463007 : i32
      %sub3A_1406 = arith.subi %sub3A_1405, %shift_right_logical3A_1404 : i32
      %bitcast_convert_type3A_1407 = arith.bitcast %sub3A_1406 : i32 to f32
      %mul3A_1408 = arith.constant 5.000000e-01 : f32
      %mul3A_1409 = arith.mulf %mul3A_1408, %add3A_1401 : f32
      %mul3A_1410 = arith.mulf %mul3A_1409, %bitcast_convert_type3A_1407 : f32
      %mul3A_1411 = arith.mulf %mul3A_1410, %bitcast_convert_type3A_1407 : f32
      %sub3A_1412 = arith.constant 1.500000e+00 : f32
      %sub3A_1413 = arith.subf %sub3A_1412, %mul3A_1411 : f32
      %mul3A_1414 = arith.mulf %bitcast_convert_type3A_1407, %sub3A_1413 : f32
      %mul3A_1415 = arith.mulf %mul3A_1409, %mul3A_1414 : f32
      %mul3A_1416 = arith.mulf %mul3A_1415, %mul3A_1414 : f32
      %sub3A_1417 = arith.constant 1.500000e+00 : f32
      %sub3A_1418 = arith.subf %sub3A_1417, %mul3A_1416 : f32
      %mul3A_1419 = arith.mulf %mul3A_1414, %sub3A_1418 : f32
      %mul3A_1420 = arith.mulf %mul3A_1409, %mul3A_1419 : f32
      %mul3A_1421 = arith.mulf %mul3A_1420, %mul3A_1419 : f32
      %sub3A_1422 = arith.constant 1.500000e+00 : f32
      %sub3A_1423 = arith.subf %sub3A_1422, %mul3A_1421 : f32
      %mul3A_1424 = arith.mulf %mul3A_1419, %sub3A_1423 : f32
      %mul3A_1425 = arith.constant 3.200000e+01 : f32
      %mul3A_1426 = arith.mulf %mul3A_1424, %mul3A_1425 : f32
      %neg3A_1427 = arith.constant 0.000000e+00 : f32
      %neg3A_1428 = arith.subf %neg3A_1427, %mul3A_1397 : f32
      %mul3A_1429 = arith.mulf %neg3A_1428, %mul3A_1424 : f32
      %reduce_sum3A_1430 = arith.constant true
      %reduce_sum3A_1431 = vector.broadcast %reduce_sum3A_1430 : i1 to vector<16xi1>
      %reduce_sum3A_1432 = tpu.scan <sum>, %scan3A_1260#4 masked %reduce_sum3A_1431 : vector<16xf32>, vector<16xi1> -> vector<16xf32>
      %reduce_sum3A_1433 = vector.extract %reduce_sum3A_1432[15] : f32 from vector<16xf32>
      %reduce_sum3A_1434 = arith.constant true
      %reduce_sum3A_1435 = vector.broadcast %reduce_sum3A_1434 : i1 to vector<16xi1>
      %reduce_sum3A_1436 = tpu.scan <sum>, %scan3A_1260#12 masked %reduce_sum3A_1435 : vector<16xf32>, vector<16xi1> -> vector<16xf32>
      %reduce_sum3A_1437 = vector.extract %reduce_sum3A_1436[15] : f32 from vector<16xf32>
      %mul3A_1438 = arith.constant 3.125000e-02 : f32
      %mul3A_1439 = arith.mulf %reduce_sum3A_1433, %mul3A_1438 : f32
      %mul3A_1440 = arith.mulf %mul3A_1439, %mul3A_1439 : f32
      %sub3A_1441 = arith.subf %reduce_sum3A_1437, %mul3A_1440 : f32
      %add3A_1442 = arith.constant 9.99999974E-6 : f32
      %add3A_1443 = arith.addf %sub3A_1441, %add3A_1442 : f32
      %bitcast_convert_type3A_1444 = arith.bitcast %add3A_1443 : f32 to i32
      %shift_right_logical3A_1445 = arith.constant 1 : i32
      %shift_right_logical3A_1446 = arith.shrui %bitcast_convert_type3A_1444, %shift_right_logical3A_1445 : i32
      %sub3A_1447 = arith.constant 1597463007 : i32
      %sub3A_1448 = arith.subi %sub3A_1447, %shift_right_logical3A_1446 : i32
      %bitcast_convert_type3A_1449 = arith.bitcast %sub3A_1448 : i32 to f32
      %mul3A_1450 = arith.constant 5.000000e-01 : f32
      %mul3A_1451 = arith.mulf %mul3A_1450, %add3A_1443 : f32
      %mul3A_1452 = arith.mulf %mul3A_1451, %bitcast_convert_type3A_1449 : f32
      %mul3A_1453 = arith.mulf %mul3A_1452, %bitcast_convert_type3A_1449 : f32
      %sub3A_1454 = arith.constant 1.500000e+00 : f32
      %sub3A_1455 = arith.subf %sub3A_1454, %mul3A_1453 : f32
      %mul3A_1456 = arith.mulf %bitcast_convert_type3A_1449, %sub3A_1455 : f32
      %mul3A_1457 = arith.mulf %mul3A_1451, %mul3A_1456 : f32
      %mul3A_1458 = arith.mulf %mul3A_1457, %mul3A_1456 : f32
      %sub3A_1459 = arith.constant 1.500000e+00 : f32
      %sub3A_1460 = arith.subf %sub3A_1459, %mul3A_1458 : f32
      %mul3A_1461 = arith.mulf %mul3A_1456, %sub3A_1460 : f32
      %mul3A_1462 = arith.mulf %mul3A_1451, %mul3A_1461 : f32
      %mul3A_1463 = arith.mulf %mul3A_1462, %mul3A_1461 : f32
      %sub3A_1464 = arith.constant 1.500000e+00 : f32
      %sub3A_1465 = arith.subf %sub3A_1464, %mul3A_1463 : f32
      %mul3A_1466 = arith.mulf %mul3A_1461, %sub3A_1465 : f32
      %mul3A_1467 = arith.constant 3.200000e+01 : f32
      %mul3A_1468 = arith.mulf %mul3A_1466, %mul3A_1467 : f32
      %neg3A_1469 = arith.constant 0.000000e+00 : f32
      %neg3A_1470 = arith.subf %neg3A_1469, %mul3A_1439 : f32
      %mul3A_1471 = arith.mulf %neg3A_1470, %mul3A_1466 : f32
      %reduce_sum3A_1472 = arith.constant true
      %reduce_sum3A_1473 = vector.broadcast %reduce_sum3A_1472 : i1 to vector<16xi1>
      %reduce_sum3A_1474 = tpu.scan <sum>, %scan3A_1260#5 masked %reduce_sum3A_1473 : vector<16xf32>, vector<16xi1> -> vector<16xf32>
      %reduce_sum3A_1475 = vector.extract %reduce_sum3A_1474[15] : f32 from vector<16xf32>
      %reduce_sum3A_1476 = arith.constant true
      %reduce_sum3A_1477 = vector.broadcast %reduce_sum3A_1476 : i1 to vector<16xi1>
      %reduce_sum3A_1478 = tpu.scan <sum>, %scan3A_1260#13 masked %reduce_sum3A_1477 : vector<16xf32>, vector<16xi1> -> vector<16xf32>
      %reduce_sum3A_1479 = vector.extract %reduce_sum3A_1478[15] : f32 from vector<16xf32>
      %mul3A_1480 = arith.constant 3.125000e-02 : f32
      %mul3A_1481 = arith.mulf %reduce_sum3A_1475, %mul3A_1480 : f32
      %mul3A_1482 = arith.mulf %mul3A_1481, %mul3A_1481 : f32
      %sub3A_1483 = arith.subf %reduce_sum3A_1479, %mul3A_1482 : f32
      %add3A_1484 = arith.constant 9.99999974E-6 : f32
      %add3A_1485 = arith.addf %sub3A_1483, %add3A_1484 : f32
      %bitcast_convert_type3A_1486 = arith.bitcast %add3A_1485 : f32 to i32
      %shift_right_logical3A_1487 = arith.constant 1 : i32
      %shift_right_logical3A_1488 = arith.shrui %bitcast_convert_type3A_1486, %shift_right_logical3A_1487 : i32
      %sub3A_1489 = arith.constant 1597463007 : i32
      %sub3A_1490 = arith.subi %sub3A_1489, %shift_right_logical3A_1488 : i32
      %bitcast_convert_type3A_1491 = arith.bitcast %sub3A_1490 : i32 to f32
      %mul3A_1492 = arith.constant 5.000000e-01 : f32
      %mul3A_1493 = arith.mulf %mul3A_1492, %add3A_1485 : f32
      %mul3A_1494 = arith.mulf %mul3A_1493, %bitcast_convert_type3A_1491 : f32
      %mul3A_1495 = arith.mulf %mul3A_1494, %bitcast_convert_type3A_1491 : f32
      %sub3A_1496 = arith.constant 1.500000e+00 : f32
      %sub3A_1497 = arith.subf %sub3A_1496, %mul3A_1495 : f32
      %mul3A_1498 = arith.mulf %bitcast_convert_type3A_1491, %sub3A_1497 : f32
      %mul3A_1499 = arith.mulf %mul3A_1493, %mul3A_1498 : f32
      %mul3A_1500 = arith.mulf %mul3A_1499, %mul3A_1498 : f32
      %sub3A_1501 = arith.constant 1.500000e+00 : f32
      %sub3A_1502 = arith.subf %sub3A_1501, %mul3A_1500 : f32
      %mul3A_1503 = arith.mulf %mul3A_1498, %sub3A_1502 : f32
      %mul3A_1504 = arith.mulf %mul3A_1493, %mul3A_1503 : f32
      %mul3A_1505 = arith.mulf %mul3A_1504, %mul3A_1503 : f32
      %sub3A_1506 = arith.constant 1.500000e+00 : f32
      %sub3A_1507 = arith.subf %sub3A_1506, %mul3A_1505 : f32
      %mul3A_1508 = arith.mulf %mul3A_1503, %sub3A_1507 : f32
      %mul3A_1509 = arith.constant 3.200000e+01 : f32
      %mul3A_1510 = arith.mulf %mul3A_1508, %mul3A_1509 : f32
      %neg3A_1511 = arith.constant 0.000000e+00 : f32
      %neg3A_1512 = arith.subf %neg3A_1511, %mul3A_1481 : f32
      %mul3A_1513 = arith.mulf %neg3A_1512, %mul3A_1508 : f32
      %reduce_sum3A_1514 = arith.constant true
      %reduce_sum3A_1515 = vector.broadcast %reduce_sum3A_1514 : i1 to vector<16xi1>
      %reduce_sum3A_1516 = tpu.scan <sum>, %scan3A_1260#6 masked %reduce_sum3A_1515 : vector<16xf32>, vector<16xi1> -> vector<16xf32>
      %reduce_sum3A_1517 = vector.extract %reduce_sum3A_1516[15] : f32 from vector<16xf32>
      %reduce_sum3A_1518 = arith.constant true
      %reduce_sum3A_1519 = vector.broadcast %reduce_sum3A_1518 : i1 to vector<16xi1>
      %reduce_sum3A_1520 = tpu.scan <sum>, %scan3A_1260#14 masked %reduce_sum3A_1519 : vector<16xf32>, vector<16xi1> -> vector<16xf32>
      %reduce_sum3A_1521 = vector.extract %reduce_sum3A_1520[15] : f32 from vector<16xf32>
      %mul3A_1522 = arith.constant 3.125000e-02 : f32
      %mul3A_1523 = arith.mulf %reduce_sum3A_1517, %mul3A_1522 : f32
      %mul3A_1524 = arith.mulf %mul3A_1523, %mul3A_1523 : f32
      %sub3A_1525 = arith.subf %reduce_sum3A_1521, %mul3A_1524 : f32
      %add3A_1526 = arith.constant 9.99999974E-6 : f32
      %add3A_1527 = arith.addf %sub3A_1525, %add3A_1526 : f32
      %bitcast_convert_type3A_1528 = arith.bitcast %add3A_1527 : f32 to i32
      %shift_right_logical3A_1529 = arith.constant 1 : i32
      %shift_right_logical3A_1530 = arith.shrui %bitcast_convert_type3A_1528, %shift_right_logical3A_1529 : i32
      %sub3A_1531 = arith.constant 1597463007 : i32
      %sub3A_1532 = arith.subi %sub3A_1531, %shift_right_logical3A_1530 : i32
      %bitcast_convert_type3A_1533 = arith.bitcast %sub3A_1532 : i32 to f32
      %mul3A_1534 = arith.constant 5.000000e-01 : f32
      %mul3A_1535 = arith.mulf %mul3A_1534, %add3A_1527 : f32
      %mul3A_1536 = arith.mulf %mul3A_1535, %bitcast_convert_type3A_1533 : f32
      %mul3A_1537 = arith.mulf %mul3A_1536, %bitcast_convert_type3A_1533 : f32
      %sub3A_1538 = arith.constant 1.500000e+00 : f32
      %sub3A_1539 = arith.subf %sub3A_1538, %mul3A_1537 : f32
      %mul3A_1540 = arith.mulf %bitcast_convert_type3A_1533, %sub3A_1539 : f32
      %mul3A_1541 = arith.mulf %mul3A_1535, %mul3A_1540 : f32
      %mul3A_1542 = arith.mulf %mul3A_1541, %mul3A_1540 : f32
      %sub3A_1543 = arith.constant 1.500000e+00 : f32
      %sub3A_1544 = arith.subf %sub3A_1543, %mul3A_1542 : f32
      %mul3A_1545 = arith.mulf %mul3A_1540, %sub3A_1544 : f32
      %mul3A_1546 = arith.mulf %mul3A_1535, %mul3A_1545 : f32
      %mul3A_1547 = arith.mulf %mul3A_1546, %mul3A_1545 : f32
      %sub3A_1548 = arith.constant 1.500000e+00 : f32
      %sub3A_1549 = arith.subf %sub3A_1548, %mul3A_1547 : f32
      %mul3A_1550 = arith.mulf %mul3A_1545, %sub3A_1549 : f32
      %mul3A_1551 = arith.constant 3.200000e+01 : f32
      %mul3A_1552 = arith.mulf %mul3A_1550, %mul3A_1551 : f32
      %neg3A_1553 = arith.constant 0.000000e+00 : f32
      %neg3A_1554 = arith.subf %neg3A_1553, %mul3A_1523 : f32
      %mul3A_1555 = arith.mulf %neg3A_1554, %mul3A_1550 : f32
      %reduce_sum3A_1556 = arith.constant true
      %reduce_sum3A_1557 = vector.broadcast %reduce_sum3A_1556 : i1 to vector<16xi1>
      %reduce_sum3A_1558 = tpu.scan <sum>, %scan3A_1260#7 masked %reduce_sum3A_1557 : vector<16xf32>, vector<16xi1> -> vector<16xf32>
      %reduce_sum3A_1559 = vector.extract %reduce_sum3A_1558[15] : f32 from vector<16xf32>
      %reduce_sum3A_1560 = arith.constant true
      %reduce_sum3A_1561 = vector.broadcast %reduce_sum3A_1560 : i1 to vector<16xi1>
      %reduce_sum3A_1562 = tpu.scan <sum>, %scan3A_1260#15 masked %reduce_sum3A_1561 : vector<16xf32>, vector<16xi1> -> vector<16xf32>
      %reduce_sum3A_1563 = vector.extract %reduce_sum3A_1562[15] : f32 from vector<16xf32>
      %mul3A_1564 = arith.constant 3.125000e-02 : f32
      %mul3A_1565 = arith.mulf %reduce_sum3A_1559, %mul3A_1564 : f32
      %mul3A_1566 = arith.mulf %mul3A_1565, %mul3A_1565 : f32
      %sub3A_1567 = arith.subf %reduce_sum3A_1563, %mul3A_1566 : f32
      %add3A_1568 = arith.constant 9.99999974E-6 : f32
      %add3A_1569 = arith.addf %sub3A_1567, %add3A_1568 : f32
      %bitcast_convert_type3A_1570 = arith.bitcast %add3A_1569 : f32 to i32
      %shift_right_logical3A_1571 = arith.constant 1 : i32
      %shift_right_logical3A_1572 = arith.shrui %bitcast_convert_type3A_1570, %shift_right_logical3A_1571 : i32
      %sub3A_1573 = arith.constant 1597463007 : i32
      %sub3A_1574 = arith.subi %sub3A_1573, %shift_right_logical3A_1572 : i32
      %bitcast_convert_type3A_1575 = arith.bitcast %sub3A_1574 : i32 to f32
      %mul3A_1576 = arith.constant 5.000000e-01 : f32
      %mul3A_1577 = arith.mulf %mul3A_1576, %add3A_1569 : f32
      %mul3A_1578 = arith.mulf %mul3A_1577, %bitcast_convert_type3A_1575 : f32
      %mul3A_1579 = arith.mulf %mul3A_1578, %bitcast_convert_type3A_1575 : f32
      %sub3A_1580 = arith.constant 1.500000e+00 : f32
      %sub3A_1581 = arith.subf %sub3A_1580, %mul3A_1579 : f32
      %mul3A_1582 = arith.mulf %bitcast_convert_type3A_1575, %sub3A_1581 : f32
      %mul3A_1583 = arith.mulf %mul3A_1577, %mul3A_1582 : f32
      %mul3A_1584 = arith.mulf %mul3A_1583, %mul3A_1582 : f32
      %sub3A_1585 = arith.constant 1.500000e+00 : f32
      %sub3A_1586 = arith.subf %sub3A_1585, %mul3A_1584 : f32
      %mul3A_1587 = arith.mulf %mul3A_1582, %sub3A_1586 : f32
      %mul3A_1588 = arith.mulf %mul3A_1577, %mul3A_1587 : f32
      %mul3A_1589 = arith.mulf %mul3A_1588, %mul3A_1587 : f32
      %sub3A_1590 = arith.constant 1.500000e+00 : f32
      %sub3A_1591 = arith.subf %sub3A_1590, %mul3A_1589 : f32
      %mul3A_1592 = arith.mulf %mul3A_1587, %sub3A_1591 : f32
      %mul3A_1593 = arith.constant 3.200000e+01 : f32
      %mul3A_1594 = arith.mulf %mul3A_1592, %mul3A_1593 : f32
      %neg3A_1595 = arith.constant 0.000000e+00 : f32
      %neg3A_1596 = arith.subf %neg3A_1595, %mul3A_1565 : f32
      %mul3A_1597 = arith.mulf %neg3A_1596, %mul3A_1592 : f32
      %scan3A_1598 = arith.constant 0 : i32
      %scan3A_1599 = arith.constant 0 : i32
      %scan3A_1600 = arith.constant 64 : i32
      %scan3A_1601 = arith.addi %scan3A_1599, %scan3A_1600 : i32
      %scan3A_1602 = arith.constant 1 : i32
      %scan3A_1603 = scf.for %scan3A_1620 = %scan3A_1599 to %scan3A_1601 step %scan3A_1602 iter_args(%scan3A_1621 = %scan3A_1598) -> (i32)  : i32 {
        %mul3A_1622 = arith.constant 1 : i32
        %mul3A_1623 = arith.muli %scan3A_1620, %mul3A_1622 : i32
        %add3A_1624 = arith.constant 0 : i32
        %add3A_1625 = arith.addi %mul3A_1623, %add3A_1624 : i32
        %mul3A_1626 = arith.constant 16 : i32
        %mul3A_1627 = arith.muli %add3A_1625, %mul3A_1626 : i32
        %get3A = arith.index_cast %mul3A_1627 : i32 to index
        %get3A_1628 = tpu.vector_load %arg17[%get3A] {strides = array<i32>} : memref<1024xf32, #tpu.memory_space<vmem>>, vector<16xf32>,
        %get3A_1629 = arith.index_cast %mul3A_1627 : i32 to index
        %get3A_1630 = tpu.vector_load %arg18[%get3A_1629] {strides = array<i32>} : memref<1024xf32, #tpu.memory_space<vmem>>, vector<16xf32>,
        %get3A_1631 = arith.constant 0 : i32
        %get3A_1632 = arith.index_cast %get3A_1631 : i32 to index
        %get3A_1633 = arith.index_cast %mul3A_1627 : i32 to index
        %get3A_1634 = tpu.vector_load %arg12[%get3A_1632, %get3A_1633] {strides = array<i32>} : memref<8x1024xf32, #tpu.memory_space<vmem>>, vector<16xf32>,
        %get3A_1635 = arith.constant 0 : i32
        %get3A_1636 = arith.index_cast %get3A_1635 : i32 to index
        %get3A_1637 = arith.index_cast %mul3A_1627 : i32 to index
        %get3A_1638 = tpu.vector_load %arg16[%get3A_1636, %get3A_1637] {strides = array<i32>} : memref<8x1024xf32, #tpu.memory_space<vmem>>, vector<16xf32>,
        %add3A_1639 = arith.addf %get3A_1634, %get3A_1638 : vector<16xf32>
        %mul3A_1640 = vector.broadcast %mul3A_1300 : f32 to vector<16xf32>
        %mul3A_1641 = arith.mulf %add3A_1639, %mul3A_1640 : vector<16xf32>
        %add3A_1642 = vector.broadcast %mul3A_1303 : f32 to vector<16xf32>
        %add3A_1643 = arith.addf %mul3A_1641, %add3A_1642 : vector<16xf32>
        %mul3A_1644 = arith.mulf %add3A_1643, %get3A_1628 : vector<16xf32>
        %add3A_1645 = arith.addf %mul3A_1644, %get3A_1630 : vector<16xf32>
        %swap3A = arith.constant 0 : i32
        %swap3A_1646 = arith.index_cast %swap3A : i32 to index
        %swap3A_1647 = arith.index_cast %mul3A_1627 : i32 to index
        %swap3A_1648 = tpu.vector_load %arg12[%swap3A_1646, %swap3A_1647] {strides = array<i32>} : memref<8x1024xf32, #tpu.memory_space<vmem>>, vector<16xf32>,
        tpu.vector_store %arg12[%swap3A_1646, %swap3A_1647], %add3A_1645 {strides = array<i32>} : memref<8x1024xf32, #tpu.memory_space<vmem>>, vector<16xf32>,
        %get3A_1649 = arith.constant 1 : i32
        %get3A_1650 = arith.index_cast %get3A_1649 : i32 to index
        %get3A_1651 = arith.index_cast %mul3A_1627 : i32 to index
        %get3A_1652 = tpu.vector_load %arg12[%get3A_1650, %get3A_1651] {strides = array<i32>} : memref<8x1024xf32, #tpu.memory_space<vmem>>, vector<16xf32>,
        %get3A_1653 = arith.constant 1 : i32
        %get3A_1654 = arith.index_cast %get3A_1653 : i32 to index
        %get3A_1655 = arith.index_cast %mul3A_1627 : i32 to index
        %get3A_1656 = tpu.vector_load %arg16[%get3A_1654, %get3A_1655] {strides = array<i32>} : memref<8x1024xf32, #tpu.memory_space<vmem>>, vector<16xf32>,
        %add3A_1657 = arith.addf %get3A_1652, %get3A_1656 : vector<16xf32>
        %mul3A_1658 = vector.broadcast %mul3A_1342 : f32 to vector<16xf32>
        %mul3A_1659 = arith.mulf %add3A_1657, %mul3A_1658 : vector<16xf32>
        %add3A_1660 = vector.broadcast %mul3A_1345 : f32 to vector<16xf32>
        %add3A_1661 = arith.addf %mul3A_1659, %add3A_1660 : vector<16xf32>
        %mul3A_1662 = arith.mulf %add3A_1661, %get3A_1628 : vector<16xf32>
        %add3A_1663 = arith.addf %mul3A_1662, %get3A_1630 : vector<16xf32>
        %swap3A_1664 = arith.constant 1 : i32
        %swap3A_1665 = arith.index_cast %swap3A_1664 : i32 to index
        %swap3A_1666 = arith.index_cast %mul3A_1627 : i32 to index
        %swap3A_1667 = tpu.vector_load %arg12[%swap3A_1665, %swap3A_1666] {strides = array<i32>} : memref<8x1024xf32, #tpu.memory_space<vmem>>, vector<16xf32>,
        tpu.vector_store %arg12[%swap3A_1665, %swap3A_1666], %add3A_1663 {strides = array<i32>} : memref<8x1024xf32, #tpu.memory_space<vmem>>, vector<16xf32>,
        %get3A_1668 = arith.constant 2 : i32
        %get3A_1669 = arith.index_cast %get3A_1668 : i32 to index
        %get3A_1670 = arith.index_cast %mul3A_1627 : i32 to index
        %get3A_1671 = tpu.vector_load %arg12[%get3A_1669, %get3A_1670] {strides = array<i32>} : memref<8x1024xf32, #tpu.memory_space<vmem>>, vector<16xf32>,
        %get3A_1672 = arith.constant 2 : i32
        %get3A_1673 = arith.index_cast %get3A_1672 : i32 to index
        %get3A_1674 = arith.index_cast %mul3A_1627 : i32 to index
        %get3A_1675 = tpu.vector_load %arg16[%get3A_1673, %get3A_1674] {strides = array<i32>} : memref<8x1024xf32, #tpu.memory_space<vmem>>, vector<16xf32>,
        %add3A_1676 = arith.addf %get3A_1671, %get3A_1675 : vector<16xf32>
        %mul3A_1677 = vector.broadcast %mul3A_1384 : f32 to vector<16xf32>
        %mul3A_1678 = arith.mulf %add3A_1676, %mul3A_1677 : vector<16xf32>
        %add3A_1679 = vector.broadcast %mul3A_1387 : f32 to vector<16xf32>
        %add3A_1680 = arith.addf %mul3A_1678, %add3A_1679 : vector<16xf32>
        %mul3A_1681 = arith.mulf %add3A_1680, %get3A_1628 : vector<16xf32>
        %add3A_1682 = arith.addf %mul3A_1681, %get3A_1630 : vector<16xf32>
        %swap3A_1683 = arith.constant 2 : i32
        %swap3A_1684 = arith.index_cast %swap3A_1683 : i32 to index
        %swap3A_1685 = arith.index_cast %mul3A_1627 : i32 to index
        %swap3A_1686 = tpu.vector_load %arg12[%swap3A_1684, %swap3A_1685] {strides = array<i32>} : memref<8x1024xf32, #tpu.memory_space<vmem>>, vector<16xf32>,
        tpu.vector_store %arg12[%swap3A_1684, %swap3A_1685], %add3A_1682 {strides = array<i32>} : memref<8x1024xf32, #tpu.memory_space<vmem>>, vector<16xf32>,
        %get3A_1687 = arith.constant 3 : i32
        %get3A_1688 = arith.index_cast %get3A_1687 : i32 to index
        %get3A_1689 = arith.index_cast %mul3A_1627 : i32 to index
        %get3A_1690 = tpu.vector_load %arg12[%get3A_1688, %get3A_1689] {strides = array<i32>} : memref<8x1024xf32, #tpu.memory_space<vmem>>, vector<16xf32>,
        %get3A_1691 = arith.constant 3 : i32
        %get3A_1692 = arith.index_cast %get3A_1691 : i32 to index
        %get3A_1693 = arith.index_cast %mul3A_1627 : i32 to index
        %get3A_1694 = tpu.vector_load %arg16[%get3A_1692, %get3A_1693] {strides = array<i32>} : memref<8x1024xf32, #tpu.memory_space<vmem>>, vector<16xf32>,
        %add3A_1695 = arith.addf %get3A_1690, %get3A_1694 : vector<16xf32>
        %mul3A_1696 = vector.broadcast %mul3A_1426 : f32 to vector<16xf32>
        %mul3A_1697 = arith.mulf %add3A_1695, %mul3A_1696 : vector<16xf32>
        %add3A_1698 = vector.broadcast %mul3A_1429 : f32 to vector<16xf32>
        %add3A_1699 = arith.addf %mul3A_1697, %add3A_1698 : vector<16xf32>
        %mul3A_1700 = arith.mulf %add3A_1699, %get3A_1628 : vector<16xf32>
        %add3A_1701 = arith.addf %mul3A_1700, %get3A_1630 : vector<16xf32>
        %swap3A_1702 = arith.constant 3 : i32
        %swap3A_1703 = arith.index_cast %swap3A_1702 : i32 to index
        %swap3A_1704 = arith.index_cast %mul3A_1627 : i32 to index
        %swap3A_1705 = tpu.vector_load %arg12[%swap3A_1703, %swap3A_1704] {strides = array<i32>} : memref<8x1024xf32, #tpu.memory_space<vmem>>, vector<16xf32>,
        tpu.vector_store %arg12[%swap3A_1703, %swap3A_1704], %add3A_1701 {strides = array<i32>} : memref<8x1024xf32, #tpu.memory_space<vmem>>, vector<16xf32>,
        %get3A_1706 = arith.constant 4 : i32
        %get3A_1707 = arith.index_cast %get3A_1706 : i32 to index
        %get3A_1708 = arith.index_cast %mul3A_1627 : i32 to index
        %get3A_1709 = tpu.vector_load %arg12[%get3A_1707, %get3A_1708] {strides = array<i32>} : memref<8x1024xf32, #tpu.memory_space<vmem>>, vector<16xf32>,
        %get3A_1710 = arith.constant 4 : i32
        %get3A_1711 = arith.index_cast %get3A_1710 : i32 to index
        %get3A_1712 = arith.index_cast %mul3A_1627 : i32 to index
        %get3A_1713 = tpu.vector_load %arg16[%get3A_1711, %get3A_1712] {strides = array<i32>} : memref<8x1024xf32, #tpu.memory_space<vmem>>, vector<16xf32>,
        %add3A_1714 = arith.addf %get3A_1709, %get3A_1713 : vector<16xf32>
        %mul3A_1715 = vector.broadcast %mul3A_1468 : f32 to vector<16xf32>
        %mul3A_1716 = arith.mulf %add3A_1714, %mul3A_1715 : vector<16xf32>
        %add3A_1717 = vector.broadcast %mul3A_1471 : f32 to vector<16xf32>
        %add3A_1718 = arith.addf %mul3A_1716, %add3A_1717 : vector<16xf32>
        %mul3A_1719 = arith.mulf %add3A_1718, %get3A_1628 : vector<16xf32>
        %add3A_1720 = arith.addf %mul3A_1719, %get3A_1630 : vector<16xf32>
        %swap3A_1721 = arith.constant 4 : i32
        %swap3A_1722 = arith.index_cast %swap3A_1721 : i32 to index
        %swap3A_1723 = arith.index_cast %mul3A_1627 : i32 to index
        %swap3A_1724 = tpu.vector_load %arg12[%swap3A_1722, %swap3A_1723] {strides = array<i32>} : memref<8x1024xf32, #tpu.memory_space<vmem>>, vector<16xf32>,
        tpu.vector_store %arg12[%swap3A_1722, %swap3A_1723], %add3A_1720 {strides = array<i32>} : memref<8x1024xf32, #tpu.memory_space<vmem>>, vector<16xf32>,
        %get3A_1725 = arith.constant 5 : i32
        %get3A_1726 = arith.index_cast %get3A_1725 : i32 to index
        %get3A_1727 = arith.index_cast %mul3A_1627 : i32 to index
        %get3A_1728 = tpu.vector_load %arg12[%get3A_1726, %get3A_1727] {strides = array<i32>} : memref<8x1024xf32, #tpu.memory_space<vmem>>, vector<16xf32>,
        %get3A_1729 = arith.constant 5 : i32
        %get3A_1730 = arith.index_cast %get3A_1729 : i32 to index
        %get3A_1731 = arith.index_cast %mul3A_1627 : i32 to index
        %get3A_1732 = tpu.vector_load %arg16[%get3A_1730, %get3A_1731] {strides = array<i32>} : memref<8x1024xf32, #tpu.memory_space<vmem>>, vector<16xf32>,
        %add3A_1733 = arith.addf %get3A_1728, %get3A_1732 : vector<16xf32>
        %mul3A_1734 = vector.broadcast %mul3A_1510 : f32 to vector<16xf32>
        %mul3A_1735 = arith.mulf %add3A_1733, %mul3A_1734 : vector<16xf32>
        %add3A_1736 = vector.broadcast %mul3A_1513 : f32 to vector<16xf32>
        %add3A_1737 = arith.addf %mul3A_1735, %add3A_1736 : vector<16xf32>
        %mul3A_1738 = arith.mulf %add3A_1737, %get3A_1628 : vector<16xf32>
        %add3A_1739 = arith.addf %mul3A_1738, %get3A_1630 : vector<16xf32>
        %swap3A_1740 = arith.constant 5 : i32
        %swap3A_1741 = arith.index_cast %swap3A_1740 : i32 to index
        %swap3A_1742 = arith.index_cast %mul3A_1627 : i32 to index
        %swap3A_1743 = tpu.vector_load %arg12[%swap3A_1741, %swap3A_1742] {strides = array<i32>} : memref<8x1024xf32, #tpu.memory_space<vmem>>, vector<16xf32>,
        tpu.vector_store %arg12[%swap3A_1741, %swap3A_1742], %add3A_1739 {strides = array<i32>} : memref<8x1024xf32, #tpu.memory_space<vmem>>, vector<16xf32>,
        %get3A_1744 = arith.constant 6 : i32
        %get3A_1745 = arith.index_cast %get3A_1744 : i32 to index
        %get3A_1746 = arith.index_cast %mul3A_1627 : i32 to index
        %get3A_1747 = tpu.vector_load %arg12[%get3A_1745, %get3A_1746] {strides = array<i32>} : memref<8x1024xf32, #tpu.memory_space<vmem>>, vector<16xf32>,
        %get3A_1748 = arith.constant 6 : i32
        %get3A_1749 = arith.index_cast %get3A_1748 : i32 to index
        %get3A_1750 = arith.index_cast %mul3A_1627 : i32 to index
        %get3A_1751 = tpu.vector_load %arg16[%get3A_1749, %get3A_1750] {strides = array<i32>} : memref<8x1024xf32, #tpu.memory_space<vmem>>, vector<16xf32>,
        %add3A_1752 = arith.addf %get3A_1747, %get3A_1751 : vector<16xf32>
        %mul3A_1753 = vector.broadcast %mul3A_1552 : f32 to vector<16xf32>
        %mul3A_1754 = arith.mulf %add3A_1752, %mul3A_1753 : vector<16xf32>
        %add3A_1755 = vector.broadcast %mul3A_1555 : f32 to vector<16xf32>
        %add3A_1756 = arith.addf %mul3A_1754, %add3A_1755 : vector<16xf32>
        %mul3A_1757 = arith.mulf %add3A_1756, %get3A_1628 : vector<16xf32>
        %add3A_1758 = arith.addf %mul3A_1757, %get3A_1630 : vector<16xf32>
        %swap3A_1759 = arith.constant 6 : i32
        %swap3A_1760 = arith.index_cast %swap3A_1759 : i32 to index
        %swap3A_1761 = arith.index_cast %mul3A_1627 : i32 to index
        %swap3A_1762 = tpu.vector_load %arg12[%swap3A_1760, %swap3A_1761] {strides = array<i32>} : memref<8x1024xf32, #tpu.memory_space<vmem>>, vector<16xf32>,
        tpu.vector_store %arg12[%swap3A_1760, %swap3A_1761], %add3A_1758 {strides = array<i32>} : memref<8x1024xf32, #tpu.memory_space<vmem>>, vector<16xf32>,
        %get3A_1763 = arith.constant 7 : i32
        %get3A_1764 = arith.index_cast %get3A_1763 : i32 to index
        %get3A_1765 = arith.index_cast %mul3A_1627 : i32 to index
        %get3A_1766 = tpu.vector_load %arg12[%get3A_1764, %get3A_1765] {strides = array<i32>} : memref<8x1024xf32, #tpu.memory_space<vmem>>, vector<16xf32>,
        %get3A_1767 = arith.constant 7 : i32
        %get3A_1768 = arith.index_cast %get3A_1767 : i32 to index
        %get3A_1769 = arith.index_cast %mul3A_1627 : i32 to index
        %get3A_1770 = tpu.vector_load %arg16[%get3A_1768, %get3A_1769] {strides = array<i32>} : memref<8x1024xf32, #tpu.memory_space<vmem>>, vector<16xf32>,
        %add3A_1771 = arith.addf %get3A_1766, %get3A_1770 : vector<16xf32>
        %mul3A_1772 = vector.broadcast %mul3A_1594 : f32 to vector<16xf32>
        %mul3A_1773 = arith.mulf %add3A_1771, %mul3A_1772 : vector<16xf32>
        %add3A_1774 = vector.broadcast %mul3A_1597 : f32 to vector<16xf32>
        %add3A_1775 = arith.addf %mul3A_1773, %add3A_1774 : vector<16xf32>
        %mul3A_1776 = arith.mulf %add3A_1775, %get3A_1628 : vector<16xf32>
        %add3A_1777 = arith.addf %mul3A_1776, %get3A_1630 : vector<16xf32>
        %swap3A_1778 = arith.constant 7 : i32
        %swap3A_1779 = arith.index_cast %swap3A_1778 : i32 to index
        %swap3A_1780 = arith.index_cast %mul3A_1627 : i32 to index
        %swap3A_1781 = tpu.vector_load %arg12[%swap3A_1779, %swap3A_1780] {strides = array<i32>} : memref<8x1024xf32, #tpu.memory_space<vmem>>, vector<16xf32>,
        tpu.vector_store %arg12[%swap3A_1779, %swap3A_1780], %add3A_1777 {strides = array<i32>} : memref<8x1024xf32, #tpu.memory_space<vmem>>, vector<16xf32>,
        %scan3A_1782 = arith.constant 0 : i32
        scf.yield %scan3A_1782 : i32
      }
      %scan3A_1604 = arith.constant 64 : i32
      %mul3A_1605 = arith.constant 8 : i32
      %mul3A_1606 = arith.muli %add3A_1227, %mul3A_1605 : i32
      %add3A_1607 = arith.addi %mul3A_2, %mul3A_1606 : i32
      %dma_start3A_1608 = arith.constant 0 : i32
      %dma_start3A_1609 = tpu.memref_slice %arg7[%add3A_1607, %dma_start3A_1608] : memref<8192x1024xf32, #tpu.memory_space<hbm>> -> memref<8x1024xf32, #tpu.memory_space<hbm>>
      %dma_start3A_1610 = arith.constant 0 : i32
      %dma_start3A_1611 = tpu.memref_slice %arg7[%add3A_1607, %dma_start3A_1610] : memref<8192x1024xf32, #tpu.memory_space<hbm>> -> memref<8x1024xf32, #tpu.memory_space<hbm>>
      tpu.enqueue_dma source(%arg12 : memref<8x1024xf32, #tpu.memory_space<vmem>>) target(%dma_start3A_1611 : memref<8x1024xf32, #tpu.memory_space<hbm>>) target_semaphore(%arg30 : memref<!tpu.dma_semaphore, #tpu.memory_space<semaphore_mem>>)
      %add3A_1612 = arith.constant 2 : i32
      %add3A_1613 = arith.addi %add3A_1227, %add3A_1612 : i32
      %lt3A_1614 = arith.constant 32 : i32
      %lt3A_1615 = arith.cmpi slt, %add3A_1613, %lt3A_1614 : i32
      %convert_element_type3A_1616 = arith.extui %lt3A_1615 : i1 to i32
      %cond3A_1617 = arith.constant 0 : i32
      %cond3A_1618 = arith.cmpi ne, %convert_element_type3A_1616, %cond3A_1617 : i32
      scf.if %cond3A_1618 {
        %ge3A = arith.constant 2 : i32
        %ge3A_1620 = arith.cmpi sge, %add3A_1227, %ge3A : i32
        %convert_element_type3A_1621 = arith.extui %ge3A_1620 : i1 to i32
        %cond3A_1622 = arith.constant 0 : i32
        %cond3A_1623 = arith.cmpi ne, %convert_element_type3A_1621, %cond3A_1622 : i32
        scf.if %cond3A_1623 {
          %dma_wait3A_1641 = arith.constant 0 : i32
          %dma_wait3A_1642 = tpu.memref_slice %arg7[%mul3A_2, %dma_wait3A_1641] : memref<8192x1024xf32, #tpu.memory_space<hbm>> -> memref<8x1024xf32, #tpu.memory_space<hbm>>
          %dma_wait3A_1643 = arith.constant 0 : i32
          %dma_wait3A_1644 = tpu.memref_slice %arg7[%mul3A_2, %dma_wait3A_1643] : memref<8192x1024xf32, #tpu.memory_space<hbm>> -> memref<8x1024xf32, #tpu.memory_space<hbm>>
          tpu.wait_dma2 semaphore(%arg28 : memref<!tpu.dma_semaphore, #tpu.memory_space<semaphore_mem>>) src(%arg10 : memref<8x1024xf32, #tpu.memory_space<vmem>>) dst(%dma_wait3A_1644 : memref<8x1024xf32, #tpu.memory_space<hbm>>)
        } else {
        }
        %add3A_1624 = arith.constant 2 : i32
        %add3A_1625 = arith.addi %add3A_1227, %add3A_1624 : i32
        %mul3A_1626 = arith.constant 8 : i32
        %mul3A_1627 = arith.muli %add3A_1625, %mul3A_1626 : i32
        %add3A_1628 = arith.addi %rem3A_3, %mul3A_1627 : i32
        %dma_start3A_1629 = arith.constant 0 : i32
        %dma_start3A_1630 = tpu.memref_slice %arg3[%add3A_1628, %dma_start3A_1629] : memref<2048x1024xf32, #tpu.memory_space<hbm>> -> memref<8x1024xf32, #tpu.memory_space<hbm>>
        %dma_start3A_1631 = arith.constant 0 : i32
        %dma_start3A_1632 = tpu.memref_slice %arg3[%add3A_1628, %dma_start3A_1631] : memref<2048x1024xf32, #tpu.memory_space<hbm>> -> memref<8x1024xf32, #tpu.memory_space<hbm>>
        tpu.enqueue_dma source(%dma_start3A_1632 : memref<8x1024xf32, #tpu.memory_space<hbm>>) target(%arg14 : memref<8x1024xf32, #tpu.memory_space<vmem>>) target_semaphore(%arg20 : memref<!tpu.dma_semaphore, #tpu.memory_space<semaphore_mem>>)
        %add3A_1633 = arith.constant 2 : i32
        %add3A_1634 = arith.addi %add3A_1227, %add3A_1633 : i32
        %mul3A_1635 = arith.constant 8 : i32
        %mul3A_1636 = arith.muli %add3A_1634, %mul3A_1635 : i32
        %dma_start3A_1637 = tpu.memref_slice %arg8[%mul3A_1636] : memref<256xi32, #tpu.memory_space<vmem>> -> memref<8xi32, #tpu.memory_space<vmem>>
        %dma_start3A_1638 = arith.constant 0 : i32
        %dma_start3A_1639 = arith.constant 0 : i32
        %dma_start3A_1640 = tpu.memref_slice %arg6[%dma_start3A_1638, %dma_start3A_1639] : memref<100000x1024xf32, #tpu.memory_space<hbm>> -> memref<100000x1024xf32, #tpu.memory_space<hbm>>
        tpu.enqueue_indirect_dma source(%dma_start3A_1640 : memref<100000x1024xf32, #tpu.memory_space<hbm>>) target(%arg10 : memref<8x1024xf32, #tpu.memory_space<vmem>>) offsets(%dma_start3A_1637 : memref<8xi32, #tpu.memory_space<vmem>>) semaphore(%arg24 : memref<!tpu.dma_semaphore, #tpu.memory_space<semaphore_mem>>)
      } else {
      }
      %scan3A_1619 = arith.constant 0 : i32
      scf.yield %scan3A_1619 : i32
    }
    %scan3A_30 = arith.constant 8 : i32
    %dma_wait3A = arith.constant 0 : i32
    %dma_wait3A_31 = tpu.memref_slice %arg7[%mul3A_2, %dma_wait3A] : memref<8192x1024xf32, #tpu.memory_space<hbm>> -> memref<8x1024xf32, #tpu.memory_space<hbm>>
    %dma_wait3A_32 = arith.constant 0 : i32
    %dma_wait3A_33 = tpu.memref_slice %arg7[%mul3A_2, %dma_wait3A_32] : memref<8192x1024xf32, #tpu.memory_space<hbm>> -> memref<8x1024xf32, #tpu.memory_space<hbm>>
    tpu.wait_dma2 semaphore(%arg27 : memref<!tpu.dma_semaphore, #tpu.memory_space<semaphore_mem>>) src(%arg9 : memref<8x1024xf32, #tpu.memory_space<vmem>>) dst(%dma_wait3A_33 : memref<8x1024xf32, #tpu.memory_space<hbm>>)
    %dma_wait3A_34 = arith.constant 0 : i32
    %dma_wait3A_35 = tpu.memref_slice %arg7[%mul3A_2, %dma_wait3A_34] : memref<8192x1024xf32, #tpu.memory_space<hbm>> -> memref<8x1024xf32, #tpu.memory_space<hbm>>
    %dma_wait3A_36 = arith.constant 0 : i32
    %dma_wait3A_37 = tpu.memref_slice %arg7[%mul3A_2, %dma_wait3A_36] : memref<8192x1024xf32, #tpu.memory_space<hbm>> -> memref<8x1024xf32, #tpu.memory_space<hbm>>
    tpu.wait_dma2 semaphore(%arg28 : memref<!tpu.dma_semaphore, #tpu.memory_space<semaphore_mem>>) src(%arg10 : memref<8x1024xf32, #tpu.memory_space<vmem>>) dst(%dma_wait3A_37 : memref<8x1024xf32, #tpu.memory_space<hbm>>)
    %dma_wait3A_38 = arith.constant 0 : i32
    %dma_wait3A_39 = tpu.memref_slice %arg7[%mul3A_2, %dma_wait3A_38] : memref<8192x1024xf32, #tpu.memory_space<hbm>> -> memref<8x1024xf32, #tpu.memory_space<hbm>>
    %dma_wait3A_40 = arith.constant 0 : i32
    %dma_wait3A_41 = tpu.memref_slice %arg7[%mul3A_2, %dma_wait3A_40] : memref<8192x1024xf32, #tpu.memory_space<hbm>> -> memref<8x1024xf32, #tpu.memory_space<hbm>>
    tpu.wait_dma2 semaphore(%arg29 : memref<!tpu.dma_semaphore, #tpu.memory_space<semaphore_mem>>) src(%arg11 : memref<8x1024xf32, #tpu.memory_space<vmem>>) dst(%dma_wait3A_41 : memref<8x1024xf32, #tpu.memory_space<hbm>>)
    %dma_wait3A_42 = arith.constant 0 : i32
    %dma_wait3A_43 = tpu.memref_slice %arg7[%mul3A_2, %dma_wait3A_42] : memref<8192x1024xf32, #tpu.memory_space<hbm>> -> memref<8x1024xf32, #tpu.memory_space<hbm>>
    %dma_wait3A_44 = arith.constant 0 : i32
    %dma_wait3A_45 = tpu.memref_slice %arg7[%mul3A_2, %dma_wait3A_44] : memref<8192x1024xf32, #tpu.memory_space<hbm>> -> memref<8x1024xf32, #tpu.memory_space<hbm>>
    tpu.wait_dma2 semaphore(%arg30 : memref<!tpu.dma_semaphore, #tpu.memory_space<semaphore_mem>>) src(%arg12 : memref<8x1024xf32, #tpu.memory_space<vmem>>) dst(%dma_wait3A_45 : memref<8x1024xf32, #tpu.memory_space<hbm>>)
    return
  }
}

</mosaic_0001>

<sc_bundles>
// kernel: _run.3.cloned.1.call-start
scs
__scs_entry_jumppad:
0x0: {  	(pc) =	sbr.rel $0x88, $3  }
0x1: {  	(tag) =	ssettag $0x0;
	lr =	simm.s32 $0x1  }
0x2: {  	[smem:$0x3F9C] =	sst lr;
	_ =	strace $0xD0000000  }
0x3: {  	_ = 	snop  }
0x4: {  	_ = 	snop  }
0x5: {  	_ = 	snop  }
0x6: {  	_ = 	snop  }
0x7: {  	_ = 	snop  }
__scs_overlays_trampoline_lowered:
0x8: {  	[smem:$0x3FAB] =	sst s0  }
0x9: {  	[smem:$0x3FAC] =	sst s1  }
0xa: {  	[smem:$0x3FAD] =	sst s2  }
0xb: {  	[smem:$0x3FAE] =	sst s3  }
0xc: {  	[smem:$0x3FAF] =	sst s4  }
0xd: {  	[smem:$0x3FB0] =	sst s5  }
0xe: {  	[smem:$0x3FB1] =	sst s6  }
0xf: {  	[smem:$0x3FB2] =	sst s7  }
0x10: {  	[smem:$0x3FB3] =	sst s8  }
0x11: {  	[smem:$0x3FB4] =	sst s9;
	s0 =	simm.s32 @!p0 $0x0  }
0x12: {  	s1 =	sld [smem:$0x3F9A];
	s0 =	simm.s32 @p0 $0x1  }
0x13: {  	[smem:$0x3FB5] =	sst s0;
	s0 =	simm.s32 @!p1 $0x0  }
0x14: {  	s2 =	sld [smem:$0x3F99];
	s0 =	simm.s32 @p1 $0x1  }
0x15: {  	[smem:$0x3FB6] =	sst s0;
	s0 =	simm.s32 @!p2 $0x0  }
0x16: {  	s3 =	sld [smem:$0x3FDB];
	s0 =	simm.s32 @p2 $0x1  }
0x17: {  	s4 =	simm.s32 $0x1BF5;
	[smem:$0x3FB8] =	sst s0  }
0x18: {  	s0 =	sld [smem:$0x3F9B];
	_ =	swait.ge [sflag:s4], $0x0  }
0x19: {  	s7 =	sld [smem:$0x3F9C]  }
0x1a: {  	s8 =	sadd.s32 $0xFFFFE003, lr  }
0x1b: {  	s9 =	sadd.s32 $0xFFFFFEF7, lr;
	s5 =	simm.s32 $0xFFFFFFFF;
	p2 =	slt.u32 s8, $0xFFFFF086  }
0x1c: {  	p1 =	slt.u32 s9, $0xF7A;
	s5 =	simm.s32 @!p2 $0x0  }
0x1d: {  	s5 =	simm.s32 @p1 $0x1;
	p0 =	seq.s32 s7, s2  }
0x1e: {  	s7 =	smul.u32 @!p0 $0xF7A, s2;
	p2 =	seq.s32 @!p0 s5, $0x0  }
0x1f: {  	s9 =	smul.u32 $0xF7A, s1;
	s8 =	simm.s32 @!p0 $0x1BF5;
	p2 =	por !p2, p0  }
0x20: {  	[sflag:s8] =	ssyncset.s32 @!p0 $0xFFFFF086;
	s6 =	sadd.s32 @!p0 s3, s7;
	s7 =	simm.s32 @!p0 $0x108  }
0x21: {  	s3 =	sadd.s32 s3, s9;
	s6 =	sadd.s32 @!p0 $0x88, s6;
	s7 =	simm.s32 @p2 $0x1082  }
0x22: {  	[simem:s7], [sflag:s8] =	dma.local @!p0 [hbm:s6], $0xF7A  }
0x23: {  	s9 =	sor.u32 $0xD0000000, s2;
	s6 =	simm.s32 $0x108;
	_ =	swait.ge @!p0 [sflag:s8], $0x0  }
0x24: {  	s3 =	sadd.s32 $0x88, s3;
	s6 =	simm.s32 @!p1 $0x1082;
	[sflag:s4] =	ssyncset.s32 $0xFFFFF086  }
0x25: {  	[simem:s6], [sflag:s4] =	dma.local [hbm:s3], $0xF7A  }
0x26: {  	[smem:$0x3F9C] =	sst s1;
	(tag) =	ssettag s2;
	_ =	strace s9  }
0x27: {  	s1 =	sld [smem:$0x3FAC]  }
0x28: {  	s2 =	sld [smem:$0x3FAD]  }
0x29: {  	s4 =	sld [smem:$0x3FAF]  }
0x2a: {  	p0 =	seq.s32 s5, $0x0;
	s5 =	sld [smem:$0x3FB0]  }
0x2b: {  	s6 =	sld [smem:$0x3FB1]  }
0x2c: {  	s7 =	sld [smem:$0x3FB2]  }
0x2d: {  	s3 =	simm.s32 $0x108;
	s8 =	sld [smem:$0x3FB3]  }
0x2e: {  	s3 =	simm.s32 @!p0 $0x1082;
	s9 =	sld [smem:$0x3FB4]  }
0x2f: {  	lr =	sadd.s32 s0, s3;
	s0 =	sld [smem:$0x3FAB]  }
0x30: {  	s3 =	sld [smem:$0x3FAE]  }
0x31: {  	[smem:$0x3FB7] =	sst s10  }
0x32: {  	s10 =	sld [smem:$0x3FB5];
	_ =	sdelay $0x3  }
0x33: {  	p0 =	seq.s32 s10, $0x1;
	s10 =	sld [smem:$0x3FB7];
	_ =	sdelay $0x3  }
0x34: {  	[smem:$0x3FB7] =	sst s10  }
0x35: {  	s10 =	sld [smem:$0x3FB6];
	_ =	sdelay $0x3  }
0x36: {  	p1 =	seq.s32 s10, $0x1;
	s10 =	sld [smem:$0x3FB7];
	_ =	sdelay $0x3  }
0x37: {  	[smem:$0x3FB7] =	sst s10  }
0x38: {  	s10 =	sld [smem:$0x3FB8]  }
0x39: {  	_ = 	snop;
	(pc) =	sbr.ind lr, $3  }
0x3a: {  	_ = 	snop  }
0x3b: {  	_ = 	snop  }
0x3c: {  	p2 =	seq.s32 s10, $0x1;
	s10 =	sld [smem:$0x3FB7]  }
0x3d: {  	_ =	shalt  }
0x3e: {  	_ =	shalt  }
0x3f: {  	_ =	shalt  }
0x40: {  	_ =	shalt  }
0x41: {  	_ =	shalt  }
0x42: {  	_ =	shalt  }
0x43: {  	_ =	shalt  }
0x44: {  	_ =	shalt  }
0x45: {  	_ =	shalt  }
0x46: {  	_ =	shalt  }
0x47: {  	_ =	shalt  }
0x48: {  	_ =	shalt  }
0x49: {  	_ =	shalt  }
0x4a: {  	_ =	shalt  }
0x4b: {  	_ =	shalt  }
0x4c: {  	_ =	shalt  }
0x4d: {  	_ =	shalt  }
0x4e: {  	_ =	shalt  }
0x4f: {  	_ =	shalt  }
0x50: {  	_ =	shalt  }
0x51: {  	_ =	shalt  }
0x52: {  	_ =	shalt  }
0x53: {  	_ =	shalt  }
0x54: {  	_ =	shalt  }
0x55: {  	_ =	shalt  }
0x56: {  	_ =	shalt  }
0x57: {  	_ =	shalt  }
0x58: {  	_ =	shalt  }
0x59: {  	_ =	shalt  }
0x5a: {  	_ =	shalt  }
0x5b: {  	_ =	shalt  }
0x5c: {  	_ =	shalt  }
0x5d: {  	_ =	shalt  }
0x5e: {  	_ =	shalt  }
0x5f: {  	_ =	shalt  }
0x60: {  	_ =	shalt  }
0x61: {  	_ =	shalt  }
0x62: {  	_ =	shalt  }
0x63: {  	_ =	shalt  }
0x64: {  	_ =	shalt  }
0x65: {  	_ =	shalt  }
0x66: {  	_ =	shalt  }
0x67: {  	_ =	shalt  }
0x68: {  	_ =	shalt  }
0x69: {  	_ =	shalt  }
0x6a: {  	_ =	shalt  }
0x6b: {  	_ =	shalt  }
0x6c: {  	_ =	shalt  }
0x6d: {  	_ =	shalt  }
0x6e: {  	_ =	shalt  }
0x6f: {  	_ =	shalt  }
0x70: {  	_ =	shalt  }
0x71: {  	_ =	shalt  }
0x72: {  	_ =	shalt  }
0x73: {  	_ =	shalt  }
0x74: {  	_ =	shalt  }
0x75: {  	_ =	shalt  }
0x76: {  	_ =	shalt  }
0x77: {  	_ =	shalt  }
0x78: {  	_ =	shalt  }
0x79: {  	_ =	shalt  }
0x7a: {  	_ =	shalt  }
0x7b: {  	_ =	shalt  }
0x7c: {  	_ =	shalt  }
0x7d: {  	_ =	shalt  }
0x7e: {  	_ =	shalt  }
0x7f: {  	_ =	shalt  }
0x80: {  	_ =	shalt  }
0x81: {  	_ =	shalt  }
0x82: {  	_ =	shalt  }
0x83: {  	_ =	shalt  }
0x84: {  	_ =	shalt  }
0x85: {  	_ =	shalt  }
0x86: {  	_ =	shalt  }
0x87: {  	_ =	shalt  }
.Lfunc_end0:
.L_simem_size_0:
called_computation_lowered:
.L_overlay_start_0:
0x88: {  	s2 =	sld [smem:$0x3FD9]  }
0x89: {  	s3 =	sld [smem:$0x3FFE];
	_ =	sdelay $0x1  }
0x8a: {  	s1 =	srdreg.scid  }
0x8b: {  	s0 =	sand.u32 $0x1, s1  }
0x8c: {  	s18 =	sshll.u32 s0, $0xA;
	s2 =	sadd.s32 s3, s2  }
0x8d: {  	s2 =	sadd.s32 s2, s18  }
0x8e: {  	[smem:$0x3FC3] =	sst s2  }
0x8f: {  	_ = 	snop  }
0x90: {  	s2 =	sld [smem:$0x3FC9]  }
0x91: {  	s19 =	sld [smem:$0x3FC8]  }
0x92: {  	s4 =	sld [smem:$0x3FC7]  }
0x93: {  	s5 =	sld [smem:$0x3FC6]  }
0x94: {  	s6 =	sld [smem:$0x3FC5]  }
0x95: {  	s7 =	sld [smem:$0x3FD0];
	(tm) =	ssettm $0x1  }
0x96: {  	s8 =	sld [smem:$0x3FFB];
	_ =	sdelay $0x3  }
0x97: {  	_ =	strace s8  }
0x98: {  	s8 =	sld [smem:$0x3FFC];
	_ =	sdelay $0x3  }
0x99: {  	_ =	strace s8  }
0x9a: {  	s8 =	sld [smem:$0x3FFD];
	_ =	sdelay $0x3  }
0x9b: {  	_ =	strace s8  }
0x9c: {  	_ =	strace $0x8FFFFFFF  }
0x9d: {  	s20 =	sld [smem:$0x3FDB];
	_ =	sdelay $0x1  }
0x9e: {  	s9 =	simm.s32 $_scs_section_size  }
0x9f: {  	s10 =	simm.s32 $_size__tile_overlayer_lowered;
	s11 =	simm.s32 $_tile_overlayer_lowered  }
0xa0: {  	s23 =	simm.s32 $0x1BFF;
	s22 =	sshll.u32 s11, $0x1;
	s8 =	sadd.s32 s9, s20  }
0xa1: {  	s12 =	simm.s32 $0x0;
	s21 =	sshll.u32 s10, $0x1;
	s10 =	sadd.s32 s22, s8  }
0xa2: {  	[timem:s12], [sflag:s23] =	dma.local [hbm:s10], s21  }
0xa3: {  	_ =	swait.ge [sflag:s23], s21  }
0xa4: {  	s9 =	ssub.s32 $0x0, s21;
	[sflag:s23] =	ssyncset.done $0x0  }
0xa5: {  	[sflag:s23] =	ssyncadd.s32 s9;
	_ =	sdelay $0x1  }
0xa6: {  	s24 =	simm.s32 $0x1B8B  }
0xa7: {  	_ =	swait.ge [sflag:s24], $0x1  }
0xa8: {  	[sflag:s24] =	ssyncset.done $0x0  }
0xa9: {  	s25 =	simm.s32 $0x1B8E;
	[sflag:s24] =	ssyncadd.s32 $0xFFFFFFFF  }
0xaa: {  	s26 =	simm.s32 $execute0_lowered;
	[smem:$0x3FD2] =	sst s25  }
0xab: {  	s9 =	sshll.u32 s26, $0x1;
	_ =	strace $0x80000046;
	[dreg:$0x1] =	wrdreg $0xFFFFFFFF  }
0xac: {  	s28 =	simm.s32 $_size_execute0_lowered;
	s8 =	sadd.s32 s8, s9;
	[dreg:$0x0] =	wrdreg $0x0  }
0xad: {  	s9 =	sshll.u32 s28, $0x1;
	[dreg:$0x2] =	wrdreg s8  }
0xae: {  	[dreg:$0x3] =	wrdreg s9  }
0xaf: {  	[dreg:$0x4] =	wrdreg $0xC0  }
0xb0: {  	_ =	task [dreg:s12], $0x5FFFF  }
0xb1: {  	[dreg:$0x1] =	wrdreg $0xFFFFFFFF  }
0xb2: {  	[dreg:$0x0] =	wrdreg $0x60  }
0xb3: {  	[dreg:$0x2] =	wrdreg s2  }
0xb4: {  	[dreg:$0x3] =	wrdreg s6  }
0xb5: {  	[dreg:$0x4] =	wrdreg s4  }
0xb6: {  	[dreg:$0x5] =	wrdreg s5  }
0xb7: {  	[dreg:$0x6] =	wrdreg s19  }
0xb8: {  	[dreg:$0x7] =	wrdreg s7  }
0xb9: {  	[dreg:$0x8] =	wrdreg $0x9  }
0xba: {  	_ =	task.clear_ibuf [dreg:s12], $0x9FFFF;
	_ =	strace $0x90000046  }
0xbb: {  	s29 =	simm.s32 $0x9;
	_ =	strace $0x80000048  }
0xbc: {  	_ =	swait.ge [sflag:s29], $0x1  }
0xbd: {  	[sflag:s29] =	ssyncadd.s32 $0xFFFFFFFF  }
0xbe: {  	_ =	strace $0x90000048  }
0xbf: {  	_ =	sfence  }
0xc0: {  	s30 =	sld [smem:$0x0];
	_ =	sdelay $0x2  }
0xc1: {  	s31 =	sshll.u32 s1, $0xD;
	s1 =	sshrl.u32 s1, $0x2  }
0xc2: {  	s3 =	sand.u32 $0x4000, s31;
	s1 =	sadd.s32 s1, s30  }
0xc3: {  	s0 =	sor.u32 s3, s0;
	s1 =	sshll.u32 s1, $0x11  }
0xc4: {  	s0 =	sor.u32 s1, s0  }
0xc5: {  	s0 =	sadd.s32 $0x8F2B, s0  }
0xc6: {  	[sflag:s0] =	ssyncadd.remote.s32 $0x1  }
0xc7: {  	_ =	sfence.sel $0xFFFF  }
0xc8: {  	[dreg:$0x0] =	wrdreg $0xFFFFFFFF;
	(pc) =	sbr.abs _section_cstart, $3  }
0xc9: {  	[dreg:$0x1] =	wrdreg $0xFFFFFFFF  }
0xca: {  	_ =	task.clear_ibuf [dreg:s12], $0x2FFFF;
	_ =	strace $0x9FFFFFFF  }
0xcb: {  	(tm) =	ssettm $0x7FFFFFFF  }
tec
execute0_lowered:
.L_overlay_start_1:
0x0: {  	(tag) =	ssettag $0x1  }
0x1: {  	s0 =	rddreg [dreg:$0x0]  }
0x2: {  	s1 =	rddreg [dreg:$0x1]  }
0x3: {  	s5 =	rddreg [dreg:$0x4]  }
0x4: {  	s6 =	rddreg [dreg:$0x5];
	s2 =	srdreg.scid  }
0x5: {  	s3 =	stileid.u32;
	s7 =	simm.s32 $0x0;
	s2 =	sand.u32 $0x1, s2  }
0x6: {  	s3 =	sshll.u32 s3, $0x9;
	[smem:$0x7FF] =	sst s7;
	s4 =	sshll.u32 s2, $0x8  }
0x7: {  	s2 =	ssub.s32 $0x2, s2;
	_ =	strace $0x80000047;
	s3 =	sor.u32 s4, s3  }
0x8: {  	s28 =	sshrl.u32 s2, $0x1;
	s8 =	sand.u32 $0x700, s3;
	s9 =	sshrl.u32 s3, $0x3  }
0x9: {  	s2 =	ssub.s32 s2, s28;
	s29 =	sshll.u32 s8, $0x7;
	s0 =	sadd.s32 s0, s9  }
.Ltmp0:
0xa: {  	s31 =	smax.u32 s2, $0x1;
	[dreg:$0x7] =	wrdreg s0;
	(pc) =	sbr.rel .LBB2_1-.Ltmp0, $4  }
0xb: {  	s30 =	sshll.u32 s3, $0x7;
	s1 =	sadd.s32 s1, s29;
	[dreg:$0xb] =	wrdreg s31  }
0xc: {  	v0 =	vlaneseq.u32;
	s12 =	sadd.s32 $0x100, s5;
	s0 =	sadd.s32 s6, s30;
	[dreg:$0x8] =	wrdreg s1  }
0xd: {  	s13 =	sadd.s32 $0x200, s5;
	v1 =	vshrl.u32 v0, $0x3;
	s1 =	sadd.s32 $0x400, s1;
	[dreg:$0xa] =	wrdreg s0  }
0xe: {  	vm0 =	vmmov $0xffff;
	s14 =	sadd.s32 $0x300, s5;
	v0 =	vand.u32 $0x7, v0;
	v1 =	vmul.u32 $0x8, v1;
	s2 =	simm.s32 $0x0;
	[dreg:$0x9] =	wrdreg s1  }
.LBB2_20:
0xf: {  	s0 =	simm.s32 $0x9  }
0x10: {  	_ =	swait.ge [sflag:s0], $0x2000  }
0x11: {  	[sflag:s0] =	ssyncset.done $0x0  }
0x12: {  	s29 =	simm.s32 $0xA;
	[sflag:s0] =	ssyncadd.s32 $0xFFFFE000  }
0x13: {  	_ =	swait.ge [sflag:s29], $0x2000  }
0x14: {  	[sflag:s29] =	ssyncset.done $0x0  }
0x15: {  	s30 =	simm.s32 $0xB;
	[sflag:s29] =	ssyncadd.s32 $0xFFFFE000  }
0x16: {  	_ =	swait.ge [sflag:s30], $0x2000  }
0x17: {  	[sflag:s30] =	ssyncset.done $0x0  }
0x18: {  	s1 =	simm.s32 $0xC;
	[sflag:s30] =	ssyncadd.s32 $0xFFFFE000  }
0x19: {  	_ =	swait.ge [sflag:s1], $0x2000  }
0x1a: {  	s2 =	rddreg [dreg:$0xc]  }
0x1b: {  	s31 =	rddreg [dreg:$0xb];
	s2 =	sadd.s32 $0x1, s2  }
0x1c: {  	p0 =	sne.s32 s2, s31  }
.Ltmp1:
0x1d: {  	_ = 	snop;
	(pc) =	sbr.rel @!p0 .LBB2_21-.Ltmp1, $3  }
0x1e: {  	_ =	sdelay $0x1  }
0x1f: {  	[sflag:s1] =	ssyncset.done $0x0  }
0x20: {  	[sflag:s1] =	ssyncadd.s32 $0xFFFFE000  }
.LBB2_1:
0x21: {  	[dreg:$0xc] =	wrdreg s2  }
0x22: {  	s0 =	rddreg [dreg:$0x7];
	s1 =	simm.s32 $0xD  }
0x23: {  	[tilespmem:s7], [sflag:$0xD] =	stream.linear.gather [hbm4b:s0+s7], $0x100, $0x38;
	[tilespmem:$0x10900] =	vst v63  }
0x24: {  	_ =	swait.ge [sflag:s1], $0x100  }
0x25: {  	[sflag:s1] =	ssyncset.done $0x0  }
0x26: {  	[sflag:s1] =	ssyncadd.s32 $0xFFFFFF00  }
0x27: {  	s15 =	simm.s32 $0x10100;
	s11 =	rddreg [dreg:$0x2]  }
0x28: {  	[tilespmem:s15], [sflag:$0xD] =	stream.linear.gather [hbm4b:s11+s7], $0x400, $0x38;
	[tilespmem:$0x10900] =	vst v63  }
0x29: {  	_ =	swait.ge [sflag:s1], $0x400  }
0x2a: {  	[sflag:s1] =	ssyncset.done $0x0  }
0x2b: {  	[sflag:s1] =	ssyncadd.s32 $0xFFFFFC00  }
0x2c: {  	s17 =	simm.s32 $0x10500;
	s16 =	rddreg [dreg:$0x3]  }
0x2d: {  	[tilespmem:s17], [sflag:$0xD] =	stream.linear.gather [hbm4b:s16+s7], $0x400, $0x38;
	[tilespmem:$0x10900] =	vst v63  }
0x2e: {  	_ =	swait.ge [sflag:s1], $0x400  }
0x2f: {  	[sflag:s1] =	ssyncset.done $0x0  }
0x30: {  	s19 =	simm.s32 $0x8100;
	s18 =	rddreg [dreg:$0x8];
	[sflag:s1] =	ssyncadd.s32 $0xFFFFFC00  }
0x31: {  	[tilespmem:s19], [sflag:$0x1] =	stream.linear.gather [hbm4b:s18+s7], $0x2000, $0x38;
	[tilespmem:$0x10900] =	vst v63  }
0x32: {  	v2 =	vld.msk [tilespmem:$0x0], $0xff;
	_ =	sdelay $0x4  }
0x33: {  	v3 =	vshll.u32 v2, $0x3  }
0x34: {  	v2 =	vand.u32 $0x7, v2;
	v3 =	vand.u32 $0xFFFFFFC0, v3  }
0x35: {  	v2 =	vor.u32 v2, v3  }
0x36: {  	v2 =	vperm.xlane v2, v0;
	_ =	sdelay $0x1  }
0x37: {  	v2 =	vadd.s32 v1, v2;
	_ =	sdelay $0x3  }
0x38: {  	s21 =	simm.s32 $0x100;
	s20 =	rddreg [dreg:$0x4]  }
0x39: {  	[tilespmem:s21], [sflag:$0x5] =	stream.indirect_vreg.gather [hbm4b:s20+s7], $0x80, v2, vm0, $0xb8;
	[tilespmem:$0x10900] =	vst v63  }
0x3a: {  	s22 =	simm.s32 $0x900  }
0x3b: {  	[tilespmem:s22], [sflag:$0x5] =	stream.indirect_vreg.gather [hbm4b:s12+s7], $0x80, v2, vm0, $0xb8;
	[tilespmem:$0x10900] =	vst v63  }
0x3c: {  	s23 =	simm.s32 $0x1100  }
0x3d: {  	[tilespmem:s23], [sflag:$0x5] =	stream.indirect_vreg.gather [hbm4b:s13+s7], $0x80, v2, vm0, $0xb8;
	[tilespmem:$0x10900] =	vst v63  }
0x3e: {  	s24 =	simm.s32 $0x1900  }
0x3f: {  	[tilespmem:s24], [sflag:$0x5] =	stream.indirect_vreg.gather [hbm4b:s14+s7], $0x80, v2, vm0, $0xb8;
	[tilespmem:$0x10900] =	vst v63  }
0x40: {  	s26 =	simm.s32 $0xA100;
	s25 =	rddreg [dreg:$0x9]  }
0x41: {  	[tilespmem:s26], [sflag:$0x2] =	stream.linear.gather [hbm4b:s25+s7], $0x2000, $0x38;
	[tilespmem:$0x10900] =	vst v63  }
0x42: {  	v2 =	vld.msk [tilespmem:$0x8], $0xff;
	_ =	sdelay $0x4  }
0x43: {  	v3 =	vshll.u32 v2, $0x3  }
0x44: {  	v2 =	vand.u32 $0x7, v2;
	v3 =	vand.u32 $0xFFFFFFC0, v3  }
0x45: {  	v2 =	vor.u32 v2, v3  }
0x46: {  	v2 =	vperm.xlane v2, v0;
	_ =	sdelay $0x1  }
0x47: {  	v2 =	vadd.s32 v1, v2;
	_ =	sdelay $0x3  }
0x48: {  	s28 =	simm.s32 $0x2100  }
0x49: {  	[tilespmem:s28], [sflag:$0x6] =	stream.indirect_vreg.gather [hbm4b:s20+s7], $0x80, v2, vm0, $0xb8;
	[tilespmem:$0x10900] =	vst v63  }
0x4a: {  	s29 =	simm.s32 $0x2900  }
0x4b: {  	[tilespmem:s29], [sflag:$0x6] =	stream.indirect_vreg.gather [hbm4b:s12+s7], $0x80, v2, vm0, $0xb8;
	[tilespmem:$0x10900] =	vst v63  }
0x4c: {  	s30 =	simm.s32 $0x3100  }
0x4d: {  	[tilespmem:s30], [sflag:$0x6] =	stream.indirect_vreg.gather [hbm4b:s13+s7], $0x80, v2, vm0, $0xb8;
	[tilespmem:$0x10900] =	vst v63  }
0x4e: {  	s31 =	simm.s32 $0x3900;
	s2 =	simm.s32 $0x0  }
0x4f: {  	[tilespmem:s31], [sflag:$0x6] =	stream.indirect_vreg.gather [hbm4b:s14+s7], $0x80, v2, vm0, $0xb8;
	[tilespmem:$0x10900] =	vst v63  }
.LBB2_2:
0x50: {  	s0 =	simm.s32 $0x5  }
0x51: {  	_ =	swait.ge [sflag:s0], $0x2000  }
0x52: {  	[sflag:s0] =	ssyncset.done $0x0  }
0x53: {  	s1 =	simm.s32 $0x1;
	[sflag:s0] =	ssyncadd.s32 $0xFFFFE000  }
0x54: {  	s30 =	simm.s32 $0x0;
	_ =	swait.ge [sflag:s1], $0x2000  }
0x55: {  	s3 =	sor.u32 s30, s30;
	[sflag:s1] =	ssyncset.done $0x0  }
0x56: {  	s3 =	sor.u32 $0x380, s3;
	[sflag:s1] =	ssyncadd.s32 $0xFFFFE000  }
0x57: {  	s4 =	sand.u32 $0x70, s30;
	s0 =	sand.u32 $0x1C00, s30;
	v2 =	vld [tilespmem:s3+$0x100]  }
0x58: {  	s4 =	sor.u32 s4, s0;
	v3 =	vld [tilespmem:s3+$0x8100]  }
0x59: {  	v4 =	vld [tilespmem:s4+$0x100]  }
0x5a: {  	v5 =	vld [tilespmem:s4+$0x8100]  }
0x5b: {  	v6 =	vld [tilespmem:s4+$0x180]  }
0x5c: {  	v7 =	vld [tilespmem:s4+$0x8180]  }
0x5d: {  	v10 =	vld [tilespmem:s4+$0x280]  }
0x5e: {  	v11 =	vld [tilespmem:s4+$0x8280];
	_ =	sdelay $0x1  }
0x5f: {  	v8 =	vld [tilespmem:s4+$0x200]  }
0x60: {  	v16 =	vimm.f32 $0.0e+00;
	v9 =	vld [tilespmem:s4+$0x8200]  }
0x61: {  	v17 =	vimm.f32 $0.0e+00;
	v2 =	vadd.f32 v3, v2;
	v4 =	vadd.f32 v5, v4  }
0x62: {  	v14 =	vimm.f32 $0.0e+00;
	v6 =	vadd.f32 v7, v6;
	v24 =	vadd.f32 v11, v10  }
0x63: {  	v15 =	vld [tilespmem:s4+$0x300];
	v5 =	vmul.f32 v2, v2;
	v3 =	vadd.f32 v2, v16;
	v7 =	vmul.f32 v4, v4  }
0x64: {  	v18 =	vld [tilespmem:s4+$0x8300];
	v22 =	vadd.f32 v4, v16;
	v4 =	vmul.f32 v6, v6;
	v21 =	vadd.f32 v6, v16  }
0x65: {  	v12 =	vld [tilespmem:s4+$0x380];
	v11 =	vimm.f32 $0.0e+00;
	v2 =	vadd.f32 v5, v16;
	v5 =	vadd.f32 v9, v8  }
0x66: {  	s31 =	simm.s32 $0x10;
	v13 =	vld [tilespmem:s4+$0x8380];
	s3 =	simm.s32 $0x80;
	v6 =	vimm.f32 $0.0e+00;
	v23 =	vadd.f32 v7, v16;
	v20 =	vadd.f32 v4, v16  }
0x67: {  	s6 =	sand.u32 $0x70, s31;
	s10 =	sand.u32 $0x1C00, s3;
	s0 =	sor.u32 s3, s31;
	v10 =	vld [tilespmem:s4+$0x8400];
	v9 =	vimm.f32 $0.0e+00;
	v7 =	vimm.f32 $0.0e+00;
	v25 =	vmul.f32 v5, v5  }
0x68: {  	s19 =	sor.u32 s6, s10;
	s20 =	sor.u32 $0x380, s0;
	s0 =	simm.s32 $0x20;
	v8 =	vld [tilespmem:s4+$0x400];
	v4 =	vimm.f32 $0.0e+00;
	v19 =	vadd.f32 v5, v16;
	v5 =	vimm.f32 $0.0e+00  }
.LBB2_3:
0x69: {  	p0 =	sne.s32 s0, $0x3F0;
	v26 =	vld [tilespmem:s20+$0x100];
	v16 =	vadd.f32 v25, v16;
	v25 =	vmul.f32 v24, v24;
	v15 =	vadd.f32 v18, v15  }
0x6a: {  	v17 =	vadd.f32 v24, v17;
	v18 =	vld [tilespmem:s20+$0x8100]  }
0x6b: {  	v24 =	vld [tilespmem:s19+$0x100];
	v14 =	vadd.f32 v25, v14;
	v25 =	vmul.f32 v15, v15;
	v12 =	vadd.f32 v13, v12  }
0x6c: {  	v11 =	vadd.f32 v15, v11;
	v13 =	vld [tilespmem:s19+$0x8100]  }
0x6d: {  	v15 =	vld [tilespmem:s19+$0x180];
	v9 =	vadd.f32 v25, v9;
	v25 =	vmul.f32 v12, v12;
	v8 =	vadd.f32 v10, v8  }
0x6e: {  	v7 =	vadd.f32 v12, v7;
	v10 =	vld [tilespmem:s19+$0x8180]  }
0x6f: {  	v12 =	vld [tilespmem:s19+$0x200];
	v18 =	vadd.f32 v18, v26;
	v6 =	vadd.f32 v25, v6;
	v25 =	vmul.f32 v8, v8  }
0x70: {  	v5 =	vadd.f32 v8, v5;
	v26 =	vld [tilespmem:s19+$0x8200]  }
0x71: {  	v8 =	vadd.f32 v13, v24;
	v24 =	vld [tilespmem:s19+$0x280];
	v13 =	vmul.f32 v18, v18;
	v4 =	vadd.f32 v25, v4  }
0x72: {  	v3 =	vadd.f32 v18, v3;
	v27 =	vld [tilespmem:s19+$0x8280]  }
0x73: {  	v25 =	vmul.f32 v8, v8;
	v10 =	vadd.f32 v10, v15;
	v15 =	vld [tilespmem:s19+$0x300];
	v2 =	vadd.f32 v13, v2  }
.Ltmp2:
0x74: {  	v22 =	vadd.f32 v8, v22;
	v18 =	vld [tilespmem:s19+$0x8300];
	(pc) =	sbr.rel @p0 .LBB2_3-.Ltmp2, $4  }
0x75: {  	v23 =	vadd.f32 v25, v23;
	v8 =	vmul.f32 v10, v10;
	v26 =	vadd.f32 v26, v12;
	v12 =	vld [tilespmem:s19+$0x380]  }
0x76: {  	s3 =	sadd.s32 $0x80, s3;
	v21 =	vadd.f32 v10, v21;
	v13 =	vld [tilespmem:s19+$0x8380]  }
0x77: {  	s4 =	sand.u32 $0x70, s0;
	s6 =	sand.u32 $0x1C00, s3;
	s10 =	sor.u32 s3, s0;
	v20 =	vadd.f32 v8, v20;
	v25 =	vmul.f32 v26, v26;
	v24 =	vadd.f32 v27, v24;
	v8 =	vld [tilespmem:s19+$0x400]  }
0x78: {  	s0 =	sadd.s32 $0x10, s0;
	s20 =	sor.u32 $0x380, s10;
	v19 =	vadd.f32 v26, v19;
	v10 =	vld [tilespmem:s19+$0x8400];
	s19 =	sor.u32 s4, s6  }
0x79: {  	v26 =	vld [tilespmem:s19+$0x100]  }
0x7a: {  	v27 =	vld [tilespmem:s19+$0x8100];
	_ =	sdelay $0x4  }
0x7b: {  	v26 =	vadd.f32 v27, v26;
	_ =	sdelay $0x1  }
0x7c: {  	v22 =	vadd.f32 v26, v22;
	v26 =	vmul.f32 v26, v26;
	_ =	sdelay $0x1  }
0x7d: {  	(xrf2) =	vadd.scan.msk.f32 $0xffff, v22;
	v22 =	vadd.f32 v26, v23;
	_ =	sdelay $0x1  }
0x7e: {  	v23 =	vld [tilespmem:s19+$0x8180];
	(xrf2) =	vadd.scan.msk.f32 $0xffff, v22  }
0x7f: {  	v22 =	vld [tilespmem:s19+$0x180];
	_ =	sdelay $0x4  }
0x80: {  	v22 =	vadd.f32 v23, v22;
	_ =	sdelay $0x1  }
0x81: {  	v21 =	vadd.f32 v22, v21;
	v58, _, _ =	vpop (xrf2)  }
0x82: {  	(v2sf) =	vpush v58, $0xF  }
0x83: {  	v23, _, _ =	vpop (xrf2);
	(xrf2) =	vadd.scan.msk.f32 $0xffff, v21  }
0x84: {  	v22 =	vmul.f32 v22, v22;
	_ =	sdelay $0x1  }
0x85: {  	v20 =	vadd.f32 v22, v20;
	(v2sf) =	vpush v23, $0xF;
	_ =	sdelay $0x1  }
0x86: {  	v21 =	vld [tilespmem:s19+$0x8200];
	(xrf2) =	vadd.scan.msk.f32 $0xffff, v20  }
0x87: {  	v20 =	vld [tilespmem:s19+$0x200];
	_ =	sdelay $0x3  }
0x88: {  	v22, _, _ =	vpop (xrf2)  }
0x89: {  	v20 =	vadd.f32 v21, v20;
	(v2sf) =	vpush v22, $0xF;
	_ =	sdelay $0x1  }
0x8a: {  	v19 =	vadd.f32 v20, v19  }
0x8b: {  	s0 =	spop (v2sf)  }
0x8c: {  	v16 =	vadd.f32 v25, v16;
	v20 =	vmul.f32 v20, v20;
	(xrf2) =	vadd.scan.msk.f32 $0xffff, v19;
	v21, _, _ =	vpop (xrf2);
	s15 =	smul.f32 $3.125000000e-02, s0  }
0x8d: {  	(v2sf) =	vpush v21, $0xF  }
0x8e: {  	v16 =	vadd.f32 v20, v16;
	s0 =	smul.f32 s15, s15  }
0x8f: {  	v19 =	vld [tilespmem:s19+$0x8280];
	s3 =	spop (v2sf)  }
0x90: {  	(xrf2) =	vadd.scan.msk.f32 $0xffff, v16;
	v16 =	vld [tilespmem:s19+$0x280];
	s0 =	ssub.f32 s3, s0;
	_ =	sdelay $0x1  }
0x91: {  	s0 =	sadd.f32 $9.999999740e-06, s0;
	_ =	sdelay $0x1  }
0x92: {  	s18 =	sshrl.u32 s0, $0x1;
	s0 =	smul.f32 $5.000000000e-01, s0  }
0x93: {  	v17 =	vadd.f32 v24, v17;
	v16 =	vadd.f32 v19, v16;
	s3 =	ssub.s32 $0x5F3759DF, s18  }
0x94: {  	v20, _, _ =	vpop (xrf2);
	s4 =	smul.f32 s3, s0  }
0x95: {  	v17 =	vadd.f32 v16, v17;
	s6 =	spop (v2sf);
	(v2sf) =	vpush v20, $0xF  }
0x96: {  	v19 =	vmul.f32 v24, v24;
	s4 =	smul.f32 s3, s4  }
0x97: {  	(xrf2) =	vadd.scan.msk.f32 $0xffff, v17;
	s16 =	smul.f32 $3.125000000e-02, s6  }
0x98: {  	v14 =	vadd.f32 v19, v14;
	v16 =	vmul.f32 v16, v16;
	s4 =	ssub.f32 $1.500000000e+00, s4  }
0x99: {  	v20, _, _ =	vpop (xrf2);
	s21 =	smul.f32 s16, s16  }
0x9a: {  	v14 =	vadd.f32 v16, v14;
	s10 =	spop (v2sf);
	(v2sf) =	vpush v20, $0xF;
	s3 =	smul.f32 s3, s4  }
0x9b: {  	v16 =	vld [tilespmem:s19+$0x300];
	s4 =	ssub.f32 s10, s21  }
0x9c: {  	(xrf2) =	vadd.scan.msk.f32 $0xffff, v14;
	v14 =	vld [tilespmem:s19+$0x8300];
	s22 =	smul.f32 s3, s0  }
0x9d: {  	s4 =	sadd.f32 $9.999999740e-06, s4  }
0x9e: {  	s6 =	smul.f32 s22, s3  }
0x9f: {  	v15 =	vadd.f32 v18, v15;
	s23 =	sshrl.u32 s4, $0x1;
	s4 =	smul.f32 $5.000000000e-01, s4  }
0xa0: {  	s10 =	ssub.s32 $0x5F3759DF, s23;
	s6 =	ssub.f32 $1.500000000e+00, s6  }
0xa1: {  	v11 =	vadd.f32 v15, v11;
	v17 =	vld [tilespmem:s19+$0x380];
	v14 =	vadd.f32 v14, v16;
	v16, _, _ =	vpop (xrf2);
	s24 =	smul.f32 s10, s4  }
0xa2: {  	v15 =	vmul.f32 v15, v15;
	(v2sf) =	vpush v16, $0xF;
	v16 =	vld [tilespmem:s19+$0x8380];
	s6 =	smul.f32 s6, s3  }
0xa3: {  	v11 =	vadd.f32 v14, v11;
	s3 =	smul.f32 s10, s24  }
0xa4: {  	v9 =	vadd.f32 v15, v9;
	v14 =	vmul.f32 v14, v14;
	s0 =	smul.f32 s6, s0;
	s25 =	spop (v2sf)  }
0xa5: {  	(xrf2) =	vadd.scan.msk.f32 $0xffff, v11;
	v11 =	vadd.f32 v13, v12;
	s11 =	ssub.f32 $1.500000000e+00, s3;
	s3 =	smul.f32 $3.125000000e-02, s25  }
0xa6: {  	v9 =	vadd.f32 v14, v9;
	s0 =	smul.f32 s0, s6  }
0xa7: {  	v7 =	vadd.f32 v11, v7;
	v12 =	vadd.f32 v16, v17;
	s10 =	smul.f32 s10, s11  }
0xa8: {  	v15, _, _ =	vpop (xrf2);
	s26 =	smul.f32 s3, s3  }
0xa9: {  	(xrf2) =	vadd.scan.msk.f32 $0xffff, v9;
	v9 =	vmul.f32 v11, v11;
	v7 =	vadd.f32 v12, v7;
	(v2sf) =	vpush v15, $0xF;
	s21 =	spop (v2sf);
	s17 =	smul.f32 s10, s4  }
0xaa: {  	s11 =	ssub.f32 s21, s26  }
0xab: {  	v6 =	vadd.f32 v9, v6;
	(xrf2) =	vadd.scan.msk.f32 $0xffff, v7;
	v7 =	vmul.f32 v12, v12;
	s0 =	ssub.f32 $1.500000000e+00, s0;
	s17 =	smul.f32 s17, s10  }
0xac: {  	s11 =	sadd.f32 $9.999999740e-06, s11  }
0xad: {  	v6 =	vadd.f32 v7, v6;
	s0 =	smul.f32 s0, s6;
	s28 =	ssub.f32 $1.500000000e+00, s17  }
0xae: {  	s29 =	sshrl.u32 s11, $0x1;
	s22 =	smul.f32 $5.000000000e-01, s11  }
0xaf: {  	v7, _, _ =	vpop (xrf2);
	(xrf2) =	vadd.scan.msk.f32 $0xffff, v6;
	v6 =	vld [tilespmem:s19+$0x8400];
	s6 =	smul.f32 s28, s10;
	s30 =	ssub.s32 $0x5F3759DF, s29  }
0xb0: {  	(v2sf) =	vpush v7, $0xF;
	v7 =	vld [tilespmem:s19+$0x400];
	s11 =	smul.f32 s30, s22  }
0xb1: {  	s4 =	smul.f32 s6, s4  }
0xb2: {  	v8 =	vadd.f32 v10, v8;
	s11 =	smul.f32 s30, s11  }
0xb3: {  	s1 =	spop (v2sf)  }
0xb4: {  	v5 =	vadd.f32 v8, v5;
	v9, _, _ =	vpop (xrf2);
	s4 =	smul.f32 s4, s6;
	s31 =	ssub.f32 $1.500000000e+00, s11  }
0xb5: {  	(v2sf) =	vpush v9, $0xF;
	v6 =	vadd.f32 v6, v7;
	s11 =	smul.f32 $3.125000000e-02, s1  }
0xb6: {  	s10 =	smul.f32 s30, s31  }
0xb7: {  	s15 =	ssub.f32 $0.0e+00, s15;
	v5 =	vadd.f32 v6, v5;
	s5 =	smul.f32 s11, s11  }
0xb8: {  	v9, _, _ =	vpop (xrf2);
	s23 =	spop (v2sf);
	s18 =	smul.f32 s10, s22  }
0xb9: {  	s17 =	smul.f32 $3.200000000e+01, s0;
	v7 =	vmul.f32 v8, v8;
	v8, _, _ =	vpop (xrf2);
	(xrf2) =	vadd.scan.msk.f32 $0xffff, v5;
	s19 =	ssub.f32 s23, s5  }
0xba: {  	(v2sf) =	vpush v9, $0xF;
	s4 =	ssub.f32 $1.500000000e+00, s4;
	s24 =	smul.f32 s18, s10  }
0xbb: {  	s21 =	smul.f32 s0, s15;
	s25 =	sadd.f32 $9.999999740e-06, s19  }
0xbc: {  	s4 =	smul.f32 s4, s6;
	s26 =	ssub.f32 $1.500000000e+00, s24  }
0xbd: {  	s28 =	sshrl.u32 s25, $0x1;
	s0 =	smul.f32 $5.000000000e-01, s25  }
0xbe: {  	s29 =	ssub.s32 $0x5F3759DF, s28;
	s6 =	smul.f32 s26, s10  }
0xbf: {  	(v2sf) =	vpush v8, $0xF;
	s15 =	smul.f32 s29, s0  }
0xc0: {  	v4 =	vadd.f32 v7, v4;
	v5 =	vmul.f32 v6, v6;
	s30 =	smul.f32 s6, s22  }
0xc1: {  	s15 =	smul.f32 s29, s15  }
0xc2: {  	v4 =	vadd.f32 v5, v4;
	s31 =	spop (v2sf);
	s25 =	smul.f32 $3.200000000e+01, s4  }
0xc3: {  	v6, _, _ =	vpop (xrf2);
	s19 =	smul.f32 s30, s6;
	s1 =	ssub.f32 $1.500000000e+00, s15  }
0xc4: {  	v5 =	vld [tilespmem:s20+$0x100];
	(xrf2) =	vadd.scan.msk.f32 $0xffff, v4;
	s5 =	spop (v2sf);
	(v2sf) =	vpush v6, $0xF;
	s15 =	smul.f32 $3.125000000e-02, s31  }
0xc5: {  	s16 =	ssub.f32 $0.0e+00, s16;
	v4 =	vld [tilespmem:s20+$0x8100];
	s20 =	smul.f32 s29, s1  }
0xc6: {  	s18 =	smul.f32 s15, s15  }
0xc7: {  	s22 =	smul.f32 s4, s16;
	s24 =	ssub.f32 $1.500000000e+00, s19  }
0xc8: {  	s26 =	smul.f32 s20, s0;
	s10 =	ssub.f32 s5, s18  }
0xc9: {  	s28 =	spop (v2sf);
	s4 =	smul.f32 s24, s6  }
0xca: {  	v4 =	vadd.f32 v4, v5;
	s16 =	smul.f32 s26, s20;
	s29 =	sadd.f32 $9.999999740e-06, s10  }
0xcb: {  	s10 =	smul.f32 $3.125000000e-02, s28  }
0xcc: {  	v3 =	vadd.f32 v4, v3;
	s19 =	smul.f32 $5.000000000e-01, s29  }
0xcd: {  	s3 =	ssub.f32 $0.0e+00, s3;
	s30 =	sshrl.u32 s29, $0x1;
	s31 =	smul.f32 s10, s10  }
0xce: {  	(xrf2) =	vadd.scan.msk.f32 $0xffff, v3;
	v5, _, _ =	vpop (xrf2);
	s18 =	spop (v2sf);
	s28 =	smul.f32 $3.200000000e+01, s4;
	s6 =	ssub.s32 $0x5F3759DF, s30  }
0xcf: {  	v3 =	vmul.f32 v4, v4;
	(v2sf) =	vpush v5, $0xF;
	s24 =	smul.f32 s6, s19;
	s18 =	ssub.f32 s18, s31  }
0xd0: {  	s3 =	smul.f32 s4, s3;
	s16 =	ssub.f32 $1.500000000e+00, s16  }
0xd1: {  	v2 =	vadd.f32 v3, v2;
	s1 =	smul.f32 s6, s24;
	s5 =	sadd.f32 $9.999999740e-06, s18  }
0xd2: {  	s18 =	smul.f32 s16, s20  }
0xd3: {  	(xrf2) =	vadd.scan.msk.f32 $0xffff, v2;
	s31 =	spop (v2sf);
	s4 =	smul.f32 $5.000000000e-01, s5  }
0xd4: {  	s23 =	ssub.f32 $1.500000000e+00, s1;
	s30 =	smul.f32 s18, s0  }
0xd5: {  	s24 =	sshrl.u32 s5, $0x1;
	s0 =	smul.f32 $3.125000000e-02, s31  }
0xd6: {  	s26 =	ssub.s32 $0x5F3759DF, s24;
	s6 =	smul.f32 s6, s23  }
0xd7: {  	s20 =	smul.f32 s26, s4  }
0xd8: {  	v2, _, _ =	vpop (xrf2);
	s5 =	smul.f32 s0, s0  }
0xd9: {  	(v2sf) =	vpush v2, $0xF;
	s20 =	smul.f32 s26, s20  }
0xda: {  	s29 =	smul.f32 s6, s19  }
0xdb: {  	s24 =	smul.f32 s30, s18;
	s20 =	ssub.f32 $1.500000000e+00, s20  }
0xdc: {  	s23 =	smul.f32 s29, s6  }
0xdd: {  	v2, _, _ =	vpop (xrf2);
	s24 =	ssub.f32 $1.500000000e+00, s24;
	s16 =	smul.f32 s26, s20  }
0xde: {  	s29 =	spop (v2sf);
	(v2sf) =	vpush v2, $0xF;
	s1 =	ssub.f32 $1.500000000e+00, s23  }
0xdf: {  	s23 =	ssub.f32 s29, s5;
	s26 =	smul.f32 s16, s4  }
0xe0: {  	s18 =	smul.f32 s24, s18  }
0xe1: {  	s20 =	sadd.f32 $9.999999740e-06, s23;
	s29 =	smul.f32 s26, s16  }
0xe2: {  	s6 =	smul.f32 s1, s6  }
0xe3: {  	s30 =	sshrl.u32 s20, $0x1;
	s23 =	ssub.f32 $1.500000000e+00, s29;
	s29 =	smul.f32 $5.000000000e-01, s20  }
0xe4: {  	s19 =	smul.f32 s6, s19;
	s31 =	ssub.s32 $0x5F3759DF, s30  }
0xe5: {  	s1 =	smul.f32 s31, s29  }
0xe6: {  	s20 =	smul.f32 s23, s16  }
0xe7: {  	s16 =	smul.f32 s31, s1  }
0xe8: {  	s5 =	spop (v2sf);
	s19 =	smul.f32 s19, s6  }
0xe9: {  	s4 =	smul.f32 s20, s4;
	s30 =	ssub.f32 $1.500000000e+00, s16  }
0xea: {  	s16 =	smul.f32 $3.125000000e-02, s5  }
0xeb: {  	s11 =	ssub.f32 $0.0e+00, s11;
	s23 =	smul.f32 s31, s30  }
0xec: {  	s19 =	ssub.f32 $1.500000000e+00, s19;
	s26 =	smul.f32 s16, s16  }
0xed: {  	s4 =	smul.f32 s4, s20;
	s31 =	spop (v2sf)  }
0xee: {  	s30 =	smul.f32 s23, s29;
	s31 =	ssub.f32 s31, s26  }
0xef: {  	s11 =	smul.f32 s18, s11;
	s4 =	ssub.f32 $1.500000000e+00, s4  }
0xf0: {  	s1 =	smul.f32 s30, s23;
	s5 =	sadd.f32 $9.999999740e-06, s31  }
0xf1: {  	s6 =	smul.f32 s19, s6;
	s19 =	simm.s32 $0x0  }
0xf2: {  	s24 =	smul.f32 s4, s20;
	s30 =	ssub.f32 $1.500000000e+00, s1;
	s31 =	sshrl.u32 s5, $0x1  }
0xf3: {  	s4 =	smul.f32 $5.000000000e-01, s5;
	s1 =	sand.u32 $0x70, s19;
	s5 =	sand.u32 $0x1C00, s19  }
0xf4: {  	s18 =	smul.f32 $3.200000000e+01, s18;
	s20 =	sor.u32 s1, s5  }
0xf5: {  	s10 =	ssub.f32 $0.0e+00, s10;
	s26 =	ssub.s32 $0x5F3759DF, s31;
	s23 =	smul.f32 s30, s23;
	v16 =	vld [tilespmem:s20+$0x8280]  }
0xf6: {  	s30 =	smul.f32 s26, s4;
	v18 =	vld [tilespmem:s20+$0x280]  }
0xf7: {  	s10 =	smul.f32 s24, s10;
	v13 =	vld [tilespmem:s20+$0x200]  }
0xf8: {  	v14 =	vld [tilespmem:s20+$0x8200];
	s30 =	smul.f32 s26, s30  }
0xf9: {  	v19 =	vld [tilespmem:s20+$0x8180];
	s29 =	smul.f32 s23, s29  }
0xfa: {  	s24 =	smul.f32 $3.200000000e+01, s24;
	v20 =	vld [tilespmem:s20+$0x8380];
	s30 =	ssub.f32 $1.500000000e+00, s30  }
0xfb: {  	v21 =	vld [tilespmem:s20+$0x100];
	s29 =	smul.f32 s29, s23  }
0xfc: {  	v22 =	vld [tilespmem:s20+$0x180];
	s26 =	smul.f32 s26, s30  }
0xfd: {  	s31 =	smul.f32 $3.200000000e+01, s6;
	v23 =	vld [tilespmem:s20+$0x8100];
	s29 =	ssub.f32 $1.500000000e+00, s29  }
0xfe: {  	v4 =	vmov s25;
	v60 =	vld [tilespmem:s20+$0x380];
	s1 =	smul.f32 s26, s4  }
0xff: {  	v3 =	vmov s21;
	v5 =	vmov s22;
	v6 =	vmov s28;
	v17 =	vld [tilespmem:s20+$0x8400];
	s23 =	smul.f32 s29, s23  }
0x100: {  	s21 =	simm.s32 $0x10100;
	v7 =	vmov s3;
	s0 =	ssub.f32 $0.0e+00, s0;
	v2 =	vmov s17;
	v8 =	vmov s18;
	v59 =	vld [tilespmem:s20+$0x400];
	s22 =	smul.f32 s1, s26  }
0x101: {  	v15 =	vld [tilespmem:s21+$0x0];
	v9 =	vmov s11;
	v11 =	vmov s24;
	v62 =	vadd.f32 v14, v13;
	s5 =	smul.f32 $3.200000000e+01, s23  }
0x102: {  	v12 =	vmov s10;
	v61 =	vld [tilespmem:s20+$0x8300];
	v16 =	vadd.f32 v16, v18;
	v19 =	vadd.f32 v19, v22;
	s0 =	smul.f32 s23, s0;
	s23 =	ssub.f32 $1.500000000e+00, s22  }
0x103: {  	v18 =	vld [tilespmem:s20+$0x300];
	v21 =	vadd.f32 v23, v21;
	v20 =	vadd.f32 v20, v60;
	v22 =	vmul.f32 v62, v6  }
0x104: {  	v10 =	vmov s31;
	v16 =	vmul.f32 v16, v8;
	v19 =	vmul.f32 v19, v4;
	s25 =	smul.f32 s23, s26;
	s26 =	simm.s32 $0x10500  }
0x105: {  	v24 =	vadd.f32 v17, v59;
	v21 =	vmul.f32 v21, v2;
	v20 =	vmul.f32 v20, v11;
	v17 =	vld [tilespmem:s26+$0x0]  }
0x106: {  	v22 =	vadd.f32 v22, v7;
	v16 =	vadd.f32 v16, v9;
	v13 =	vmov s5;
	s28 =	smul.f32 s25, s4  }
0x107: {  	s29 =	ssub.f32 $0.0e+00, s15;
	v19 =	vadd.f32 v19, v5;
	v20 =	vadd.f32 v20, v12;
	v23 =	vmul.f32 v24, v13  }
0x108: {  	v18 =	vadd.f32 v61, v18;
	v22 =	vmul.f32 v22, v15;
	v14 =	vmov s0;
	s3 =	smul.f32 s28, s25  }
0x109: {  	v21 =	vadd.f32 v21, v3;
	v16 =	vmul.f32 v16, v15;
	v23 =	vadd.f32 v23, v14;
	s4 =	smul.f32 s6, s29  }
0x10a: {  	v20 =	vmul.f32 v20, v15;
	v18 =	vmul.f32 v18, v10;
	s3 =	ssub.f32 $1.500000000e+00, s3;
	v22 =	vadd.f32 v22, v17  }
0x10b: {  	v23 =	vmul.f32 v23, v15;
	v63 =	vadd.f32 v16, v17;
	v16 =	vmov s4  }
0x10c: {  	v21 =	vmul.f32 v21, v15;
	v20 =	vadd.f32 v20, v17;
	v18 =	vadd.f32 v18, v16;
	s0 =	smul.f32 s3, s25;
	[tilespmem:s20+$0x200] =	vst v22  }
0x10d: {  	s30 =	ssub.f32 $0.0e+00, s16;
	v19 =	vmul.f32 v19, v15;
	v22 =	vadd.f32 v23, v17;
	[tilespmem:s20+$0x280] =	vst v63  }
0x10e: {  	v21 =	vadd.f32 v21, v17;
	[tilespmem:s20+$0x380] =	vst v20;
	v23 =	vmul.f32 v18, v15;
	s31 =	smul.f32 $3.200000000e+01, s0  }
0x10f: {  	[tilespmem:s20+$0x400] =	vst v22;
	s0 =	smul.f32 s0, s30;
	v22 =	vadd.f32 v19, v17  }
0x110: {  	[tilespmem:s20+$0x100] =	vst v21;
	v20 =	vadd.f32 v23, v17  }
0x111: {  	s11 =	simm.s32 $0x10;
	s15 =	simm.s32 $0x10510;
	v18 =	vmov s31;
	v19 =	vmov s0;
	[tilespmem:s20+$0x180] =	vst v22;
	s0 =	sor.u32 s19, s19  }
.LBB2_5:
0x112: {  	[tilespmem:s20+$0x300] =	vst v20;
	s0 =	sor.u32 $0x380, s0;
	s19 =	sadd.s32 $0x80, s19;
	s21 =	sadd.s32 $0x10, s21  }
0x113: {  	p0 =	sne.s32 s11, $0x3F0;
	s16 =	smov.u32 s11;
	s11 =	sadd.s32 $0x10, s11;
	v20 =	vld [tilespmem:s0+$0x100]  }
0x114: {  	v21 =	vld [tilespmem:s0+$0x8100];
	_ =	sdelay $0x4  }
0x115: {  	v20 =	vadd.f32 v21, v20;
	_ =	sdelay $0x1  }
0x116: {  	v20 =	vmul.f32 v20, v18;
	_ =	sdelay $0x1  }
0x117: {  	v20 =	vadd.f32 v20, v19;
	_ =	sdelay $0x1  }
0x118: {  	v15 =	vmul.f32 v20, v15;
	_ =	sdelay $0x1  }
0x119: {  	s3 =	sand.u32 $0x70, s16;
	s4 =	sand.u32 $0x1C00, s19;
	v15 =	vadd.f32 v15, v17  }
0x11a: {  	s20 =	sor.u32 s3, s4  }
0x11b: {  	[tilespmem:s0+$0x100] =	vst v15  }
0x11c: {  	v17 =	vld [tilespmem:s20+$0x8280]  }
0x11d: {  	v20 =	vld [tilespmem:s20+$0x8400]  }
0x11e: {  	v21 =	vld [tilespmem:s20+$0x280]  }
0x11f: {  	v15 =	vld [tilespmem:s20+$0x200]  }
0x120: {  	v22 =	vld [tilespmem:s20+$0x8200]  }
0x121: {  	v23 =	vld [tilespmem:s20+$0x8180]  }
0x122: {  	v24 =	vld [tilespmem:s20+$0x8380]  }
0x123: {  	v25 =	vld [tilespmem:s20+$0x100]  }
0x124: {  	v26 =	vld [tilespmem:s20+$0x180]  }
0x125: {  	v27 =	vld [tilespmem:s20+$0x8100]  }
0x126: {  	v28 =	vld [tilespmem:s20+$0x400]  }
0x127: {  	v29 =	vld [tilespmem:s20+$0x380]  }
0x128: {  	v30 =	vld [tilespmem:s20+$0x8300]  }
0x129: {  	v22 =	vadd.f32 v22, v15;
	v31 =	vld [tilespmem:s20+$0x300]  }
0x12a: {  	v23 =	vadd.f32 v23, v26;
	v15 =	vld [tilespmem:s21+$0x0]  }
0x12b: {  	v21 =	vadd.f32 v17, v21;
	v22 =	vmul.f32 v22, v6;
	v25 =	vadd.f32 v27, v25  }
0x12c: {  	v23 =	vmul.f32 v23, v4;
	v20 =	vadd.f32 v20, v28;
	v17 =	vld [tilespmem:s15+$0x0];
	v24 =	vadd.f32 v24, v29  }
0x12d: {  	v21 =	vmul.f32 v21, v8;
	v22 =	vadd.f32 v22, v7;
	v25 =	vmul.f32 v25, v2  }
0x12e: {  	v23 =	vadd.f32 v23, v5;
	v20 =	vmul.f32 v20, v13;
	v24 =	vmul.f32 v24, v11  }
0x12f: {  	v21 =	vadd.f32 v21, v9;
	v26 =	vadd.f32 v30, v31;
	v22 =	vmul.f32 v22, v15  }
0x130: {  	v23 =	vmul.f32 v23, v15;
	v20 =	vadd.f32 v20, v14;
	v24 =	vadd.f32 v24, v12  }
0x131: {  	v21 =	vmul.f32 v21, v15;
	v26 =	vmul.f32 v26, v10;
	v22 =	vadd.f32 v22, v17  }
0x132: {  	v25 =	vadd.f32 v25, v3;
	v20 =	vmul.f32 v20, v15;
	v24 =	vmul.f32 v24, v15  }
0x133: {  	v23 =	vadd.f32 v23, v17;
	v21 =	vadd.f32 v21, v17;
	[tilespmem:s20+$0x200] =	vst v22  }
0x134: {  	v22 =	vmul.f32 v25, v15;
	v25 =	vadd.f32 v26, v16;
	v20 =	vadd.f32 v20, v17  }
.Ltmp3:
0x135: {  	[tilespmem:s20+$0x280] =	vst v21;
	v21 =	vadd.f32 v24, v17;
	(pc) =	sbr.rel @p0 .LBB2_5-.Ltmp3, $4  }
0x136: {  	v22 =	vadd.f32 v22, v17;
	v24 =	vmul.f32 v25, v15;
	[tilespmem:s20+$0x400] =	vst v20  }
0x137: {  	[tilespmem:s20+$0x380] =	vst v21  }
0x138: {  	v20 =	vadd.f32 v24, v17;
	[tilespmem:s20+$0x100] =	vst v22  }
0x139: {  	s0 =	sor.u32 s19, s16;
	s15 =	sadd.s32 $0x10, s15;
	[tilespmem:s20+$0x180] =	vst v23  }
0x13a: {  	[tilespmem:s20+$0x300] =	vst v20;
	s0 =	sor.u32 $0x380, s0  }
0x13b: {  	v2 =	vld [tilespmem:s0+$0x100]  }
0x13c: {  	v3 =	vld [tilespmem:s0+$0x8100];
	_ =	sdelay $0x4  }
0x13d: {  	v2 =	vadd.f32 v3, v2;
	_ =	sdelay $0x1  }
0x13e: {  	v2 =	vmul.f32 v2, v18;
	_ =	sdelay $0x1  }
0x13f: {  	v2 =	vadd.f32 v2, v19;
	_ =	sdelay $0x1  }
0x140: {  	v2 =	vmul.f32 v2, v15;
	_ =	sdelay $0x1  }
0x141: {  	v2 =	vadd.f32 v2, v17  }
0x142: {  	s3 =	sshll.u32 s2, $0xC;
	s15 =	rddreg [dreg:$0xa]  }
0x143: {  	s1 =	simm.s32 $0x100;
	p0 =	seq.s32 s2, $0x0;
	[tilespmem:s0+$0x100] =	vst v2;
	s0 =	sadd.s32 s3, s15  }
0x144: {  	[hbm4b:s0+s7] =	stream.linear.scatter [tilespmem:s1], [sflag:$0x9], $0x2000, $0x38;
	[tilespmem:$0x10900] =	vst v63  }
0x145: {  	s19 =	sshll.u32 s2, $0x2;
	s0 =	simm.s32 @!p0 $0xB  }
0x146: {  	s20 =	sor.u32 $0x2, s19;
	_ =	swait.ge @!p0 [sflag:s0], $0x2000  }
0x147: {  	s16 =	sshll.u32 s20, $0x3;
	[sflag:s0] =	ssyncset.done @!p0 $0x0  }
0x148: {  	s4 =	sadd.s32 s8, s16;
	[sflag:s0] =	ssyncadd.s32 @!p0 $0xFFFFE000  }
0x149: {  	s4 =	sshll.u32 s4, $0x7;
	s0 =	rddreg [dreg:$0x1]  }
0x14a: {  	s17 =	simm.s32 $0x0;
	s18 =	simm.s32 $0xC100;
	s0 =	sadd.s32 s0, s4  }
0x14b: {  	[tilespmem:s18], [sflag:$0x3] =	stream.linear.gather [hbm4b:s0+s17], $0x2000, $0x38;
	[tilespmem:$0x10900] =	vst v63  }
0x14c: {  	v2 =	vld.msk [tilespmem:s16+$0x0], $0xff;
	_ =	sdelay $0x4  }
0x14d: {  	v3 =	vshll.u32 v2, $0x3  }
0x14e: {  	v2 =	vand.u32 $0x7, v2;
	v3 =	vand.u32 $0xFFFFFFC0, v3  }
0x14f: {  	v2 =	vor.u32 v2, v3  }
0x150: {  	v2 =	vperm.xlane v2, v0;
	_ =	sdelay $0x1  }
0x151: {  	v2 =	vadd.s32 v1, v2;
	_ =	sdelay $0x3  }
0x152: {  	s22 =	simm.s32 $0x4100;
	s21 =	rddreg [dreg:$0x4]  }
0x153: {  	[tilespmem:s22], [sflag:$0x7] =	stream.indirect_vreg.gather [hbm4b:s21+s17], $0x80, v2, vm0, $0xb8;
	[tilespmem:$0x10900] =	vst v63  }
0x154: {  	s23 =	simm.s32 $0x4900  }
0x155: {  	[tilespmem:s23], [sflag:$0x7] =	stream.indirect_vreg.gather [hbm4b:s12+s17], $0x80, v2, vm0, $0xb8;
	[tilespmem:$0x10900] =	vst v63  }
0x156: {  	s24 =	simm.s32 $0x5100  }
0x157: {  	[tilespmem:s24], [sflag:$0x7] =	stream.indirect_vreg.gather [hbm4b:s13+s17], $0x80, v2, vm0, $0xb8;
	[tilespmem:$0x10900] =	vst v63  }
0x158: {  	s25 =	simm.s32 $0x5900;
	s26 =	simm.s32 $0x6  }
0x159: {  	[tilespmem:s25], [sflag:$0x7] =	stream.indirect_vreg.gather [hbm4b:s14+s17], $0x80, v2, vm0, $0xb8;
	[tilespmem:$0x10900] =	vst v63  }
0x15a: {  	_ =	swait.ge [sflag:s26], $0x2000  }
0x15b: {  	[sflag:s26] =	ssyncset.done $0x0  }
0x15c: {  	s28 =	simm.s32 $0x2;
	[sflag:s26] =	ssyncadd.s32 $0xFFFFE000  }
0x15d: {  	_ =	swait.ge [sflag:s28], $0x2000  }
0x15e: {  	s29 =	sor.u32 s17, s17;
	[sflag:s28] =	ssyncset.done $0x0  }
0x15f: {  	s0 =	sor.u32 $0x380, s29;
	[sflag:s28] =	ssyncadd.s32 $0xFFFFE000  }
0x160: {  	s30 =	sand.u32 $0x70, s17;
	s4 =	sand.u32 $0x1C00, s17;
	v2 =	vld [tilespmem:s0+$0x2100]  }
0x161: {  	s4 =	sor.u32 s30, s4;
	v3 =	vld [tilespmem:s0+$0xA100]  }
0x162: {  	v4 =	vld [tilespmem:s4+$0x2100]  }
0x163: {  	v5 =	vld [tilespmem:s4+$0xA100]  }
0x164: {  	v6 =	vld [tilespmem:s4+$0x2180]  }
0x165: {  	v7 =	vld [tilespmem:s4+$0xA180]  }
0x166: {  	v10 =	vld [tilespmem:s4+$0x2280]  }
0x167: {  	v11 =	vld [tilespmem:s4+$0xA280];
	_ =	sdelay $0x1  }
0x168: {  	v8 =	vld [tilespmem:s4+$0x2200]  }
0x169: {  	v16 =	vimm.f32 $0.0e+00;
	v9 =	vld [tilespmem:s4+$0xA200]  }
0x16a: {  	v14 =	vimm.f32 $0.0e+00;
	v2 =	vadd.f32 v3, v2;
	v4 =	vadd.f32 v5, v4  }
0x16b: {  	v17 =	vimm.f32 $0.0e+00;
	v6 =	vadd.f32 v7, v6;
	v24 =	vadd.f32 v11, v10  }
0x16c: {  	v15 =	vld [tilespmem:s4+$0x2300];
	v5 =	vmul.f32 v2, v2;
	v3 =	vadd.f32 v2, v16;
	v7 =	vmul.f32 v4, v4  }
0x16d: {  	v18 =	vld [tilespmem:s4+$0xA300];
	v22 =	vadd.f32 v4, v16;
	v4 =	vmul.f32 v6, v6;
	v21 =	vadd.f32 v6, v16  }
0x16e: {  	v12 =	vld [tilespmem:s4+$0x2380];
	v11 =	vimm.f32 $0.0e+00;
	v2 =	vadd.f32 v5, v16;
	v5 =	vadd.f32 v9, v8  }
0x16f: {  	s31 =	simm.s32 $0x10;
	s3 =	simm.s32 $0x80;
	v13 =	vld [tilespmem:s4+$0xA380];
	v6 =	vimm.f32 $0.0e+00;
	v23 =	vadd.f32 v7, v16;
	v20 =	vadd.f32 v4, v16  }
0x170: {  	s6 =	sand.u32 $0x70, s31;
	s10 =	sand.u32 $0x1C00, s3;
	s0 =	sor.u32 s3, s31;
	v10 =	vld [tilespmem:s4+$0xA400];
	v9 =	vimm.f32 $0.0e+00;
	v7 =	vimm.f32 $0.0e+00;
	v25 =	vmul.f32 v5, v5  }
0x171: {  	s21 =	sor.u32 s6, s10;
	s25 =	sor.u32 $0x380, s0;
	s0 =	simm.s32 $0x20;
	v8 =	vld [tilespmem:s4+$0x2400];
	v4 =	vimm.f32 $0.0e+00;
	v19 =	vadd.f32 v5, v16;
	v5 =	vimm.f32 $0.0e+00  }
.LBB2_7:
0x172: {  	p1 =	sne.s32 s0, $0x3F0;
	v26 =	vld [tilespmem:s25+$0x2100];
	v16 =	vadd.f32 v25, v16;
	v25 =	vmul.f32 v24, v24;
	v15 =	vadd.f32 v18, v15  }
0x173: {  	v17 =	vadd.f32 v24, v17;
	v18 =	vld [tilespmem:s25+$0xA100]  }
0x174: {  	v24 =	vld [tilespmem:s21+$0x2100];
	v14 =	vadd.f32 v25, v14;
	v25 =	vmul.f32 v15, v15;
	v12 =	vadd.f32 v13, v12  }
0x175: {  	v11 =	vadd.f32 v15, v11;
	v13 =	vld [tilespmem:s21+$0xA100]  }
0x176: {  	v15 =	vld [tilespmem:s21+$0x2180];
	v9 =	vadd.f32 v25, v9;
	v25 =	vmul.f32 v12, v12;
	v8 =	vadd.f32 v10, v8  }
0x177: {  	v7 =	vadd.f32 v12, v7;
	v10 =	vld [tilespmem:s21+$0xA180]  }
0x178: {  	v12 =	vld [tilespmem:s21+$0x2200];
	v18 =	vadd.f32 v18, v26;
	v6 =	vadd.f32 v25, v6;
	v25 =	vmul.f32 v8, v8  }
0x179: {  	v5 =	vadd.f32 v8, v5;
	v26 =	vld [tilespmem:s21+$0xA200]  }
0x17a: {  	v8 =	vadd.f32 v13, v24;
	v24 =	vld [tilespmem:s21+$0x2280];
	v13 =	vmul.f32 v18, v18;
	v4 =	vadd.f32 v25, v4  }
0x17b: {  	v3 =	vadd.f32 v18, v3;
	v27 =	vld [tilespmem:s21+$0xA280]  }
0x17c: {  	v25 =	vmul.f32 v8, v8;
	v10 =	vadd.f32 v10, v15;
	v15 =	vld [tilespmem:s21+$0x2300];
	v2 =	vadd.f32 v13, v2  }
.Ltmp4:
0x17d: {  	v22 =	vadd.f32 v8, v22;
	v18 =	vld [tilespmem:s21+$0xA300];
	(pc) =	sbr.rel @p1 .LBB2_7-.Ltmp4, $4  }
0x17e: {  	v23 =	vadd.f32 v25, v23;
	v8 =	vmul.f32 v10, v10;
	v26 =	vadd.f32 v26, v12;
	v12 =	vld [tilespmem:s21+$0x2380]  }
0x17f: {  	s3 =	sadd.s32 $0x80, s3;
	v21 =	vadd.f32 v10, v21;
	v13 =	vld [tilespmem:s21+$0xA380]  }
0x180: {  	s4 =	sand.u32 $0x70, s0;
	s6 =	sand.u32 $0x1C00, s3;
	s10 =	sor.u32 s3, s0;
	v20 =	vadd.f32 v8, v20;
	v25 =	vmul.f32 v26, v26;
	v24 =	vadd.f32 v27, v24;
	v8 =	vld [tilespmem:s21+$0x2400]  }
0x181: {  	s0 =	sadd.s32 $0x10, s0;
	s25 =	sor.u32 $0x380, s10;
	v19 =	vadd.f32 v26, v19;
	v10 =	vld [tilespmem:s21+$0xA400];
	s21 =	sor.u32 s4, s6  }
0x182: {  	v26 =	vld [tilespmem:s21+$0x2100]  }
0x183: {  	v27 =	vld [tilespmem:s21+$0xA100];
	_ =	sdelay $0x4  }
0x184: {  	v26 =	vadd.f32 v27, v26;
	_ =	sdelay $0x1  }
0x185: {  	v22 =	vadd.f32 v26, v22;
	v26 =	vmul.f32 v26, v26;
	_ =	sdelay $0x1  }
0x186: {  	(xrf2) =	vadd.scan.msk.f32 $0xffff, v22;
	v22 =	vadd.f32 v26, v23;
	_ =	sdelay $0x1  }
0x187: {  	v23 =	vld [tilespmem:s21+$0xA180];
	(xrf2) =	vadd.scan.msk.f32 $0xffff, v22  }
0x188: {  	v22 =	vld [tilespmem:s21+$0x2180];
	_ =	sdelay $0x4  }
0x189: {  	v22 =	vadd.f32 v23, v22;
	_ =	sdelay $0x1  }
0x18a: {  	v21 =	vadd.f32 v22, v21;
	v58, _, _ =	vpop (xrf2)  }
0x18b: {  	(v2sf) =	vpush v58, $0xF  }
0x18c: {  	v22 =	vmul.f32 v22, v22;
	v23, _, _ =	vpop (xrf2);
	(xrf2) =	vadd.scan.msk.f32 $0xffff, v21;
	_ =	sdelay $0x1  }
0x18d: {  	v20 =	vadd.f32 v22, v20  }
0x18e: {  	v21 =	vld [tilespmem:s21+$0xA200];
	(v2sf) =	vpush v23, $0xF  }
0x18f: {  	(xrf2) =	vadd.scan.msk.f32 $0xffff, v20;
	v20 =	vld [tilespmem:s21+$0x2200];
	_ =	sdelay $0x4  }
0x190: {  	v20 =	vadd.f32 v21, v20  }
0x191: {  	v16 =	vadd.f32 v25, v16;
	v22, _, _ =	vpop (xrf2)  }
0x192: {  	v19 =	vadd.f32 v20, v19;
	v20 =	vmul.f32 v20, v20;
	(v2sf) =	vpush v22, $0xF;
	_ =	sdelay $0x1  }
0x193: {  	v16 =	vadd.f32 v20, v16  }
0x194: {  	(xrf2) =	vadd.scan.msk.f32 $0xffff, v19;
	v19 =	vld [tilespmem:s21+$0xA280];
	s0 =	spop (v2sf)  }
0x195: {  	v21, _, _ =	vpop (xrf2);
	(xrf2) =	vadd.scan.msk.f32 $0xffff, v16;
	v16 =	vld [tilespmem:s21+$0x2280];
	s11 =	smul.f32 $3.125000000e-02, s0  }
0x196: {  	(v2sf) =	vpush v21, $0xF  }
0x197: {  	s0 =	smul.f32 s11, s11  }
0x198: {  	s3 =	spop (v2sf)  }
0x199: {  	s0 =	ssub.f32 s3, s0  }
0x19a: {  	v17 =	vadd.f32 v24, v17;
	v16 =	vadd.f32 v19, v16  }
0x19b: {  	s0 =	sadd.f32 $9.999999740e-06, s0  }
0x19c: {  	v17 =	vadd.f32 v16, v17  }
0x19d: {  	v19 =	vmul.f32 v24, v24;
	s22 =	sshrl.u32 s0, $0x1;
	s0 =	smul.f32 $5.000000000e-01, s0  }
0x19e: {  	v20, _, _ =	vpop (xrf2);
	(xrf2) =	vadd.scan.msk.f32 $0xffff, v17;
	s3 =	ssub.s32 $0x5F3759DF, s22  }
0x19f: {  	v14 =	vadd.f32 v19, v14;
	v16 =	vmul.f32 v16, v16;
	s4 =	smul.f32 s3, s0  }
0x1a0: {  	s6 =	spop (v2sf);
	(v2sf) =	vpush v20, $0xF  }
0x1a1: {  	v14 =	vadd.f32 v16, v14;
	s4 =	smul.f32 s3, s4  }
0x1a2: {  	v16 =	vld [tilespmem:s21+$0x2300];
	s16 =	smul.f32 $3.125000000e-02, s6  }
0x1a3: {  	v20, _, _ =	vpop (xrf2);
	(xrf2) =	vadd.scan.msk.f32 $0xffff, v14;
	v14 =	vld [tilespmem:s21+$0xA300];
	s4 =	ssub.f32 $1.500000000e+00, s4  }
0x1a4: {  	s23 =	smul.f32 s16, s16  }
0x1a5: {  	s10 =	spop (v2sf);
	s3 =	smul.f32 s3, s4  }
0x1a6: {  	(v2sf) =	vpush v20, $0xF;
	s4 =	ssub.f32 s10, s23  }
0x1a7: {  	s24 =	smul.f32 s3, s0  }
0x1a8: {  	v15 =	vadd.f32 v18, v15;
	v14 =	vadd.f32 v14, v16;
	v16, _, _ =	vpop (xrf2);
	s4 =	sadd.f32 $9.999999740e-06, s4  }
0x1a9: {  	(v2sf) =	vpush v16, $0xF;
	s6 =	smul.f32 s24, s3  }
0x1aa: {  	v11 =	vadd.f32 v15, v11;
	v17 =	vld [tilespmem:s21+$0x2380];
	s26 =	sshrl.u32 s4, $0x1;
	s4 =	smul.f32 $5.000000000e-01, s4  }
0x1ab: {  	v15 =	vmul.f32 v15, v15;
	v16 =	vld [tilespmem:s21+$0xA380];
	s10 =	ssub.s32 $0x5F3759DF, s26;
	s6 =	ssub.f32 $1.500000000e+00, s6  }
0x1ac: {  	v11 =	vadd.f32 v14, v11;
	s28 =	smul.f32 s10, s4  }
0x1ad: {  	v9 =	vadd.f32 v15, v9;
	v14 =	vmul.f32 v14, v14;
	s6 =	smul.f32 s6, s3  }
0x1ae: {  	(xrf2) =	vadd.scan.msk.f32 $0xffff, v11;
	v11 =	vadd.f32 v13, v12;
	s3 =	smul.f32 s10, s28  }
0x1af: {  	v9 =	vadd.f32 v14, v9;
	s0 =	smul.f32 s6, s0;
	s29 =	spop (v2sf)  }
0x1b0: {  	v7 =	vadd.f32 v11, v7;
	v12 =	vadd.f32 v16, v17;
	s15 =	ssub.f32 $1.500000000e+00, s3;
	s3 =	smul.f32 $3.125000000e-02, s29  }
0x1b1: {  	v15, _, _ =	vpop (xrf2);
	s0 =	smul.f32 s0, s6  }
0x1b2: {  	(xrf2) =	vadd.scan.msk.f32 $0xffff, v9;
	v9 =	vmul.f32 v11, v11;
	v7 =	vadd.f32 v12, v7;
	(v2sf) =	vpush v15, $0xF;
	s10 =	smul.f32 s10, s15  }
0x1b3: {  	s30 =	smul.f32 s3, s3  }
0x1b4: {  	v6 =	vadd.f32 v9, v6;
	(xrf2) =	vadd.scan.msk.f32 $0xffff, v7;
	v7 =	vmul.f32 v12, v12;
	s17 =	smul.f32 s10, s4  }
0x1b5: {  	s18 =	spop (v2sf);
	s0 =	ssub.f32 $1.500000000e+00, s0  }
0x1b6: {  	v6 =	vadd.f32 v7, v6;
	s15 =	ssub.f32 s18, s30;
	s17 =	smul.f32 s17, s10  }
0x1b7: {  	s0 =	smul.f32 s0, s6  }
0x1b8: {  	v7, _, _ =	vpop (xrf2);
	(xrf2) =	vadd.scan.msk.f32 $0xffff, v6;
	v6 =	vld [tilespmem:s21+$0xA400];
	s26 =	spop (v2sf);
	s15 =	sadd.f32 $9.999999740e-06, s15  }
0x1b9: {  	(v2sf) =	vpush v7, $0xF;
	v7 =	vld [tilespmem:s21+$0x2400];
	s21 =	smul.f32 $3.125000000e-02, s26  }
0x1ba: {  	s31 =	ssub.f32 $1.500000000e+00, s17;
	s5 =	smul.f32 $5.000000000e-01, s15  }
0x1bb: {  	s1 =	sshrl.u32 s15, $0x1;
	s17 =	smul.f32 s21, s21  }
0x1bc: {  	s6 =	smul.f32 s31, s10;
	s24 =	ssub.s32 $0x5F3759DF, s1  }
0x1bd: {  	s15 =	smul.f32 s24, s5  }
0x1be: {  	s4 =	smul.f32 s6, s4  }
0x1bf: {  	s15 =	smul.f32 s24, s15  }
0x1c0: {  	s11 =	ssub.f32 $0.0e+00, s11;
	s4 =	smul.f32 s4, s6  }
0x1c1: {  	v9, _, _ =	vpop (xrf2);
	s15 =	ssub.f32 $1.500000000e+00, s15;
	s23 =	spop (v2sf)  }
0x1c2: {  	v8 =	vadd.f32 v10, v8;
	(v2sf) =	vpush v9, $0xF;
	s11 =	smul.f32 s0, s11;
	s17 =	ssub.f32 s23, s17  }
0x1c3: {  	s4 =	ssub.f32 $1.500000000e+00, s4;
	s10 =	smul.f32 s24, s15  }
0x1c4: {  	v5 =	vadd.f32 v8, v5;
	v9, _, _ =	vpop (xrf2);
	s15 =	smul.f32 $3.200000000e+01, s0  }
0x1c5: {  	v6 =	vadd.f32 v6, v7;
	(v2sf) =	vpush v9, $0xF;
	s28 =	sadd.f32 $9.999999740e-06, s17;
	s4 =	smul.f32 s4, s6  }
0x1c6: {  	s22 =	smul.f32 s10, s5  }
0x1c7: {  	v5 =	vadd.f32 v6, v5;
	s17 =	sshrl.u32 s28, $0x1;
	s0 =	smul.f32 $5.000000000e-01, s28  }
0x1c8: {  	s16 =	ssub.f32 $0.0e+00, s16;
	v7 =	vmul.f32 v8, v8;
	s22 =	smul.f32 s22, s10;
	s30 =	ssub.s32 $0x5F3759DF, s17  }
0x1c9: {  	v8, _, _ =	vpop (xrf2);
	(xrf2) =	vadd.scan.msk.f32 $0xffff, v5;
	s17 =	smul.f32 s30, s0  }
0x1ca: {  	v4 =	vadd.f32 v7, v4;
	v5 =	vmul.f32 v6, v6;
	(v2sf) =	vpush v8, $0xF;
	s16 =	smul.f32 s4, s16;
	s29 =	ssub.f32 $1.500000000e+00, s22  }
0x1cb: {  	s17 =	smul.f32 s30, s17  }
0x1cc: {  	v4 =	vadd.f32 v5, v4;
	s31 =	spop (v2sf);
	s6 =	smul.f32 s29, s10  }
0x1cd: {  	s24 =	ssub.f32 $1.500000000e+00, s17;
	s17 =	smul.f32 $3.125000000e-02, s31  }
0x1ce: {  	v5 =	vld [tilespmem:s25+$0x2100];
	(xrf2) =	vadd.scan.msk.f32 $0xffff, v4;
	s18 =	smul.f32 s6, s5  }
0x1cf: {  	v4 =	vld [tilespmem:s25+$0xA100];
	s23 =	smul.f32 s30, s24  }
0x1d0: {  	s5 =	smul.f32 s17, s17  }
0x1d1: {  	s1 =	spop (v2sf);
	s18 =	smul.f32 s18, s6  }
0x1d2: {  	s26 =	smul.f32 s23, s0;
	s10 =	ssub.f32 s1, s5  }
0x1d3: {  	s22 =	smul.f32 $3.200000000e+01, s4;
	v6, _, _ =	vpop (xrf2);
	s25 =	ssub.f32 $1.500000000e+00, s18  }
0x1d4: {  	v4 =	vadd.f32 v4, v5;
	(v2sf) =	vpush v6, $0xF;
	s28 =	spop (v2sf);
	s18 =	smul.f32 s26, s23  }
0x1d5: {  	s10 =	sadd.f32 $9.999999740e-06, s10;
	s4 =	smul.f32 s25, s6  }
0x1d6: {  	v3 =	vadd.f32 v4, v3;
	s6 =	smul.f32 $3.125000000e-02, s28  }
0x1d7: {  	s29 =	sshrl.u32 s10, $0x1;
	s25 =	smul.f32 $5.000000000e-01, s10  }
0x1d8: {  	(xrf2) =	vadd.scan.msk.f32 $0xffff, v3;
	s30 =	ssub.f32 $0.0e+00, s3;
	v5, _, _ =	vpop (xrf2);
	s24 =	ssub.s32 $0x5F3759DF, s29;
	s26 =	smul.f32 s6, s6  }
0x1d9: {  	v3 =	vmul.f32 v4, v4;
	(v2sf) =	vpush v5, $0xF;
	s29 =	spop (v2sf);
	s28 =	smul.f32 s24, s25  }
0x1da: {  	s3 =	smul.f32 $3.200000000e+01, s4;
	s26 =	ssub.f32 s29, s26  }
0x1db: {  	v2 =	vadd.f32 v3, v2;
	s18 =	ssub.f32 $1.500000000e+00, s18;
	s28 =	smul.f32 s24, s28  }
0x1dc: {  	s10 =	smul.f32 s4, s30;
	s31 =	sadd.f32 $9.999999740e-06, s26  }
0x1dd: {  	(xrf2) =	vadd.scan.msk.f32 $0xffff, v2;
	s18 =	smul.f32 s18, s23;
	s1 =	ssub.f32 $1.500000000e+00, s28  }
0x1de: {  	s26 =	sshrl.u32 s31, $0x1;
	s28 =	smul.f32 $5.000000000e-01, s31  }
0x1df: {  	s23 =	smul.f32 s24, s1;
	s5 =	ssub.s32 $0x5F3759DF, s26  }
0x1e0: {  	s4 =	smul.f32 s5, s28  }
0x1e1: {  	s31 =	smul.f32 s23, s25  }
0x1e2: {  	v2, _, _ =	vpop (xrf2);
	s4 =	smul.f32 s5, s4  }
0x1e3: {  	s0 =	smul.f32 s18, s0;
	s1 =	spop (v2sf);
	(v2sf) =	vpush v2, $0xF  }
0x1e4: {  	s26 =	smul.f32 s31, s23;
	s30 =	ssub.f32 $1.500000000e+00, s4  }
0x1e5: {  	s4 =	smul.f32 $3.125000000e-02, s1  }
0x1e6: {  	s24 =	smul.f32 s5, s30  }
0x1e7: {  	v2, _, _ =	vpop (xrf2);
	s26 =	ssub.f32 $1.500000000e+00, s26;
	s29 =	smul.f32 s4, s4  }
0x1e8: {  	s31 =	spop (v2sf);
	(v2sf) =	vpush v2, $0xF;
	s30 =	smul.f32 s24, s28  }
0x1e9: {  	s23 =	smul.f32 s26, s23;
	s5 =	ssub.f32 s31, s29  }
0x1ea: {  	s31 =	smul.f32 s30, s24  }
0x1eb: {  	s0 =	smul.f32 s0, s18;
	s26 =	sadd.f32 $9.999999740e-06, s5  }
0x1ec: {  	s25 =	smul.f32 s23, s25;
	s29 =	ssub.f32 $1.500000000e+00, s31  }
0x1ed: {  	s1 =	sshrl.u32 s26, $0x1;
	s26 =	smul.f32 $5.000000000e-01, s26  }
0x1ee: {  	s24 =	smul.f32 s29, s24;
	s29 =	ssub.s32 $0x5F3759DF, s1  }
0x1ef: {  	s30 =	smul.f32 s29, s26  }
0x1f0: {  	s28 =	smul.f32 s24, s28  }
0x1f1: {  	s30 =	smul.f32 s29, s30  }
0x1f2: {  	s25 =	smul.f32 s25, s23;
	s5 =	spop (v2sf)  }
0x1f3: {  	s1 =	smul.f32 s28, s24;
	s30 =	ssub.f32 $1.500000000e+00, s30  }
0x1f4: {  	s28 =	smul.f32 $3.125000000e-02, s5  }
0x1f5: {  	s29 =	smul.f32 s29, s30  }
0x1f6: {  	s0 =	ssub.f32 $1.500000000e+00, s0;
	s30 =	smul.f32 s28, s28  }
0x1f7: {  	s25 =	ssub.f32 $1.500000000e+00, s25;
	s5 =	spop (v2sf)  }
0x1f8: {  	s31 =	smul.f32 s29, s26;
	s5 =	ssub.f32 s5, s30  }
0x1f9: {  	s18 =	smul.f32 s0, s18;
	s1 =	ssub.f32 $1.500000000e+00, s1  }
0x1fa: {  	s31 =	smul.f32 s31, s29;
	s5 =	sadd.f32 $9.999999740e-06, s5  }
0x1fb: {  	s0 =	smul.f32 s25, s23;
	s30 =	ssub.f32 $0.0e+00, s21  }
0x1fc: {  	s1 =	smul.f32 s1, s24;
	s31 =	ssub.f32 $1.500000000e+00, s31;
	s25 =	sshrl.u32 s5, $0x1  }
0x1fd: {  	s21 =	simm.s32 $0x0;
	s23 =	smul.f32 $5.000000000e-01, s5;
	s24 =	ssub.s32 $0x5F3759DF, s25  }
0x1fe: {  	s25 =	sand.u32 $0x70, s21;
	s5 =	smul.f32 s31, s29;
	s31 =	sand.u32 $0x1C00, s21  }
0x1ff: {  	s25 =	sor.u32 s25, s31  }
0x200: {  	v16 =	vld [tilespmem:s25+$0xA280]  }
0x201: {  	s6 =	ssub.f32 $0.0e+00, s6;
	v17 =	vld [tilespmem:s25+$0xA400]  }
0x202: {  	s29 =	smul.f32 s24, s23;
	v18 =	vld [tilespmem:s25+$0x2280]  }
0x203: {  	s6 =	smul.f32 s1, s6;
	v13 =	vld [tilespmem:s25+$0x2200]  }
0x204: {  	s29 =	smul.f32 s24, s29;
	v14 =	vld [tilespmem:s25+$0xA200]  }
0x205: {  	s1 =	smul.f32 $3.200000000e+01, s1;
	v19 =	vld [tilespmem:s25+$0xA180]  }
0x206: {  	s30 =	smul.f32 s18, s30;
	v20 =	vld [tilespmem:s25+$0xA380];
	s29 =	ssub.f32 $1.500000000e+00, s29  }
0x207: {  	s26 =	smul.f32 s5, s26;
	v21 =	vld [tilespmem:s25+$0x2100]  }
0x208: {  	v22 =	vld [tilespmem:s25+$0x2180];
	s24 =	smul.f32 s24, s29  }
0x209: {  	v23 =	vld [tilespmem:s25+$0xA100];
	s26 =	smul.f32 s26, s5  }
0x20a: {  	v4 =	vmov s22;
	v60 =	vld [tilespmem:s25+$0x2380];
	s31 =	smul.f32 s24, s23  }
0x20b: {  	v3 =	vmov s11;
	v5 =	vmov s16;
	v6 =	vmov s3;
	s18 =	smul.f32 $3.200000000e+01, s18;
	v59 =	vld [tilespmem:s25+$0x2400];
	s26 =	ssub.f32 $1.500000000e+00, s26  }
0x20c: {  	v7 =	vmov s10;
	v2 =	vmov s15;
	s15 =	simm.s32 $0x10100;
	v11 =	vmov s1;
	s31 =	smul.f32 s31, s24  }
0x20d: {  	v15 =	vld [tilespmem:s15+$0x0];
	v12 =	vmov s6;
	v8 =	vmov s18;
	v62 =	vadd.f32 v14, v13;
	s5 =	smul.f32 s26, s5  }
0x20e: {  	v9 =	vmov s30;
	v61 =	vld [tilespmem:s25+$0xA300];
	s29 =	smul.f32 $3.200000000e+01, s0;
	v16 =	vadd.f32 v16, v18;
	v19 =	vadd.f32 v19, v22;
	s22 =	ssub.f32 $1.500000000e+00, s31  }
0x20f: {  	s4 =	ssub.f32 $0.0e+00, s4;
	v18 =	vld [tilespmem:s25+$0x2300];
	v21 =	vadd.f32 v23, v21;
	v20 =	vadd.f32 v20, v60;
	v22 =	vmul.f32 v62, v6;
	s11 =	smul.f32 $3.200000000e+01, s5  }
0x210: {  	v24 =	vadd.f32 v17, v59;
	s26 =	simm.s32 $0x10500;
	v16 =	vmul.f32 v16, v8;
	v19 =	vmul.f32 v19, v4;
	s24 =	smul.f32 s22, s24  }
0x211: {  	v10 =	vmov s29;
	v17 =	vld [tilespmem:s26+$0x0];
	v21 =	vmul.f32 v21, v2;
	v20 =	vmul.f32 v20, v11;
	s16 =	smul.f32 s5, s4  }
0x212: {  	v22 =	vadd.f32 v22, v7;
	v16 =	vadd.f32 v16, v9;
	v13 =	vmov s11;
	s29 =	smul.f32 s24, s23  }
0x213: {  	s30 =	ssub.f32 $0.0e+00, s17;
	v19 =	vadd.f32 v19, v5;
	v20 =	vadd.f32 v20, v12;
	v23 =	vmul.f32 v24, v13  }
0x214: {  	v14 =	vmov s16;
	v18 =	vadd.f32 v61, v18;
	v22 =	vmul.f32 v22, v15;
	s3 =	smul.f32 s29, s24  }
0x215: {  	s0 =	smul.f32 s0, s30;
	v21 =	vadd.f32 v21, v3;
	v16 =	vmul.f32 v16, v15;
	v23 =	vadd.f32 v23, v14  }
0x216: {  	v20 =	vmul.f32 v20, v15;
	v18 =	vmul.f32 v18, v10;
	v22 =	vadd.f32 v22, v17;
	s3 =	ssub.f32 $1.500000000e+00, s3  }
0x217: {  	v63 =	vadd.f32 v16, v17;
	v16 =	vmov s0;
	v23 =	vmul.f32 v23, v15  }
0x218: {  	v21 =	vmul.f32 v21, v15;
	v20 =	vadd.f32 v20, v17;
	v18 =	vadd.f32 v18, v16;
	[tilespmem:s25+$0x2200] =	vst v22;
	s1 =	smul.f32 s3, s24  }
0x219: {  	s31 =	ssub.f32 $0.0e+00, s28;
	v19 =	vmul.f32 v19, v15;
	[tilespmem:s25+$0x2280] =	vst v63;
	v22 =	vadd.f32 v23, v17  }
0x21a: {  	v21 =	vadd.f32 v21, v17;
	[tilespmem:s25+$0x2380] =	vst v20;
	v23 =	vmul.f32 v18, v15;
	s3 =	smul.f32 $3.200000000e+01, s1  }
0x21b: {  	[tilespmem:s25+$0x2400] =	vst v22;
	v22 =	vadd.f32 v19, v17;
	s0 =	smul.f32 s1, s31  }
0x21c: {  	[tilespmem:s25+$0x2100] =	vst v21;
	v20 =	vadd.f32 v23, v17  }
0x21d: {  	s17 =	simm.s32 $0x10510;
	s11 =	simm.s32 $0x10;
	[tilespmem:s25+$0x2180] =	vst v22;
	v18 =	vmov s3;
	v19 =	vmov s0;
	s0 =	sor.u32 s21, s21  }
.LBB2_9:
0x21e: {  	[tilespmem:s25+$0x2300] =	vst v20;
	s0 =	sor.u32 $0x380, s0;
	s21 =	sadd.s32 $0x80, s21;
	s15 =	sadd.s32 $0x10, s15  }
0x21f: {  	p1 =	sne.s32 s11, $0x3F0;
	s16 =	smov.u32 s11;
	s11 =	sadd.s32 $0x10, s11;
	v20 =	vld [tilespmem:s0+$0x2100]  }
0x220: {  	v21 =	vld [tilespmem:s0+$0xA100];
	_ =	sdelay $0x4  }
0x221: {  	v20 =	vadd.f32 v21, v20;
	_ =	sdelay $0x1  }
0x222: {  	v20 =	vmul.f32 v20, v18;
	_ =	sdelay $0x1  }
0x223: {  	v20 =	vadd.f32 v20, v19;
	_ =	sdelay $0x1  }
0x224: {  	v15 =	vmul.f32 v20, v15;
	_ =	sdelay $0x1  }
0x225: {  	s1 =	sand.u32 $0x70, s16;
	s3 =	sand.u32 $0x1C00, s21;
	v15 =	vadd.f32 v15, v17  }
0x226: {  	s25 =	sor.u32 s1, s3  }
0x227: {  	[tilespmem:s0+$0x2100] =	vst v15  }
0x228: {  	v17 =	vld [tilespmem:s25+$0xA280]  }
0x229: {  	v20 =	vld [tilespmem:s25+$0xA400]  }
0x22a: {  	v21 =	vld [tilespmem:s25+$0x2280]  }
0x22b: {  	v15 =	vld [tilespmem:s25+$0x2200]  }
0x22c: {  	v22 =	vld [tilespmem:s25+$0xA200]  }
0x22d: {  	v23 =	vld [tilespmem:s25+$0xA180]  }
0x22e: {  	v24 =	vld [tilespmem:s25+$0xA380]  }
0x22f: {  	v25 =	vld [tilespmem:s25+$0x2100]  }
0x230: {  	v26 =	vld [tilespmem:s25+$0x2180]  }
0x231: {  	v27 =	vld [tilespmem:s25+$0xA100]  }
0x232: {  	v28 =	vld [tilespmem:s25+$0x2400]  }
0x233: {  	v29 =	vld [tilespmem:s25+$0x2380]  }
0x234: {  	v30 =	vld [tilespmem:s25+$0xA300]  }
0x235: {  	v22 =	vadd.f32 v22, v15;
	v31 =	vld [tilespmem:s25+$0x2300]  }
0x236: {  	v23 =	vadd.f32 v23, v26;
	v15 =	vld [tilespmem:s15+$0x0]  }
0x237: {  	v21 =	vadd.f32 v17, v21;
	v22 =	vmul.f32 v22, v6;
	v25 =	vadd.f32 v27, v25  }
0x238: {  	v23 =	vmul.f32 v23, v4;
	v20 =	vadd.f32 v20, v28;
	v17 =	vld [tilespmem:s17+$0x0];
	v24 =	vadd.f32 v24, v29  }
0x239: {  	v21 =	vmul.f32 v21, v8;
	v22 =	vadd.f32 v22, v7;
	v25 =	vmul.f32 v25, v2  }
0x23a: {  	v23 =	vadd.f32 v23, v5;
	v20 =	vmul.f32 v20, v13;
	v24 =	vmul.f32 v24, v11  }
0x23b: {  	v21 =	vadd.f32 v21, v9;
	v26 =	vadd.f32 v30, v31;
	v22 =	vmul.f32 v22, v15  }
0x23c: {  	v23 =	vmul.f32 v23, v15;
	v20 =	vadd.f32 v20, v14;
	v24 =	vadd.f32 v24, v12  }
0x23d: {  	v21 =	vmul.f32 v21, v15;
	v26 =	vmul.f32 v26, v10;
	v22 =	vadd.f32 v22, v17  }
0x23e: {  	v25 =	vadd.f32 v25, v3;
	v20 =	vmul.f32 v20, v15;
	v24 =	vmul.f32 v24, v15  }
0x23f: {  	v23 =	vadd.f32 v23, v17;
	v21 =	vadd.f32 v21, v17;
	[tilespmem:s25+$0x2200] =	vst v22  }
0x240: {  	v22 =	vmul.f32 v25, v15;
	v25 =	vadd.f32 v26, v16;
	v20 =	vadd.f32 v20, v17  }
.Ltmp5:
0x241: {  	[tilespmem:s25+$0x2280] =	vst v21;
	v21 =	vadd.f32 v24, v17;
	(pc) =	sbr.rel @p1 .LBB2_9-.Ltmp5, $4  }
0x242: {  	v22 =	vadd.f32 v22, v17;
	v24 =	vmul.f32 v25, v15;
	[tilespmem:s25+$0x2400] =	vst v20  }
0x243: {  	[tilespmem:s25+$0x2380] =	vst v21  }
0x244: {  	v20 =	vadd.f32 v24, v17;
	[tilespmem:s25+$0x2100] =	vst v22  }
0x245: {  	s0 =	sor.u32 s21, s16;
	s17 =	sadd.s32 $0x10, s17;
	[tilespmem:s25+$0x2180] =	vst v23  }
0x246: {  	[tilespmem:s25+$0x2300] =	vst v20;
	s0 =	sor.u32 $0x380, s0  }
0x247: {  	v2 =	vld [tilespmem:s0+$0x2100]  }
0x248: {  	v3 =	vld [tilespmem:s0+$0xA100];
	_ =	sdelay $0x4  }
0x249: {  	v2 =	vadd.f32 v3, v2;
	_ =	sdelay $0x1  }
0x24a: {  	v2 =	vmul.f32 v2, v18;
	_ =	sdelay $0x1  }
0x24b: {  	v2 =	vadd.f32 v2, v19;
	_ =	sdelay $0x1  }
0x24c: {  	v2 =	vmul.f32 v2, v15  }
0x24d: {  	s1 =	sadd.s32 s19, s9  }
0x24e: {  	s3 =	rddreg [dreg:$0x5];
	s1 =	sshll.u32 s1, $0xA;
	v2 =	vadd.f32 v2, v17  }
0x24f: {  	s1 =	sadd.s32 s3, s1  }
0x250: {  	s11 =	simm.s32 $0x2100;
	s10 =	sadd.s32 $0x400, s1;
	[tilespmem:s0+$0x2100] =	vst v2;
	s0 =	simm.s32 @!p0 $0xC  }
0x251: {  	[hbm4b:s10+s7] =	stream.linear.scatter [tilespmem:s11], [sflag:$0xA], $0x2000, $0x38;
	[tilespmem:$0x10900] =	vst v63  }
0x252: {  	s19 =	sor.u32 $0x3, s19;
	_ =	swait.ge @!p0 [sflag:s0], $0x2000  }
0x253: {  	s15 =	sshll.u32 s19, $0x3;
	[sflag:s0] =	ssyncset.done @!p0 $0x0  }
0x254: {  	s16 =	sadd.s32 s8, s15;
	[sflag:s0] =	ssyncadd.s32 @!p0 $0xFFFFE000  }
0x255: {  	s3 =	sshll.u32 s16, $0x7;
	s0 =	rddreg [dreg:$0x1]  }
0x256: {  	s17 =	simm.s32 $0x0;
	s4 =	simm.s32 $0xE100;
	s0 =	sadd.s32 s0, s3  }
0x257: {  	[tilespmem:s4], [sflag:$0x4] =	stream.linear.gather [hbm4b:s0+s17], $0x2000, $0x38;
	[tilespmem:$0x10900] =	vst v63  }
0x258: {  	v2 =	vld.msk [tilespmem:s15+$0x0], $0xff;
	_ =	sdelay $0x4  }
0x259: {  	v3 =	vshll.u32 v2, $0x3  }
0x25a: {  	v2 =	vand.u32 $0x7, v2;
	v3 =	vand.u32 $0xFFFFFFC0, v3  }
0x25b: {  	v2 =	vor.u32 v2, v3  }
0x25c: {  	v2 =	vperm.xlane v2, v0;
	_ =	sdelay $0x1  }
0x25d: {  	v2 =	vadd.s32 v1, v2;
	_ =	sdelay $0x3  }
0x25e: {  	s21 =	simm.s32 $0x6100;
	s18 =	rddreg [dreg:$0x4]  }
0x25f: {  	[tilespmem:s21], [sflag:$0x8] =	stream.indirect_vreg.gather [hbm4b:s18+s17], $0x80, v2, vm0, $0xb8;
	[tilespmem:$0x10900] =	vst v63  }
0x260: {  	s22 =	simm.s32 $0x6900  }
0x261: {  	[tilespmem:s22], [sflag:$0x8] =	stream.indirect_vreg.gather [hbm4b:s12+s17], $0x80, v2, vm0, $0xb8;
	[tilespmem:$0x10900] =	vst v63  }
0x262: {  	s23 =	simm.s32 $0x7100  }
0x263: {  	[tilespmem:s23], [sflag:$0x8] =	stream.indirect_vreg.gather [hbm4b:s13+s17], $0x80, v2, vm0, $0xb8;
	[tilespmem:$0x10900] =	vst v63  }
0x264: {  	s24 =	simm.s32 $0x7900;
	s25 =	simm.s32 $0x7  }
0x265: {  	[tilespmem:s24], [sflag:$0x8] =	stream.indirect_vreg.gather [hbm4b:s14+s17], $0x80, v2, vm0, $0xb8;
	[tilespmem:$0x10900] =	vst v63  }
0x266: {  	_ =	swait.ge [sflag:s25], $0x2000  }
0x267: {  	[sflag:s25] =	ssyncset.done $0x0  }
0x268: {  	s26 =	simm.s32 $0x3;
	[sflag:s25] =	ssyncadd.s32 $0xFFFFE000  }
0x269: {  	_ =	swait.ge [sflag:s26], $0x2000  }
0x26a: {  	s28 =	sor.u32 s17, s17;
	[sflag:s26] =	ssyncset.done $0x0  }
0x26b: {  	s0 =	sor.u32 $0x380, s28;
	[sflag:s26] =	ssyncadd.s32 $0xFFFFE000  }
0x26c: {  	s29 =	sand.u32 $0x70, s17;
	s3 =	sand.u32 $0x1C00, s17;
	v2 =	vld [tilespmem:s0+$0x4100]  }
0x26d: {  	s1 =	sor.u32 s29, s3;
	v3 =	vld [tilespmem:s0+$0xC100]  }
0x26e: {  	v4 =	vld [tilespmem:s1+$0x4100]  }
0x26f: {  	v5 =	vld [tilespmem:s1+$0xC100]  }
0x270: {  	v6 =	vld [tilespmem:s1+$0x4180]  }
0x271: {  	v7 =	vld [tilespmem:s1+$0xC180]  }
0x272: {  	v10 =	vld [tilespmem:s1+$0x4280]  }
0x273: {  	v11 =	vld [tilespmem:s1+$0xC280];
	_ =	sdelay $0x1  }
0x274: {  	v8 =	vld [tilespmem:s1+$0x4200]  }
0x275: {  	v16 =	vimm.f32 $0.0e+00;
	v9 =	vld [tilespmem:s1+$0xC200]  }
0x276: {  	v14 =	vimm.f32 $0.0e+00;
	v2 =	vadd.f32 v3, v2;
	v4 =	vadd.f32 v5, v4  }
0x277: {  	v17 =	vimm.f32 $0.0e+00;
	v6 =	vadd.f32 v7, v6;
	v24 =	vadd.f32 v11, v10  }
0x278: {  	v15 =	vld [tilespmem:s1+$0x4300];
	v5 =	vmul.f32 v2, v2;
	v3 =	vadd.f32 v2, v16;
	v7 =	vmul.f32 v4, v4  }
0x279: {  	v18 =	vld [tilespmem:s1+$0xC300];
	v22 =	vadd.f32 v4, v16;
	v4 =	vmul.f32 v6, v6;
	v21 =	vadd.f32 v6, v16  }
0x27a: {  	v12 =	vld [tilespmem:s1+$0x4380];
	v11 =	vimm.f32 $0.0e+00;
	v2 =	vadd.f32 v5, v16;
	v5 =	vadd.f32 v9, v8  }
0x27b: {  	s30 =	simm.s32 $0x10;
	s3 =	simm.s32 $0x80;
	v13 =	vld [tilespmem:s1+$0xC380];
	v6 =	vimm.f32 $0.0e+00;
	v23 =	vadd.f32 v7, v16;
	v20 =	vadd.f32 v4, v16  }
0x27c: {  	s31 =	sand.u32 $0x70, s30;
	s5 =	sand.u32 $0x1C00, s3;
	s0 =	sor.u32 s3, s30;
	v10 =	vld [tilespmem:s1+$0xC400];
	v9 =	vimm.f32 $0.0e+00;
	v7 =	vimm.f32 $0.0e+00;
	v25 =	vmul.f32 v5, v5  }
0x27d: {  	s21 =	sor.u32 s31, s5;
	s25 =	sor.u32 $0x380, s0;
	s0 =	simm.s32 $0x20;
	v8 =	vld [tilespmem:s1+$0x4400];
	v4 =	vimm.f32 $0.0e+00;
	v19 =	vadd.f32 v5, v16;
	v5 =	vimm.f32 $0.0e+00  }
.LBB2_11:
0x27e: {  	p0 =	sne.s32 s0, $0x3F0;
	v26 =	vld [tilespmem:s25+$0x4100];
	v16 =	vadd.f32 v25, v16;
	v25 =	vmul.f32 v24, v24;
	v15 =	vadd.f32 v18, v15  }
0x27f: {  	v17 =	vadd.f32 v24, v17;
	v18 =	vld [tilespmem:s25+$0xC100]  }
0x280: {  	v24 =	vld [tilespmem:s21+$0x4100];
	v14 =	vadd.f32 v25, v14;
	v25 =	vmul.f32 v15, v15;
	v12 =	vadd.f32 v13, v12  }
0x281: {  	v11 =	vadd.f32 v15, v11;
	v13 =	vld [tilespmem:s21+$0xC100]  }
0x282: {  	v15 =	vld [tilespmem:s21+$0x4180];
	v9 =	vadd.f32 v25, v9;
	v25 =	vmul.f32 v12, v12;
	v8 =	vadd.f32 v10, v8  }
0x283: {  	v7 =	vadd.f32 v12, v7;
	v10 =	vld [tilespmem:s21+$0xC180]  }
0x284: {  	v12 =	vld [tilespmem:s21+$0x4200];
	v18 =	vadd.f32 v18, v26;
	v6 =	vadd.f32 v25, v6;
	v25 =	vmul.f32 v8, v8  }
0x285: {  	v5 =	vadd.f32 v8, v5;
	v26 =	vld [tilespmem:s21+$0xC200]  }
0x286: {  	v8 =	vadd.f32 v13, v24;
	v24 =	vld [tilespmem:s21+$0x4280];
	v13 =	vmul.f32 v18, v18;
	v4 =	vadd.f32 v25, v4  }
0x287: {  	v3 =	vadd.f32 v18, v3;
	v27 =	vld [tilespmem:s21+$0xC280]  }
0x288: {  	v25 =	vmul.f32 v8, v8;
	v10 =	vadd.f32 v10, v15;
	v15 =	vld [tilespmem:s21+$0x4300];
	v2 =	vadd.f32 v13, v2  }
.Ltmp6:
0x289: {  	v22 =	vadd.f32 v8, v22;
	v18 =	vld [tilespmem:s21+$0xC300];
	(pc) =	sbr.rel @p0 .LBB2_11-.Ltmp6, $4  }
0x28a: {  	v23 =	vadd.f32 v25, v23;
	v8 =	vmul.f32 v10, v10;
	v26 =	vadd.f32 v26, v12;
	v12 =	vld [tilespmem:s21+$0x4380]  }
0x28b: {  	s3 =	sadd.s32 $0x80, s3;
	v21 =	vadd.f32 v10, v21;
	v13 =	vld [tilespmem:s21+$0xC380]  }
0x28c: {  	s1 =	sand.u32 $0x70, s0;
	s4 =	sand.u32 $0x1C00, s3;
	s5 =	sor.u32 s3, s0;
	v20 =	vadd.f32 v8, v20;
	v25 =	vmul.f32 v26, v26;
	v24 =	vadd.f32 v27, v24;
	v8 =	vld [tilespmem:s21+$0x4400]  }
0x28d: {  	s0 =	sadd.s32 $0x10, s0;
	s25 =	sor.u32 $0x380, s5;
	v19 =	vadd.f32 v26, v19;
	v10 =	vld [tilespmem:s21+$0xC400];
	s21 =	sor.u32 s1, s4  }
0x28e: {  	v26 =	vld [tilespmem:s21+$0x4100]  }
0x28f: {  	v27 =	vld [tilespmem:s21+$0xC100];
	_ =	sdelay $0x4  }
0x290: {  	v26 =	vadd.f32 v27, v26;
	_ =	sdelay $0x1  }
0x291: {  	v22 =	vadd.f32 v26, v22;
	v26 =	vmul.f32 v26, v26;
	_ =	sdelay $0x1  }
0x292: {  	(xrf2) =	vadd.scan.msk.f32 $0xffff, v22;
	v22 =	vadd.f32 v26, v23;
	_ =	sdelay $0x1  }
0x293: {  	v23 =	vld [tilespmem:s21+$0xC180];
	(xrf2) =	vadd.scan.msk.f32 $0xffff, v22  }
0x294: {  	v22 =	vld [tilespmem:s21+$0x4180];
	_ =	sdelay $0x4  }
0x295: {  	v22 =	vadd.f32 v23, v22;
	_ =	sdelay $0x1  }
0x296: {  	v21 =	vadd.f32 v22, v21;
	v58, _, _ =	vpop (xrf2)  }
0x297: {  	(v2sf) =	vpush v58, $0xF  }
0x298: {  	v22 =	vmul.f32 v22, v22;
	v23, _, _ =	vpop (xrf2);
	(xrf2) =	vadd.scan.msk.f32 $0xffff, v21;
	_ =	sdelay $0x1  }
0x299: {  	v20 =	vadd.f32 v22, v20  }
0x29a: {  	v21 =	vld [tilespmem:s21+$0xC200];
	(v2sf) =	vpush v23, $0xF  }
0x29b: {  	(xrf2) =	vadd.scan.msk.f32 $0xffff, v20;
	v20 =	vld [tilespmem:s21+$0x4200];
	_ =	sdelay $0x4  }
0x29c: {  	v20 =	vadd.f32 v21, v20  }
0x29d: {  	v16 =	vadd.f32 v25, v16;
	v22, _, _ =	vpop (xrf2)  }
0x29e: {  	v19 =	vadd.f32 v20, v19;
	v20 =	vmul.f32 v20, v20;
	(v2sf) =	vpush v22, $0xF;
	_ =	sdelay $0x1  }
0x29f: {  	v16 =	vadd.f32 v20, v16  }
0x2a0: {  	(xrf2) =	vadd.scan.msk.f32 $0xffff, v19;
	v19 =	vld [tilespmem:s21+$0xC280];
	s0 =	spop (v2sf)  }
0x2a1: {  	v21, _, _ =	vpop (xrf2);
	(xrf2) =	vadd.scan.msk.f32 $0xffff, v16;
	v16 =	vld [tilespmem:s21+$0x4280];
	s11 =	smul.f32 $3.125000000e-02, s0  }
0x2a2: {  	(v2sf) =	vpush v21, $0xF  }
0x2a3: {  	s0 =	smul.f32 s11, s11  }
0x2a4: {  	s1 =	spop (v2sf)  }
0x2a5: {  	s0 =	ssub.f32 s1, s0  }
0x2a6: {  	v17 =	vadd.f32 v24, v17;
	v16 =	vadd.f32 v19, v16  }
0x2a7: {  	s0 =	sadd.f32 $9.999999740e-06, s0  }
0x2a8: {  	v17 =	vadd.f32 v16, v17  }
0x2a9: {  	v19 =	vmul.f32 v24, v24;
	s22 =	sshrl.u32 s0, $0x1;
	s0 =	smul.f32 $5.000000000e-01, s0  }
0x2aa: {  	v20, _, _ =	vpop (xrf2);
	(xrf2) =	vadd.scan.msk.f32 $0xffff, v17;
	s1 =	ssub.s32 $0x5F3759DF, s22  }
0x2ab: {  	v14 =	vadd.f32 v19, v14;
	v16 =	vmul.f32 v16, v16;
	s3 =	smul.f32 s1, s0  }
0x2ac: {  	s4 =	spop (v2sf);
	(v2sf) =	vpush v20, $0xF  }
0x2ad: {  	v14 =	vadd.f32 v16, v14;
	s3 =	smul.f32 s1, s3  }
0x2ae: {  	v16 =	vld [tilespmem:s21+$0x4300];
	s16 =	smul.f32 $3.125000000e-02, s4  }
0x2af: {  	v20, _, _ =	vpop (xrf2);
	(xrf2) =	vadd.scan.msk.f32 $0xffff, v14;
	v14 =	vld [tilespmem:s21+$0xC300];
	s3 =	ssub.f32 $1.500000000e+00, s3  }
0x2b0: {  	s23 =	smul.f32 s16, s16  }
0x2b1: {  	s5 =	spop (v2sf);
	s1 =	smul.f32 s1, s3  }
0x2b2: {  	(v2sf) =	vpush v20, $0xF;
	s3 =	ssub.f32 s5, s23  }
0x2b3: {  	s24 =	smul.f32 s1, s0  }
0x2b4: {  	v15 =	vadd.f32 v18, v15;
	v14 =	vadd.f32 v14, v16;
	v16, _, _ =	vpop (xrf2);
	s3 =	sadd.f32 $9.999999740e-06, s3  }
0x2b5: {  	(v2sf) =	vpush v16, $0xF;
	s4 =	smul.f32 s24, s1  }
0x2b6: {  	v11 =	vadd.f32 v15, v11;
	v17 =	vld [tilespmem:s21+$0x4380];
	s26 =	sshrl.u32 s3, $0x1;
	s6 =	smul.f32 $5.000000000e-01, s3  }
0x2b7: {  	v15 =	vmul.f32 v15, v15;
	v16 =	vld [tilespmem:s21+$0xC380];
	s28 =	ssub.s32 $0x5F3759DF, s26;
	s4 =	ssub.f32 $1.500000000e+00, s4  }
0x2b8: {  	v11 =	vadd.f32 v14, v11;
	s3 =	smul.f32 s28, s6  }
0x2b9: {  	v9 =	vadd.f32 v15, v9;
	v14 =	vmul.f32 v14, v14;
	s1 =	smul.f32 s4, s1  }
0x2ba: {  	(xrf2) =	vadd.scan.msk.f32 $0xffff, v11;
	v11 =	vadd.f32 v13, v12;
	s3 =	smul.f32 s28, s3  }
0x2bb: {  	v9 =	vadd.f32 v14, v9;
	s0 =	smul.f32 s1, s0;
	s30 =	spop (v2sf)  }
0x2bc: {  	v7 =	vadd.f32 v11, v7;
	v12 =	vadd.f32 v16, v17;
	s29 =	ssub.f32 $1.500000000e+00, s3;
	s3 =	smul.f32 $3.125000000e-02, s30  }
0x2bd: {  	v15, _, _ =	vpop (xrf2);
	s0 =	smul.f32 s0, s1  }
0x2be: {  	(xrf2) =	vadd.scan.msk.f32 $0xffff, v9;
	v9 =	vmul.f32 v11, v11;
	v7 =	vadd.f32 v12, v7;
	(v2sf) =	vpush v15, $0xF;
	s4 =	smul.f32 s28, s29  }
0x2bf: {  	s31 =	smul.f32 s3, s3  }
0x2c0: {  	v6 =	vadd.f32 v9, v6;
	(xrf2) =	vadd.scan.msk.f32 $0xffff, v7;
	v7 =	vmul.f32 v12, v12;
	s10 =	smul.f32 s4, s6  }
0x2c1: {  	s15 =	spop (v2sf);
	s0 =	ssub.f32 $1.500000000e+00, s0  }
0x2c2: {  	v6 =	vadd.f32 v7, v6;
	s5 =	ssub.f32 s15, s31;
	s10 =	smul.f32 s10, s4  }
0x2c3: {  	s0 =	smul.f32 s0, s1  }
0x2c4: {  	v7, _, _ =	vpop (xrf2);
	(xrf2) =	vadd.scan.msk.f32 $0xffff, v6;
	v6 =	vld [tilespmem:s21+$0xC400];
	s23 =	spop (v2sf);
	s5 =	sadd.f32 $9.999999740e-06, s5  }
0x2c5: {  	(v2sf) =	vpush v7, $0xF;
	v7 =	vld [tilespmem:s21+$0x4400];
	s21 =	smul.f32 $3.125000000e-02, s23  }
0x2c6: {  	s17 =	ssub.f32 $1.500000000e+00, s10;
	s18 =	sshrl.u32 s5, $0x1;
	s5 =	smul.f32 $5.000000000e-01, s5  }
0x2c7: {  	s26 =	smul.f32 s21, s21  }
0x2c8: {  	s1 =	smul.f32 s17, s4;
	s22 =	ssub.s32 $0x5F3759DF, s18  }
0x2c9: {  	s10 =	smul.f32 s22, s5  }
0x2ca: {  	s6 =	smul.f32 s1, s6  }
0x2cb: {  	s10 =	smul.f32 s22, s10  }
0x2cc: {  	s24 =	ssub.f32 $0.0e+00, s11;
	v9, _, _ =	vpop (xrf2);
	s6 =	smul.f32 s6, s1  }
0x2cd: {  	(v2sf) =	vpush v9, $0xF;
	s10 =	ssub.f32 $1.500000000e+00, s10;
	s18 =	spop (v2sf)  }
0x2ce: {  	s15 =	smul.f32 $3.200000000e+01, s0;
	v9, _, _ =	vpop (xrf2);
	s18 =	ssub.f32 s18, s26  }
0x2cf: {  	s11 =	smul.f32 s0, s24;
	(v2sf) =	vpush v9, $0xF;
	s6 =	ssub.f32 $1.500000000e+00, s6  }
0x2d0: {  	v8 =	vadd.f32 v10, v8;
	s4 =	smul.f32 s22, s10  }
0x2d1: {  	s28 =	sadd.f32 $9.999999740e-06, s18;
	s1 =	smul.f32 s6, s1  }
0x2d2: {  	v5 =	vadd.f32 v8, v5;
	v6 =	vadd.f32 v6, v7;
	s17 =	smul.f32 s4, s5  }
0x2d3: {  	s16 =	ssub.f32 $0.0e+00, s16;
	s0 =	smul.f32 $5.000000000e-01, s28  }
0x2d4: {  	v5 =	vadd.f32 v6, v5;
	s22 =	smul.f32 $3.200000000e+01, s1  }
0x2d5: {  	v7 =	vmul.f32 v8, v8;
	v8, _, _ =	vpop (xrf2);
	s30 =	sshrl.u32 s28, $0x1;
	s16 =	smul.f32 s1, s16  }
0x2d6: {  	(xrf2) =	vadd.scan.msk.f32 $0xffff, v5;
	(v2sf) =	vpush v8, $0xF;
	s17 =	smul.f32 s17, s4;
	s31 =	ssub.s32 $0x5F3759DF, s30  }
0x2d7: {  	v4 =	vadd.f32 v7, v4;
	v5 =	vmul.f32 v6, v6;
	s18 =	spop (v2sf);
	s10 =	smul.f32 s31, s0  }
0x2d8: {  	s29 =	ssub.f32 $1.500000000e+00, s17;
	s17 =	smul.f32 $3.125000000e-02, s18  }
0x2d9: {  	v4 =	vadd.f32 v5, v4;
	s10 =	smul.f32 s31, s10  }
0x2da: {  	s4 =	smul.f32 s29, s4  }
0x2db: {  	v5 =	vld [tilespmem:s25+$0x4100];
	(xrf2) =	vadd.scan.msk.f32 $0xffff, v4;
	s24 =	smul.f32 s17, s17;
	s10 =	ssub.f32 $1.500000000e+00, s10  }
0x2dc: {  	v4 =	vld [tilespmem:s25+$0xC100];
	s23 =	spop (v2sf);
	s5 =	smul.f32 s4, s5  }
0x2dd: {  	s6 =	ssub.f32 s23, s24;
	s18 =	smul.f32 s31, s10  }
0x2de: {  	s28 =	spop (v2sf);
	s5 =	smul.f32 s5, s4  }
0x2df: {  	s10 =	sadd.f32 $9.999999740e-06, s6;
	s6 =	smul.f32 $3.125000000e-02, s28  }
0x2e0: {  	v6, _, _ =	vpop (xrf2);
	s26 =	smul.f32 s18, s0  }
0x2e1: {  	v4 =	vadd.f32 v4, v5;
	(v2sf) =	vpush v6, $0xF;
	s23 =	smul.f32 $5.000000000e-01, s10  }
0x2e2: {  	s25 =	ssub.f32 $1.500000000e+00, s5;
	s24 =	smul.f32 s6, s6  }
0x2e3: {  	v3 =	vadd.f32 v4, v3;
	s29 =	sshrl.u32 s10, $0x1;
	s5 =	smul.f32 s26, s18  }
0x2e4: {  	s30 =	ssub.f32 $0.0e+00, s3;
	s1 =	smul.f32 s25, s4;
	s4 =	ssub.s32 $0x5F3759DF, s29  }
0x2e5: {  	(xrf2) =	vadd.scan.msk.f32 $0xffff, v3;
	v5, _, _ =	vpop (xrf2);
	s26 =	spop (v2sf);
	s31 =	smul.f32 s4, s23  }
0x2e6: {  	v3 =	vmul.f32 v4, v4;
	(v2sf) =	vpush v5, $0xF;
	s24 =	ssub.f32 s26, s24;
	s3 =	smul.f32 $3.200000000e+01, s1  }
0x2e7: {  	s5 =	ssub.f32 $1.500000000e+00, s5;
	s10 =	smul.f32 s1, s30  }
0x2e8: {  	v2 =	vadd.f32 v3, v2;
	s26 =	sadd.f32 $9.999999740e-06, s24;
	s25 =	smul.f32 s4, s31  }
0x2e9: {  	s5 =	smul.f32 s5, s18  }
0x2ea: {  	(xrf2) =	vadd.scan.msk.f32 $0xffff, v2;
	s24 =	sshrl.u32 s26, $0x1;
	s1 =	smul.f32 $5.000000000e-01, s26  }
0x2eb: {  	s28 =	ssub.f32 $1.500000000e+00, s25;
	s24 =	ssub.s32 $0x5F3759DF, s24;
	s0 =	smul.f32 s5, s0  }
0x2ec: {  	s29 =	smul.f32 s24, s1  }
0x2ed: {  	s18 =	smul.f32 s4, s28  }
0x2ee: {  	s0 =	smul.f32 s0, s5  }
0x2ef: {  	v2, _, _ =	vpop (xrf2);
	s4 =	smul.f32 s24, s29  }
0x2f0: {  	s31 =	spop (v2sf);
	(v2sf) =	vpush v2, $0xF;
	s30 =	smul.f32 s18, s23  }
0x2f1: {  	s28 =	ssub.f32 $1.500000000e+00, s4;
	s4 =	smul.f32 $3.125000000e-02, s31  }
0x2f2: {  	s25 =	smul.f32 s30, s18  }
0x2f3: {  	s24 =	smul.f32 s24, s28  }
0x2f4: {  	v2, _, _ =	vpop (xrf2);
	s26 =	smul.f32 s4, s4  }
0x2f5: {  	s29 =	spop (v2sf);
	(v2sf) =	vpush v2, $0xF;
	s25 =	ssub.f32 $1.500000000e+00, s25  }
0x2f6: {  	s28 =	smul.f32 s24, s1;
	s29 =	ssub.f32 s29, s26  }
0x2f7: {  	s18 =	smul.f32 s25, s18  }
0x2f8: {  	s30 =	smul.f32 s28, s24;
	s25 =	sadd.f32 $9.999999740e-06, s29  }
0x2f9: {  	s23 =	smul.f32 s18, s23  }
0x2fa: {  	s31 =	sshrl.u32 s25, $0x1;
	s29 =	smul.f32 $5.000000000e-01, s25  }
0x2fb: {  	s26 =	ssub.f32 $1.500000000e+00, s30;
	s25 =	ssub.s32 $0x5F3759DF, s31;
	s23 =	smul.f32 s23, s18  }
0x2fc: {  	s30 =	smul.f32 s25, s29  }
0x2fd: {  	s24 =	smul.f32 s26, s24  }
0x2fe: {  	s26 =	smul.f32 s25, s30  }
0x2ff: {  	s1 =	smul.f32 s24, s1;
	s31 =	spop (v2sf)  }
0x300: {  	s28 =	smul.f32 $3.125000000e-02, s31;
	s26 =	ssub.f32 $1.500000000e+00, s26  }
0x301: {  	s1 =	smul.f32 s1, s24  }
0x302: {  	s0 =	ssub.f32 $1.500000000e+00, s0;
	s25 =	smul.f32 s25, s26  }
0x303: {  	s23 =	ssub.f32 $1.500000000e+00, s23;
	s26 =	smul.f32 s28, s28  }
0x304: {  	s31 =	spop (v2sf);
	s30 =	smul.f32 s25, s29  }
0x305: {  	s5 =	smul.f32 s0, s5;
	s26 =	ssub.f32 s31, s26  }
0x306: {  	s1 =	ssub.f32 $1.500000000e+00, s1;
	s30 =	smul.f32 s30, s25  }
0x307: {  	s0 =	smul.f32 s23, s18;
	s23 =	sadd.f32 $9.999999740e-06, s26  }
0x308: {  	s31 =	ssub.f32 $1.500000000e+00, s30  }
0x309: {  	s26 =	ssub.f32 $0.0e+00, s21;
	s21 =	simm.s32 $0x0  }
0x30a: {  	s18 =	smul.f32 s31, s25;
	s25 =	sand.u32 $0x70, s21;
	s31 =	sand.u32 $0x1C00, s21  }
0x30b: {  	s6 =	ssub.f32 $0.0e+00, s6;
	s1 =	smul.f32 s1, s24;
	s25 =	sor.u32 s25, s31  }
0x30c: {  	s30 =	sshrl.u32 s23, $0x1;
	s23 =	smul.f32 $5.000000000e-01, s23;
	v16 =	vld [tilespmem:s25+$0xC280]  }
0x30d: {  	s6 =	smul.f32 s1, s6;
	s24 =	ssub.s32 $0x5F3759DF, s30;
	v17 =	vld [tilespmem:s25+$0xC400]  }
0x30e: {  	s30 =	smul.f32 s24, s23;
	v18 =	vld [tilespmem:s25+$0x4280]  }
0x30f: {  	s29 =	smul.f32 s18, s29;
	v13 =	vld [tilespmem:s25+$0x4200]  }
0x310: {  	s30 =	smul.f32 s24, s30;
	v14 =	vld [tilespmem:s25+$0xC200]  }
0x311: {  	v19 =	vld [tilespmem:s25+$0xC180];
	s29 =	smul.f32 s29, s18  }
0x312: {  	s1 =	smul.f32 $3.200000000e+01, s1;
	v20 =	vld [tilespmem:s25+$0xC380];
	s30 =	ssub.f32 $1.500000000e+00, s30  }
0x313: {  	s26 =	smul.f32 s5, s26;
	v21 =	vld [tilespmem:s25+$0x4100];
	s29 =	ssub.f32 $1.500000000e+00, s29  }
0x314: {  	v22 =	vld [tilespmem:s25+$0x4180];
	s24 =	smul.f32 s24, s30  }
0x315: {  	v23 =	vld [tilespmem:s25+$0xC100];
	s18 =	smul.f32 s29, s18  }
0x316: {  	v4 =	vmov s22;
	v60 =	vld [tilespmem:s25+$0x4380];
	s29 =	smul.f32 s24, s23  }
0x317: {  	v3 =	vmov s11;
	v5 =	vmov s16;
	v6 =	vmov s3;
	s5 =	smul.f32 $3.200000000e+01, s5;
	v59 =	vld [tilespmem:s25+$0x4400]  }
0x318: {  	v7 =	vmov s10;
	v2 =	vmov s15;
	s15 =	simm.s32 $0x10100;
	v11 =	vmov s1;
	s16 =	smul.f32 s29, s24  }
0x319: {  	v15 =	vld [tilespmem:s15+$0x0];
	v12 =	vmov s6;
	v8 =	vmov s5;
	v62 =	vadd.f32 v14, v13  }
0x31a: {  	v9 =	vmov s26;
	v61 =	vld [tilespmem:s25+$0xC300];
	s30 =	smul.f32 $3.200000000e+01, s0;
	v16 =	vadd.f32 v16, v18;
	v19 =	vadd.f32 v19, v22;
	s22 =	ssub.f32 $1.500000000e+00, s16  }
0x31b: {  	s4 =	ssub.f32 $0.0e+00, s4;
	v18 =	vld [tilespmem:s25+$0x4300];
	v21 =	vadd.f32 v23, v21;
	v20 =	vadd.f32 v20, v60;
	v22 =	vmul.f32 v62, v6;
	s31 =	smul.f32 $3.200000000e+01, s18  }
0x31c: {  	s26 =	simm.s32 $0x10500;
	v24 =	vadd.f32 v17, v59;
	v16 =	vmul.f32 v16, v8;
	v19 =	vmul.f32 v19, v4;
	s24 =	smul.f32 s22, s24  }
0x31d: {  	v17 =	vld [tilespmem:s26+$0x0];
	v10 =	vmov s30;
	v21 =	vmul.f32 v21, v2;
	v20 =	vmul.f32 v20, v11;
	s18 =	smul.f32 s18, s4  }
0x31e: {  	v22 =	vadd.f32 v22, v7;
	v16 =	vadd.f32 v16, v9;
	v13 =	vmov s31;
	s29 =	smul.f32 s24, s23  }
0x31f: {  	s30 =	ssub.f32 $0.0e+00, s17;
	v19 =	vadd.f32 v19, v5;
	v20 =	vadd.f32 v20, v12;
	v23 =	vmul.f32 v24, v13  }
0x320: {  	v14 =	vmov s18;
	v18 =	vadd.f32 v61, v18;
	v22 =	vmul.f32 v22, v15;
	s3 =	smul.f32 s29, s24  }
0x321: {  	s0 =	smul.f32 s0, s30;
	v21 =	vadd.f32 v21, v3;
	v16 =	vmul.f32 v16, v15;
	v23 =	vadd.f32 v23, v14  }
0x322: {  	v20 =	vmul.f32 v20, v15;
	v18 =	vmul.f32 v18, v10;
	v22 =	vadd.f32 v22, v17;
	s3 =	ssub.f32 $1.500000000e+00, s3  }
0x323: {  	v63 =	vadd.f32 v16, v17;
	v16 =	vmov s0;
	v23 =	vmul.f32 v23, v15  }
0x324: {  	v21 =	vmul.f32 v21, v15;
	v20 =	vadd.f32 v20, v17;
	v18 =	vadd.f32 v18, v16;
	[tilespmem:s25+$0x4200] =	vst v22;
	s1 =	smul.f32 s3, s24  }
0x325: {  	s31 =	ssub.f32 $0.0e+00, s28;
	v19 =	vmul.f32 v19, v15;
	[tilespmem:s25+$0x4280] =	vst v63;
	v22 =	vadd.f32 v23, v17  }
0x326: {  	v21 =	vadd.f32 v21, v17;
	[tilespmem:s25+$0x4380] =	vst v20;
	v23 =	vmul.f32 v18, v15;
	s3 =	smul.f32 $3.200000000e+01, s1  }
0x327: {  	[tilespmem:s25+$0x4400] =	vst v22;
	v22 =	vadd.f32 v19, v17;
	s0 =	smul.f32 s1, s31  }
0x328: {  	[tilespmem:s25+$0x4100] =	vst v21;
	v20 =	vadd.f32 v23, v17  }
0x329: {  	s11 =	simm.s32 $0x10;
	s17 =	simm.s32 $0x10510;
	[tilespmem:s25+$0x4180] =	vst v22;
	v18 =	vmov s3;
	v19 =	vmov s0;
	s0 =	sor.u32 s21, s21  }
.LBB2_13:
0x32a: {  	[tilespmem:s25+$0x4300] =	vst v20;
	s0 =	sor.u32 $0x380, s0;
	s21 =	sadd.s32 $0x80, s21;
	s15 =	sadd.s32 $0x10, s15  }
0x32b: {  	p0 =	sne.s32 s11, $0x3F0;
	s16 =	smov.u32 s11;
	s11 =	sadd.s32 $0x10, s11;
	v20 =	vld [tilespmem:s0+$0x4100]  }
0x32c: {  	v21 =	vld [tilespmem:s0+$0xC100];
	_ =	sdelay $0x4  }
0x32d: {  	v20 =	vadd.f32 v21, v20;
	_ =	sdelay $0x1  }
0x32e: {  	v20 =	vmul.f32 v20, v18;
	_ =	sdelay $0x1  }
0x32f: {  	v20 =	vadd.f32 v20, v19;
	_ =	sdelay $0x1  }
0x330: {  	v15 =	vmul.f32 v20, v15;
	_ =	sdelay $0x1  }
0x331: {  	s1 =	sand.u32 $0x70, s16;
	s3 =	sand.u32 $0x1C00, s21;
	v15 =	vadd.f32 v15, v17  }
0x332: {  	s25 =	sor.u32 s1, s3  }
0x333: {  	[tilespmem:s0+$0x4100] =	vst v15  }
0x334: {  	v17 =	vld [tilespmem:s25+$0xC280]  }
0x335: {  	v20 =	vld [tilespmem:s25+$0xC400]  }
0x336: {  	v21 =	vld [tilespmem:s25+$0x4280]  }
0x337: {  	v15 =	vld [tilespmem:s25+$0x4200]  }
0x338: {  	v22 =	vld [tilespmem:s25+$0xC200]  }
0x339: {  	v23 =	vld [tilespmem:s25+$0xC180]  }
0x33a: {  	v24 =	vld [tilespmem:s25+$0xC380]  }
0x33b: {  	v25 =	vld [tilespmem:s25+$0x4100]  }
0x33c: {  	v26 =	vld [tilespmem:s25+$0x4180]  }
0x33d: {  	v27 =	vld [tilespmem:s25+$0xC100]  }
0x33e: {  	v28 =	vld [tilespmem:s25+$0x4400]  }
0x33f: {  	v29 =	vld [tilespmem:s25+$0x4380]  }
0x340: {  	v30 =	vld [tilespmem:s25+$0xC300]  }
0x341: {  	v22 =	vadd.f32 v22, v15;
	v31 =	vld [tilespmem:s25+$0x4300]  }
0x342: {  	v23 =	vadd.f32 v23, v26;
	v15 =	vld [tilespmem:s15+$0x0]  }
0x343: {  	v21 =	vadd.f32 v17, v21;
	v22 =	vmul.f32 v22, v6;
	v25 =	vadd.f32 v27, v25  }
0x344: {  	v23 =	vmul.f32 v23, v4;
	v20 =	vadd.f32 v20, v28;
	v17 =	vld [tilespmem:s17+$0x0];
	v24 =	vadd.f32 v24, v29  }
0x345: {  	v21 =	vmul.f32 v21, v8;
	v22 =	vadd.f32 v22, v7;
	v25 =	vmul.f32 v25, v2  }
0x346: {  	v23 =	vadd.f32 v23, v5;
	v20 =	vmul.f32 v20, v13;
	v24 =	vmul.f32 v24, v11  }
0x347: {  	v21 =	vadd.f32 v21, v9;
	v26 =	vadd.f32 v30, v31;
	v22 =	vmul.f32 v22, v15  }
0x348: {  	v23 =	vmul.f32 v23, v15;
	v20 =	vadd.f32 v20, v14;
	v24 =	vadd.f32 v24, v12  }
0x349: {  	v21 =	vmul.f32 v21, v15;
	v26 =	vmul.f32 v26, v10;
	v22 =	vadd.f32 v22, v17  }
0x34a: {  	v25 =	vadd.f32 v25, v3;
	v20 =	vmul.f32 v20, v15;
	v24 =	vmul.f32 v24, v15  }
0x34b: {  	v23 =	vadd.f32 v23, v17;
	v21 =	vadd.f32 v21, v17;
	[tilespmem:s25+$0x4200] =	vst v22  }
0x34c: {  	v22 =	vmul.f32 v25, v15;
	v25 =	vadd.f32 v26, v16;
	v20 =	vadd.f32 v20, v17  }
.Ltmp7:
0x34d: {  	[tilespmem:s25+$0x4280] =	vst v21;
	v21 =	vadd.f32 v24, v17;
	(pc) =	sbr.rel @p0 .LBB2_13-.Ltmp7, $4  }
0x34e: {  	v22 =	vadd.f32 v22, v17;
	v24 =	vmul.f32 v25, v15;
	[tilespmem:s25+$0x4400] =	vst v20  }
0x34f: {  	[tilespmem:s25+$0x4380] =	vst v21  }
0x350: {  	v20 =	vadd.f32 v24, v17;
	[tilespmem:s25+$0x4100] =	vst v22  }
0x351: {  	s0 =	sor.u32 s21, s16;
	s17 =	sadd.s32 $0x10, s17;
	[tilespmem:s25+$0x4180] =	vst v23  }
0x352: {  	[tilespmem:s25+$0x4300] =	vst v20;
	s0 =	sor.u32 $0x380, s0  }
0x353: {  	v2 =	vld [tilespmem:s0+$0x4100]  }
0x354: {  	v3 =	vld [tilespmem:s0+$0xC100];
	_ =	sdelay $0x4  }
0x355: {  	v2 =	vadd.f32 v3, v2;
	_ =	sdelay $0x1  }
0x356: {  	v2 =	vmul.f32 v2, v18;
	_ =	sdelay $0x1  }
0x357: {  	v2 =	vadd.f32 v2, v19;
	_ =	sdelay $0x1  }
0x358: {  	v2 =	vmul.f32 v2, v15  }
0x359: {  	s1 =	sadd.s32 s9, s20  }
0x35a: {  	s1 =	sshll.u32 s1, $0xA;
	v2 =	vadd.f32 v2, v17  }
0x35b: {  	s21 =	rddreg [dreg:$0x5];
	s1 =	sand.u32 $0x1FFFF800, s1  }
0x35c: {  	s22 =	simm.s32 $0x4100;
	p0 =	seq.s32 s2, $0x7;
	[tilespmem:s0+$0x4100] =	vst v2;
	s0 =	sadd.s32 s21, s1  }
0x35d: {  	[hbm4b:s0+s7] =	stream.linear.scatter [tilespmem:s22], [sflag:$0xB], $0x2000, $0x38;
	[tilespmem:$0x10900] =	vst v63  }
0x35e: {  	s0 =	simm.s32 @!p0 $0x9  }
0x35f: {  	s1 =	sshll.u32 @!p0 s2, $0x5;
	_ =	swait.ge @!p0 [sflag:s0], $0x2000  }
0x360: {  	s3 =	sadd.s32 @!p0 $0x20, s1;
	[sflag:s0] =	ssyncset.done @!p0 $0x0  }
0x361: {  	s3 =	sadd.s32 @!p0 s8, s3;
	[sflag:s0] =	ssyncadd.s32 @!p0 $0xFFFFE000  }
0x362: {  	s0 =	sshll.u32 @!p0 s3, $0x7;
	s3 =	rddreg [dreg:$0x1]  }
0x363: {  	s4 =	simm.s32 @!p0 $0x8100;
	s0 =	sadd.s32 @!p0 s3, s0;
	s3 =	simm.s32 @!p0 $0x0  }
0x364: {  	[tilespmem:s4], [sflag:$0x1] =	stream.linear.gather @!p0 [hbm4b:s0+s3], $0x2000, $0x38;
	[tilespmem:$0x10900] =	vst v63  }
0x365: {  	v2 =	vld.msk @!p0 [tilespmem:s1+$0x20], $0xff;
	_ =	sdelay $0x4  }
0x366: {  	v3 =	vshll.u32 @!p0 v2, $0x3  }
0x367: {  	v4 =	vlaneseq.u32 @!p0;
	v2 =	vand.u32 @!p0 $0x7, v2;
	v3 =	vand.u32 @!p0 $0xFFFFFFC0, v3  }
0x368: {  	v2 =	vor.u32 @!p0 v2, v3;
	v3 =	vand.u32 @!p0 $0x7, v4;
	v4 =	vshrl.u32 @!p0 v4, $0x3  }
0x369: {  	v2 =	vperm.xlane @!p0 v2, v3;
	v3 =	vmul.u32 @!p0 $0x8, v4;
	_ =	sdelay $0x1  }
0x36a: {  	v2 =	vadd.s32 @!p0 v3, v2;
	_ =	sdelay $0x3  }
0x36b: {  	vm1 =	vmmov @!p0 $0xffff;
	s0 =	simm.s32 @!p0 $0x100;
	s1 =	rddreg [dreg:$0x4]  }
0x36c: {  	[tilespmem:s0], [sflag:$0x5] =	stream.indirect_vreg.gather @!p0 [hbm4b:s1+s3], $0x80, v2, vm1, $0xb8;
	[tilespmem:$0x10900] =	vst v63  }
0x36d: {  	s0 =	simm.s32 @!p0 $0x900  }
0x36e: {  	[tilespmem:s0], [sflag:$0x5] =	stream.indirect_vreg.gather @!p0 [hbm4b:s12+s3], $0x80, v2, vm1, $0xb8;
	[tilespmem:$0x10900] =	vst v63  }
0x36f: {  	s0 =	simm.s32 @!p0 $0x1100  }
0x370: {  	[tilespmem:s0], [sflag:$0x5] =	stream.indirect_vreg.gather @!p0 [hbm4b:s13+s3], $0x80, v2, vm1, $0xb8;
	[tilespmem:$0x10900] =	vst v63  }
0x371: {  	s23 =	simm.s32 $0x8;
	s0 =	simm.s32 @!p0 $0x1900  }
0x372: {  	[tilespmem:s0], [sflag:$0x5] =	stream.indirect_vreg.gather @!p0 [hbm4b:s14+s3], $0x80, v2, vm1, $0xb8;
	[tilespmem:$0x10900] =	vst v63  }
0x373: {  	_ =	swait.ge [sflag:s23], $0x2000  }
0x374: {  	[sflag:s23] =	ssyncset.done $0x0  }
0x375: {  	s24 =	simm.s32 $0x4;
	[sflag:s23] =	ssyncadd.s32 $0xFFFFE000  }
0x376: {  	s25 =	simm.s32 $0x0;
	_ =	swait.ge [sflag:s24], $0x2000  }
0x377: {  	s26 =	sor.u32 s25, s25;
	[sflag:s24] =	ssyncset.done $0x0  }
0x378: {  	s1 =	sor.u32 $0x380, s26;
	[sflag:s24] =	ssyncadd.s32 $0xFFFFE000  }
0x379: {  	s28 =	sand.u32 $0x70, s25;
	s0 =	sand.u32 $0x1C00, s25;
	v2 =	vld [tilespmem:s1+$0x6100]  }
0x37a: {  	s29 =	sor.u32 s28, s0;
	v3 =	vld [tilespmem:s1+$0xE100]  }
0x37b: {  	v4 =	vld [tilespmem:s29+$0x6100]  }
0x37c: {  	v5 =	vld [tilespmem:s29+$0xE100]  }
0x37d: {  	v6 =	vld [tilespmem:s29+$0x6180]  }
0x37e: {  	v7 =	vld [tilespmem:s29+$0xE180]  }
0x37f: {  	v10 =	vld [tilespmem:s29+$0x6280]  }
0x380: {  	v11 =	vld [tilespmem:s29+$0xE280];
	_ =	sdelay $0x1  }
0x381: {  	v8 =	vld [tilespmem:s29+$0x6200]  }
0x382: {  	v16 =	vimm.f32 $0.0e+00;
	v9 =	vld [tilespmem:s29+$0xE200]  }
0x383: {  	v14 =	vimm.f32 $0.0e+00;
	v2 =	vadd.f32 v3, v2;
	v4 =	vadd.f32 v5, v4  }
0x384: {  	v17 =	vimm.f32 $0.0e+00;
	v6 =	vadd.f32 v7, v6;
	v24 =	vadd.f32 v11, v10  }
0x385: {  	v15 =	vld [tilespmem:s29+$0x6300];
	v5 =	vmul.f32 v2, v2;
	v3 =	vadd.f32 v2, v16;
	v7 =	vmul.f32 v4, v4  }
0x386: {  	v18 =	vld [tilespmem:s29+$0xE300];
	v22 =	vadd.f32 v4, v16;
	v4 =	vmul.f32 v6, v6;
	v21 =	vadd.f32 v6, v16  }
0x387: {  	v12 =	vld [tilespmem:s29+$0x6380];
	v11 =	vimm.f32 $0.0e+00;
	v2 =	vadd.f32 v5, v16;
	v5 =	vadd.f32 v9, v8  }
0x388: {  	s30 =	simm.s32 $0x10;
	s3 =	simm.s32 $0x80;
	v13 =	vld [tilespmem:s29+$0xE380];
	v6 =	vimm.f32 $0.0e+00;
	v23 =	vadd.f32 v7, v16;
	v20 =	vadd.f32 v4, v16  }
0x389: {  	s31 =	sand.u32 $0x70, s30;
	s5 =	sand.u32 $0x1C00, s3;
	s0 =	sor.u32 s3, s30;
	v10 =	vld [tilespmem:s29+$0xE400];
	v9 =	vimm.f32 $0.0e+00;
	v7 =	vimm.f32 $0.0e+00;
	v25 =	vmul.f32 v5, v5  }
0x38a: {  	s20 =	sor.u32 s31, s5;
	s21 =	sor.u32 $0x380, s0;
	s0 =	simm.s32 $0x20;
	v8 =	vld [tilespmem:s29+$0x6400];
	v4 =	vimm.f32 $0.0e+00;
	v19 =	vadd.f32 v5, v16;
	v5 =	vimm.f32 $0.0e+00  }
.LBB2_15:
0x38b: {  	p1 =	sne.s32 s0, $0x3F0;
	v26 =	vld [tilespmem:s21+$0x6100];
	v16 =	vadd.f32 v25, v16;
	v25 =	vmul.f32 v24, v24;
	v15 =	vadd.f32 v18, v15  }
0x38c: {  	v17 =	vadd.f32 v24, v17;
	v18 =	vld [tilespmem:s21+$0xE100]  }
0x38d: {  	v24 =	vld [tilespmem:s20+$0x6100];
	v14 =	vadd.f32 v25, v14;
	v25 =	vmul.f32 v15, v15;
	v12 =	vadd.f32 v13, v12  }
0x38e: {  	v11 =	vadd.f32 v15, v11;
	v13 =	vld [tilespmem:s20+$0xE100]  }
0x38f: {  	v15 =	vld [tilespmem:s20+$0x6180];
	v9 =	vadd.f32 v25, v9;
	v25 =	vmul.f32 v12, v12;
	v8 =	vadd.f32 v10, v8  }
0x390: {  	v7 =	vadd.f32 v12, v7;
	v10 =	vld [tilespmem:s20+$0xE180]  }
0x391: {  	v12 =	vld [tilespmem:s20+$0x6200];
	v18 =	vadd.f32 v18, v26;
	v6 =	vadd.f32 v25, v6;
	v25 =	vmul.f32 v8, v8  }
0x392: {  	v5 =	vadd.f32 v8, v5;
	v26 =	vld [tilespmem:s20+$0xE200]  }
0x393: {  	v8 =	vadd.f32 v13, v24;
	v24 =	vld [tilespmem:s20+$0x6280];
	v13 =	vmul.f32 v18, v18;
	v4 =	vadd.f32 v25, v4  }
0x394: {  	v3 =	vadd.f32 v18, v3;
	v27 =	vld [tilespmem:s20+$0xE280]  }
0x395: {  	v25 =	vmul.f32 v8, v8;
	v10 =	vadd.f32 v10, v15;
	v15 =	vld [tilespmem:s20+$0x6300];
	v2 =	vadd.f32 v13, v2  }
.Ltmp8:
0x396: {  	v22 =	vadd.f32 v8, v22;
	v18 =	vld [tilespmem:s20+$0xE300];
	(pc) =	sbr.rel @p1 .LBB2_15-.Ltmp8, $4  }
0x397: {  	v23 =	vadd.f32 v25, v23;
	v8 =	vmul.f32 v10, v10;
	v26 =	vadd.f32 v26, v12;
	v12 =	vld [tilespmem:s20+$0x6380]  }
0x398: {  	s3 =	sadd.s32 $0x80, s3;
	v21 =	vadd.f32 v10, v21;
	v13 =	vld [tilespmem:s20+$0xE380]  }
0x399: {  	s1 =	sand.u32 $0x70, s0;
	s4 =	sand.u32 $0x1C00, s3;
	s5 =	sor.u32 s3, s0;
	v20 =	vadd.f32 v8, v20;
	v25 =	vmul.f32 v26, v26;
	v24 =	vadd.f32 v27, v24;
	v8 =	vld [tilespmem:s20+$0x6400]  }
0x39a: {  	s0 =	sadd.s32 $0x10, s0;
	s21 =	sor.u32 $0x380, s5;
	v19 =	vadd.f32 v26, v19;
	v10 =	vld [tilespmem:s20+$0xE400];
	s20 =	sor.u32 s1, s4  }
0x39b: {  	v26 =	vld [tilespmem:s20+$0x6100]  }
0x39c: {  	v27 =	vld [tilespmem:s20+$0xE100];
	_ =	sdelay $0x4  }
0x39d: {  	v26 =	vadd.f32 v27, v26;
	_ =	sdelay $0x1  }
0x39e: {  	v22 =	vadd.f32 v26, v22;
	v26 =	vmul.f32 v26, v26;
	_ =	sdelay $0x1  }
0x39f: {  	(xrf2) =	vadd.scan.msk.f32 $0xffff, v22;
	v22 =	vadd.f32 v26, v23;
	_ =	sdelay $0x1  }
0x3a0: {  	v23 =	vld [tilespmem:s20+$0xE180];
	(xrf2) =	vadd.scan.msk.f32 $0xffff, v22  }
0x3a1: {  	v22 =	vld [tilespmem:s20+$0x6180];
	_ =	sdelay $0x4  }
0x3a2: {  	v22 =	vadd.f32 v23, v22;
	_ =	sdelay $0x1  }
0x3a3: {  	v21 =	vadd.f32 v22, v21;
	v58, _, _ =	vpop (xrf2)  }
0x3a4: {  	(v2sf) =	vpush v58, $0xF  }
0x3a5: {  	v22 =	vmul.f32 v22, v22;
	v23, _, _ =	vpop (xrf2);
	(xrf2) =	vadd.scan.msk.f32 $0xffff, v21;
	_ =	sdelay $0x1  }
0x3a6: {  	v20 =	vadd.f32 v22, v20  }
0x3a7: {  	v21 =	vld [tilespmem:s20+$0xE200];
	(v2sf) =	vpush v23, $0xF  }
0x3a8: {  	(xrf2) =	vadd.scan.msk.f32 $0xffff, v20;
	v20 =	vld [tilespmem:s20+$0x6200];
	_ =	sdelay $0x4  }
0x3a9: {  	v20 =	vadd.f32 v21, v20  }
0x3aa: {  	v16 =	vadd.f32 v25, v16;
	v22, _, _ =	vpop (xrf2)  }
0x3ab: {  	v19 =	vadd.f32 v20, v19;
	v20 =	vmul.f32 v20, v20;
	(v2sf) =	vpush v22, $0xF;
	_ =	sdelay $0x1  }
0x3ac: {  	v16 =	vadd.f32 v20, v16  }
0x3ad: {  	(xrf2) =	vadd.scan.msk.f32 $0xffff, v19;
	v19 =	vld [tilespmem:s20+$0xE280];
	s0 =	spop (v2sf)  }
0x3ae: {  	v21, _, _ =	vpop (xrf2);
	(xrf2) =	vadd.scan.msk.f32 $0xffff, v16;
	v16 =	vld [tilespmem:s20+$0x6280];
	s11 =	smul.f32 $3.125000000e-02, s0  }
0x3af: {  	(v2sf) =	vpush v21, $0xF  }
0x3b0: {  	s0 =	smul.f32 s11, s11  }
0x3b1: {  	s1 =	spop (v2sf)  }
0x3b2: {  	s0 =	ssub.f32 s1, s0  }
0x3b3: {  	v17 =	vadd.f32 v24, v17;
	v16 =	vadd.f32 v19, v16  }
0x3b4: {  	s0 =	sadd.f32 $9.999999740e-06, s0  }
0x3b5: {  	v17 =	vadd.f32 v16, v17  }
0x3b6: {  	v19 =	vmul.f32 v24, v24;
	s5 =	sshrl.u32 s0, $0x1;
	s0 =	smul.f32 $5.000000000e-01, s0  }
0x3b7: {  	v20, _, _ =	vpop (xrf2);
	(xrf2) =	vadd.scan.msk.f32 $0xffff, v17;
	s1 =	ssub.s32 $0x5F3759DF, s5  }
0x3b8: {  	v14 =	vadd.f32 v19, v14;
	v16 =	vmul.f32 v16, v16;
	s3 =	smul.f32 s1, s0  }
0x3b9: {  	s4 =	spop (v2sf);
	(v2sf) =	vpush v20, $0xF  }
0x3ba: {  	v14 =	vadd.f32 v16, v14;
	s3 =	smul.f32 s1, s3  }
0x3bb: {  	v16 =	vld [tilespmem:s20+$0x6300];
	s16 =	smul.f32 $3.125000000e-02, s4  }
0x3bc: {  	v20, _, _ =	vpop (xrf2);
	(xrf2) =	vadd.scan.msk.f32 $0xffff, v14;
	v14 =	vld [tilespmem:s20+$0xE300];
	s3 =	ssub.f32 $1.500000000e+00, s3  }
0x3bd: {  	s6 =	smul.f32 s16, s16  }
0x3be: {  	s5 =	spop (v2sf);
	s1 =	smul.f32 s1, s3  }
0x3bf: {  	(v2sf) =	vpush v20, $0xF;
	s3 =	ssub.f32 s5, s6  }
0x3c0: {  	s10 =	smul.f32 s1, s0  }
0x3c1: {  	v15 =	vadd.f32 v18, v15;
	v14 =	vadd.f32 v14, v16;
	v16, _, _ =	vpop (xrf2);
	s3 =	sadd.f32 $9.999999740e-06, s3  }
0x3c2: {  	(v2sf) =	vpush v16, $0xF;
	s4 =	smul.f32 s10, s1  }
0x3c3: {  	v11 =	vadd.f32 v15, v11;
	v17 =	vld [tilespmem:s20+$0x6380];
	s15 =	sshrl.u32 s3, $0x1;
	s6 =	smul.f32 $5.000000000e-01, s3  }
0x3c4: {  	v15 =	vmul.f32 v15, v15;
	v16 =	vld [tilespmem:s20+$0xE380];
	s17 =	ssub.s32 $0x5F3759DF, s15;
	s4 =	ssub.f32 $1.500000000e+00, s4  }
0x3c5: {  	v11 =	vadd.f32 v14, v11;
	s3 =	smul.f32 s17, s6  }
0x3c6: {  	v9 =	vadd.f32 v15, v9;
	v14 =	vmul.f32 v14, v14;
	s1 =	smul.f32 s4, s1  }
0x3c7: {  	(xrf2) =	vadd.scan.msk.f32 $0xffff, v11;
	v11 =	vadd.f32 v13, v12;
	s3 =	smul.f32 s17, s3  }
0x3c8: {  	v9 =	vadd.f32 v14, v9;
	s0 =	smul.f32 s1, s0;
	s22 =	spop (v2sf)  }
0x3c9: {  	v7 =	vadd.f32 v11, v7;
	v12 =	vadd.f32 v16, v17;
	s18 =	ssub.f32 $1.500000000e+00, s3;
	s3 =	smul.f32 $3.125000000e-02, s22  }
0x3ca: {  	v15, _, _ =	vpop (xrf2);
	s0 =	smul.f32 s0, s1  }
0x3cb: {  	(xrf2) =	vadd.scan.msk.f32 $0xffff, v9;
	v9 =	vmul.f32 v11, v11;
	v7 =	vadd.f32 v12, v7;
	(v2sf) =	vpush v15, $0xF;
	s4 =	smul.f32 s17, s18  }
0x3cc: {  	s23 =	smul.f32 s3, s3  }
0x3cd: {  	v6 =	vadd.f32 v9, v6;
	(xrf2) =	vadd.scan.msk.f32 $0xffff, v7;
	v7 =	vmul.f32 v12, v12;
	s10 =	smul.f32 s4, s6  }
0x3ce: {  	s15 =	spop (v2sf);
	s0 =	ssub.f32 $1.500000000e+00, s0  }
0x3cf: {  	v6 =	vadd.f32 v7, v6;
	s5 =	ssub.f32 s15, s23;
	s10 =	smul.f32 s10, s4  }
0x3d0: {  	s0 =	smul.f32 s0, s1  }
0x3d1: {  	v7, _, _ =	vpop (xrf2);
	(xrf2) =	vadd.scan.msk.f32 $0xffff, v6;
	v6 =	vld [tilespmem:s20+$0xE400];
	s28 =	spop (v2sf);
	s5 =	sadd.f32 $9.999999740e-06, s5  }
0x3d2: {  	(v2sf) =	vpush v7, $0xF;
	v7 =	vld [tilespmem:s20+$0x6400];
	s20 =	smul.f32 $3.125000000e-02, s28  }
0x3d3: {  	s24 =	ssub.f32 $1.500000000e+00, s10;
	s25 =	sshrl.u32 s5, $0x1;
	s5 =	smul.f32 $5.000000000e-01, s5  }
0x3d4: {  	s30 =	smul.f32 s20, s20  }
0x3d5: {  	s1 =	smul.f32 s24, s4;
	s26 =	ssub.s32 $0x5F3759DF, s25  }
0x3d6: {  	s10 =	smul.f32 s26, s5  }
0x3d7: {  	s6 =	smul.f32 s1, s6  }
0x3d8: {  	s10 =	smul.f32 s26, s10  }
0x3d9: {  	s29 =	ssub.f32 $0.0e+00, s11;
	v9, _, _ =	vpop (xrf2);
	s6 =	smul.f32 s6, s1  }
0x3da: {  	(v2sf) =	vpush v9, $0xF;
	s10 =	ssub.f32 $1.500000000e+00, s10;
	s18 =	spop (v2sf)  }
0x3db: {  	s15 =	smul.f32 $3.200000000e+01, s0;
	v9, _, _ =	vpop (xrf2);
	s18 =	ssub.f32 s18, s30  }
0x3dc: {  	v8 =	vadd.f32 v10, v8;
	s11 =	smul.f32 s0, s29;
	(v2sf) =	vpush v9, $0xF;
	s6 =	ssub.f32 $1.500000000e+00, s6  }
0x3dd: {  	s4 =	smul.f32 s26, s10  }
0x3de: {  	v5 =	vadd.f32 v8, v5;
	v6 =	vadd.f32 v6, v7;
	s31 =	sadd.f32 $9.999999740e-06, s18;
	s1 =	smul.f32 s6, s1  }
0x3df: {  	s17 =	smul.f32 s4, s5  }
0x3e0: {  	v7 =	vmul.f32 v8, v8;
	v5 =	vadd.f32 v6, v5;
	s0 =	smul.f32 $5.000000000e-01, s31  }
0x3e1: {  	s16 =	ssub.f32 $0.0e+00, s16;
	s17 =	smul.f32 s17, s4  }
0x3e2: {  	v4 =	vadd.f32 v7, v4;
	v8, _, _ =	vpop (xrf2);
	(xrf2) =	vadd.scan.msk.f32 $0xffff, v5;
	v5 =	vmul.f32 v6, v6;
	s23 =	spop (v2sf);
	s22 =	smul.f32 $3.200000000e+01, s1  }
0x3e3: {  	s16 =	smul.f32 s1, s16;
	s10 =	ssub.f32 $1.500000000e+00, s17;
	s17 =	sshrl.u32 s31, $0x1  }
0x3e4: {  	(v2sf) =	vpush v8, $0xF;
	v4 =	vadd.f32 v5, v4;
	s18 =	ssub.s32 $0x5F3759DF, s17;
	s17 =	smul.f32 $3.125000000e-02, s23  }
0x3e5: {  	s4 =	smul.f32 s10, s4  }
0x3e6: {  	(xrf2) =	vadd.scan.msk.f32 $0xffff, v4;
	s10 =	smul.f32 s18, s0  }
0x3e7: {  	s5 =	smul.f32 s4, s5  }
0x3e8: {  	v5 =	vld [tilespmem:s21+$0x6100];
	s10 =	smul.f32 s18, s10  }
0x3e9: {  	v4 =	vld [tilespmem:s21+$0xE100];
	s24 =	spop (v2sf);
	s25 =	smul.f32 s17, s17  }
0x3ea: {  	s5 =	smul.f32 s5, s4;
	s10 =	ssub.f32 $1.500000000e+00, s10  }
0x3eb: {  	s29 =	spop (v2sf);
	s6 =	ssub.f32 s24, s25  }
0x3ec: {  	s18 =	smul.f32 s18, s10;
	s26 =	ssub.f32 $1.500000000e+00, s5  }
0x3ed: {  	v6, _, _ =	vpop (xrf2);
	s10 =	sadd.f32 $9.999999740e-06, s6;
	s6 =	smul.f32 $3.125000000e-02, s29  }
0x3ee: {  	v4 =	vadd.f32 v4, v5;
	(v2sf) =	vpush v6, $0xF;
	s28 =	smul.f32 s18, s0  }
0x3ef: {  	s1 =	smul.f32 s26, s4  }
0x3f0: {  	v3 =	vadd.f32 v4, v3;
	v5, _, _ =	vpop (xrf2);
	s21 =	smul.f32 $5.000000000e-01, s10  }
0x3f1: {  	(v2sf) =	vpush v5, $0xF;
	s30 =	sshrl.u32 s10, $0x1;
	s23 =	smul.f32 s6, s6  }
0x3f2: {  	s31 =	ssub.f32 $0.0e+00, s3;
	(xrf2) =	vadd.scan.msk.f32 $0xffff, v3;
	v3 =	vmul.f32 v4, v4;
	s4 =	ssub.s32 $0x5F3759DF, s30;
	s5 =	smul.f32 s28, s18  }
0x3f3: {  	s25 =	spop (v2sf);
	s24 =	smul.f32 s4, s21  }
0x3f4: {  	v2 =	vadd.f32 v3, v2;
	s3 =	smul.f32 $3.200000000e+01, s1;
	s23 =	ssub.f32 s25, s23  }
0x3f5: {  	s5 =	ssub.f32 $1.500000000e+00, s5;
	s24 =	smul.f32 s4, s24  }
0x3f6: {  	(xrf2) =	vadd.scan.msk.f32 $0xffff, v2;
	s10 =	smul.f32 s1, s31;
	s26 =	sadd.f32 $9.999999740e-06, s23  }
0x3f7: {  	s5 =	smul.f32 s5, s18;
	s28 =	ssub.f32 $1.500000000e+00, s24  }
0x3f8: {  	s23 =	sshrl.u32 s26, $0x1;
	s1 =	smul.f32 $5.000000000e-01, s26  }
0x3f9: {  	s23 =	ssub.s32 $0x5F3759DF, s23;
	s18 =	smul.f32 s4, s28  }
0x3fa: {  	s29 =	smul.f32 s23, s1  }
0x3fb: {  	s0 =	smul.f32 s5, s0  }
0x3fc: {  	v2, _, _ =	vpop (xrf2);
	s30 =	smul.f32 s18, s21  }
0x3fd: {  	s31 =	spop (v2sf);
	(v2sf) =	vpush v2, $0xF;
	s4 =	smul.f32 s23, s29  }
0x3fe: {  	s0 =	smul.f32 s0, s5  }
0x3ff: {  	s26 =	ssub.f32 $1.500000000e+00, s4;
	s4 =	smul.f32 $3.125000000e-02, s31  }
0x400: {  	v2, _, _ =	vpop (xrf2);
	s28 =	spop (v2sf);
	s24 =	smul.f32 s30, s18  }
0x401: {  	(v2sf) =	vpush v2, $0xF;
	s0 =	ssub.f32 $1.500000000e+00, s0;
	s25 =	smul.f32 s4, s4  }
0x402: {  	s23 =	smul.f32 s23, s26;
	s24 =	ssub.f32 $1.500000000e+00, s24  }
0x403: {  	s5 =	smul.f32 s0, s5;
	s25 =	ssub.f32 s28, s25  }
0x404: {  	s26 =	smul.f32 s23, s1  }
0x405: {  	s18 =	smul.f32 s24, s18;
	s24 =	sadd.f32 $9.999999740e-06, s25  }
0x406: {  	s28 =	smul.f32 s26, s23  }
0x407: {  	s29 =	sshrl.u32 s24, $0x1;
	s24 =	smul.f32 $5.000000000e-01, s24  }
0x408: {  	s21 =	smul.f32 s18, s21;
	s25 =	ssub.f32 $1.500000000e+00, s28;
	s26 =	ssub.s32 $0x5F3759DF, s29  }
0x409: {  	s30 =	smul.f32 s26, s24  }
0x40a: {  	s23 =	smul.f32 s25, s23  }
0x40b: {  	s25 =	smul.f32 s26, s30  }
0x40c: {  	s21 =	smul.f32 s21, s18;
	s31 =	spop (v2sf)  }
0x40d: {  	s29 =	ssub.f32 $1.500000000e+00, s25;
	s25 =	smul.f32 $3.125000000e-02, s31  }
0x40e: {  	s1 =	smul.f32 s23, s1  }
0x40f: {  	s21 =	ssub.f32 $1.500000000e+00, s21;
	s28 =	smul.f32 s25, s25  }
0x410: {  	s1 =	smul.f32 s1, s23;
	s30 =	spop (v2sf)  }
0x411: {  	s26 =	smul.f32 s26, s29;
	s28 =	ssub.f32 s30, s28  }
0x412: {  	s0 =	smul.f32 s21, s18;
	s1 =	ssub.f32 $1.500000000e+00, s1  }
0x413: {  	s29 =	smul.f32 s26, s24;
	s21 =	sadd.f32 $9.999999740e-06, s28  }
0x414: {  	s1 =	smul.f32 s1, s23;
	s28 =	ssub.f32 $0.0e+00, s20;
	s20 =	simm.s32 $0x0  }
0x415: {  	s29 =	smul.f32 s29, s26;
	s31 =	sand.u32 $0x1C00, s20  }
0x416: {  	s30 =	sshrl.u32 s21, $0x1;
	s23 =	smul.f32 $5.000000000e-01, s21;
	s21 =	sand.u32 $0x70, s20  }
0x417: {  	s29 =	ssub.f32 $1.500000000e+00, s29;
	s21 =	sor.u32 s21, s31  }
0x418: {  	v16 =	vld [tilespmem:s21+$0xE280]  }
0x419: {  	s6 =	ssub.f32 $0.0e+00, s6;
	s18 =	smul.f32 s29, s26;
	s26 =	ssub.s32 $0x5F3759DF, s30;
	v17 =	vld [tilespmem:s21+$0xE400]  }
0x41a: {  	v18 =	vld [tilespmem:s21+$0x6280];
	s29 =	smul.f32 s26, s23  }
0x41b: {  	s6 =	smul.f32 s1, s6;
	v13 =	vld [tilespmem:s21+$0x6200]  }
0x41c: {  	v14 =	vld [tilespmem:s21+$0xE200];
	s29 =	smul.f32 s26, s29  }
0x41d: {  	s1 =	smul.f32 $3.200000000e+01, s1;
	v19 =	vld [tilespmem:s21+$0xE180]  }
0x41e: {  	s28 =	smul.f32 s5, s28;
	v20 =	vld [tilespmem:s21+$0xE380];
	s29 =	ssub.f32 $1.500000000e+00, s29  }
0x41f: {  	v21 =	vld [tilespmem:s21+$0x6100];
	s24 =	smul.f32 s18, s24  }
0x420: {  	v22 =	vld [tilespmem:s21+$0x6180];
	s26 =	smul.f32 s26, s29  }
0x421: {  	v23 =	vld [tilespmem:s21+$0xE100];
	s24 =	smul.f32 s24, s18  }
0x422: {  	v4 =	vmov s22;
	v60 =	vld [tilespmem:s21+$0x6380];
	s30 =	smul.f32 s26, s23  }
0x423: {  	v3 =	vmov s11;
	v5 =	vmov s16;
	v6 =	vmov s3;
	s5 =	smul.f32 $3.200000000e+01, s5;
	v59 =	vld [tilespmem:s21+$0x6400];
	s24 =	ssub.f32 $1.500000000e+00, s24  }
0x424: {  	v7 =	vmov s10;
	v2 =	vmov s15;
	s15 =	simm.s32 $0x10100;
	v11 =	vmov s1;
	s16 =	smul.f32 s30, s26  }
0x425: {  	v15 =	vld [tilespmem:s15+$0x0];
	v12 =	vmov s6;
	v8 =	vmov s5;
	v62 =	vadd.f32 v14, v13;
	s18 =	smul.f32 s24, s18  }
0x426: {  	v9 =	vmov s28;
	v61 =	vld [tilespmem:s21+$0xE300];
	v16 =	vadd.f32 v16, v18;
	v19 =	vadd.f32 v19, v22;
	s29 =	smul.f32 $3.200000000e+01, s0;
	s24 =	ssub.f32 $1.500000000e+00, s16  }
0x427: {  	s4 =	ssub.f32 $0.0e+00, s4;
	v18 =	vld [tilespmem:s21+$0x6300];
	v21 =	vadd.f32 v23, v21;
	v20 =	vadd.f32 v20, v60;
	v22 =	vmul.f32 v62, v6;
	s31 =	smul.f32 $3.200000000e+01, s18  }
0x428: {  	s28 =	simm.s32 $0x10500;
	v24 =	vadd.f32 v17, v59;
	v16 =	vmul.f32 v16, v8;
	v19 =	vmul.f32 v19, v4;
	s26 =	smul.f32 s24, s26  }
0x429: {  	v17 =	vld [tilespmem:s28+$0x0];
	v21 =	vmul.f32 v21, v2;
	v20 =	vmul.f32 v20, v11;
	v10 =	vmov s29;
	s22 =	smul.f32 s18, s4  }
0x42a: {  	v22 =	vadd.f32 v22, v7;
	v16 =	vadd.f32 v16, v9;
	v13 =	vmov s31;
	s29 =	smul.f32 s26, s23  }
0x42b: {  	v19 =	vadd.f32 v19, v5;
	v20 =	vadd.f32 v20, v12;
	s30 =	ssub.f32 $0.0e+00, s17;
	v23 =	vmul.f32 v24, v13  }
0x42c: {  	v18 =	vadd.f32 v61, v18;
	v22 =	vmul.f32 v22, v15;
	v14 =	vmov s22;
	s3 =	smul.f32 s29, s26  }
0x42d: {  	v21 =	vadd.f32 v21, v3;
	v16 =	vmul.f32 v16, v15;
	s0 =	smul.f32 s0, s30;
	v23 =	vadd.f32 v23, v14  }
0x42e: {  	v20 =	vmul.f32 v20, v15;
	v18 =	vmul.f32 v18, v10;
	v22 =	vadd.f32 v22, v17;
	s3 =	ssub.f32 $1.500000000e+00, s3  }
0x42f: {  	v63 =	vadd.f32 v16, v17;
	v16 =	vmov s0;
	v23 =	vmul.f32 v23, v15  }
0x430: {  	v21 =	vmul.f32 v21, v15;
	v20 =	vadd.f32 v20, v17;
	[tilespmem:s21+$0x6200] =	vst v22;
	v18 =	vadd.f32 v18, v16;
	s1 =	smul.f32 s3, s26  }
0x431: {  	v19 =	vmul.f32 v19, v15;
	s31 =	ssub.f32 $0.0e+00, s25;
	[tilespmem:s21+$0x6280] =	vst v63;
	v22 =	vadd.f32 v23, v17  }
0x432: {  	v21 =	vadd.f32 v21, v17;
	[tilespmem:s21+$0x6380] =	vst v20;
	v23 =	vmul.f32 v18, v15;
	s3 =	smul.f32 $3.200000000e+01, s1  }
0x433: {  	[tilespmem:s21+$0x6400] =	vst v22;
	v22 =	vadd.f32 v19, v17;
	s0 =	smul.f32 s1, s31  }
0x434: {  	[tilespmem:s21+$0x6100] =	vst v21;
	v20 =	vadd.f32 v23, v17  }
0x435: {  	s11 =	simm.s32 $0x10;
	s17 =	simm.s32 $0x10510;
	[tilespmem:s21+$0x6180] =	vst v22;
	v18 =	vmov s3;
	v19 =	vmov s0;
	s0 =	sor.u32 s20, s20  }
.LBB2_17:
0x436: {  	[tilespmem:s21+$0x6300] =	vst v20;
	s0 =	sor.u32 $0x380, s0;
	s20 =	sadd.s32 $0x80, s20;
	s15 =	sadd.s32 $0x10, s15  }
0x437: {  	p1 =	sne.s32 s11, $0x3F0;
	s16 =	smov.u32 s11;
	s11 =	sadd.s32 $0x10, s11;
	v20 =	vld [tilespmem:s0+$0x6100]  }
0x438: {  	v21 =	vld [tilespmem:s0+$0xE100];
	_ =	sdelay $0x4  }
0x439: {  	v20 =	vadd.f32 v21, v20;
	_ =	sdelay $0x1  }
0x43a: {  	v20 =	vmul.f32 v20, v18;
	_ =	sdelay $0x1  }
0x43b: {  	v20 =	vadd.f32 v20, v19;
	_ =	sdelay $0x1  }
0x43c: {  	v15 =	vmul.f32 v20, v15;
	_ =	sdelay $0x1  }
0x43d: {  	s1 =	sand.u32 $0x70, s16;
	s3 =	sand.u32 $0x1C00, s20;
	v15 =	vadd.f32 v15, v17  }
0x43e: {  	s21 =	sor.u32 s1, s3  }
0x43f: {  	[tilespmem:s0+$0x6100] =	vst v15  }
0x440: {  	v17 =	vld [tilespmem:s21+$0xE280]  }
0x441: {  	v20 =	vld [tilespmem:s21+$0xE400]  }
0x442: {  	v21 =	vld [tilespmem:s21+$0x6280]  }
0x443: {  	v15 =	vld [tilespmem:s21+$0x6200]  }
0x444: {  	v22 =	vld [tilespmem:s21+$0xE200]  }
0x445: {  	v23 =	vld [tilespmem:s21+$0xE180]  }
0x446: {  	v24 =	vld [tilespmem:s21+$0xE380]  }
0x447: {  	v25 =	vld [tilespmem:s21+$0x6100]  }
0x448: {  	v26 =	vld [tilespmem:s21+$0x6180]  }
0x449: {  	v27 =	vld [tilespmem:s21+$0xE100]  }
0x44a: {  	v28 =	vld [tilespmem:s21+$0x6400]  }
0x44b: {  	v29 =	vld [tilespmem:s21+$0x6380]  }
0x44c: {  	v30 =	vld [tilespmem:s21+$0xE300]  }
0x44d: {  	v22 =	vadd.f32 v22, v15;
	v31 =	vld [tilespmem:s21+$0x6300]  }
0x44e: {  	v23 =	vadd.f32 v23, v26;
	v15 =	vld [tilespmem:s15+$0x0]  }
0x44f: {  	v21 =	vadd.f32 v17, v21;
	v22 =	vmul.f32 v22, v6;
	v25 =	vadd.f32 v27, v25  }
0x450: {  	v23 =	vmul.f32 v23, v4;
	v20 =	vadd.f32 v20, v28;
	v17 =	vld [tilespmem:s17+$0x0];
	v24 =	vadd.f32 v24, v29  }
0x451: {  	v21 =	vmul.f32 v21, v8;
	v22 =	vadd.f32 v22, v7;
	v25 =	vmul.f32 v25, v2  }
0x452: {  	v23 =	vadd.f32 v23, v5;
	v20 =	vmul.f32 v20, v13;
	v24 =	vmul.f32 v24, v11  }
0x453: {  	v21 =	vadd.f32 v21, v9;
	v26 =	vadd.f32 v30, v31;
	v22 =	vmul.f32 v22, v15  }
0x454: {  	v23 =	vmul.f32 v23, v15;
	v20 =	vadd.f32 v20, v14;
	v24 =	vadd.f32 v24, v12  }
0x455: {  	v21 =	vmul.f32 v21, v15;
	v26 =	vmul.f32 v26, v10;
	v22 =	vadd.f32 v22, v17  }
0x456: {  	v25 =	vadd.f32 v25, v3;
	v20 =	vmul.f32 v20, v15;
	v24 =	vmul.f32 v24, v15  }
0x457: {  	v23 =	vadd.f32 v23, v17;
	v21 =	vadd.f32 v21, v17;
	[tilespmem:s21+$0x6200] =	vst v22  }
0x458: {  	v22 =	vmul.f32 v25, v15;
	v25 =	vadd.f32 v26, v16;
	v20 =	vadd.f32 v20, v17  }
.Ltmp9:
0x459: {  	[tilespmem:s21+$0x6280] =	vst v21;
	v21 =	vadd.f32 v24, v17;
	(pc) =	sbr.rel @p1 .LBB2_17-.Ltmp9, $4  }
0x45a: {  	v22 =	vadd.f32 v22, v17;
	v24 =	vmul.f32 v25, v15;
	[tilespmem:s21+$0x6400] =	vst v20  }
0x45b: {  	[tilespmem:s21+$0x6380] =	vst v21  }
0x45c: {  	v20 =	vadd.f32 v24, v17;
	[tilespmem:s21+$0x6100] =	vst v22  }
0x45d: {  	s0 =	sor.u32 s20, s16;
	s17 =	sadd.s32 $0x10, s17;
	[tilespmem:s21+$0x6180] =	vst v23  }
0x45e: {  	[tilespmem:s21+$0x6300] =	vst v20;
	s0 =	sor.u32 $0x380, s0  }
0x45f: {  	v2 =	vld [tilespmem:s0+$0x6100]  }
0x460: {  	v3 =	vld [tilespmem:s0+$0xE100];
	_ =	sdelay $0x4  }
0x461: {  	v2 =	vadd.f32 v3, v2;
	_ =	sdelay $0x1  }
0x462: {  	v2 =	vmul.f32 v2, v18;
	_ =	sdelay $0x1  }
0x463: {  	v2 =	vadd.f32 v2, v19;
	_ =	sdelay $0x1  }
0x464: {  	v2 =	vmul.f32 v2, v15  }
.Ltmp10:
0x465: {  	_ = 	snop;
	(pc) =	sbr.rel @p0 .LBB2_20-.Ltmp10, $4  }
0x466: {  	s1 =	sadd.s32 s9, s19;
	v2 =	vadd.f32 v2, v17  }
0x467: {  	s30 =	rddreg [dreg:$0x5];
	s1 =	sshll.u32 s1, $0xA  }
0x468: {  	s31 =	simm.s32 $0x6100;
	[tilespmem:s0+$0x6100] =	vst v2;
	s0 =	sadd.s32 s30, s1  }
0x469: {  	[hbm4b:s0+s7] =	stream.linear.scatter [tilespmem:s31], [sflag:$0xC], $0x2000, $0x38;
	[tilespmem:$0x10900] =	vst v63  }
0x46a: {  	s3 =	simm.s32 $0xA  }
0x46b: {  	s0 =	sshll.u32 s2, $0x5;
	_ =	swait.ge [sflag:s3], $0x2000  }
0x46c: {  	s1 =	sadd.s32 $0x28, s0;
	[sflag:s3] =	ssyncset.done $0x0  }
0x46d: {  	s1 =	sadd.s32 s8, s1;
	[sflag:s3] =	ssyncadd.s32 $0xFFFFE000  }
0x46e: {  	s1 =	sshll.u32 s1, $0x7;
	s3 =	rddreg [dreg:$0x1]  }
0x46f: {  	s25 =	simm.s32 $0xA100;
	s1 =	sadd.s32 s3, s1  }
0x470: {  	[tilespmem:s25], [sflag:$0x2] =	stream.linear.gather [hbm4b:s1+s7], $0x2000, $0x38;
	[tilespmem:$0x10900] =	vst v63  }
0x471: {  	v2 =	vld.msk [tilespmem:s0+$0x28], $0xff;
	_ =	sdelay $0x4  }
0x472: {  	v3 =	vshll.u32 v2, $0x3  }
0x473: {  	v2 =	vand.u32 $0x7, v2;
	v3 =	vand.u32 $0xFFFFFFC0, v3  }
0x474: {  	v2 =	vor.u32 v2, v3  }
0x475: {  	v2 =	vperm.xlane v2, v0;
	_ =	sdelay $0x1  }
0x476: {  	v2 =	vadd.s32 v1, v2;
	_ =	sdelay $0x3  }
0x477: {  	s28 =	simm.s32 $0x2100;
	s26 =	rddreg [dreg:$0x4]  }
0x478: {  	[tilespmem:s28], [sflag:$0x6] =	stream.indirect_vreg.gather [hbm4b:s26+s7], $0x80, v2, vm0, $0xb8;
	[tilespmem:$0x10900] =	vst v63  }
0x479: {  	s29 =	simm.s32 $0x2900  }
0x47a: {  	[tilespmem:s29], [sflag:$0x6] =	stream.indirect_vreg.gather [hbm4b:s12+s7], $0x80, v2, vm0, $0xb8;
	[tilespmem:$0x10900] =	vst v63  }
.Ltmp11:
0x47b: {  	_ = 	snop;
	(pc) =	sbr.rel .LBB2_2-.Ltmp11, $4  }
0x47c: {  	s30 =	simm.s32 $0x3100  }
0x47d: {  	[tilespmem:s30], [sflag:$0x6] =	stream.indirect_vreg.gather [hbm4b:s13+s7], $0x80, v2, vm0, $0xb8;
	[tilespmem:$0x10900] =	vst v63  }
0x47e: {  	s31 =	simm.s32 $0x3900;
	s2 =	sadd.s32 $0x1, s2  }
0x47f: {  	[tilespmem:s31], [sflag:$0x6] =	stream.indirect_vreg.gather [hbm4b:s14+s7], $0x80, v2, vm0, $0xb8;
	[tilespmem:$0x10900] =	vst v63  }
.LBB2_21:
0x480: {  	_ =	sfence.sel $0x180000  }
0x481: {  	[bflag:$0x0] =	sbarrier.arrive $0xFFFF  }
0x482: {  	_ =	strace $0x90000047  }
0x483: {  	s0 =	stileid.u32;
	[bflag:$0x2] =	sbarrier.arrive $0xFFFF  }
0x484: {  	p0 =	sne.s32 s0, $0x0;
	s0 =	rddreg [dreg:$0x6]  }
0x485: {  	s0 =	sadd.s32 @!p0 $0x100000, s0  }
0x486: {  	[sflag:s0] =	ssyncadd.tile.s32 @!p0 $0x1;
	_ =	shalt  }
.Lfunc_end2:
_tile_overlayer_lowered:
.L_overlay_start_2:
0x487: {  	(tag) =	ssettag $0x2  }
0x488: {  	s0 =	rddreg [dreg:$0x0];
	s2 =	stileid.u32  }
0x489: {  	s1 =	rddreg [dreg:$0x1];
	p0 =	sne.s32 s2, $0x0  }
0x48a: {  	s3 =	rddreg [dreg:$0x2];
	[bflag:$0x3] =	sbarrier.arrive $0xFFFF;
	s2 =	simm.s32 @!p0 $0x1C0D  }
0x48b: {  	[timem:s3], [sflag:s2] =	dma.local @!p0 [hbm:s0], s1  }
0x48c: {  	s0 =	simm.s32 @!p0 $0xD  }
0x48d: {  	_ =	swait.ge @!p0 [sflag:s0], s1  }
0x48e: {  	s1 =	ssub.s32 @!p0 $0x0, s1;
	[sflag:s0] =	ssyncset.done @!p0 $0x0  }
0x48f: {  	[sflag:s0] =	ssyncadd.s32 @!p0 s1  }
0x490: {  	[bflag:$0x3] =	sbarrier.arrive $0xFFFF  }
0x491: {  	_ =	shalt  }

</sc_bundles>
